<compile_context>
chip_gen: v7x
topology: tpu7x:2x2x1
jax: 0.10.2.dev20260603
libtpu: 0.0.44.dev20260713+nightly
codegen_flags: <defaults>
</compile_context>

<pallas_src>
import functools

import jax
import jax.numpy as jnp
from jax import lax
from jax.experimental import pallas as pl
from jax.experimental.pallas import tpu as pltpu
from jax.experimental.pallas import tpu_sc as plsc

_NW = 32
_L = 16
_LN2 = 0.6931471805599453
_C_SC = 1024
_BI = 1024
_BJ = 1024


def _bilin(m):
    c0 = m[0, 0]
    c1 = m[1, 0] - m[0, 0]
    c2 = m[0, 1] - m[0, 0]
    c3 = m[1, 1] - m[1, 0] - m[0, 1] + m[0, 0]
    return jnp.stack([c0, c1, c2, c3])


def _rsqrt16(d2):
    i = lax.bitcast_convert_type(d2, jnp.int32)
    y = lax.bitcast_convert_type(jnp.int32(0x5F3759DF) - (i >> 1), jnp.float32)
    h = 0.5 * d2
    for _ in range(3):
        y = y * (1.5 - h * y * y)
    return y


def _ln16(b):
    i = lax.bitcast_convert_type(b, jnp.int32)
    ex = ((i >> 23) & 0xFF) - 127
    m = lax.bitcast_convert_type((i & 0x7FFFFF) | 0x3F800000, jnp.float32)
    r = (m - 1.0) / (m + 1.0)
    r2 = r * r
    p = 2.0 / 5.0 + r2 * (2.0 / 7.0)
    p = 2.0 / 3.0 + r2 * p
    lnm = r * (2.0 + r2 * p)
    return ex.astype(jnp.float32) * _LN2 + lnm





def _sc_pair_kernel(fx_hbm, fy_hbm, fz_hbm, sp_hbm, par_hbm,
                    ofx_hbm, ofy_hbm, ofz_hbm, ope_hbm,
                    xv, yv, zv, sv, pv, obuf):
    c = _C_SC
    rows = c // _NW
    wid = lax.axis_index("s") * 2 + lax.axis_index("c")
    base = wid * rows

    pltpu.sync_copy(fx_hbm.at[pl.ds(0, c)], xv)
    pltpu.sync_copy(fy_hbm.at[pl.ds(0, c)], yv)
    pltpu.sync_copy(fz_hbm.at[pl.ds(0, c)], zv)
    pltpu.sync_copy(sp_hbm.at[pl.ds(0, c)], sv)
    pltpu.sync_copy(par_hbm, pv)

    pvs = [pv[pl.ds(t * _L, _L)] for t in range(3)]

    def par(k):
        v = pvs[k // _L][k % _L]
        return jnp.full((_L,), v, jnp.float32)

    met = [par(t) for t in range(6)]
    pbc = [par(6 + a) for a in range(3)]
    cl = [[par(30 + 3 * a + b) for b in range(3)] for a in range(3)]
    cut2 = par(12)
    isc = [par(14 + t) for t in range(4)]
    acc_ = [par(18 + t) for t in range(4)]
    eoa = [par(22 + t) for t in range(4)]
    neos = [par(26 + t) for t in range(4)]

    lane = lax.iota(jnp.int32, _L)

    def group_body(g, _):
        ob = base + g * _L
        ox = xv[pl.ds(ob, _L)]
        oy = yv[pl.ds(ob, _L)]
        oz = zv[pl.ds(ob, _L)]
        osp = sv[pl.ds(ob, _L)]
        own_id = ob + lane
        is0 = isc[0] + isc[1] * osp
        is1 = isc[2] + isc[3] * osp
        a0 = acc_[0] + acc_[1] * osp
        a1 = acc_[2] + acc_[3] * osp
        ea0 = eoa[0] + eoa[1] * osp
        ea1 = eoa[2] + eoa[3] * osp
        es0 = neos[0] + neos[1] * osp
        es1 = neos[2] + neos[3] * osp

        def j_body(jb, acc):
            afx, afy, afz, ape = acc
            jx = xv[pl.ds(jb * _L, _L)]
            jy = yv[pl.ds(jb * _L, _L)]
            jz = zv[pl.ds(jb * _L, _L)]
            js = sv[pl.ds(jb * _L, _L)]
            for l in range(_L):
                jglob = jb * _L + l
                df = []
                for ovec, jvec in ((ox, jx), (oy, jy), (oz, jz)):
                    dd = jnp.full((_L,), jvec[l], jnp.float32) - ovec
                    w = (jnp.where(dd > 0.5, 1.0, 0.0)
                         - jnp.where(dd < -0.5, 1.0, 0.0))
                    df.append(dd - w * pbc[len(df)])
                d2 = (met[0] * df[0] * df[0] + met[1] * df[1] * df[1]
                      + met[2] * df[2] * df[2] + met[3] * df[0] * df[1]
                      + met[4] * df[0] * df[2] + met[5] * df[1] * df[2])
                y = _rsqrt16(jnp.maximum(d2, 1e-12))
                d = d2 * y
                sj = jnp.full((_L,), js[l], jnp.float32)
                inv_s = is0 + is1 * sj
                a = a0 + a1 * sj
                e_a = ea0 + ea1 * sj
                ne_s = es0 + es1 * sj
                braw = 1.0 - d * inv_s
                inside = (d2 < cut2) & (braw > 0.0) & (own_id != jglob)
                b = jnp.where(inside, braw, 0.5)
                lnb = _ln16(b)
                p = jnp.exp(a * lnb)
                q = p / b
                pe = jnp.where(inside, e_a * p, 0.0)
                cf = jnp.where(inside, ne_s * q * y, 0.0)
                afx = afx + cf * df[0]
                afy = afy + cf * df[1]
                afz = afz + cf * df[2]
                ape = ape + pe
            return afx, afy, afz, ape

        z = jnp.zeros((_L,), jnp.float32)
        afx, afy, afz, ape = lax.fori_loop(0, c // _L, j_body, (z, z, z, z))
        obuf[pl.ds(g * _L, _L)] = afx * cl[0][0] + afy * cl[1][0] + afz * cl[2][0]
        obuf[pl.ds(rows + g * _L, _L)] = afx * cl[0][1] + afy * cl[1][1] + afz * cl[2][1]
        obuf[pl.ds(2 * rows + g * _L, _L)] = afx * cl[0][2] + afy * cl[1][2] + afz * cl[2][2]
        obuf[pl.ds(3 * rows + g * _L, _L)] = ape
        return 0

    lax.fori_loop(0, rows // _L, group_body, 0)

    pltpu.sync_copy(obuf.at[pl.ds(0, rows)], ofx_hbm.at[pl.ds(base, rows)])
    pltpu.sync_copy(obuf.at[pl.ds(rows, rows)], ofy_hbm.at[pl.ds(base, rows)])
    pltpu.sync_copy(obuf.at[pl.ds(2 * rows, rows)], ofz_hbm.at[pl.ds(base, rows)])
    pltpu.sync_copy(obuf.at[pl.ds(3 * rows, rows)], ope_hbm.at[pl.ds(base, rows)])



def _tc_pair_kernel(params_ref, row_ref, col_ref, orow_ref, ocol_ref):
    bj = row_ref.shape[1]
    bi = col_ref.shape[0]
    ib = pl.program_id(0)
    jb = pl.program_id(1)

    met = [params_ref[t] for t in range(6)]
    pbc = [params_ref[6 + m] for m in range(3)]
    cut2 = params_ref[12]
    isc = [params_ref[14 + t] for t in range(4)]
    ac = [params_ref[18 + t] for t in range(4)]
    eoa = [params_ref[22 + t] for t in range(4)]
    neos = [params_ref[26 + t] for t in range(4)]
    cl = [[params_ref[30 + 3 * a + b] for b in range(3)] for a in range(3)]

    @pl.when(jb == 0)
    def _():
        orow_ref[...] = jnp.zeros_like(orow_ref)

    include = ib * bi < _C_SC + (jb + 1) * bj

    @pl.when(include)
    def _():
        dfrac = []
        for m in range(3):
            fi = col_ref[:, m].reshape(bi, 1)
            fj = row_ref[m, :].reshape(1, bj)
            df = fj - fi
            df = df - jnp.round(df) * pbc[m]
            dfrac.append(df)

        d2 = (met[0] * dfrac[0] * dfrac[0] + met[1] * dfrac[1] * dfrac[1]
              + met[2] * dfrac[2] * dfrac[2] + met[3] * dfrac[0] * dfrac[1]
              + met[4] * dfrac[0] * dfrac[2] + met[5] * dfrac[1] * dfrac[2])

        i_glob = ib * bi + jax.lax.broadcasted_iota(jnp.int32, (bi, bj), 0)
        j_glob = (_C_SC + jb * bj
                  + jax.lax.broadcasted_iota(jnp.int32, (bi, bj), 1))
        tri = j_glob > i_glob

        safe_d2 = jnp.where(tri, d2, 1.0)
        inv_d = lax.rsqrt(safe_d2)
        d = safe_d2 * inv_d

        si = col_ref[:, 3].reshape(bi, 1)
        sj = row_ref[3, :].reshape(1, bj)
        sij = si * sj

        def bl(cc):
            return cc[0] + cc[1] * si + cc[2] * sj + cc[3] * sij

        inv_s = bl(isc)
        a = bl(ac)
        e_a = bl(eoa)
        ne_s = bl(neos)

        braw = 1.0 - d * inv_s
        inside = (d2 < cut2) & (braw > 0.0) & tri
        b = jnp.where(inside, braw, 0.5)
        lnb = jnp.log(b)
        q = jnp.exp((a - 1.0) * lnb)
        p = q * b

        pe = jnp.where(inside, e_a * p, 0.0)
        coeff = jnp.where(inside, ne_s * q * inv_d, 0.0)
        w0 = coeff * dfrac[0]
        w1 = coeff * dfrac[1]
        w2 = coeff * dfrac[2]

        gfx = jnp.sum(w0, axis=1).reshape(bi, 1)
        gfy = jnp.sum(w1, axis=1).reshape(bi, 1)
        gfz = jnp.sum(w2, axis=1).reshape(bi, 1)
        pes = jnp.sum(pe, axis=1).reshape(bi, 1)
        fx = gfx * cl[0][0] + gfy * cl[1][0] + gfz * cl[2][0]
        fy = gfx * cl[0][1] + gfy * cl[1][1] + gfz * cl[2][1]
        fz = gfx * cl[0][2] + gfy * cl[1][2] + gfz * cl[2][2]
        zeros = jnp.zeros((bi, 4), dtype=jnp.float32)
        orow_ref[...] += jnp.concatenate([fx, fy, fz, pes, zeros], axis=1)

        cgx = -jnp.sum(w0, axis=0).reshape(1, bj)
        cgy = -jnp.sum(w1, axis=0).reshape(1, bj)
        cgz = -jnp.sum(w2, axis=0).reshape(1, bj)
        cfx = cgx * cl[0][0] + cgy * cl[1][0] + cgz * cl[2][0]
        cfy = cgx * cl[0][1] + cgy * cl[1][1] + cgz * cl[2][1]
        cfz = cgx * cl[0][2] + cgy * cl[1][2] + cgz * cl[2][2]
        zcol = jnp.zeros((5, bj), dtype=jnp.float32)
        ocol_ref[...] = jnp.concatenate(
            [cfx, cfy, cfz, zcol], axis=0)[None]

    @pl.when(jnp.logical_not(include))
    def _():
        ocol_ref[...] = jnp.zeros_like(ocol_ref)



def _inv3(c):
    a00, a01, a02 = c[0, 0], c[0, 1], c[0, 2]
    a10, a11, a12 = c[1, 0], c[1, 1], c[1, 2]
    a20, a21, a22 = c[2, 0], c[2, 1], c[2, 2]
    c00 = a11 * a22 - a12 * a21
    c01 = a02 * a21 - a01 * a22
    c02 = a01 * a12 - a02 * a11
    c10 = a12 * a20 - a10 * a22
    c11 = a00 * a22 - a02 * a20
    c12 = a02 * a10 - a00 * a12
    c20 = a10 * a21 - a11 * a20
    c21 = a01 * a20 - a00 * a21
    c22 = a00 * a11 - a01 * a10
    det = a00 * c00 + a01 * c10 + a02 * c20
    adj = jnp.stack([jnp.stack([c00, c01, c02]),
                     jnp.stack([c10, c11, c12]),
                     jnp.stack([c20, c21, c22])])
    return adj / det


def kernel(positions, cell, pbc, species, sigma_matrix, epsilon_matrix, alpha_matrix, cutoff):
    n = positions.shape[0]
    inv_cell = _inv3(cell)
    frac = positions @ inv_cell
    spf = species.astype(jnp.float32)

    g = cell @ cell.T
    cf32 = cutoff.astype(jnp.float32)
    params = jnp.zeros((48,), jnp.float32)
    params = params.at[0:3].set(jnp.diag(g).astype(jnp.float32))
    params = params.at[3].set(2.0 * g[0, 1])
    params = params.at[4].set(2.0 * g[0, 2])
    params = params.at[5].set(2.0 * g[1, 2])
    params = params.at[6:9].set(pbc.astype(jnp.float32))
    params = params.at[12].set(cf32 * cf32)
    params = params.at[14:18].set(_bilin(1.0 / sigma_matrix))
    params = params.at[18:22].set(_bilin(alpha_matrix))
    params = params.at[22:26].set(_bilin(epsilon_matrix / alpha_matrix))
    params = params.at[26:30].set(_bilin(-epsilon_matrix / sigma_matrix))
    params = params.at[30:39].set(cell.reshape(9).astype(jnp.float32))

    mesh = plsc.VectorSubcoreMesh(core_axis_name="c", subcore_axis_name="s")
    sc_f = functools.partial(
        pl.kernel,
        mesh=mesh,
        out_type=[jax.ShapeDtypeStruct((_C_SC,), jnp.float32)] * 4,
        scratch_types=[
            pltpu.VMEM((_C_SC,), jnp.float32),
            pltpu.VMEM((_C_SC,), jnp.float32),
            pltpu.VMEM((_C_SC,), jnp.float32),
            pltpu.VMEM((_C_SC,), jnp.float32),
            pltpu.VMEM((48,), jnp.float32),
            pltpu.VMEM((4 * _C_SC // _NW,), jnp.float32),
        ],
    )(_sc_pair_kernel)
    ofx, ofy, ofz, ope = sc_f(frac[:, 0], frac[:, 1], frac[:, 2], spf, params)

    col = jnp.concatenate(
        [frac, spf[:, None], jnp.zeros((n, 4), jnp.float32)], axis=1)
    row = col[_C_SC:].T

    njb = (n - _C_SC) // _BJ
    nib = n // _BI
    orow, ocol = pl.pallas_call(
        _tc_pair_kernel,
        grid=(nib, njb),
        in_specs=[
            pl.BlockSpec(memory_space=pltpu.SMEM),
            pl.BlockSpec((8, _BJ), lambda i, j: (0, j)),
            pl.BlockSpec((_BI, 8), lambda i, j: (i, 0)),
        ],
        out_specs=[
            pl.BlockSpec((_BI, 8), lambda i, j: (i, 0)),
            pl.BlockSpec((1, 8, _BJ), lambda i, j: (i, 0, j)),
        ],
        out_shape=[
            jax.ShapeDtypeStruct((n, 8), jnp.float32),
            jax.ShapeDtypeStruct((nib, 8, n - _C_SC), jnp.float32),
        ],
    )(params, row, col)

    col_sum = jnp.sum(ocol, axis=0)
    sc_force = jnp.stack([ofx, ofy, ofz], axis=1)
    tail = jnp.concatenate([sc_force, col_sum[:3].T], axis=0)
    forces = orow[:, :3] + tail
    energy = 0.5 * jnp.sum(ope) + jnp.sum(orow[:, 3])
    return energy, forces

# --- scband reference (transcript-rebuilt; emitter-appended) ---
"""Pipeline reference for scband-soft-sphere-multi-model-39281770889341 (READ-ONLY COPY).

The authoritative reference and input builder live on the scoring server;
editing this copy changes nothing except your own understanding.
"""

import jax, jax.numpy as jnp
import numpy as np

N = 4096
L = 16.0


def setup_inputs(seed: int = 0) -> dict:
    key = jax.random.key(seed)
    k1, k2 = jax.random.split(key)
    positions = jax.random.uniform(k1, (N, 3), dtype=jnp.float32) * L
    cell = jnp.eye(3, dtype=jnp.float32) * L
    pbc = jnp.ones((3,), dtype=bool)
    species = jax.random.randint(k2, (N,), 0, 2, dtype=jnp.int32)
    sigma_matrix = jnp.array([[1.0, 1.2], [1.2, 1.4]], dtype=jnp.float32)
    epsilon_matrix = jnp.array([[1.0, 0.8], [0.8, 1.0]], dtype=jnp.float32)
    alpha_matrix = jnp.full((2, 2), 2.0, dtype=jnp.float32)
    cutoff = jnp.float32(2.5)
    return {"positions": positions, "cell": cell, "pbc": pbc, "species": species,
            "sigma_matrix": sigma_matrix, "epsilon_matrix": epsilon_matrix,
            "alpha_matrix": alpha_matrix, "cutoff": cutoff}


def _potential_energy(positions, cell, pbc, species, sigma_m, eps_m, alpha_m, cutoff):
    n = positions.shape[0]
    inv_cell = jnp.linalg.inv(cell)
    frac = positions @ inv_cell
    dfrac = frac[None, :, :] - frac[:, None, :]
    shift = jnp.round(dfrac) * pbc.astype(dfrac.dtype)[None, None, :]
    dfrac = dfrac - shift
    dr_vec = dfrac @ cell
    d2 = jnp.sum(dr_vec * dr_vec, axis=-1)
    eye = jnp.eye(n, dtype=bool)
    safe_d2 = jnp.where(eye, 1.0, d2)
    d = jnp.sqrt(safe_d2)
    mask = (d < cutoff) & (~eye)
    sp = species.astype(jnp.int32)
    s = sigma_m[sp[:, None], sp[None, :]]
    e = eps_m[sp[:, None], sp[None, :]]
    a = alpha_m[sp[:, None], sp[None, :]]
    inside = mask & (d < s)
    b = jnp.where(inside, 1.0 - d / s, 0.5)
    pe = jnp.where(inside, (e / a) * b ** a, 0.0)
    return jnp.sum(pe) / 2.0


def reference(positions, cell, pbc, species, sigma_matrix, epsilon_matrix, alpha_matrix, cutoff):
    def energy_fn(p):
        return _potential_energy(p, cell, pbc, species, sigma_matrix, epsilon_matrix, alpha_matrix, cutoff)
    energy, grad = jax.value_and_grad(energy_fn)(positions)
    forces = -grad
    return energy, forces

if __name__ == "__main__":
    import jax
    _d = setup_inputs()
    print(jax.jit(kernel)(*tuple(_d.values())))

</pallas_src>

<mosaic_0001>
#map = affine_map<(d0, d1) -> (0)>
module attributes {stable_mosaic.version = 14 : i64} {
  func.func @_sc_pair_kernel(%arg0: i32, %arg1: i32, %arg2: memref<4096xf32, #tpu.memory_space<hbm>>, %arg3: memref<4096xf32, #tpu.memory_space<hbm>>, %arg4: memref<4096xf32, #tpu.memory_space<hbm>>, %arg5: memref<4096xf32, #tpu.memory_space<hbm>>, %arg6: memref<48xf32, #tpu.memory_space<hbm>>, %arg7: memref<1024xf32, #tpu.memory_space<hbm>>, %arg8: memref<1024xf32, #tpu.memory_space<hbm>>, %arg9: memref<1024xf32, #tpu.memory_space<hbm>>, %arg10: memref<1024xf32, #tpu.memory_space<hbm>>, %arg11: memref<1024xf32, #tpu.memory_space<vmem>>, %arg12: memref<1024xf32, #tpu.memory_space<vmem>>, %arg13: memref<1024xf32, #tpu.memory_space<vmem>>, %arg14: memref<1024xf32, #tpu.memory_space<vmem>>, %arg15: memref<48xf32, #tpu.memory_space<vmem>>, %arg16: memref<128xf32, #tpu.memory_space<vmem>>) attributes {dimension_semantics = [#tpu.dimension_semantics<core_parallel>, #tpu.dimension_semantics<subcore_parallel>], iteration_bounds = array<i64: 2, 16>, scalar_prefetch = 0 : i64, scratch_operands = 6 : i64, tpu.core_type = #tpu.core_type<sc_vector_subcore>, window_params = [{transform_indices = #map}, {transform_indices = #map}, {transform_indices = #map}, {transform_indices = #map}, {transform_indices = #map}, {transform_indices = #map}, {transform_indices = #map}, {transform_indices = #map}, {transform_indices = #map}]} {
    %mul3A = arith.constant 2 : i32
    %mul3A_0 = arith.muli %arg1, %mul3A : i32
    %add3A = arith.addi %mul3A_0, %arg0 : i32
    %mul3A_1 = arith.constant 32 : i32
    %mul3A_2 = arith.muli %add3A, %mul3A_1 : i32
    "tpu.region"() ({
      %run_scoped3A = tpu.sem_alloc : memref<!tpu.dma_semaphore, #tpu.memory_space<semaphore_mem>>
      %dma_start3A = arith.constant 0 : i32
      %dma_start3A_119 = tpu.memref_slice %arg2[%dma_start3A] : memref<4096xf32, #tpu.memory_space<hbm>> -> memref<1024xf32, #tpu.memory_space<hbm>>
      %dma_start3A_120 = arith.constant 0 : i32
      %dma_start3A_121 = tpu.memref_slice %arg2[%dma_start3A_120] : memref<4096xf32, #tpu.memory_space<hbm>> -> memref<1024xf32, #tpu.memory_space<hbm>>
      tpu.enqueue_dma source(%dma_start3A_121 : memref<1024xf32, #tpu.memory_space<hbm>>) target(%arg11 : memref<1024xf32, #tpu.memory_space<vmem>>) target_semaphore(%run_scoped3A : memref<!tpu.dma_semaphore, #tpu.memory_space<semaphore_mem>>)
      %dma_wait3A = arith.constant 0 : i32
      %dma_wait3A_122 = tpu.memref_slice %arg2[%dma_wait3A] : memref<4096xf32, #tpu.memory_space<hbm>> -> memref<1024xf32, #tpu.memory_space<hbm>>
      %dma_wait3A_123 = arith.constant 0 : i32
      %dma_wait3A_124 = tpu.memref_slice %arg2[%dma_wait3A_123] : memref<4096xf32, #tpu.memory_space<hbm>> -> memref<1024xf32, #tpu.memory_space<hbm>>
      tpu.wait_dma2 semaphore(%run_scoped3A : memref<!tpu.dma_semaphore, #tpu.memory_space<semaphore_mem>>) src(%dma_wait3A_124 : memref<1024xf32, #tpu.memory_space<hbm>>) dst(%arg11 : memref<1024xf32, #tpu.memory_space<vmem>>)
      tpu.yield
    }) : () -> ()
    "tpu.region"() ({
      %run_scoped3A = tpu.sem_alloc : memref<!tpu.dma_semaphore, #tpu.memory_space<semaphore_mem>>
      %dma_start3A = arith.constant 0 : i32
      %dma_start3A_119 = tpu.memref_slice %arg3[%dma_start3A] : memref<4096xf32, #tpu.memory_space<hbm>> -> memref<1024xf32, #tpu.memory_space<hbm>>
      %dma_start3A_120 = arith.constant 0 : i32
      %dma_start3A_121 = tpu.memref_slice %arg3[%dma_start3A_120] : memref<4096xf32, #tpu.memory_space<hbm>> -> memref<1024xf32, #tpu.memory_space<hbm>>
      tpu.enqueue_dma source(%dma_start3A_121 : memref<1024xf32, #tpu.memory_space<hbm>>) target(%arg12 : memref<1024xf32, #tpu.memory_space<vmem>>) target_semaphore(%run_scoped3A : memref<!tpu.dma_semaphore, #tpu.memory_space<semaphore_mem>>)
      %dma_wait3A = arith.constant 0 : i32
      %dma_wait3A_122 = tpu.memref_slice %arg3[%dma_wait3A] : memref<4096xf32, #tpu.memory_space<hbm>> -> memref<1024xf32, #tpu.memory_space<hbm>>
      %dma_wait3A_123 = arith.constant 0 : i32
      %dma_wait3A_124 = tpu.memref_slice %arg3[%dma_wait3A_123] : memref<4096xf32, #tpu.memory_space<hbm>> -> memref<1024xf32, #tpu.memory_space<hbm>>
      tpu.wait_dma2 semaphore(%run_scoped3A : memref<!tpu.dma_semaphore, #tpu.memory_space<semaphore_mem>>) src(%dma_wait3A_124 : memref<1024xf32, #tpu.memory_space<hbm>>) dst(%arg12 : memref<1024xf32, #tpu.memory_space<vmem>>)
      tpu.yield
    }) : () -> ()
    "tpu.region"() ({
      %run_scoped3A = tpu.sem_alloc : memref<!tpu.dma_semaphore, #tpu.memory_space<semaphore_mem>>
      %dma_start3A = arith.constant 0 : i32
      %dma_start3A_119 = tpu.memref_slice %arg4[%dma_start3A] : memref<4096xf32, #tpu.memory_space<hbm>> -> memref<1024xf32, #tpu.memory_space<hbm>>
      %dma_start3A_120 = arith.constant 0 : i32
      %dma_start3A_121 = tpu.memref_slice %arg4[%dma_start3A_120] : memref<4096xf32, #tpu.memory_space<hbm>> -> memref<1024xf32, #tpu.memory_space<hbm>>
      tpu.enqueue_dma source(%dma_start3A_121 : memref<1024xf32, #tpu.memory_space<hbm>>) target(%arg13 : memref<1024xf32, #tpu.memory_space<vmem>>) target_semaphore(%run_scoped3A : memref<!tpu.dma_semaphore, #tpu.memory_space<semaphore_mem>>)
      %dma_wait3A = arith.constant 0 : i32
      %dma_wait3A_122 = tpu.memref_slice %arg4[%dma_wait3A] : memref<4096xf32, #tpu.memory_space<hbm>> -> memref<1024xf32, #tpu.memory_space<hbm>>
      %dma_wait3A_123 = arith.constant 0 : i32
      %dma_wait3A_124 = tpu.memref_slice %arg4[%dma_wait3A_123] : memref<4096xf32, #tpu.memory_space<hbm>> -> memref<1024xf32, #tpu.memory_space<hbm>>
      tpu.wait_dma2 semaphore(%run_scoped3A : memref<!tpu.dma_semaphore, #tpu.memory_space<semaphore_mem>>) src(%dma_wait3A_124 : memref<1024xf32, #tpu.memory_space<hbm>>) dst(%arg13 : memref<1024xf32, #tpu.memory_space<vmem>>)
      tpu.yield
    }) : () -> ()
    "tpu.region"() ({
      %run_scoped3A = tpu.sem_alloc : memref<!tpu.dma_semaphore, #tpu.memory_space<semaphore_mem>>
      %dma_start3A = arith.constant 0 : i32
      %dma_start3A_119 = tpu.memref_slice %arg5[%dma_start3A] : memref<4096xf32, #tpu.memory_space<hbm>> -> memref<1024xf32, #tpu.memory_space<hbm>>
      %dma_start3A_120 = arith.constant 0 : i32
      %dma_start3A_121 = tpu.memref_slice %arg5[%dma_start3A_120] : memref<4096xf32, #tpu.memory_space<hbm>> -> memref<1024xf32, #tpu.memory_space<hbm>>
      tpu.enqueue_dma source(%dma_start3A_121 : memref<1024xf32, #tpu.memory_space<hbm>>) target(%arg14 : memref<1024xf32, #tpu.memory_space<vmem>>) target_semaphore(%run_scoped3A : memref<!tpu.dma_semaphore, #tpu.memory_space<semaphore_mem>>)
      %dma_wait3A = arith.constant 0 : i32
      %dma_wait3A_122 = tpu.memref_slice %arg5[%dma_wait3A] : memref<4096xf32, #tpu.memory_space<hbm>> -> memref<1024xf32, #tpu.memory_space<hbm>>
      %dma_wait3A_123 = arith.constant 0 : i32
      %dma_wait3A_124 = tpu.memref_slice %arg5[%dma_wait3A_123] : memref<4096xf32, #tpu.memory_space<hbm>> -> memref<1024xf32, #tpu.memory_space<hbm>>
      tpu.wait_dma2 semaphore(%run_scoped3A : memref<!tpu.dma_semaphore, #tpu.memory_space<semaphore_mem>>) src(%dma_wait3A_124 : memref<1024xf32, #tpu.memory_space<hbm>>) dst(%arg14 : memref<1024xf32, #tpu.memory_space<vmem>>)
      tpu.yield
    }) : () -> ()
    "tpu.region"() ({
      %run_scoped3A = tpu.sem_alloc : memref<!tpu.dma_semaphore, #tpu.memory_space<semaphore_mem>>
      tpu.enqueue_dma source(%arg6 : memref<48xf32, #tpu.memory_space<hbm>>) target(%arg15 : memref<48xf32, #tpu.memory_space<vmem>>) target_semaphore(%run_scoped3A : memref<!tpu.dma_semaphore, #tpu.memory_space<semaphore_mem>>)
      tpu.wait_dma2 semaphore(%run_scoped3A : memref<!tpu.dma_semaphore, #tpu.memory_space<semaphore_mem>>) src(%arg6 : memref<48xf32, #tpu.memory_space<hbm>>) dst(%arg15 : memref<48xf32, #tpu.memory_space<vmem>>)
      tpu.yield
    }) : () -> ()
    %get3A = arith.constant 0 : index
    %get3A_3 = tpu.vector_load %arg15[%get3A] {strides = array<i32>} : memref<48xf32, #tpu.memory_space<vmem>>, vector<16xf32>,
    %get3A_4 = vector.shape_cast %get3A_3 : vector<16xf32> to vector<16xf32>
    %get3A_5 = arith.constant 16 : index
    %get3A_6 = tpu.vector_load %arg15[%get3A_5] {strides = array<i32>} : memref<48xf32, #tpu.memory_space<vmem>>, vector<16xf32>,
    %get3A_7 = vector.shape_cast %get3A_6 : vector<16xf32> to vector<16xf32>
    %get3A_8 = arith.constant 32 : index
    %get3A_9 = tpu.vector_load %arg15[%get3A_8] {strides = array<i32>} : memref<48xf32, #tpu.memory_space<vmem>>, vector<16xf32>,
    %get3A_10 = vector.shape_cast %get3A_9 : vector<16xf32> to vector<16xf32>
    %slice3A = vector.extract_strided_slice %get3A_4 {offsets = [0], sizes = [1], strides = [1]} : vector<16xf32> to vector<1xf32>
    %squeeze3A = vector.extract %slice3A[0] : f32 from vector<1xf32>
    %broadcast_in_dim3A = vector.broadcast %squeeze3A : f32 to vector<16xf32>
    %slice3A_11 = vector.extract_strided_slice %get3A_4 {offsets = [1], sizes = [1], strides = [1]} : vector<16xf32> to vector<1xf32>
    %squeeze3A_12 = vector.extract %slice3A_11[0] : f32 from vector<1xf32>
    %broadcast_in_dim3A_13 = vector.broadcast %squeeze3A_12 : f32 to vector<16xf32>
    %slice3A_14 = vector.extract_strided_slice %get3A_4 {offsets = [2], sizes = [1], strides = [1]} : vector<16xf32> to vector<1xf32>
    %squeeze3A_15 = vector.extract %slice3A_14[0] : f32 from vector<1xf32>
    %broadcast_in_dim3A_16 = vector.broadcast %squeeze3A_15 : f32 to vector<16xf32>
    %slice3A_17 = vector.extract_strided_slice %get3A_4 {offsets = [3], sizes = [1], strides = [1]} : vector<16xf32> to vector<1xf32>
    %squeeze3A_18 = vector.extract %slice3A_17[0] : f32 from vector<1xf32>
    %broadcast_in_dim3A_19 = vector.broadcast %squeeze3A_18 : f32 to vector<16xf32>
    %slice3A_20 = vector.extract_strided_slice %get3A_4 {offsets = [4], sizes = [1], strides = [1]} : vector<16xf32> to vector<1xf32>
    %squeeze3A_21 = vector.extract %slice3A_20[0] : f32 from vector<1xf32>
    %broadcast_in_dim3A_22 = vector.broadcast %squeeze3A_21 : f32 to vector<16xf32>
    %slice3A_23 = vector.extract_strided_slice %get3A_4 {offsets = [5], sizes = [1], strides = [1]} : vector<16xf32> to vector<1xf32>
    %squeeze3A_24 = vector.extract %slice3A_23[0] : f32 from vector<1xf32>
    %broadcast_in_dim3A_25 = vector.broadcast %squeeze3A_24 : f32 to vector<16xf32>
    %slice3A_26 = vector.extract_strided_slice %get3A_4 {offsets = [6], sizes = [1], strides = [1]} : vector<16xf32> to vector<1xf32>
    %squeeze3A_27 = vector.extract %slice3A_26[0] : f32 from vector<1xf32>
    %broadcast_in_dim3A_28 = vector.broadcast %squeeze3A_27 : f32 to vector<16xf32>
    %slice3A_29 = vector.extract_strided_slice %get3A_4 {offsets = [7], sizes = [1], strides = [1]} : vector<16xf32> to vector<1xf32>
    %squeeze3A_30 = vector.extract %slice3A_29[0] : f32 from vector<1xf32>
    %broadcast_in_dim3A_31 = vector.broadcast %squeeze3A_30 : f32 to vector<16xf32>
    %slice3A_32 = vector.extract_strided_slice %get3A_4 {offsets = [8], sizes = [1], strides = [1]} : vector<16xf32> to vector<1xf32>
    %squeeze3A_33 = vector.extract %slice3A_32[0] : f32 from vector<1xf32>
    %broadcast_in_dim3A_34 = vector.broadcast %squeeze3A_33 : f32 to vector<16xf32>
    %slice3A_35 = vector.extract_strided_slice %get3A_7 {offsets = [14], sizes = [1], strides = [1]} : vector<16xf32> to vector<1xf32>
    %squeeze3A_36 = vector.extract %slice3A_35[0] : f32 from vector<1xf32>
    %broadcast_in_dim3A_37 = vector.broadcast %squeeze3A_36 : f32 to vector<16xf32>
    %slice3A_38 = vector.extract_strided_slice %get3A_7 {offsets = [15], sizes = [1], strides = [1]} : vector<16xf32> to vector<1xf32>
    %squeeze3A_39 = vector.extract %slice3A_38[0] : f32 from vector<1xf32>
    %broadcast_in_dim3A_40 = vector.broadcast %squeeze3A_39 : f32 to vector<16xf32>
    %slice3A_41 = vector.extract_strided_slice %get3A_10 {offsets = [0], sizes = [1], strides = [1]} : vector<16xf32> to vector<1xf32>
    %squeeze3A_42 = vector.extract %slice3A_41[0] : f32 from vector<1xf32>
    %broadcast_in_dim3A_43 = vector.broadcast %squeeze3A_42 : f32 to vector<16xf32>
    %slice3A_44 = vector.extract_strided_slice %get3A_10 {offsets = [1], sizes = [1], strides = [1]} : vector<16xf32> to vector<1xf32>
    %squeeze3A_45 = vector.extract %slice3A_44[0] : f32 from vector<1xf32>
    %broadcast_in_dim3A_46 = vector.broadcast %squeeze3A_45 : f32 to vector<16xf32>
    %slice3A_47 = vector.extract_strided_slice %get3A_10 {offsets = [2], sizes = [1], strides = [1]} : vector<16xf32> to vector<1xf32>
    %squeeze3A_48 = vector.extract %slice3A_47[0] : f32 from vector<1xf32>
    %broadcast_in_dim3A_49 = vector.broadcast %squeeze3A_48 : f32 to vector<16xf32>
    %slice3A_50 = vector.extract_strided_slice %get3A_10 {offsets = [3], sizes = [1], strides = [1]} : vector<16xf32> to vector<1xf32>
    %squeeze3A_51 = vector.extract %slice3A_50[0] : f32 from vector<1xf32>
    %broadcast_in_dim3A_52 = vector.broadcast %squeeze3A_51 : f32 to vector<16xf32>
    %slice3A_53 = vector.extract_strided_slice %get3A_10 {offsets = [4], sizes = [1], strides = [1]} : vector<16xf32> to vector<1xf32>
    %squeeze3A_54 = vector.extract %slice3A_53[0] : f32 from vector<1xf32>
    %broadcast_in_dim3A_55 = vector.broadcast %squeeze3A_54 : f32 to vector<16xf32>
    %slice3A_56 = vector.extract_strided_slice %get3A_10 {offsets = [5], sizes = [1], strides = [1]} : vector<16xf32> to vector<1xf32>
    %squeeze3A_57 = vector.extract %slice3A_56[0] : f32 from vector<1xf32>
    %broadcast_in_dim3A_58 = vector.broadcast %squeeze3A_57 : f32 to vector<16xf32>
    %slice3A_59 = vector.extract_strided_slice %get3A_10 {offsets = [6], sizes = [1], strides = [1]} : vector<16xf32> to vector<1xf32>
    %squeeze3A_60 = vector.extract %slice3A_59[0] : f32 from vector<1xf32>
    %broadcast_in_dim3A_61 = vector.broadcast %squeeze3A_60 : f32 to vector<16xf32>
    %slice3A_62 = vector.extract_strided_slice %get3A_4 {offsets = [12], sizes = [1], strides = [1]} : vector<16xf32> to vector<1xf32>
    %squeeze3A_63 = vector.extract %slice3A_62[0] : f32 from vector<1xf32>
    %broadcast_in_dim3A_64 = vector.broadcast %squeeze3A_63 : f32 to vector<16xf32>
    %slice3A_65 = vector.extract_strided_slice %get3A_4 {offsets = [14], sizes = [1], strides = [1]} : vector<16xf32> to vector<1xf32>
    %squeeze3A_66 = vector.extract %slice3A_65[0] : f32 from vector<1xf32>
    %broadcast_in_dim3A_67 = vector.broadcast %squeeze3A_66 : f32 to vector<16xf32>
    %slice3A_68 = vector.extract_strided_slice %get3A_4 {offsets = [15], sizes = [1], strides = [1]} : vector<16xf32> to vector<1xf32>
    %squeeze3A_69 = vector.extract %slice3A_68[0] : f32 from vector<1xf32>
    %broadcast_in_dim3A_70 = vector.broadcast %squeeze3A_69 : f32 to vector<16xf32>
    %slice3A_71 = vector.extract_strided_slice %get3A_7 {offsets = [0], sizes = [1], strides = [1]} : vector<16xf32> to vector<1xf32>
    %squeeze3A_72 = vector.extract %slice3A_71[0] : f32 from vector<1xf32>
    %broadcast_in_dim3A_73 = vector.broadcast %squeeze3A_72 : f32 to vector<16xf32>
    %slice3A_74 = vector.extract_strided_slice %get3A_7 {offsets = [1], sizes = [1], strides = [1]} : vector<16xf32> to vector<1xf32>
    %squeeze3A_75 = vector.extract %slice3A_74[0] : f32 from vector<1xf32>
    %broadcast_in_dim3A_76 = vector.broadcast %squeeze3A_75 : f32 to vector<16xf32>
    %slice3A_77 = vector.extract_strided_slice %get3A_7 {offsets = [2], sizes = [1], strides = [1]} : vector<16xf32> to vector<1xf32>
    %squeeze3A_78 = vector.extract %slice3A_77[0] : f32 from vector<1xf32>
    %broadcast_in_dim3A_79 = vector.broadcast %squeeze3A_78 : f32 to vector<16xf32>
    %slice3A_80 = vector.extract_strided_slice %get3A_7 {offsets = [3], sizes = [1], strides = [1]} : vector<16xf32> to vector<1xf32>
    %squeeze3A_81 = vector.extract %slice3A_80[0] : f32 from vector<1xf32>
    %broadcast_in_dim3A_82 = vector.broadcast %squeeze3A_81 : f32 to vector<16xf32>
    %slice3A_83 = vector.extract_strided_slice %get3A_7 {offsets = [4], sizes = [1], strides = [1]} : vector<16xf32> to vector<1xf32>
    %squeeze3A_84 = vector.extract %slice3A_83[0] : f32 from vector<1xf32>
    %broadcast_in_dim3A_85 = vector.broadcast %squeeze3A_84 : f32 to vector<16xf32>
    %slice3A_86 = vector.extract_strided_slice %get3A_7 {offsets = [5], sizes = [1], strides = [1]} : vector<16xf32> to vector<1xf32>
    %squeeze3A_87 = vector.extract %slice3A_86[0] : f32 from vector<1xf32>
    %broadcast_in_dim3A_88 = vector.broadcast %squeeze3A_87 : f32 to vector<16xf32>
    %slice3A_89 = vector.extract_strided_slice %get3A_7 {offsets = [6], sizes = [1], strides = [1]} : vector<16xf32> to vector<1xf32>
    %squeeze3A_90 = vector.extract %slice3A_89[0] : f32 from vector<1xf32>
    %broadcast_in_dim3A_91 = vector.broadcast %squeeze3A_90 : f32 to vector<16xf32>
    %slice3A_92 = vector.extract_strided_slice %get3A_7 {offsets = [7], sizes = [1], strides = [1]} : vector<16xf32> to vector<1xf32>
    %squeeze3A_93 = vector.extract %slice3A_92[0] : f32 from vector<1xf32>
    %broadcast_in_dim3A_94 = vector.broadcast %squeeze3A_93 : f32 to vector<16xf32>
    %slice3A_95 = vector.extract_strided_slice %get3A_7 {offsets = [8], sizes = [1], strides = [1]} : vector<16xf32> to vector<1xf32>
    %squeeze3A_96 = vector.extract %slice3A_95[0] : f32 from vector<1xf32>
    %broadcast_in_dim3A_97 = vector.broadcast %squeeze3A_96 : f32 to vector<16xf32>
    %slice3A_98 = vector.extract_strided_slice %get3A_7 {offsets = [9], sizes = [1], strides = [1]} : vector<16xf32> to vector<1xf32>
    %squeeze3A_99 = vector.extract %slice3A_98[0] : f32 from vector<1xf32>
    %broadcast_in_dim3A_100 = vector.broadcast %squeeze3A_99 : f32 to vector<16xf32>
    %slice3A_101 = vector.extract_strided_slice %get3A_7 {offsets = [10], sizes = [1], strides = [1]} : vector<16xf32> to vector<1xf32>
    %squeeze3A_102 = vector.extract %slice3A_101[0] : f32 from vector<1xf32>
    %broadcast_in_dim3A_103 = vector.broadcast %squeeze3A_102 : f32 to vector<16xf32>
    %slice3A_104 = vector.extract_strided_slice %get3A_7 {offsets = [11], sizes = [1], strides = [1]} : vector<16xf32> to vector<1xf32>
    %squeeze3A_105 = vector.extract %slice3A_104[0] : f32 from vector<1xf32>
    %broadcast_in_dim3A_106 = vector.broadcast %squeeze3A_105 : f32 to vector<16xf32>
    %slice3A_107 = vector.extract_strided_slice %get3A_7 {offsets = [12], sizes = [1], strides = [1]} : vector<16xf32> to vector<1xf32>
    %squeeze3A_108 = vector.extract %slice3A_107[0] : f32 from vector<1xf32>
    %broadcast_in_dim3A_109 = vector.broadcast %squeeze3A_108 : f32 to vector<16xf32>
    %slice3A_110 = vector.extract_strided_slice %get3A_7 {offsets = [13], sizes = [1], strides = [1]} : vector<16xf32> to vector<1xf32>
    %squeeze3A_111 = vector.extract %slice3A_110[0] : f32 from vector<1xf32>
    %broadcast_in_dim3A_112 = vector.broadcast %squeeze3A_111 : f32 to vector<16xf32>
    %iota3A = tpu.iota {dimensions = array<i32: 0>} : vector<16xi32>
    %scan3A = arith.constant 0 : i32
    %scan3A_113 = arith.constant 0 : i32
    %scan3A_114 = arith.constant 2 : i32
    %scan3A_115 = arith.addi %scan3A_113, %scan3A_114 : i32
    %scan3A_116 = arith.constant 1 : i32
    %scan3A_117 = scf.for %scan3A_119 = %scan3A_113 to %scan3A_115 step %scan3A_116 iter_args(%scan3A_120 = %scan3A) -> (i32)  : i32 {
      %mul3A_121 = arith.constant 16 : i32
      %mul3A_122 = arith.muli %scan3A_119, %mul3A_121 : i32
      %add3A_123 = arith.addi %mul3A_2, %mul3A_122 : i32
      %get3A_124 = arith.index_cast %add3A_123 : i32 to index
      %get3A_125 = tpu.vector_load %arg11[%get3A_124] {strides = array<i32>} : memref<1024xf32, #tpu.memory_space<vmem>>, vector<16xf32>,
      %get3A_126 = vector.shape_cast %get3A_125 : vector<16xf32> to vector<16xf32>
      %get3A_127 = arith.index_cast %add3A_123 : i32 to index
      %get3A_128 = tpu.vector_load %arg12[%get3A_127] {strides = array<i32>} : memref<1024xf32, #tpu.memory_space<vmem>>, vector<16xf32>,
      %get3A_129 = vector.shape_cast %get3A_128 : vector<16xf32> to vector<16xf32>
      %get3A_130 = arith.index_cast %add3A_123 : i32 to index
      %get3A_131 = tpu.vector_load %arg13[%get3A_130] {strides = array<i32>} : memref<1024xf32, #tpu.memory_space<vmem>>, vector<16xf32>,
      %get3A_132 = vector.shape_cast %get3A_131 : vector<16xf32> to vector<16xf32>
      %get3A_133 = arith.index_cast %add3A_123 : i32 to index
      %get3A_134 = tpu.vector_load %arg14[%get3A_133] {strides = array<i32>} : memref<1024xf32, #tpu.memory_space<vmem>>, vector<16xf32>,
      %get3A_135 = vector.shape_cast %get3A_134 : vector<16xf32> to vector<16xf32>
      %add3A_136 = vector.broadcast %add3A_123 : i32 to vector<16xi32>
      %add3A_137 = arith.addi %add3A_136, %iota3A : vector<16xi32>
      %mul3A_138 = arith.mulf %broadcast_in_dim3A_70, %get3A_135 : vector<16xf32>
      %add3A_139 = arith.addf %broadcast_in_dim3A_67, %mul3A_138 : vector<16xf32>
      %mul3A_140 = arith.mulf %broadcast_in_dim3A_76, %get3A_135 : vector<16xf32>
      %add3A_141 = arith.addf %broadcast_in_dim3A_73, %mul3A_140 : vector<16xf32>
      %mul3A_142 = arith.mulf %broadcast_in_dim3A_82, %get3A_135 : vector<16xf32>
      %add3A_143 = arith.addf %broadcast_in_dim3A_79, %mul3A_142 : vector<16xf32>
      %mul3A_144 = arith.mulf %broadcast_in_dim3A_88, %get3A_135 : vector<16xf32>
      %add3A_145 = arith.addf %broadcast_in_dim3A_85, %mul3A_144 : vector<16xf32>
      %mul3A_146 = arith.mulf %broadcast_in_dim3A_94, %get3A_135 : vector<16xf32>
      %add3A_147 = arith.addf %broadcast_in_dim3A_91, %mul3A_146 : vector<16xf32>
      %mul3A_148 = arith.mulf %broadcast_in_dim3A_100, %get3A_135 : vector<16xf32>
      %add3A_149 = arith.addf %broadcast_in_dim3A_97, %mul3A_148 : vector<16xf32>
      %mul3A_150 = arith.mulf %broadcast_in_dim3A_106, %get3A_135 : vector<16xf32>
      %add3A_151 = arith.addf %broadcast_in_dim3A_103, %mul3A_150 : vector<16xf32>
      %mul3A_152 = arith.mulf %broadcast_in_dim3A_112, %get3A_135 : vector<16xf32>
      %add3A_153 = arith.addf %broadcast_in_dim3A_109, %mul3A_152 : vector<16xf32>
      %broadcast_in_dim3A_154 = arith.constant 0.000000e+00 : f32
      %broadcast_in_dim3A_155 = vector.broadcast %broadcast_in_dim3A_154 : f32 to vector<16xf32>
      %scan3A_156 = arith.constant 0 : i32
      %scan3A_157 = arith.constant 64 : i32
      %scan3A_158 = arith.addi %scan3A_156, %scan3A_157 : i32
      %scan3A_159 = arith.constant 1 : i32
      %scan3A_160:4 = scf.for %scan3A_207 = %scan3A_156 to %scan3A_158 step %scan3A_159 iter_args(%scan3A_208 = %broadcast_in_dim3A_155, %scan3A_209 = %broadcast_in_dim3A_155, %scan3A_210 = %broadcast_in_dim3A_155, %scan3A_211 = %broadcast_in_dim3A_155) -> (vector<16xf32>, vector<16xf32>, vector<16xf32>, vector<16xf32>)  : i32 {
        %mul3A_212 = arith.constant 16 : i32
        %mul3A_213 = arith.muli %scan3A_207, %mul3A_212 : i32
        %get3A_214 = arith.index_cast %mul3A_213 : i32 to index
        %get3A_215 = tpu.vector_load %arg11[%get3A_214] {strides = array<i32>} : memref<1024xf32, #tpu.memory_space<vmem>>, vector<16xf32>,
        %get3A_216 = vector.shape_cast %get3A_215 : vector<16xf32> to vector<16xf32>
        %mul3A_217 = arith.constant 16 : i32
        %mul3A_218 = arith.muli %scan3A_207, %mul3A_217 : i32
        %get3A_219 = arith.index_cast %mul3A_218 : i32 to index
        %get3A_220 = tpu.vector_load %arg12[%get3A_219] {strides = array<i32>} : memref<1024xf32, #tpu.memory_space<vmem>>, vector<16xf32>,
        %get3A_221 = vector.shape_cast %get3A_220 : vector<16xf32> to vector<16xf32>
        %mul3A_222 = arith.constant 16 : i32
        %mul3A_223 = arith.muli %scan3A_207, %mul3A_222 : i32
        %get3A_224 = arith.index_cast %mul3A_223 : i32 to index
        %get3A_225 = tpu.vector_load %arg13[%get3A_224] {strides = array<i32>} : memref<1024xf32, #tpu.memory_space<vmem>>, vector<16xf32>,
        %get3A_226 = vector.shape_cast %get3A_225 : vector<16xf32> to vector<16xf32>
        %mul3A_227 = arith.constant 16 : i32
        %mul3A_228 = arith.muli %scan3A_207, %mul3A_227 : i32
        %get3A_229 = arith.index_cast %mul3A_228 : i32 to index
        %get3A_230 = tpu.vector_load %arg14[%get3A_229] {strides = array<i32>} : memref<1024xf32, #tpu.memory_space<vmem>>, vector<16xf32>,
        %get3A_231 = vector.shape_cast %get3A_230 : vector<16xf32> to vector<16xf32>
        %mul3A_232 = arith.constant 16 : i32
        %mul3A_233 = arith.muli %scan3A_207, %mul3A_232 : i32
        %add3A_234 = arith.constant 0 : i32
        %add3A_235 = arith.addi %mul3A_233, %add3A_234 : i32
        %slice3A_236 = vector.extract_strided_slice %get3A_216 {offsets = [0], sizes = [1], strides = [1]} : vector<16xf32> to vector<1xf32>
        %squeeze3A_237 = vector.extract %slice3A_236[0] : f32 from vector<1xf32>
        %broadcast_in_dim3A_238 = vector.broadcast %squeeze3A_237 : f32 to vector<16xf32>
        %sub3A = arith.subf %broadcast_in_dim3A_238, %get3A_126 : vector<16xf32>
        %gt3A = arith.constant 5.000000e-01 : f32
        %gt3A_239 = vector.broadcast %gt3A : f32 to vector<16xf32>
        %gt3A_240 = arith.cmpf ogt, %sub3A, %gt3A_239 : vector<16xf32>
        %jit3A = arith.constant 1.000000e+00 : f32
        %jit3A_241 = arith.constant 0.000000e+00 : f32
        %broadcast_in_dim3A_242 = vector.broadcast %jit3A : f32 to vector<16xf32>
        %broadcast_in_dim3A_243 = vector.broadcast %jit3A_241 : f32 to vector<16xf32>
        %select_n3A = arith.select %gt3A_240, %broadcast_in_dim3A_242, %broadcast_in_dim3A_243 : vector<16xi1>, vector<16xf32>
        %lt3A = arith.constant -5.000000e-01 : f32
        %lt3A_244 = vector.broadcast %lt3A : f32 to vector<16xf32>
        %lt3A_245 = arith.cmpf olt, %sub3A, %lt3A_244 : vector<16xf32>
        %jit3A_246 = arith.constant 1.000000e+00 : f32
        %jit3A_247 = arith.constant 0.000000e+00 : f32
        %broadcast_in_dim3A_248 = vector.broadcast %jit3A_246 : f32 to vector<16xf32>
        %broadcast_in_dim3A_249 = vector.broadcast %jit3A_247 : f32 to vector<16xf32>
        %select_n3A_250 = arith.select %lt3A_245, %broadcast_in_dim3A_248, %broadcast_in_dim3A_249 : vector<16xi1>, vector<16xf32>
        %sub3A_251 = arith.subf %select_n3A, %select_n3A_250 : vector<16xf32>
        %mul3A_252 = arith.mulf %sub3A_251, %broadcast_in_dim3A_28 : vector<16xf32>
        %sub3A_253 = arith.subf %sub3A, %mul3A_252 : vector<16xf32>
        %slice3A_254 = vector.extract_strided_slice %get3A_221 {offsets = [0], sizes = [1], strides = [1]} : vector<16xf32> to vector<1xf32>
        %squeeze3A_255 = vector.extract %slice3A_254[0] : f32 from vector<1xf32>
        %broadcast_in_dim3A_256 = vector.broadcast %squeeze3A_255 : f32 to vector<16xf32>
        %sub3A_257 = arith.subf %broadcast_in_dim3A_256, %get3A_129 : vector<16xf32>
        %gt3A_258 = arith.constant 5.000000e-01 : f32
        %gt3A_259 = vector.broadcast %gt3A_258 : f32 to vector<16xf32>
        %gt3A_260 = arith.cmpf ogt, %sub3A_257, %gt3A_259 : vector<16xf32>
        %jit3A_261 = arith.constant 1.000000e+00 : f32
        %jit3A_262 = arith.constant 0.000000e+00 : f32
        %broadcast_in_dim3A_263 = vector.broadcast %jit3A_261 : f32 to vector<16xf32>
        %broadcast_in_dim3A_264 = vector.broadcast %jit3A_262 : f32 to vector<16xf32>
        %select_n3A_265 = arith.select %gt3A_260, %broadcast_in_dim3A_263, %broadcast_in_dim3A_264 : vector<16xi1>, vector<16xf32>
        %lt3A_266 = arith.constant -5.000000e-01 : f32
        %lt3A_267 = vector.broadcast %lt3A_266 : f32 to vector<16xf32>
        %lt3A_268 = arith.cmpf olt, %sub3A_257, %lt3A_267 : vector<16xf32>
        %jit3A_269 = arith.constant 1.000000e+00 : f32
        %jit3A_270 = arith.constant 0.000000e+00 : f32
        %broadcast_in_dim3A_271 = vector.broadcast %jit3A_269 : f32 to vector<16xf32>
        %broadcast_in_dim3A_272 = vector.broadcast %jit3A_270 : f32 to vector<16xf32>
        %select_n3A_273 = arith.select %lt3A_268, %broadcast_in_dim3A_271, %broadcast_in_dim3A_272 : vector<16xi1>, vector<16xf32>
        %sub3A_274 = arith.subf %select_n3A_265, %select_n3A_273 : vector<16xf32>
        %mul3A_275 = arith.mulf %sub3A_274, %broadcast_in_dim3A_31 : vector<16xf32>
        %sub3A_276 = arith.subf %sub3A_257, %mul3A_275 : vector<16xf32>
        %slice3A_277 = vector.extract_strided_slice %get3A_226 {offsets = [0], sizes = [1], strides = [1]} : vector<16xf32> to vector<1xf32>
        %squeeze3A_278 = vector.extract %slice3A_277[0] : f32 from vector<1xf32>
        %broadcast_in_dim3A_279 = vector.broadcast %squeeze3A_278 : f32 to vector<16xf32>
        %sub3A_280 = arith.subf %broadcast_in_dim3A_279, %get3A_132 : vector<16xf32>
        %gt3A_281 = arith.constant 5.000000e-01 : f32
        %gt3A_282 = vector.broadcast %gt3A_281 : f32 to vector<16xf32>
        %gt3A_283 = arith.cmpf ogt, %sub3A_280, %gt3A_282 : vector<16xf32>
        %jit3A_284 = arith.constant 1.000000e+00 : f32
        %jit3A_285 = arith.constant 0.000000e+00 : f32
        %broadcast_in_dim3A_286 = vector.broadcast %jit3A_284 : f32 to vector<16xf32>
        %broadcast_in_dim3A_287 = vector.broadcast %jit3A_285 : f32 to vector<16xf32>
        %select_n3A_288 = arith.select %gt3A_283, %broadcast_in_dim3A_286, %broadcast_in_dim3A_287 : vector<16xi1>, vector<16xf32>
        %lt3A_289 = arith.constant -5.000000e-01 : f32
        %lt3A_290 = vector.broadcast %lt3A_289 : f32 to vector<16xf32>
        %lt3A_291 = arith.cmpf olt, %sub3A_280, %lt3A_290 : vector<16xf32>
        %jit3A_292 = arith.constant 1.000000e+00 : f32
        %jit3A_293 = arith.constant 0.000000e+00 : f32
        %broadcast_in_dim3A_294 = vector.broadcast %jit3A_292 : f32 to vector<16xf32>
        %broadcast_in_dim3A_295 = vector.broadcast %jit3A_293 : f32 to vector<16xf32>
        %select_n3A_296 = arith.select %lt3A_291, %broadcast_in_dim3A_294, %broadcast_in_dim3A_295 : vector<16xi1>, vector<16xf32>
        %sub3A_297 = arith.subf %select_n3A_288, %select_n3A_296 : vector<16xf32>
        %mul3A_298 = arith.mulf %sub3A_297, %broadcast_in_dim3A_34 : vector<16xf32>
        %sub3A_299 = arith.subf %sub3A_280, %mul3A_298 : vector<16xf32>
        %mul3A_300 = arith.mulf %broadcast_in_dim3A, %sub3A_253 : vector<16xf32>
        %mul3A_301 = arith.mulf %mul3A_300, %sub3A_253 : vector<16xf32>
        %mul3A_302 = arith.mulf %broadcast_in_dim3A_13, %sub3A_276 : vector<16xf32>
        %mul3A_303 = arith.mulf %mul3A_302, %sub3A_276 : vector<16xf32>
        %add3A_304 = arith.addf %mul3A_301, %mul3A_303 : vector<16xf32>
        %mul3A_305 = arith.mulf %broadcast_in_dim3A_16, %sub3A_299 : vector<16xf32>
        %mul3A_306 = arith.mulf %mul3A_305, %sub3A_299 : vector<16xf32>
        %add3A_307 = arith.addf %add3A_304, %mul3A_306 : vector<16xf32>
        %mul3A_308 = arith.mulf %broadcast_in_dim3A_19, %sub3A_253 : vector<16xf32>
        %mul3A_309 = arith.mulf %mul3A_308, %sub3A_276 : vector<16xf32>
        %add3A_310 = arith.addf %add3A_307, %mul3A_309 : vector<16xf32>
        %mul3A_311 = arith.mulf %broadcast_in_dim3A_22, %sub3A_253 : vector<16xf32>
        %mul3A_312 = arith.mulf %mul3A_311, %sub3A_299 : vector<16xf32>
        %add3A_313 = arith.addf %add3A_310, %mul3A_312 : vector<16xf32>
        %mul3A_314 = arith.mulf %broadcast_in_dim3A_25, %sub3A_276 : vector<16xf32>
        %mul3A_315 = arith.mulf %mul3A_314, %sub3A_299 : vector<16xf32>
        %add3A_316 = arith.addf %add3A_313, %mul3A_315 : vector<16xf32>
        %max3A = arith.constant 9.99999996E-13 : f32
        %max3A_317 = vector.broadcast %max3A : f32 to vector<16xf32>
        %max3A_318 = arith.maximumf %add3A_316, %max3A_317 : vector<16xf32>
        %bitcast_convert_type3A = tpu.bitcast %max3A_318 : vector<16xf32> -> vector<16xi32>
        %shift_right_arithmetic3A = arith.constant 1 : i32
        %shift_right_arithmetic3A_319 = vector.broadcast %shift_right_arithmetic3A : i32 to vector<16xi32>
        %shift_right_arithmetic3A_320 = arith.shrsi %bitcast_convert_type3A, %shift_right_arithmetic3A_319 : vector<16xi32>
        %sub3A_321 = arith.constant 1597463007 : i32
        %sub3A_322 = vector.broadcast %sub3A_321 : i32 to vector<16xi32>
        %sub3A_323 = arith.subi %sub3A_322, %shift_right_arithmetic3A_320 : vector<16xi32>
        %bitcast_convert_type3A_324 = tpu.bitcast %sub3A_323 : vector<16xi32> -> vector<16xf32>
        %mul3A_325 = arith.constant 5.000000e-01 : f32
        %mul3A_326 = vector.broadcast %mul3A_325 : f32 to vector<16xf32>
        %mul3A_327 = arith.mulf %mul3A_326, %max3A_318 : vector<16xf32>
        %mul3A_328 = arith.mulf %mul3A_327, %bitcast_convert_type3A_324 : vector<16xf32>
        %mul3A_329 = arith.mulf %mul3A_328, %bitcast_convert_type3A_324 : vector<16xf32>
        %sub3A_330 = arith.constant 1.500000e+00 : f32
        %sub3A_331 = vector.broadcast %sub3A_330 : f32 to vector<16xf32>
        %sub3A_332 = arith.subf %sub3A_331, %mul3A_329 : vector<16xf32>
        %mul3A_333 = arith.mulf %bitcast_convert_type3A_324, %sub3A_332 : vector<16xf32>
        %mul3A_334 = arith.mulf %mul3A_327, %mul3A_333 : vector<16xf32>
        %mul3A_335 = arith.mulf %mul3A_334, %mul3A_333 : vector<16xf32>
        %sub3A_336 = arith.constant 1.500000e+00 : f32
        %sub3A_337 = vector.broadcast %sub3A_336 : f32 to vector<16xf32>
        %sub3A_338 = arith.subf %sub3A_337, %mul3A_335 : vector<16xf32>
        %mul3A_339 = arith.mulf %mul3A_333, %sub3A_338 : vector<16xf32>
        %mul3A_340 = arith.mulf %mul3A_327, %mul3A_339 : vector<16xf32>
        %mul3A_341 = arith.mulf %mul3A_340, %mul3A_339 : vector<16xf32>
        %sub3A_342 = arith.constant 1.500000e+00 : f32
        %sub3A_343 = vector.broadcast %sub3A_342 : f32 to vector<16xf32>
        %sub3A_344 = arith.subf %sub3A_343, %mul3A_341 : vector<16xf32>
        %mul3A_345 = arith.mulf %mul3A_339, %sub3A_344 : vector<16xf32>
        %mul3A_346 = arith.mulf %add3A_316, %mul3A_345 : vector<16xf32>
        %slice3A_347 = vector.extract_strided_slice %get3A_231 {offsets = [0], sizes = [1], strides = [1]} : vector<16xf32> to vector<1xf32>
        %squeeze3A_348 = vector.extract %slice3A_347[0] : f32 from vector<1xf32>
        %broadcast_in_dim3A_349 = vector.broadcast %squeeze3A_348 : f32 to vector<16xf32>
        %mul3A_350 = arith.mulf %add3A_141, %broadcast_in_dim3A_349 : vector<16xf32>
        %add3A_351 = arith.addf %add3A_139, %mul3A_350 : vector<16xf32>
        %mul3A_352 = arith.mulf %add3A_145, %broadcast_in_dim3A_349 : vector<16xf32>
        %add3A_353 = arith.addf %add3A_143, %mul3A_352 : vector<16xf32>
        %mul3A_354 = arith.mulf %add3A_149, %broadcast_in_dim3A_349 : vector<16xf32>
        %add3A_355 = arith.addf %add3A_147, %mul3A_354 : vector<16xf32>
        %mul3A_356 = arith.mulf %add3A_153, %broadcast_in_dim3A_349 : vector<16xf32>
        %add3A_357 = arith.addf %add3A_151, %mul3A_356 : vector<16xf32>
        %mul3A_358 = arith.mulf %mul3A_346, %add3A_351 : vector<16xf32>
        %sub3A_359 = arith.constant 1.000000e+00 : f32
        %sub3A_360 = vector.broadcast %sub3A_359 : f32 to vector<16xf32>
        %sub3A_361 = arith.subf %sub3A_360, %mul3A_358 : vector<16xf32>
        %lt3A_362 = arith.cmpf olt, %add3A_316, %broadcast_in_dim3A_64 : vector<16xf32>
        %gt3A_363 = arith.constant 0.000000e+00 : f32
        %gt3A_364 = vector.broadcast %gt3A_363 : f32 to vector<16xf32>
        %gt3A_365 = arith.cmpf ogt, %sub3A_361, %gt3A_364 : vector<16xf32>
        %and3A = arith.andi %lt3A_362, %gt3A_365 : vector<16xi1>
        %ne3A = vector.broadcast %add3A_235 : i32 to vector<16xi32>
        %ne3A_366 = arith.cmpi ne, %add3A_137, %ne3A : vector<16xi32>
        %and3A_367 = arith.andi %and3A, %ne3A_366 : vector<16xi1>
        %jit3A_368 = arith.constant 5.000000e-01 : f32
        %broadcast_in_dim3A_369 = vector.broadcast %jit3A_368 : f32 to vector<16xf32>
        %select_n3A_370 = arith.select %and3A_367, %sub3A_361, %broadcast_in_dim3A_369 : vector<16xi1>, vector<16xf32>
        %bitcast_convert_type3A_371 = tpu.bitcast %select_n3A_370 : vector<16xf32> -> vector<16xi32>
        %shift_right_arithmetic3A_372 = arith.constant 23 : i32
        %shift_right_arithmetic3A_373 = vector.broadcast %shift_right_arithmetic3A_372 : i32 to vector<16xi32>
        %shift_right_arithmetic3A_374 = arith.shrsi %bitcast_convert_type3A_371, %shift_right_arithmetic3A_373 : vector<16xi32>
        %and3A_375 = arith.constant 255 : i32
        %and3A_376 = vector.broadcast %and3A_375 : i32 to vector<16xi32>
        %and3A_377 = arith.andi %shift_right_arithmetic3A_374, %and3A_376 : vector<16xi32>
        %sub3A_378 = arith.constant 127 : i32
        %sub3A_379 = vector.broadcast %sub3A_378 : i32 to vector<16xi32>
        %sub3A_380 = arith.subi %and3A_377, %sub3A_379 : vector<16xi32>
        %and3A_381 = arith.constant 8388607 : i32
        %and3A_382 = vector.broadcast %and3A_381 : i32 to vector<16xi32>
        %and3A_383 = arith.andi %bitcast_convert_type3A_371, %and3A_382 : vector<16xi32>
        %or3A = arith.constant 1065353216 : i32
        %or3A_384 = vector.broadcast %or3A : i32 to vector<16xi32>
        %or3A_385 = arith.ori %and3A_383, %or3A_384 : vector<16xi32>
        %bitcast_convert_type3A_386 = tpu.bitcast %or3A_385 : vector<16xi32> -> vector<16xf32>
        %sub3A_387 = arith.constant 1.000000e+00 : f32
        %sub3A_388 = vector.broadcast %sub3A_387 : f32 to vector<16xf32>
        %sub3A_389 = arith.subf %bitcast_convert_type3A_386, %sub3A_388 : vector<16xf32>
        %add3A_390 = arith.constant 1.000000e+00 : f32
        %add3A_391 = vector.broadcast %add3A_390 : f32 to vector<16xf32>
        %add3A_392 = arith.addf %bitcast_convert_type3A_386, %add3A_391 : vector<16xf32>
        %div3A = arith.divf %sub3A_389, %add3A_392 : vector<16xf32>
        %mul3A_393 = arith.mulf %div3A, %div3A : vector<16xf32>
        %mul3A_394 = arith.constant 0.285714298 : f32
        %mul3A_395 = vector.broadcast %mul3A_394 : f32 to vector<16xf32>
        %mul3A_396 = arith.mulf %mul3A_393, %mul3A_395 : vector<16xf32>
        %add3A_397 = arith.constant 4.000000e-01 : f32
        %add3A_398 = vector.broadcast %add3A_397 : f32 to vector<16xf32>
        %add3A_399 = arith.addf %add3A_398, %mul3A_396 : vector<16xf32>
        %mul3A_400 = arith.mulf %mul3A_393, %add3A_399 : vector<16xf32>
        %add3A_401 = arith.constant 0.666666686 : f32
        %add3A_402 = vector.broadcast %add3A_401 : f32 to vector<16xf32>
        %add3A_403 = arith.addf %add3A_402, %mul3A_400 : vector<16xf32>
        %mul3A_404 = arith.mulf %mul3A_393, %add3A_403 : vector<16xf32>
        %add3A_405 = arith.constant 2.000000e+00 : f32
        %add3A_406 = vector.broadcast %add3A_405 : f32 to vector<16xf32>
        %add3A_407 = arith.addf %add3A_406, %mul3A_404 : vector<16xf32>
        %mul3A_408 = arith.mulf %div3A, %add3A_407 : vector<16xf32>
        %convert_element_type3A = arith.sitofp %sub3A_380 : vector<16xi32> to vector<16xf32>
        %mul3A_409 = arith.constant 0.693147182 : f32
        %mul3A_410 = vector.broadcast %mul3A_409 : f32 to vector<16xf32>
        %mul3A_411 = arith.mulf %convert_element_type3A, %mul3A_410 : vector<16xf32>
        %add3A_412 = arith.addf %mul3A_411, %mul3A_408 : vector<16xf32>
        %mul3A_413 = arith.mulf %add3A_353, %add3A_412 : vector<16xf32>
        %exp3A = math.exp %mul3A_413 : vector<16xf32>
        %div3A_414 = arith.divf %exp3A, %select_n3A_370 : vector<16xf32>
        %mul3A_415 = arith.mulf %add3A_355, %exp3A : vector<16xf32>
        %jit3A_416 = arith.constant 0.000000e+00 : f32
        %broadcast_in_dim3A_417 = vector.broadcast %jit3A_416 : f32 to vector<16xf32>
        %select_n3A_418 = arith.select %and3A_367, %mul3A_415, %broadcast_in_dim3A_417 : vector<16xi1>, vector<16xf32>
        %mul3A_419 = arith.mulf %add3A_357, %div3A_414 : vector<16xf32>
        %mul3A_420 = arith.mulf %mul3A_419, %mul3A_345 : vector<16xf32>
        %jit3A_421 = arith.constant 0.000000e+00 : f32
        %broadcast_in_dim3A_422 = vector.broadcast %jit3A_421 : f32 to vector<16xf32>
        %select_n3A_423 = arith.select %and3A_367, %mul3A_420, %broadcast_in_dim3A_422 : vector<16xi1>, vector<16xf32>
        %mul3A_424 = arith.mulf %select_n3A_423, %sub3A_253 : vector<16xf32>
        %add3A_425 = arith.addf %scan3A_208, %mul3A_424 : vector<16xf32>
        %mul3A_426 = arith.mulf %select_n3A_423, %sub3A_276 : vector<16xf32>
        %add3A_427 = arith.addf %scan3A_209, %mul3A_426 : vector<16xf32>
        %mul3A_428 = arith.mulf %select_n3A_423, %sub3A_299 : vector<16xf32>
        %add3A_429 = arith.addf %scan3A_210, %mul3A_428 : vector<16xf32>
        %add3A_430 = arith.addf %scan3A_211, %select_n3A_418 : vector<16xf32>
        %mul3A_431 = arith.constant 16 : i32
        %mul3A_432 = arith.muli %scan3A_207, %mul3A_431 : i32
        %add3A_433 = arith.constant 1 : i32
        %add3A_434 = arith.addi %mul3A_432, %add3A_433 : i32
        %slice3A_435 = vector.extract_strided_slice %get3A_216 {offsets = [1], sizes = [1], strides = [1]} : vector<16xf32> to vector<1xf32>
        %squeeze3A_436 = vector.extract %slice3A_435[0] : f32 from vector<1xf32>
        %broadcast_in_dim3A_437 = vector.broadcast %squeeze3A_436 : f32 to vector<16xf32>
        %sub3A_438 = arith.subf %broadcast_in_dim3A_437, %get3A_126 : vector<16xf32>
        %gt3A_439 = arith.constant 5.000000e-01 : f32
        %gt3A_440 = vector.broadcast %gt3A_439 : f32 to vector<16xf32>
        %gt3A_441 = arith.cmpf ogt, %sub3A_438, %gt3A_440 : vector<16xf32>
        %jit3A_442 = arith.constant 1.000000e+00 : f32
        %jit3A_443 = arith.constant 0.000000e+00 : f32
        %broadcast_in_dim3A_444 = vector.broadcast %jit3A_442 : f32 to vector<16xf32>
        %broadcast_in_dim3A_445 = vector.broadcast %jit3A_443 : f32 to vector<16xf32>
        %select_n3A_446 = arith.select %gt3A_441, %broadcast_in_dim3A_444, %broadcast_in_dim3A_445 : vector<16xi1>, vector<16xf32>
        %lt3A_447 = arith.constant -5.000000e-01 : f32
        %lt3A_448 = vector.broadcast %lt3A_447 : f32 to vector<16xf32>
        %lt3A_449 = arith.cmpf olt, %sub3A_438, %lt3A_448 : vector<16xf32>
        %jit3A_450 = arith.constant 1.000000e+00 : f32
        %jit3A_451 = arith.constant 0.000000e+00 : f32
        %broadcast_in_dim3A_452 = vector.broadcast %jit3A_450 : f32 to vector<16xf32>
        %broadcast_in_dim3A_453 = vector.broadcast %jit3A_451 : f32 to vector<16xf32>
        %select_n3A_454 = arith.select %lt3A_449, %broadcast_in_dim3A_452, %broadcast_in_dim3A_453 : vector<16xi1>, vector<16xf32>
        %sub3A_455 = arith.subf %select_n3A_446, %select_n3A_454 : vector<16xf32>
        %mul3A_456 = arith.mulf %sub3A_455, %broadcast_in_dim3A_28 : vector<16xf32>
        %sub3A_457 = arith.subf %sub3A_438, %mul3A_456 : vector<16xf32>
        %slice3A_458 = vector.extract_strided_slice %get3A_221 {offsets = [1], sizes = [1], strides = [1]} : vector<16xf32> to vector<1xf32>
        %squeeze3A_459 = vector.extract %slice3A_458[0] : f32 from vector<1xf32>
        %broadcast_in_dim3A_460 = vector.broadcast %squeeze3A_459 : f32 to vector<16xf32>
        %sub3A_461 = arith.subf %broadcast_in_dim3A_460, %get3A_129 : vector<16xf32>
        %gt3A_462 = arith.constant 5.000000e-01 : f32
        %gt3A_463 = vector.broadcast %gt3A_462 : f32 to vector<16xf32>
        %gt3A_464 = arith.cmpf ogt, %sub3A_461, %gt3A_463 : vector<16xf32>
        %jit3A_465 = arith.constant 1.000000e+00 : f32
        %jit3A_466 = arith.constant 0.000000e+00 : f32
        %broadcast_in_dim3A_467 = vector.broadcast %jit3A_465 : f32 to vector<16xf32>
        %broadcast_in_dim3A_468 = vector.broadcast %jit3A_466 : f32 to vector<16xf32>
        %select_n3A_469 = arith.select %gt3A_464, %broadcast_in_dim3A_467, %broadcast_in_dim3A_468 : vector<16xi1>, vector<16xf32>
        %lt3A_470 = arith.constant -5.000000e-01 : f32
        %lt3A_471 = vector.broadcast %lt3A_470 : f32 to vector<16xf32>
        %lt3A_472 = arith.cmpf olt, %sub3A_461, %lt3A_471 : vector<16xf32>
        %jit3A_473 = arith.constant 1.000000e+00 : f32
        %jit3A_474 = arith.constant 0.000000e+00 : f32
        %broadcast_in_dim3A_475 = vector.broadcast %jit3A_473 : f32 to vector<16xf32>
        %broadcast_in_dim3A_476 = vector.broadcast %jit3A_474 : f32 to vector<16xf32>
        %select_n3A_477 = arith.select %lt3A_472, %broadcast_in_dim3A_475, %broadcast_in_dim3A_476 : vector<16xi1>, vector<16xf32>
        %sub3A_478 = arith.subf %select_n3A_469, %select_n3A_477 : vector<16xf32>
        %mul3A_479 = arith.mulf %sub3A_478, %broadcast_in_dim3A_31 : vector<16xf32>
        %sub3A_480 = arith.subf %sub3A_461, %mul3A_479 : vector<16xf32>
        %slice3A_481 = vector.extract_strided_slice %get3A_226 {offsets = [1], sizes = [1], strides = [1]} : vector<16xf32> to vector<1xf32>
        %squeeze3A_482 = vector.extract %slice3A_481[0] : f32 from vector<1xf32>
        %broadcast_in_dim3A_483 = vector.broadcast %squeeze3A_482 : f32 to vector<16xf32>
        %sub3A_484 = arith.subf %broadcast_in_dim3A_483, %get3A_132 : vector<16xf32>
        %gt3A_485 = arith.constant 5.000000e-01 : f32
        %gt3A_486 = vector.broadcast %gt3A_485 : f32 to vector<16xf32>
        %gt3A_487 = arith.cmpf ogt, %sub3A_484, %gt3A_486 : vector<16xf32>
        %jit3A_488 = arith.constant 1.000000e+00 : f32
        %jit3A_489 = arith.constant 0.000000e+00 : f32
        %broadcast_in_dim3A_490 = vector.broadcast %jit3A_488 : f32 to vector<16xf32>
        %broadcast_in_dim3A_491 = vector.broadcast %jit3A_489 : f32 to vector<16xf32>
        %select_n3A_492 = arith.select %gt3A_487, %broadcast_in_dim3A_490, %broadcast_in_dim3A_491 : vector<16xi1>, vector<16xf32>
        %lt3A_493 = arith.constant -5.000000e-01 : f32
        %lt3A_494 = vector.broadcast %lt3A_493 : f32 to vector<16xf32>
        %lt3A_495 = arith.cmpf olt, %sub3A_484, %lt3A_494 : vector<16xf32>
        %jit3A_496 = arith.constant 1.000000e+00 : f32
        %jit3A_497 = arith.constant 0.000000e+00 : f32
        %broadcast_in_dim3A_498 = vector.broadcast %jit3A_496 : f32 to vector<16xf32>
        %broadcast_in_dim3A_499 = vector.broadcast %jit3A_497 : f32 to vector<16xf32>
        %select_n3A_500 = arith.select %lt3A_495, %broadcast_in_dim3A_498, %broadcast_in_dim3A_499 : vector<16xi1>, vector<16xf32>
        %sub3A_501 = arith.subf %select_n3A_492, %select_n3A_500 : vector<16xf32>
        %mul3A_502 = arith.mulf %sub3A_501, %broadcast_in_dim3A_34 : vector<16xf32>
        %sub3A_503 = arith.subf %sub3A_484, %mul3A_502 : vector<16xf32>
        %mul3A_504 = arith.mulf %broadcast_in_dim3A, %sub3A_457 : vector<16xf32>
        %mul3A_505 = arith.mulf %mul3A_504, %sub3A_457 : vector<16xf32>
        %mul3A_506 = arith.mulf %broadcast_in_dim3A_13, %sub3A_480 : vector<16xf32>
        %mul3A_507 = arith.mulf %mul3A_506, %sub3A_480 : vector<16xf32>
        %add3A_508 = arith.addf %mul3A_505, %mul3A_507 : vector<16xf32>
        %mul3A_509 = arith.mulf %broadcast_in_dim3A_16, %sub3A_503 : vector<16xf32>
        %mul3A_510 = arith.mulf %mul3A_509, %sub3A_503 : vector<16xf32>
        %add3A_511 = arith.addf %add3A_508, %mul3A_510 : vector<16xf32>
        %mul3A_512 = arith.mulf %broadcast_in_dim3A_19, %sub3A_457 : vector<16xf32>
        %mul3A_513 = arith.mulf %mul3A_512, %sub3A_480 : vector<16xf32>
        %add3A_514 = arith.addf %add3A_511, %mul3A_513 : vector<16xf32>
        %mul3A_515 = arith.mulf %broadcast_in_dim3A_22, %sub3A_457 : vector<16xf32>
        %mul3A_516 = arith.mulf %mul3A_515, %sub3A_503 : vector<16xf32>
        %add3A_517 = arith.addf %add3A_514, %mul3A_516 : vector<16xf32>
        %mul3A_518 = arith.mulf %broadcast_in_dim3A_25, %sub3A_480 : vector<16xf32>
        %mul3A_519 = arith.mulf %mul3A_518, %sub3A_503 : vector<16xf32>
        %add3A_520 = arith.addf %add3A_517, %mul3A_519 : vector<16xf32>
        %max3A_521 = arith.constant 9.99999996E-13 : f32
        %max3A_522 = vector.broadcast %max3A_521 : f32 to vector<16xf32>
        %max3A_523 = arith.maximumf %add3A_520, %max3A_522 : vector<16xf32>
        %bitcast_convert_type3A_524 = tpu.bitcast %max3A_523 : vector<16xf32> -> vector<16xi32>
        %shift_right_arithmetic3A_525 = arith.constant 1 : i32
        %shift_right_arithmetic3A_526 = vector.broadcast %shift_right_arithmetic3A_525 : i32 to vector<16xi32>
        %shift_right_arithmetic3A_527 = arith.shrsi %bitcast_convert_type3A_524, %shift_right_arithmetic3A_526 : vector<16xi32>
        %sub3A_528 = arith.constant 1597463007 : i32
        %sub3A_529 = vector.broadcast %sub3A_528 : i32 to vector<16xi32>
        %sub3A_530 = arith.subi %sub3A_529, %shift_right_arithmetic3A_527 : vector<16xi32>
        %bitcast_convert_type3A_531 = tpu.bitcast %sub3A_530 : vector<16xi32> -> vector<16xf32>
        %mul3A_532 = arith.constant 5.000000e-01 : f32
        %mul3A_533 = vector.broadcast %mul3A_532 : f32 to vector<16xf32>
        %mul3A_534 = arith.mulf %mul3A_533, %max3A_523 : vector<16xf32>
        %mul3A_535 = arith.mulf %mul3A_534, %bitcast_convert_type3A_531 : vector<16xf32>
        %mul3A_536 = arith.mulf %mul3A_535, %bitcast_convert_type3A_531 : vector<16xf32>
        %sub3A_537 = arith.constant 1.500000e+00 : f32
        %sub3A_538 = vector.broadcast %sub3A_537 : f32 to vector<16xf32>
        %sub3A_539 = arith.subf %sub3A_538, %mul3A_536 : vector<16xf32>
        %mul3A_540 = arith.mulf %bitcast_convert_type3A_531, %sub3A_539 : vector<16xf32>
        %mul3A_541 = arith.mulf %mul3A_534, %mul3A_540 : vector<16xf32>
        %mul3A_542 = arith.mulf %mul3A_541, %mul3A_540 : vector<16xf32>
        %sub3A_543 = arith.constant 1.500000e+00 : f32
        %sub3A_544 = vector.broadcast %sub3A_543 : f32 to vector<16xf32>
        %sub3A_545 = arith.subf %sub3A_544, %mul3A_542 : vector<16xf32>
        %mul3A_546 = arith.mulf %mul3A_540, %sub3A_545 : vector<16xf32>
        %mul3A_547 = arith.mulf %mul3A_534, %mul3A_546 : vector<16xf32>
        %mul3A_548 = arith.mulf %mul3A_547, %mul3A_546 : vector<16xf32>
        %sub3A_549 = arith.constant 1.500000e+00 : f32
        %sub3A_550 = vector.broadcast %sub3A_549 : f32 to vector<16xf32>
        %sub3A_551 = arith.subf %sub3A_550, %mul3A_548 : vector<16xf32>
        %mul3A_552 = arith.mulf %mul3A_546, %sub3A_551 : vector<16xf32>
        %mul3A_553 = arith.mulf %add3A_520, %mul3A_552 : vector<16xf32>
        %slice3A_554 = vector.extract_strided_slice %get3A_231 {offsets = [1], sizes = [1], strides = [1]} : vector<16xf32> to vector<1xf32>
        %squeeze3A_555 = vector.extract %slice3A_554[0] : f32 from vector<1xf32>
        %broadcast_in_dim3A_556 = vector.broadcast %squeeze3A_555 : f32 to vector<16xf32>
        %mul3A_557 = arith.mulf %add3A_141, %broadcast_in_dim3A_556 : vector<16xf32>
        %add3A_558 = arith.addf %add3A_139, %mul3A_557 : vector<16xf32>
        %mul3A_559 = arith.mulf %add3A_145, %broadcast_in_dim3A_556 : vector<16xf32>
        %add3A_560 = arith.addf %add3A_143, %mul3A_559 : vector<16xf32>
        %mul3A_561 = arith.mulf %add3A_149, %broadcast_in_dim3A_556 : vector<16xf32>
        %add3A_562 = arith.addf %add3A_147, %mul3A_561 : vector<16xf32>
        %mul3A_563 = arith.mulf %add3A_153, %broadcast_in_dim3A_556 : vector<16xf32>
        %add3A_564 = arith.addf %add3A_151, %mul3A_563 : vector<16xf32>
        %mul3A_565 = arith.mulf %mul3A_553, %add3A_558 : vector<16xf32>
        %sub3A_566 = arith.constant 1.000000e+00 : f32
        %sub3A_567 = vector.broadcast %sub3A_566 : f32 to vector<16xf32>
        %sub3A_568 = arith.subf %sub3A_567, %mul3A_565 : vector<16xf32>
        %lt3A_569 = arith.cmpf olt, %add3A_520, %broadcast_in_dim3A_64 : vector<16xf32>
        %gt3A_570 = arith.constant 0.000000e+00 : f32
        %gt3A_571 = vector.broadcast %gt3A_570 : f32 to vector<16xf32>
        %gt3A_572 = arith.cmpf ogt, %sub3A_568, %gt3A_571 : vector<16xf32>
        %and3A_573 = arith.andi %lt3A_569, %gt3A_572 : vector<16xi1>
        %ne3A_574 = vector.broadcast %add3A_434 : i32 to vector<16xi32>
        %ne3A_575 = arith.cmpi ne, %add3A_137, %ne3A_574 : vector<16xi32>
        %and3A_576 = arith.andi %and3A_573, %ne3A_575 : vector<16xi1>
        %jit3A_577 = arith.constant 5.000000e-01 : f32
        %broadcast_in_dim3A_578 = vector.broadcast %jit3A_577 : f32 to vector<16xf32>
        %select_n3A_579 = arith.select %and3A_576, %sub3A_568, %broadcast_in_dim3A_578 : vector<16xi1>, vector<16xf32>
        %bitcast_convert_type3A_580 = tpu.bitcast %select_n3A_579 : vector<16xf32> -> vector<16xi32>
        %shift_right_arithmetic3A_581 = arith.constant 23 : i32
        %shift_right_arithmetic3A_582 = vector.broadcast %shift_right_arithmetic3A_581 : i32 to vector<16xi32>
        %shift_right_arithmetic3A_583 = arith.shrsi %bitcast_convert_type3A_580, %shift_right_arithmetic3A_582 : vector<16xi32>
        %and3A_584 = arith.constant 255 : i32
        %and3A_585 = vector.broadcast %and3A_584 : i32 to vector<16xi32>
        %and3A_586 = arith.andi %shift_right_arithmetic3A_583, %and3A_585 : vector<16xi32>
        %sub3A_587 = arith.constant 127 : i32
        %sub3A_588 = vector.broadcast %sub3A_587 : i32 to vector<16xi32>
        %sub3A_589 = arith.subi %and3A_586, %sub3A_588 : vector<16xi32>
        %and3A_590 = arith.constant 8388607 : i32
        %and3A_591 = vector.broadcast %and3A_590 : i32 to vector<16xi32>
        %and3A_592 = arith.andi %bitcast_convert_type3A_580, %and3A_591 : vector<16xi32>
        %or3A_593 = arith.constant 1065353216 : i32
        %or3A_594 = vector.broadcast %or3A_593 : i32 to vector<16xi32>
        %or3A_595 = arith.ori %and3A_592, %or3A_594 : vector<16xi32>
        %bitcast_convert_type3A_596 = tpu.bitcast %or3A_595 : vector<16xi32> -> vector<16xf32>
        %sub3A_597 = arith.constant 1.000000e+00 : f32
        %sub3A_598 = vector.broadcast %sub3A_597 : f32 to vector<16xf32>
        %sub3A_599 = arith.subf %bitcast_convert_type3A_596, %sub3A_598 : vector<16xf32>
        %add3A_600 = arith.constant 1.000000e+00 : f32
        %add3A_601 = vector.broadcast %add3A_600 : f32 to vector<16xf32>
        %add3A_602 = arith.addf %bitcast_convert_type3A_596, %add3A_601 : vector<16xf32>
        %div3A_603 = arith.divf %sub3A_599, %add3A_602 : vector<16xf32>
        %mul3A_604 = arith.mulf %div3A_603, %div3A_603 : vector<16xf32>
        %mul3A_605 = arith.constant 0.285714298 : f32
        %mul3A_606 = vector.broadcast %mul3A_605 : f32 to vector<16xf32>
        %mul3A_607 = arith.mulf %mul3A_604, %mul3A_606 : vector<16xf32>
        %add3A_608 = arith.constant 4.000000e-01 : f32
        %add3A_609 = vector.broadcast %add3A_608 : f32 to vector<16xf32>
        %add3A_610 = arith.addf %add3A_609, %mul3A_607 : vector<16xf32>
        %mul3A_611 = arith.mulf %mul3A_604, %add3A_610 : vector<16xf32>
        %add3A_612 = arith.constant 0.666666686 : f32
        %add3A_613 = vector.broadcast %add3A_612 : f32 to vector<16xf32>
        %add3A_614 = arith.addf %add3A_613, %mul3A_611 : vector<16xf32>
        %mul3A_615 = arith.mulf %mul3A_604, %add3A_614 : vector<16xf32>
        %add3A_616 = arith.constant 2.000000e+00 : f32
        %add3A_617 = vector.broadcast %add3A_616 : f32 to vector<16xf32>
        %add3A_618 = arith.addf %add3A_617, %mul3A_615 : vector<16xf32>
        %mul3A_619 = arith.mulf %div3A_603, %add3A_618 : vector<16xf32>
        %convert_element_type3A_620 = arith.sitofp %sub3A_589 : vector<16xi32> to vector<16xf32>
        %mul3A_621 = arith.constant 0.693147182 : f32
        %mul3A_622 = vector.broadcast %mul3A_621 : f32 to vector<16xf32>
        %mul3A_623 = arith.mulf %convert_element_type3A_620, %mul3A_622 : vector<16xf32>
        %add3A_624 = arith.addf %mul3A_623, %mul3A_619 : vector<16xf32>
        %mul3A_625 = arith.mulf %add3A_560, %add3A_624 : vector<16xf32>
        %exp3A_626 = math.exp %mul3A_625 : vector<16xf32>
        %div3A_627 = arith.divf %exp3A_626, %select_n3A_579 : vector<16xf32>
        %mul3A_628 = arith.mulf %add3A_562, %exp3A_626 : vector<16xf32>
        %jit3A_629 = arith.constant 0.000000e+00 : f32
        %broadcast_in_dim3A_630 = vector.broadcast %jit3A_629 : f32 to vector<16xf32>
        %select_n3A_631 = arith.select %and3A_576, %mul3A_628, %broadcast_in_dim3A_630 : vector<16xi1>, vector<16xf32>
        %mul3A_632 = arith.mulf %add3A_564, %div3A_627 : vector<16xf32>
        %mul3A_633 = arith.mulf %mul3A_632, %mul3A_552 : vector<16xf32>
        %jit3A_634 = arith.constant 0.000000e+00 : f32
        %broadcast_in_dim3A_635 = vector.broadcast %jit3A_634 : f32 to vector<16xf32>
        %select_n3A_636 = arith.select %and3A_576, %mul3A_633, %broadcast_in_dim3A_635 : vector<16xi1>, vector<16xf32>
        %mul3A_637 = arith.mulf %select_n3A_636, %sub3A_457 : vector<16xf32>
        %add3A_638 = arith.addf %add3A_425, %mul3A_637 : vector<16xf32>
        %mul3A_639 = arith.mulf %select_n3A_636, %sub3A_480 : vector<16xf32>
        %add3A_640 = arith.addf %add3A_427, %mul3A_639 : vector<16xf32>
        %mul3A_641 = arith.mulf %select_n3A_636, %sub3A_503 : vector<16xf32>
        %add3A_642 = arith.addf %add3A_429, %mul3A_641 : vector<16xf32>
        %add3A_643 = arith.addf %add3A_430, %select_n3A_631 : vector<16xf32>
        %mul3A_644 = arith.constant 16 : i32
        %mul3A_645 = arith.muli %scan3A_207, %mul3A_644 : i32
        %add3A_646 = arith.constant 2 : i32
        %add3A_647 = arith.addi %mul3A_645, %add3A_646 : i32
        %slice3A_648 = vector.extract_strided_slice %get3A_216 {offsets = [2], sizes = [1], strides = [1]} : vector<16xf32> to vector<1xf32>
        %squeeze3A_649 = vector.extract %slice3A_648[0] : f32 from vector<1xf32>
        %broadcast_in_dim3A_650 = vector.broadcast %squeeze3A_649 : f32 to vector<16xf32>
        %sub3A_651 = arith.subf %broadcast_in_dim3A_650, %get3A_126 : vector<16xf32>
        %gt3A_652 = arith.constant 5.000000e-01 : f32
        %gt3A_653 = vector.broadcast %gt3A_652 : f32 to vector<16xf32>
        %gt3A_654 = arith.cmpf ogt, %sub3A_651, %gt3A_653 : vector<16xf32>
        %jit3A_655 = arith.constant 1.000000e+00 : f32
        %jit3A_656 = arith.constant 0.000000e+00 : f32
        %broadcast_in_dim3A_657 = vector.broadcast %jit3A_655 : f32 to vector<16xf32>
        %broadcast_in_dim3A_658 = vector.broadcast %jit3A_656 : f32 to vector<16xf32>
        %select_n3A_659 = arith.select %gt3A_654, %broadcast_in_dim3A_657, %broadcast_in_dim3A_658 : vector<16xi1>, vector<16xf32>
        %lt3A_660 = arith.constant -5.000000e-01 : f32
        %lt3A_661 = vector.broadcast %lt3A_660 : f32 to vector<16xf32>
        %lt3A_662 = arith.cmpf olt, %sub3A_651, %lt3A_661 : vector<16xf32>
        %jit3A_663 = arith.constant 1.000000e+00 : f32
        %jit3A_664 = arith.constant 0.000000e+00 : f32
        %broadcast_in_dim3A_665 = vector.broadcast %jit3A_663 : f32 to vector<16xf32>
        %broadcast_in_dim3A_666 = vector.broadcast %jit3A_664 : f32 to vector<16xf32>
        %select_n3A_667 = arith.select %lt3A_662, %broadcast_in_dim3A_665, %broadcast_in_dim3A_666 : vector<16xi1>, vector<16xf32>
        %sub3A_668 = arith.subf %select_n3A_659, %select_n3A_667 : vector<16xf32>
        %mul3A_669 = arith.mulf %sub3A_668, %broadcast_in_dim3A_28 : vector<16xf32>
        %sub3A_670 = arith.subf %sub3A_651, %mul3A_669 : vector<16xf32>
        %slice3A_671 = vector.extract_strided_slice %get3A_221 {offsets = [2], sizes = [1], strides = [1]} : vector<16xf32> to vector<1xf32>
        %squeeze3A_672 = vector.extract %slice3A_671[0] : f32 from vector<1xf32>
        %broadcast_in_dim3A_673 = vector.broadcast %squeeze3A_672 : f32 to vector<16xf32>
        %sub3A_674 = arith.subf %broadcast_in_dim3A_673, %get3A_129 : vector<16xf32>
        %gt3A_675 = arith.constant 5.000000e-01 : f32
        %gt3A_676 = vector.broadcast %gt3A_675 : f32 to vector<16xf32>
        %gt3A_677 = arith.cmpf ogt, %sub3A_674, %gt3A_676 : vector<16xf32>
        %jit3A_678 = arith.constant 1.000000e+00 : f32
        %jit3A_679 = arith.constant 0.000000e+00 : f32
        %broadcast_in_dim3A_680 = vector.broadcast %jit3A_678 : f32 to vector<16xf32>
        %broadcast_in_dim3A_681 = vector.broadcast %jit3A_679 : f32 to vector<16xf32>
        %select_n3A_682 = arith.select %gt3A_677, %broadcast_in_dim3A_680, %broadcast_in_dim3A_681 : vector<16xi1>, vector<16xf32>
        %lt3A_683 = arith.constant -5.000000e-01 : f32
        %lt3A_684 = vector.broadcast %lt3A_683 : f32 to vector<16xf32>
        %lt3A_685 = arith.cmpf olt, %sub3A_674, %lt3A_684 : vector<16xf32>
        %jit3A_686 = arith.constant 1.000000e+00 : f32
        %jit3A_687 = arith.constant 0.000000e+00 : f32
        %broadcast_in_dim3A_688 = vector.broadcast %jit3A_686 : f32 to vector<16xf32>
        %broadcast_in_dim3A_689 = vector.broadcast %jit3A_687 : f32 to vector<16xf32>
        %select_n3A_690 = arith.select %lt3A_685, %broadcast_in_dim3A_688, %broadcast_in_dim3A_689 : vector<16xi1>, vector<16xf32>
        %sub3A_691 = arith.subf %select_n3A_682, %select_n3A_690 : vector<16xf32>
        %mul3A_692 = arith.mulf %sub3A_691, %broadcast_in_dim3A_31 : vector<16xf32>
        %sub3A_693 = arith.subf %sub3A_674, %mul3A_692 : vector<16xf32>
        %slice3A_694 = vector.extract_strided_slice %get3A_226 {offsets = [2], sizes = [1], strides = [1]} : vector<16xf32> to vector<1xf32>
        %squeeze3A_695 = vector.extract %slice3A_694[0] : f32 from vector<1xf32>
        %broadcast_in_dim3A_696 = vector.broadcast %squeeze3A_695 : f32 to vector<16xf32>
        %sub3A_697 = arith.subf %broadcast_in_dim3A_696, %get3A_132 : vector<16xf32>
        %gt3A_698 = arith.constant 5.000000e-01 : f32
        %gt3A_699 = vector.broadcast %gt3A_698 : f32 to vector<16xf32>
        %gt3A_700 = arith.cmpf ogt, %sub3A_697, %gt3A_699 : vector<16xf32>
        %jit3A_701 = arith.constant 1.000000e+00 : f32
        %jit3A_702 = arith.constant 0.000000e+00 : f32
        %broadcast_in_dim3A_703 = vector.broadcast %jit3A_701 : f32 to vector<16xf32>
        %broadcast_in_dim3A_704 = vector.broadcast %jit3A_702 : f32 to vector<16xf32>
        %select_n3A_705 = arith.select %gt3A_700, %broadcast_in_dim3A_703, %broadcast_in_dim3A_704 : vector<16xi1>, vector<16xf32>
        %lt3A_706 = arith.constant -5.000000e-01 : f32
        %lt3A_707 = vector.broadcast %lt3A_706 : f32 to vector<16xf32>
        %lt3A_708 = arith.cmpf olt, %sub3A_697, %lt3A_707 : vector<16xf32>
        %jit3A_709 = arith.constant 1.000000e+00 : f32
        %jit3A_710 = arith.constant 0.000000e+00 : f32
        %broadcast_in_dim3A_711 = vector.broadcast %jit3A_709 : f32 to vector<16xf32>
        %broadcast_in_dim3A_712 = vector.broadcast %jit3A_710 : f32 to vector<16xf32>
        %select_n3A_713 = arith.select %lt3A_708, %broadcast_in_dim3A_711, %broadcast_in_dim3A_712 : vector<16xi1>, vector<16xf32>
        %sub3A_714 = arith.subf %select_n3A_705, %select_n3A_713 : vector<16xf32>
        %mul3A_715 = arith.mulf %sub3A_714, %broadcast_in_dim3A_34 : vector<16xf32>
        %sub3A_716 = arith.subf %sub3A_697, %mul3A_715 : vector<16xf32>
        %mul3A_717 = arith.mulf %broadcast_in_dim3A, %sub3A_670 : vector<16xf32>
        %mul3A_718 = arith.mulf %mul3A_717, %sub3A_670 : vector<16xf32>
        %mul3A_719 = arith.mulf %broadcast_in_dim3A_13, %sub3A_693 : vector<16xf32>
        %mul3A_720 = arith.mulf %mul3A_719, %sub3A_693 : vector<16xf32>
        %add3A_721 = arith.addf %mul3A_718, %mul3A_720 : vector<16xf32>
        %mul3A_722 = arith.mulf %broadcast_in_dim3A_16, %sub3A_716 : vector<16xf32>
        %mul3A_723 = arith.mulf %mul3A_722, %sub3A_716 : vector<16xf32>
        %add3A_724 = arith.addf %add3A_721, %mul3A_723 : vector<16xf32>
        %mul3A_725 = arith.mulf %broadcast_in_dim3A_19, %sub3A_670 : vector<16xf32>
        %mul3A_726 = arith.mulf %mul3A_725, %sub3A_693 : vector<16xf32>
        %add3A_727 = arith.addf %add3A_724, %mul3A_726 : vector<16xf32>
        %mul3A_728 = arith.mulf %broadcast_in_dim3A_22, %sub3A_670 : vector<16xf32>
        %mul3A_729 = arith.mulf %mul3A_728, %sub3A_716 : vector<16xf32>
        %add3A_730 = arith.addf %add3A_727, %mul3A_729 : vector<16xf32>
        %mul3A_731 = arith.mulf %broadcast_in_dim3A_25, %sub3A_693 : vector<16xf32>
        %mul3A_732 = arith.mulf %mul3A_731, %sub3A_716 : vector<16xf32>
        %add3A_733 = arith.addf %add3A_730, %mul3A_732 : vector<16xf32>
        %max3A_734 = arith.constant 9.99999996E-13 : f32
        %max3A_735 = vector.broadcast %max3A_734 : f32 to vector<16xf32>
        %max3A_736 = arith.maximumf %add3A_733, %max3A_735 : vector<16xf32>
        %bitcast_convert_type3A_737 = tpu.bitcast %max3A_736 : vector<16xf32> -> vector<16xi32>
        %shift_right_arithmetic3A_738 = arith.constant 1 : i32
        %shift_right_arithmetic3A_739 = vector.broadcast %shift_right_arithmetic3A_738 : i32 to vector<16xi32>
        %shift_right_arithmetic3A_740 = arith.shrsi %bitcast_convert_type3A_737, %shift_right_arithmetic3A_739 : vector<16xi32>
        %sub3A_741 = arith.constant 1597463007 : i32
        %sub3A_742 = vector.broadcast %sub3A_741 : i32 to vector<16xi32>
        %sub3A_743 = arith.subi %sub3A_742, %shift_right_arithmetic3A_740 : vector<16xi32>
        %bitcast_convert_type3A_744 = tpu.bitcast %sub3A_743 : vector<16xi32> -> vector<16xf32>
        %mul3A_745 = arith.constant 5.000000e-01 : f32
        %mul3A_746 = vector.broadcast %mul3A_745 : f32 to vector<16xf32>
        %mul3A_747 = arith.mulf %mul3A_746, %max3A_736 : vector<16xf32>
        %mul3A_748 = arith.mulf %mul3A_747, %bitcast_convert_type3A_744 : vector<16xf32>
        %mul3A_749 = arith.mulf %mul3A_748, %bitcast_convert_type3A_744 : vector<16xf32>
        %sub3A_750 = arith.constant 1.500000e+00 : f32
        %sub3A_751 = vector.broadcast %sub3A_750 : f32 to vector<16xf32>
        %sub3A_752 = arith.subf %sub3A_751, %mul3A_749 : vector<16xf32>
        %mul3A_753 = arith.mulf %bitcast_convert_type3A_744, %sub3A_752 : vector<16xf32>
        %mul3A_754 = arith.mulf %mul3A_747, %mul3A_753 : vector<16xf32>
        %mul3A_755 = arith.mulf %mul3A_754, %mul3A_753 : vector<16xf32>
        %sub3A_756 = arith.constant 1.500000e+00 : f32
        %sub3A_757 = vector.broadcast %sub3A_756 : f32 to vector<16xf32>
        %sub3A_758 = arith.subf %sub3A_757, %mul3A_755 : vector<16xf32>
        %mul3A_759 = arith.mulf %mul3A_753, %sub3A_758 : vector<16xf32>
        %mul3A_760 = arith.mulf %mul3A_747, %mul3A_759 : vector<16xf32>
        %mul3A_761 = arith.mulf %mul3A_760, %mul3A_759 : vector<16xf32>
        %sub3A_762 = arith.constant 1.500000e+00 : f32
        %sub3A_763 = vector.broadcast %sub3A_762 : f32 to vector<16xf32>
        %sub3A_764 = arith.subf %sub3A_763, %mul3A_761 : vector<16xf32>
        %mul3A_765 = arith.mulf %mul3A_759, %sub3A_764 : vector<16xf32>
        %mul3A_766 = arith.mulf %add3A_733, %mul3A_765 : vector<16xf32>
        %slice3A_767 = vector.extract_strided_slice %get3A_231 {offsets = [2], sizes = [1], strides = [1]} : vector<16xf32> to vector<1xf32>
        %squeeze3A_768 = vector.extract %slice3A_767[0] : f32 from vector<1xf32>
        %broadcast_in_dim3A_769 = vector.broadcast %squeeze3A_768 : f32 to vector<16xf32>
        %mul3A_770 = arith.mulf %add3A_141, %broadcast_in_dim3A_769 : vector<16xf32>
        %add3A_771 = arith.addf %add3A_139, %mul3A_770 : vector<16xf32>
        %mul3A_772 = arith.mulf %add3A_145, %broadcast_in_dim3A_769 : vector<16xf32>
        %add3A_773 = arith.addf %add3A_143, %mul3A_772 : vector<16xf32>
        %mul3A_774 = arith.mulf %add3A_149, %broadcast_in_dim3A_769 : vector<16xf32>
        %add3A_775 = arith.addf %add3A_147, %mul3A_774 : vector<16xf32>
        %mul3A_776 = arith.mulf %add3A_153, %broadcast_in_dim3A_769 : vector<16xf32>
        %add3A_777 = arith.addf %add3A_151, %mul3A_776 : vector<16xf32>
        %mul3A_778 = arith.mulf %mul3A_766, %add3A_771 : vector<16xf32>
        %sub3A_779 = arith.constant 1.000000e+00 : f32
        %sub3A_780 = vector.broadcast %sub3A_779 : f32 to vector<16xf32>
        %sub3A_781 = arith.subf %sub3A_780, %mul3A_778 : vector<16xf32>
        %lt3A_782 = arith.cmpf olt, %add3A_733, %broadcast_in_dim3A_64 : vector<16xf32>
        %gt3A_783 = arith.constant 0.000000e+00 : f32
        %gt3A_784 = vector.broadcast %gt3A_783 : f32 to vector<16xf32>
        %gt3A_785 = arith.cmpf ogt, %sub3A_781, %gt3A_784 : vector<16xf32>
        %and3A_786 = arith.andi %lt3A_782, %gt3A_785 : vector<16xi1>
        %ne3A_787 = vector.broadcast %add3A_647 : i32 to vector<16xi32>
        %ne3A_788 = arith.cmpi ne, %add3A_137, %ne3A_787 : vector<16xi32>
        %and3A_789 = arith.andi %and3A_786, %ne3A_788 : vector<16xi1>
        %jit3A_790 = arith.constant 5.000000e-01 : f32
        %broadcast_in_dim3A_791 = vector.broadcast %jit3A_790 : f32 to vector<16xf32>
        %select_n3A_792 = arith.select %and3A_789, %sub3A_781, %broadcast_in_dim3A_791 : vector<16xi1>, vector<16xf32>
        %bitcast_convert_type3A_793 = tpu.bitcast %select_n3A_792 : vector<16xf32> -> vector<16xi32>
        %shift_right_arithmetic3A_794 = arith.constant 23 : i32
        %shift_right_arithmetic3A_795 = vector.broadcast %shift_right_arithmetic3A_794 : i32 to vector<16xi32>
        %shift_right_arithmetic3A_796 = arith.shrsi %bitcast_convert_type3A_793, %shift_right_arithmetic3A_795 : vector<16xi32>
        %and3A_797 = arith.constant 255 : i32
        %and3A_798 = vector.broadcast %and3A_797 : i32 to vector<16xi32>
        %and3A_799 = arith.andi %shift_right_arithmetic3A_796, %and3A_798 : vector<16xi32>
        %sub3A_800 = arith.constant 127 : i32
        %sub3A_801 = vector.broadcast %sub3A_800 : i32 to vector<16xi32>
        %sub3A_802 = arith.subi %and3A_799, %sub3A_801 : vector<16xi32>
        %and3A_803 = arith.constant 8388607 : i32
        %and3A_804 = vector.broadcast %and3A_803 : i32 to vector<16xi32>
        %and3A_805 = arith.andi %bitcast_convert_type3A_793, %and3A_804 : vector<16xi32>
        %or3A_806 = arith.constant 1065353216 : i32
        %or3A_807 = vector.broadcast %or3A_806 : i32 to vector<16xi32>
        %or3A_808 = arith.ori %and3A_805, %or3A_807 : vector<16xi32>
        %bitcast_convert_type3A_809 = tpu.bitcast %or3A_808 : vector<16xi32> -> vector<16xf32>
        %sub3A_810 = arith.constant 1.000000e+00 : f32
        %sub3A_811 = vector.broadcast %sub3A_810 : f32 to vector<16xf32>
        %sub3A_812 = arith.subf %bitcast_convert_type3A_809, %sub3A_811 : vector<16xf32>
        %add3A_813 = arith.constant 1.000000e+00 : f32
        %add3A_814 = vector.broadcast %add3A_813 : f32 to vector<16xf32>
        %add3A_815 = arith.addf %bitcast_convert_type3A_809, %add3A_814 : vector<16xf32>
        %div3A_816 = arith.divf %sub3A_812, %add3A_815 : vector<16xf32>
        %mul3A_817 = arith.mulf %div3A_816, %div3A_816 : vector<16xf32>
        %mul3A_818 = arith.constant 0.285714298 : f32
        %mul3A_819 = vector.broadcast %mul3A_818 : f32 to vector<16xf32>
        %mul3A_820 = arith.mulf %mul3A_817, %mul3A_819 : vector<16xf32>
        %add3A_821 = arith.constant 4.000000e-01 : f32
        %add3A_822 = vector.broadcast %add3A_821 : f32 to vector<16xf32>
        %add3A_823 = arith.addf %add3A_822, %mul3A_820 : vector<16xf32>
        %mul3A_824 = arith.mulf %mul3A_817, %add3A_823 : vector<16xf32>
        %add3A_825 = arith.constant 0.666666686 : f32
        %add3A_826 = vector.broadcast %add3A_825 : f32 to vector<16xf32>
        %add3A_827 = arith.addf %add3A_826, %mul3A_824 : vector<16xf32>
        %mul3A_828 = arith.mulf %mul3A_817, %add3A_827 : vector<16xf32>
        %add3A_829 = arith.constant 2.000000e+00 : f32
        %add3A_830 = vector.broadcast %add3A_829 : f32 to vector<16xf32>
        %add3A_831 = arith.addf %add3A_830, %mul3A_828 : vector<16xf32>
        %mul3A_832 = arith.mulf %div3A_816, %add3A_831 : vector<16xf32>
        %convert_element_type3A_833 = arith.sitofp %sub3A_802 : vector<16xi32> to vector<16xf32>
        %mul3A_834 = arith.constant 0.693147182 : f32
        %mul3A_835 = vector.broadcast %mul3A_834 : f32 to vector<16xf32>
        %mul3A_836 = arith.mulf %convert_element_type3A_833, %mul3A_835 : vector<16xf32>
        %add3A_837 = arith.addf %mul3A_836, %mul3A_832 : vector<16xf32>
        %mul3A_838 = arith.mulf %add3A_773, %add3A_837 : vector<16xf32>
        %exp3A_839 = math.exp %mul3A_838 : vector<16xf32>
        %div3A_840 = arith.divf %exp3A_839, %select_n3A_792 : vector<16xf32>
        %mul3A_841 = arith.mulf %add3A_775, %exp3A_839 : vector<16xf32>
        %jit3A_842 = arith.constant 0.000000e+00 : f32
        %broadcast_in_dim3A_843 = vector.broadcast %jit3A_842 : f32 to vector<16xf32>
        %select_n3A_844 = arith.select %and3A_789, %mul3A_841, %broadcast_in_dim3A_843 : vector<16xi1>, vector<16xf32>
        %mul3A_845 = arith.mulf %add3A_777, %div3A_840 : vector<16xf32>
        %mul3A_846 = arith.mulf %mul3A_845, %mul3A_765 : vector<16xf32>
        %jit3A_847 = arith.constant 0.000000e+00 : f32
        %broadcast_in_dim3A_848 = vector.broadcast %jit3A_847 : f32 to vector<16xf32>
        %select_n3A_849 = arith.select %and3A_789, %mul3A_846, %broadcast_in_dim3A_848 : vector<16xi1>, vector<16xf32>
        %mul3A_850 = arith.mulf %select_n3A_849, %sub3A_670 : vector<16xf32>
        %add3A_851 = arith.addf %add3A_638, %mul3A_850 : vector<16xf32>
        %mul3A_852 = arith.mulf %select_n3A_849, %sub3A_693 : vector<16xf32>
        %add3A_853 = arith.addf %add3A_640, %mul3A_852 : vector<16xf32>
        %mul3A_854 = arith.mulf %select_n3A_849, %sub3A_716 : vector<16xf32>
        %add3A_855 = arith.addf %add3A_642, %mul3A_854 : vector<16xf32>
        %add3A_856 = arith.addf %add3A_643, %select_n3A_844 : vector<16xf32>
        %mul3A_857 = arith.constant 16 : i32
        %mul3A_858 = arith.muli %scan3A_207, %mul3A_857 : i32
        %add3A_859 = arith.constant 3 : i32
        %add3A_860 = arith.addi %mul3A_858, %add3A_859 : i32
        %slice3A_861 = vector.extract_strided_slice %get3A_216 {offsets = [3], sizes = [1], strides = [1]} : vector<16xf32> to vector<1xf32>
        %squeeze3A_862 = vector.extract %slice3A_861[0] : f32 from vector<1xf32>
        %broadcast_in_dim3A_863 = vector.broadcast %squeeze3A_862 : f32 to vector<16xf32>
        %sub3A_864 = arith.subf %broadcast_in_dim3A_863, %get3A_126 : vector<16xf32>
        %gt3A_865 = arith.constant 5.000000e-01 : f32
        %gt3A_866 = vector.broadcast %gt3A_865 : f32 to vector<16xf32>
        %gt3A_867 = arith.cmpf ogt, %sub3A_864, %gt3A_866 : vector<16xf32>
        %jit3A_868 = arith.constant 1.000000e+00 : f32
        %jit3A_869 = arith.constant 0.000000e+00 : f32
        %broadcast_in_dim3A_870 = vector.broadcast %jit3A_868 : f32 to vector<16xf32>
        %broadcast_in_dim3A_871 = vector.broadcast %jit3A_869 : f32 to vector<16xf32>
        %select_n3A_872 = arith.select %gt3A_867, %broadcast_in_dim3A_870, %broadcast_in_dim3A_871 : vector<16xi1>, vector<16xf32>
        %lt3A_873 = arith.constant -5.000000e-01 : f32
        %lt3A_874 = vector.broadcast %lt3A_873 : f32 to vector<16xf32>
        %lt3A_875 = arith.cmpf olt, %sub3A_864, %lt3A_874 : vector<16xf32>
        %jit3A_876 = arith.constant 1.000000e+00 : f32
        %jit3A_877 = arith.constant 0.000000e+00 : f32
        %broadcast_in_dim3A_878 = vector.broadcast %jit3A_876 : f32 to vector<16xf32>
        %broadcast_in_dim3A_879 = vector.broadcast %jit3A_877 : f32 to vector<16xf32>
        %select_n3A_880 = arith.select %lt3A_875, %broadcast_in_dim3A_878, %broadcast_in_dim3A_879 : vector<16xi1>, vector<16xf32>
        %sub3A_881 = arith.subf %select_n3A_872, %select_n3A_880 : vector<16xf32>
        %mul3A_882 = arith.mulf %sub3A_881, %broadcast_in_dim3A_28 : vector<16xf32>
        %sub3A_883 = arith.subf %sub3A_864, %mul3A_882 : vector<16xf32>
        %slice3A_884 = vector.extract_strided_slice %get3A_221 {offsets = [3], sizes = [1], strides = [1]} : vector<16xf32> to vector<1xf32>
        %squeeze3A_885 = vector.extract %slice3A_884[0] : f32 from vector<1xf32>
        %broadcast_in_dim3A_886 = vector.broadcast %squeeze3A_885 : f32 to vector<16xf32>
        %sub3A_887 = arith.subf %broadcast_in_dim3A_886, %get3A_129 : vector<16xf32>
        %gt3A_888 = arith.constant 5.000000e-01 : f32
        %gt3A_889 = vector.broadcast %gt3A_888 : f32 to vector<16xf32>
        %gt3A_890 = arith.cmpf ogt, %sub3A_887, %gt3A_889 : vector<16xf32>
        %jit3A_891 = arith.constant 1.000000e+00 : f32
        %jit3A_892 = arith.constant 0.000000e+00 : f32
        %broadcast_in_dim3A_893 = vector.broadcast %jit3A_891 : f32 to vector<16xf32>
        %broadcast_in_dim3A_894 = vector.broadcast %jit3A_892 : f32 to vector<16xf32>
        %select_n3A_895 = arith.select %gt3A_890, %broadcast_in_dim3A_893, %broadcast_in_dim3A_894 : vector<16xi1>, vector<16xf32>
        %lt3A_896 = arith.constant -5.000000e-01 : f32
        %lt3A_897 = vector.broadcast %lt3A_896 : f32 to vector<16xf32>
        %lt3A_898 = arith.cmpf olt, %sub3A_887, %lt3A_897 : vector<16xf32>
        %jit3A_899 = arith.constant 1.000000e+00 : f32
        %jit3A_900 = arith.constant 0.000000e+00 : f32
        %broadcast_in_dim3A_901 = vector.broadcast %jit3A_899 : f32 to vector<16xf32>
        %broadcast_in_dim3A_902 = vector.broadcast %jit3A_900 : f32 to vector<16xf32>
        %select_n3A_903 = arith.select %lt3A_898, %broadcast_in_dim3A_901, %broadcast_in_dim3A_902 : vector<16xi1>, vector<16xf32>
        %sub3A_904 = arith.subf %select_n3A_895, %select_n3A_903 : vector<16xf32>
        %mul3A_905 = arith.mulf %sub3A_904, %broadcast_in_dim3A_31 : vector<16xf32>
        %sub3A_906 = arith.subf %sub3A_887, %mul3A_905 : vector<16xf32>
        %slice3A_907 = vector.extract_strided_slice %get3A_226 {offsets = [3], sizes = [1], strides = [1]} : vector<16xf32> to vector<1xf32>
        %squeeze3A_908 = vector.extract %slice3A_907[0] : f32 from vector<1xf32>
        %broadcast_in_dim3A_909 = vector.broadcast %squeeze3A_908 : f32 to vector<16xf32>
        %sub3A_910 = arith.subf %broadcast_in_dim3A_909, %get3A_132 : vector<16xf32>
        %gt3A_911 = arith.constant 5.000000e-01 : f32
        %gt3A_912 = vector.broadcast %gt3A_911 : f32 to vector<16xf32>
        %gt3A_913 = arith.cmpf ogt, %sub3A_910, %gt3A_912 : vector<16xf32>
        %jit3A_914 = arith.constant 1.000000e+00 : f32
        %jit3A_915 = arith.constant 0.000000e+00 : f32
        %broadcast_in_dim3A_916 = vector.broadcast %jit3A_914 : f32 to vector<16xf32>
        %broadcast_in_dim3A_917 = vector.broadcast %jit3A_915 : f32 to vector<16xf32>
        %select_n3A_918 = arith.select %gt3A_913, %broadcast_in_dim3A_916, %broadcast_in_dim3A_917 : vector<16xi1>, vector<16xf32>
        %lt3A_919 = arith.constant -5.000000e-01 : f32
        %lt3A_920 = vector.broadcast %lt3A_919 : f32 to vector<16xf32>
        %lt3A_921 = arith.cmpf olt, %sub3A_910, %lt3A_920 : vector<16xf32>
        %jit3A_922 = arith.constant 1.000000e+00 : f32
        %jit3A_923 = arith.constant 0.000000e+00 : f32
        %broadcast_in_dim3A_924 = vector.broadcast %jit3A_922 : f32 to vector<16xf32>
        %broadcast_in_dim3A_925 = vector.broadcast %jit3A_923 : f32 to vector<16xf32>
        %select_n3A_926 = arith.select %lt3A_921, %broadcast_in_dim3A_924, %broadcast_in_dim3A_925 : vector<16xi1>, vector<16xf32>
        %sub3A_927 = arith.subf %select_n3A_918, %select_n3A_926 : vector<16xf32>
        %mul3A_928 = arith.mulf %sub3A_927, %broadcast_in_dim3A_34 : vector<16xf32>
        %sub3A_929 = arith.subf %sub3A_910, %mul3A_928 : vector<16xf32>
        %mul3A_930 = arith.mulf %broadcast_in_dim3A, %sub3A_883 : vector<16xf32>
        %mul3A_931 = arith.mulf %mul3A_930, %sub3A_883 : vector<16xf32>
        %mul3A_932 = arith.mulf %broadcast_in_dim3A_13, %sub3A_906 : vector<16xf32>
        %mul3A_933 = arith.mulf %mul3A_932, %sub3A_906 : vector<16xf32>
        %add3A_934 = arith.addf %mul3A_931, %mul3A_933 : vector<16xf32>
        %mul3A_935 = arith.mulf %broadcast_in_dim3A_16, %sub3A_929 : vector<16xf32>
        %mul3A_936 = arith.mulf %mul3A_935, %sub3A_929 : vector<16xf32>
        %add3A_937 = arith.addf %add3A_934, %mul3A_936 : vector<16xf32>
        %mul3A_938 = arith.mulf %broadcast_in_dim3A_19, %sub3A_883 : vector<16xf32>
        %mul3A_939 = arith.mulf %mul3A_938, %sub3A_906 : vector<16xf32>
        %add3A_940 = arith.addf %add3A_937, %mul3A_939 : vector<16xf32>
        %mul3A_941 = arith.mulf %broadcast_in_dim3A_22, %sub3A_883 : vector<16xf32>
        %mul3A_942 = arith.mulf %mul3A_941, %sub3A_929 : vector<16xf32>
        %add3A_943 = arith.addf %add3A_940, %mul3A_942 : vector<16xf32>
        %mul3A_944 = arith.mulf %broadcast_in_dim3A_25, %sub3A_906 : vector<16xf32>
        %mul3A_945 = arith.mulf %mul3A_944, %sub3A_929 : vector<16xf32>
        %add3A_946 = arith.addf %add3A_943, %mul3A_945 : vector<16xf32>
        %max3A_947 = arith.constant 9.99999996E-13 : f32
        %max3A_948 = vector.broadcast %max3A_947 : f32 to vector<16xf32>
        %max3A_949 = arith.maximumf %add3A_946, %max3A_948 : vector<16xf32>
        %bitcast_convert_type3A_950 = tpu.bitcast %max3A_949 : vector<16xf32> -> vector<16xi32>
        %shift_right_arithmetic3A_951 = arith.constant 1 : i32
        %shift_right_arithmetic3A_952 = vector.broadcast %shift_right_arithmetic3A_951 : i32 to vector<16xi32>
        %shift_right_arithmetic3A_953 = arith.shrsi %bitcast_convert_type3A_950, %shift_right_arithmetic3A_952 : vector<16xi32>
        %sub3A_954 = arith.constant 1597463007 : i32
        %sub3A_955 = vector.broadcast %sub3A_954 : i32 to vector<16xi32>
        %sub3A_956 = arith.subi %sub3A_955, %shift_right_arithmetic3A_953 : vector<16xi32>
        %bitcast_convert_type3A_957 = tpu.bitcast %sub3A_956 : vector<16xi32> -> vector<16xf32>
        %mul3A_958 = arith.constant 5.000000e-01 : f32
        %mul3A_959 = vector.broadcast %mul3A_958 : f32 to vector<16xf32>
        %mul3A_960 = arith.mulf %mul3A_959, %max3A_949 : vector<16xf32>
        %mul3A_961 = arith.mulf %mul3A_960, %bitcast_convert_type3A_957 : vector<16xf32>
        %mul3A_962 = arith.mulf %mul3A_961, %bitcast_convert_type3A_957 : vector<16xf32>
        %sub3A_963 = arith.constant 1.500000e+00 : f32
        %sub3A_964 = vector.broadcast %sub3A_963 : f32 to vector<16xf32>
        %sub3A_965 = arith.subf %sub3A_964, %mul3A_962 : vector<16xf32>
        %mul3A_966 = arith.mulf %bitcast_convert_type3A_957, %sub3A_965 : vector<16xf32>
        %mul3A_967 = arith.mulf %mul3A_960, %mul3A_966 : vector<16xf32>
        %mul3A_968 = arith.mulf %mul3A_967, %mul3A_966 : vector<16xf32>
        %sub3A_969 = arith.constant 1.500000e+00 : f32
        %sub3A_970 = vector.broadcast %sub3A_969 : f32 to vector<16xf32>
        %sub3A_971 = arith.subf %sub3A_970, %mul3A_968 : vector<16xf32>
        %mul3A_972 = arith.mulf %mul3A_966, %sub3A_971 : vector<16xf32>
        %mul3A_973 = arith.mulf %mul3A_960, %mul3A_972 : vector<16xf32>
        %mul3A_974 = arith.mulf %mul3A_973, %mul3A_972 : vector<16xf32>
        %sub3A_975 = arith.constant 1.500000e+00 : f32
        %sub3A_976 = vector.broadcast %sub3A_975 : f32 to vector<16xf32>
        %sub3A_977 = arith.subf %sub3A_976, %mul3A_974 : vector<16xf32>
        %mul3A_978 = arith.mulf %mul3A_972, %sub3A_977 : vector<16xf32>
        %mul3A_979 = arith.mulf %add3A_946, %mul3A_978 : vector<16xf32>
        %slice3A_980 = vector.extract_strided_slice %get3A_231 {offsets = [3], sizes = [1], strides = [1]} : vector<16xf32> to vector<1xf32>
        %squeeze3A_981 = vector.extract %slice3A_980[0] : f32 from vector<1xf32>
        %broadcast_in_dim3A_982 = vector.broadcast %squeeze3A_981 : f32 to vector<16xf32>
        %mul3A_983 = arith.mulf %add3A_141, %broadcast_in_dim3A_982 : vector<16xf32>
        %add3A_984 = arith.addf %add3A_139, %mul3A_983 : vector<16xf32>
        %mul3A_985 = arith.mulf %add3A_145, %broadcast_in_dim3A_982 : vector<16xf32>
        %add3A_986 = arith.addf %add3A_143, %mul3A_985 : vector<16xf32>
        %mul3A_987 = arith.mulf %add3A_149, %broadcast_in_dim3A_982 : vector<16xf32>
        %add3A_988 = arith.addf %add3A_147, %mul3A_987 : vector<16xf32>
        %mul3A_989 = arith.mulf %add3A_153, %broadcast_in_dim3A_982 : vector<16xf32>
        %add3A_990 = arith.addf %add3A_151, %mul3A_989 : vector<16xf32>
        %mul3A_991 = arith.mulf %mul3A_979, %add3A_984 : vector<16xf32>
        %sub3A_992 = arith.constant 1.000000e+00 : f32
        %sub3A_993 = vector.broadcast %sub3A_992 : f32 to vector<16xf32>
        %sub3A_994 = arith.subf %sub3A_993, %mul3A_991 : vector<16xf32>
        %lt3A_995 = arith.cmpf olt, %add3A_946, %broadcast_in_dim3A_64 : vector<16xf32>
        %gt3A_996 = arith.constant 0.000000e+00 : f32
        %gt3A_997 = vector.broadcast %gt3A_996 : f32 to vector<16xf32>
        %gt3A_998 = arith.cmpf ogt, %sub3A_994, %gt3A_997 : vector<16xf32>
        %and3A_999 = arith.andi %lt3A_995, %gt3A_998 : vector<16xi1>
        %ne3A_1000 = vector.broadcast %add3A_860 : i32 to vector<16xi32>
        %ne3A_1001 = arith.cmpi ne, %add3A_137, %ne3A_1000 : vector<16xi32>
        %and3A_1002 = arith.andi %and3A_999, %ne3A_1001 : vector<16xi1>
        %jit3A_1003 = arith.constant 5.000000e-01 : f32
        %broadcast_in_dim3A_1004 = vector.broadcast %jit3A_1003 : f32 to vector<16xf32>
        %select_n3A_1005 = arith.select %and3A_1002, %sub3A_994, %broadcast_in_dim3A_1004 : vector<16xi1>, vector<16xf32>
        %bitcast_convert_type3A_1006 = tpu.bitcast %select_n3A_1005 : vector<16xf32> -> vector<16xi32>
        %shift_right_arithmetic3A_1007 = arith.constant 23 : i32
        %shift_right_arithmetic3A_1008 = vector.broadcast %shift_right_arithmetic3A_1007 : i32 to vector<16xi32>
        %shift_right_arithmetic3A_1009 = arith.shrsi %bitcast_convert_type3A_1006, %shift_right_arithmetic3A_1008 : vector<16xi32>
        %and3A_1010 = arith.constant 255 : i32
        %and3A_1011 = vector.broadcast %and3A_1010 : i32 to vector<16xi32>
        %and3A_1012 = arith.andi %shift_right_arithmetic3A_1009, %and3A_1011 : vector<16xi32>
        %sub3A_1013 = arith.constant 127 : i32
        %sub3A_1014 = vector.broadcast %sub3A_1013 : i32 to vector<16xi32>
        %sub3A_1015 = arith.subi %and3A_1012, %sub3A_1014 : vector<16xi32>
        %and3A_1016 = arith.constant 8388607 : i32
        %and3A_1017 = vector.broadcast %and3A_1016 : i32 to vector<16xi32>
        %and3A_1018 = arith.andi %bitcast_convert_type3A_1006, %and3A_1017 : vector<16xi32>
        %or3A_1019 = arith.constant 1065353216 : i32
        %or3A_1020 = vector.broadcast %or3A_1019 : i32 to vector<16xi32>
        %or3A_1021 = arith.ori %and3A_1018, %or3A_1020 : vector<16xi32>
        %bitcast_convert_type3A_1022 = tpu.bitcast %or3A_1021 : vector<16xi32> -> vector<16xf32>
        %sub3A_1023 = arith.constant 1.000000e+00 : f32
        %sub3A_1024 = vector.broadcast %sub3A_1023 : f32 to vector<16xf32>
        %sub3A_1025 = arith.subf %bitcast_convert_type3A_1022, %sub3A_1024 : vector<16xf32>
        %add3A_1026 = arith.constant 1.000000e+00 : f32
        %add3A_1027 = vector.broadcast %add3A_1026 : f32 to vector<16xf32>
        %add3A_1028 = arith.addf %bitcast_convert_type3A_1022, %add3A_1027 : vector<16xf32>
        %div3A_1029 = arith.divf %sub3A_1025, %add3A_1028 : vector<16xf32>
        %mul3A_1030 = arith.mulf %div3A_1029, %div3A_1029 : vector<16xf32>
        %mul3A_1031 = arith.constant 0.285714298 : f32
        %mul3A_1032 = vector.broadcast %mul3A_1031 : f32 to vector<16xf32>
        %mul3A_1033 = arith.mulf %mul3A_1030, %mul3A_1032 : vector<16xf32>
        %add3A_1034 = arith.constant 4.000000e-01 : f32
        %add3A_1035 = vector.broadcast %add3A_1034 : f32 to vector<16xf32>
        %add3A_1036 = arith.addf %add3A_1035, %mul3A_1033 : vector<16xf32>
        %mul3A_1037 = arith.mulf %mul3A_1030, %add3A_1036 : vector<16xf32>
        %add3A_1038 = arith.constant 0.666666686 : f32
        %add3A_1039 = vector.broadcast %add3A_1038 : f32 to vector<16xf32>
        %add3A_1040 = arith.addf %add3A_1039, %mul3A_1037 : vector<16xf32>
        %mul3A_1041 = arith.mulf %mul3A_1030, %add3A_1040 : vector<16xf32>
        %add3A_1042 = arith.constant 2.000000e+00 : f32
        %add3A_1043 = vector.broadcast %add3A_1042 : f32 to vector<16xf32>
        %add3A_1044 = arith.addf %add3A_1043, %mul3A_1041 : vector<16xf32>
        %mul3A_1045 = arith.mulf %div3A_1029, %add3A_1044 : vector<16xf32>
        %convert_element_type3A_1046 = arith.sitofp %sub3A_1015 : vector<16xi32> to vector<16xf32>
        %mul3A_1047 = arith.constant 0.693147182 : f32
        %mul3A_1048 = vector.broadcast %mul3A_1047 : f32 to vector<16xf32>
        %mul3A_1049 = arith.mulf %convert_element_type3A_1046, %mul3A_1048 : vector<16xf32>
        %add3A_1050 = arith.addf %mul3A_1049, %mul3A_1045 : vector<16xf32>
        %mul3A_1051 = arith.mulf %add3A_986, %add3A_1050 : vector<16xf32>
        %exp3A_1052 = math.exp %mul3A_1051 : vector<16xf32>
        %div3A_1053 = arith.divf %exp3A_1052, %select_n3A_1005 : vector<16xf32>
        %mul3A_1054 = arith.mulf %add3A_988, %exp3A_1052 : vector<16xf32>
        %jit3A_1055 = arith.constant 0.000000e+00 : f32
        %broadcast_in_dim3A_1056 = vector.broadcast %jit3A_1055 : f32 to vector<16xf32>
        %select_n3A_1057 = arith.select %and3A_1002, %mul3A_1054, %broadcast_in_dim3A_1056 : vector<16xi1>, vector<16xf32>
        %mul3A_1058 = arith.mulf %add3A_990, %div3A_1053 : vector<16xf32>
        %mul3A_1059 = arith.mulf %mul3A_1058, %mul3A_978 : vector<16xf32>
        %jit3A_1060 = arith.constant 0.000000e+00 : f32
        %broadcast_in_dim3A_1061 = vector.broadcast %jit3A_1060 : f32 to vector<16xf32>
        %select_n3A_1062 = arith.select %and3A_1002, %mul3A_1059, %broadcast_in_dim3A_1061 : vector<16xi1>, vector<16xf32>
        %mul3A_1063 = arith.mulf %select_n3A_1062, %sub3A_883 : vector<16xf32>
        %add3A_1064 = arith.addf %add3A_851, %mul3A_1063 : vector<16xf32>
        %mul3A_1065 = arith.mulf %select_n3A_1062, %sub3A_906 : vector<16xf32>
        %add3A_1066 = arith.addf %add3A_853, %mul3A_1065 : vector<16xf32>
        %mul3A_1067 = arith.mulf %select_n3A_1062, %sub3A_929 : vector<16xf32>
        %add3A_1068 = arith.addf %add3A_855, %mul3A_1067 : vector<16xf32>
        %add3A_1069 = arith.addf %add3A_856, %select_n3A_1057 : vector<16xf32>
        %mul3A_1070 = arith.constant 16 : i32
        %mul3A_1071 = arith.muli %scan3A_207, %mul3A_1070 : i32
        %add3A_1072 = arith.constant 4 : i32
        %add3A_1073 = arith.addi %mul3A_1071, %add3A_1072 : i32
        %slice3A_1074 = vector.extract_strided_slice %get3A_216 {offsets = [4], sizes = [1], strides = [1]} : vector<16xf32> to vector<1xf32>
        %squeeze3A_1075 = vector.extract %slice3A_1074[0] : f32 from vector<1xf32>
        %broadcast_in_dim3A_1076 = vector.broadcast %squeeze3A_1075 : f32 to vector<16xf32>
        %sub3A_1077 = arith.subf %broadcast_in_dim3A_1076, %get3A_126 : vector<16xf32>
        %gt3A_1078 = arith.constant 5.000000e-01 : f32
        %gt3A_1079 = vector.broadcast %gt3A_1078 : f32 to vector<16xf32>
        %gt3A_1080 = arith.cmpf ogt, %sub3A_1077, %gt3A_1079 : vector<16xf32>
        %jit3A_1081 = arith.constant 1.000000e+00 : f32
        %jit3A_1082 = arith.constant 0.000000e+00 : f32
        %broadcast_in_dim3A_1083 = vector.broadcast %jit3A_1081 : f32 to vector<16xf32>
        %broadcast_in_dim3A_1084 = vector.broadcast %jit3A_1082 : f32 to vector<16xf32>
        %select_n3A_1085 = arith.select %gt3A_1080, %broadcast_in_dim3A_1083, %broadcast_in_dim3A_1084 : vector<16xi1>, vector<16xf32>
        %lt3A_1086 = arith.constant -5.000000e-01 : f32
        %lt3A_1087 = vector.broadcast %lt3A_1086 : f32 to vector<16xf32>
        %lt3A_1088 = arith.cmpf olt, %sub3A_1077, %lt3A_1087 : vector<16xf32>
        %jit3A_1089 = arith.constant 1.000000e+00 : f32
        %jit3A_1090 = arith.constant 0.000000e+00 : f32
        %broadcast_in_dim3A_1091 = vector.broadcast %jit3A_1089 : f32 to vector<16xf32>
        %broadcast_in_dim3A_1092 = vector.broadcast %jit3A_1090 : f32 to vector<16xf32>
        %select_n3A_1093 = arith.select %lt3A_1088, %broadcast_in_dim3A_1091, %broadcast_in_dim3A_1092 : vector<16xi1>, vector<16xf32>
        %sub3A_1094 = arith.subf %select_n3A_1085, %select_n3A_1093 : vector<16xf32>
        %mul3A_1095 = arith.mulf %sub3A_1094, %broadcast_in_dim3A_28 : vector<16xf32>
        %sub3A_1096 = arith.subf %sub3A_1077, %mul3A_1095 : vector<16xf32>
        %slice3A_1097 = vector.extract_strided_slice %get3A_221 {offsets = [4], sizes = [1], strides = [1]} : vector<16xf32> to vector<1xf32>
        %squeeze3A_1098 = vector.extract %slice3A_1097[0] : f32 from vector<1xf32>
        %broadcast_in_dim3A_1099 = vector.broadcast %squeeze3A_1098 : f32 to vector<16xf32>
        %sub3A_1100 = arith.subf %broadcast_in_dim3A_1099, %get3A_129 : vector<16xf32>
        %gt3A_1101 = arith.constant 5.000000e-01 : f32
        %gt3A_1102 = vector.broadcast %gt3A_1101 : f32 to vector<16xf32>
        %gt3A_1103 = arith.cmpf ogt, %sub3A_1100, %gt3A_1102 : vector<16xf32>
        %jit3A_1104 = arith.constant 1.000000e+00 : f32
        %jit3A_1105 = arith.constant 0.000000e+00 : f32
        %broadcast_in_dim3A_1106 = vector.broadcast %jit3A_1104 : f32 to vector<16xf32>
        %broadcast_in_dim3A_1107 = vector.broadcast %jit3A_1105 : f32 to vector<16xf32>
        %select_n3A_1108 = arith.select %gt3A_1103, %broadcast_in_dim3A_1106, %broadcast_in_dim3A_1107 : vector<16xi1>, vector<16xf32>
        %lt3A_1109 = arith.constant -5.000000e-01 : f32
        %lt3A_1110 = vector.broadcast %lt3A_1109 : f32 to vector<16xf32>
        %lt3A_1111 = arith.cmpf olt, %sub3A_1100, %lt3A_1110 : vector<16xf32>
        %jit3A_1112 = arith.constant 1.000000e+00 : f32
        %jit3A_1113 = arith.constant 0.000000e+00 : f32
        %broadcast_in_dim3A_1114 = vector.broadcast %jit3A_1112 : f32 to vector<16xf32>
        %broadcast_in_dim3A_1115 = vector.broadcast %jit3A_1113 : f32 to vector<16xf32>
        %select_n3A_1116 = arith.select %lt3A_1111, %broadcast_in_dim3A_1114, %broadcast_in_dim3A_1115 : vector<16xi1>, vector<16xf32>
        %sub3A_1117 = arith.subf %select_n3A_1108, %select_n3A_1116 : vector<16xf32>
        %mul3A_1118 = arith.mulf %sub3A_1117, %broadcast_in_dim3A_31 : vector<16xf32>
        %sub3A_1119 = arith.subf %sub3A_1100, %mul3A_1118 : vector<16xf32>
        %slice3A_1120 = vector.extract_strided_slice %get3A_226 {offsets = [4], sizes = [1], strides = [1]} : vector<16xf32> to vector<1xf32>
        %squeeze3A_1121 = vector.extract %slice3A_1120[0] : f32 from vector<1xf32>
        %broadcast_in_dim3A_1122 = vector.broadcast %squeeze3A_1121 : f32 to vector<16xf32>
        %sub3A_1123 = arith.subf %broadcast_in_dim3A_1122, %get3A_132 : vector<16xf32>
        %gt3A_1124 = arith.constant 5.000000e-01 : f32
        %gt3A_1125 = vector.broadcast %gt3A_1124 : f32 to vector<16xf32>
        %gt3A_1126 = arith.cmpf ogt, %sub3A_1123, %gt3A_1125 : vector<16xf32>
        %jit3A_1127 = arith.constant 1.000000e+00 : f32
        %jit3A_1128 = arith.constant 0.000000e+00 : f32
        %broadcast_in_dim3A_1129 = vector.broadcast %jit3A_1127 : f32 to vector<16xf32>
        %broadcast_in_dim3A_1130 = vector.broadcast %jit3A_1128 : f32 to vector<16xf32>
        %select_n3A_1131 = arith.select %gt3A_1126, %broadcast_in_dim3A_1129, %broadcast_in_dim3A_1130 : vector<16xi1>, vector<16xf32>
        %lt3A_1132 = arith.constant -5.000000e-01 : f32
        %lt3A_1133 = vector.broadcast %lt3A_1132 : f32 to vector<16xf32>
        %lt3A_1134 = arith.cmpf olt, %sub3A_1123, %lt3A_1133 : vector<16xf32>
        %jit3A_1135 = arith.constant 1.000000e+00 : f32
        %jit3A_1136 = arith.constant 0.000000e+00 : f32
        %broadcast_in_dim3A_1137 = vector.broadcast %jit3A_1135 : f32 to vector<16xf32>
        %broadcast_in_dim3A_1138 = vector.broadcast %jit3A_1136 : f32 to vector<16xf32>
        %select_n3A_1139 = arith.select %lt3A_1134, %broadcast_in_dim3A_1137, %broadcast_in_dim3A_1138 : vector<16xi1>, vector<16xf32>
        %sub3A_1140 = arith.subf %select_n3A_1131, %select_n3A_1139 : vector<16xf32>
        %mul3A_1141 = arith.mulf %sub3A_1140, %broadcast_in_dim3A_34 : vector<16xf32>
        %sub3A_1142 = arith.subf %sub3A_1123, %mul3A_1141 : vector<16xf32>
        %mul3A_1143 = arith.mulf %broadcast_in_dim3A, %sub3A_1096 : vector<16xf32>
        %mul3A_1144 = arith.mulf %mul3A_1143, %sub3A_1096 : vector<16xf32>
        %mul3A_1145 = arith.mulf %broadcast_in_dim3A_13, %sub3A_1119 : vector<16xf32>
        %mul3A_1146 = arith.mulf %mul3A_1145, %sub3A_1119 : vector<16xf32>
        %add3A_1147 = arith.addf %mul3A_1144, %mul3A_1146 : vector<16xf32>
        %mul3A_1148 = arith.mulf %broadcast_in_dim3A_16, %sub3A_1142 : vector<16xf32>
        %mul3A_1149 = arith.mulf %mul3A_1148, %sub3A_1142 : vector<16xf32>
        %add3A_1150 = arith.addf %add3A_1147, %mul3A_1149 : vector<16xf32>
        %mul3A_1151 = arith.mulf %broadcast_in_dim3A_19, %sub3A_1096 : vector<16xf32>
        %mul3A_1152 = arith.mulf %mul3A_1151, %sub3A_1119 : vector<16xf32>
        %add3A_1153 = arith.addf %add3A_1150, %mul3A_1152 : vector<16xf32>
        %mul3A_1154 = arith.mulf %broadcast_in_dim3A_22, %sub3A_1096 : vector<16xf32>
        %mul3A_1155 = arith.mulf %mul3A_1154, %sub3A_1142 : vector<16xf32>
        %add3A_1156 = arith.addf %add3A_1153, %mul3A_1155 : vector<16xf32>
        %mul3A_1157 = arith.mulf %broadcast_in_dim3A_25, %sub3A_1119 : vector<16xf32>
        %mul3A_1158 = arith.mulf %mul3A_1157, %sub3A_1142 : vector<16xf32>
        %add3A_1159 = arith.addf %add3A_1156, %mul3A_1158 : vector<16xf32>
        %max3A_1160 = arith.constant 9.99999996E-13 : f32
        %max3A_1161 = vector.broadcast %max3A_1160 : f32 to vector<16xf32>
        %max3A_1162 = arith.maximumf %add3A_1159, %max3A_1161 : vector<16xf32>
        %bitcast_convert_type3A_1163 = tpu.bitcast %max3A_1162 : vector<16xf32> -> vector<16xi32>
        %shift_right_arithmetic3A_1164 = arith.constant 1 : i32
        %shift_right_arithmetic3A_1165 = vector.broadcast %shift_right_arithmetic3A_1164 : i32 to vector<16xi32>
        %shift_right_arithmetic3A_1166 = arith.shrsi %bitcast_convert_type3A_1163, %shift_right_arithmetic3A_1165 : vector<16xi32>
        %sub3A_1167 = arith.constant 1597463007 : i32
        %sub3A_1168 = vector.broadcast %sub3A_1167 : i32 to vector<16xi32>
        %sub3A_1169 = arith.subi %sub3A_1168, %shift_right_arithmetic3A_1166 : vector<16xi32>
        %bitcast_convert_type3A_1170 = tpu.bitcast %sub3A_1169 : vector<16xi32> -> vector<16xf32>
        %mul3A_1171 = arith.constant 5.000000e-01 : f32
        %mul3A_1172 = vector.broadcast %mul3A_1171 : f32 to vector<16xf32>
        %mul3A_1173 = arith.mulf %mul3A_1172, %max3A_1162 : vector<16xf32>
        %mul3A_1174 = arith.mulf %mul3A_1173, %bitcast_convert_type3A_1170 : vector<16xf32>
        %mul3A_1175 = arith.mulf %mul3A_1174, %bitcast_convert_type3A_1170 : vector<16xf32>
        %sub3A_1176 = arith.constant 1.500000e+00 : f32
        %sub3A_1177 = vector.broadcast %sub3A_1176 : f32 to vector<16xf32>
        %sub3A_1178 = arith.subf %sub3A_1177, %mul3A_1175 : vector<16xf32>
        %mul3A_1179 = arith.mulf %bitcast_convert_type3A_1170, %sub3A_1178 : vector<16xf32>
        %mul3A_1180 = arith.mulf %mul3A_1173, %mul3A_1179 : vector<16xf32>
        %mul3A_1181 = arith.mulf %mul3A_1180, %mul3A_1179 : vector<16xf32>
        %sub3A_1182 = arith.constant 1.500000e+00 : f32
        %sub3A_1183 = vector.broadcast %sub3A_1182 : f32 to vector<16xf32>
        %sub3A_1184 = arith.subf %sub3A_1183, %mul3A_1181 : vector<16xf32>
        %mul3A_1185 = arith.mulf %mul3A_1179, %sub3A_1184 : vector<16xf32>
        %mul3A_1186 = arith.mulf %mul3A_1173, %mul3A_1185 : vector<16xf32>
        %mul3A_1187 = arith.mulf %mul3A_1186, %mul3A_1185 : vector<16xf32>
        %sub3A_1188 = arith.constant 1.500000e+00 : f32
        %sub3A_1189 = vector.broadcast %sub3A_1188 : f32 to vector<16xf32>
        %sub3A_1190 = arith.subf %sub3A_1189, %mul3A_1187 : vector<16xf32>
        %mul3A_1191 = arith.mulf %mul3A_1185, %sub3A_1190 : vector<16xf32>
        %mul3A_1192 = arith.mulf %add3A_1159, %mul3A_1191 : vector<16xf32>
        %slice3A_1193 = vector.extract_strided_slice %get3A_231 {offsets = [4], sizes = [1], strides = [1]} : vector<16xf32> to vector<1xf32>
        %squeeze3A_1194 = vector.extract %slice3A_1193[0] : f32 from vector<1xf32>
        %broadcast_in_dim3A_1195 = vector.broadcast %squeeze3A_1194 : f32 to vector<16xf32>
        %mul3A_1196 = arith.mulf %add3A_141, %broadcast_in_dim3A_1195 : vector<16xf32>
        %add3A_1197 = arith.addf %add3A_139, %mul3A_1196 : vector<16xf32>
        %mul3A_1198 = arith.mulf %add3A_145, %broadcast_in_dim3A_1195 : vector<16xf32>
        %add3A_1199 = arith.addf %add3A_143, %mul3A_1198 : vector<16xf32>
        %mul3A_1200 = arith.mulf %add3A_149, %broadcast_in_dim3A_1195 : vector<16xf32>
        %add3A_1201 = arith.addf %add3A_147, %mul3A_1200 : vector<16xf32>
        %mul3A_1202 = arith.mulf %add3A_153, %broadcast_in_dim3A_1195 : vector<16xf32>
        %add3A_1203 = arith.addf %add3A_151, %mul3A_1202 : vector<16xf32>
        %mul3A_1204 = arith.mulf %mul3A_1192, %add3A_1197 : vector<16xf32>
        %sub3A_1205 = arith.constant 1.000000e+00 : f32
        %sub3A_1206 = vector.broadcast %sub3A_1205 : f32 to vector<16xf32>
        %sub3A_1207 = arith.subf %sub3A_1206, %mul3A_1204 : vector<16xf32>
        %lt3A_1208 = arith.cmpf olt, %add3A_1159, %broadcast_in_dim3A_64 : vector<16xf32>
        %gt3A_1209 = arith.constant 0.000000e+00 : f32
        %gt3A_1210 = vector.broadcast %gt3A_1209 : f32 to vector<16xf32>
        %gt3A_1211 = arith.cmpf ogt, %sub3A_1207, %gt3A_1210 : vector<16xf32>
        %and3A_1212 = arith.andi %lt3A_1208, %gt3A_1211 : vector<16xi1>
        %ne3A_1213 = vector.broadcast %add3A_1073 : i32 to vector<16xi32>
        %ne3A_1214 = arith.cmpi ne, %add3A_137, %ne3A_1213 : vector<16xi32>
        %and3A_1215 = arith.andi %and3A_1212, %ne3A_1214 : vector<16xi1>
        %jit3A_1216 = arith.constant 5.000000e-01 : f32
        %broadcast_in_dim3A_1217 = vector.broadcast %jit3A_1216 : f32 to vector<16xf32>
        %select_n3A_1218 = arith.select %and3A_1215, %sub3A_1207, %broadcast_in_dim3A_1217 : vector<16xi1>, vector<16xf32>
        %bitcast_convert_type3A_1219 = tpu.bitcast %select_n3A_1218 : vector<16xf32> -> vector<16xi32>
        %shift_right_arithmetic3A_1220 = arith.constant 23 : i32
        %shift_right_arithmetic3A_1221 = vector.broadcast %shift_right_arithmetic3A_1220 : i32 to vector<16xi32>
        %shift_right_arithmetic3A_1222 = arith.shrsi %bitcast_convert_type3A_1219, %shift_right_arithmetic3A_1221 : vector<16xi32>
        %and3A_1223 = arith.constant 255 : i32
        %and3A_1224 = vector.broadcast %and3A_1223 : i32 to vector<16xi32>
        %and3A_1225 = arith.andi %shift_right_arithmetic3A_1222, %and3A_1224 : vector<16xi32>
        %sub3A_1226 = arith.constant 127 : i32
        %sub3A_1227 = vector.broadcast %sub3A_1226 : i32 to vector<16xi32>
        %sub3A_1228 = arith.subi %and3A_1225, %sub3A_1227 : vector<16xi32>
        %and3A_1229 = arith.constant 8388607 : i32
        %and3A_1230 = vector.broadcast %and3A_1229 : i32 to vector<16xi32>
        %and3A_1231 = arith.andi %bitcast_convert_type3A_1219, %and3A_1230 : vector<16xi32>
        %or3A_1232 = arith.constant 1065353216 : i32
        %or3A_1233 = vector.broadcast %or3A_1232 : i32 to vector<16xi32>
        %or3A_1234 = arith.ori %and3A_1231, %or3A_1233 : vector<16xi32>
        %bitcast_convert_type3A_1235 = tpu.bitcast %or3A_1234 : vector<16xi32> -> vector<16xf32>
        %sub3A_1236 = arith.constant 1.000000e+00 : f32
        %sub3A_1237 = vector.broadcast %sub3A_1236 : f32 to vector<16xf32>
        %sub3A_1238 = arith.subf %bitcast_convert_type3A_1235, %sub3A_1237 : vector<16xf32>
        %add3A_1239 = arith.constant 1.000000e+00 : f32
        %add3A_1240 = vector.broadcast %add3A_1239 : f32 to vector<16xf32>
        %add3A_1241 = arith.addf %bitcast_convert_type3A_1235, %add3A_1240 : vector<16xf32>
        %div3A_1242 = arith.divf %sub3A_1238, %add3A_1241 : vector<16xf32>
        %mul3A_1243 = arith.mulf %div3A_1242, %div3A_1242 : vector<16xf32>
        %mul3A_1244 = arith.constant 0.285714298 : f32
        %mul3A_1245 = vector.broadcast %mul3A_1244 : f32 to vector<16xf32>
        %mul3A_1246 = arith.mulf %mul3A_1243, %mul3A_1245 : vector<16xf32>
        %add3A_1247 = arith.constant 4.000000e-01 : f32
        %add3A_1248 = vector.broadcast %add3A_1247 : f32 to vector<16xf32>
        %add3A_1249 = arith.addf %add3A_1248, %mul3A_1246 : vector<16xf32>
        %mul3A_1250 = arith.mulf %mul3A_1243, %add3A_1249 : vector<16xf32>
        %add3A_1251 = arith.constant 0.666666686 : f32
        %add3A_1252 = vector.broadcast %add3A_1251 : f32 to vector<16xf32>
        %add3A_1253 = arith.addf %add3A_1252, %mul3A_1250 : vector<16xf32>
        %mul3A_1254 = arith.mulf %mul3A_1243, %add3A_1253 : vector<16xf32>
        %add3A_1255 = arith.constant 2.000000e+00 : f32
        %add3A_1256 = vector.broadcast %add3A_1255 : f32 to vector<16xf32>
        %add3A_1257 = arith.addf %add3A_1256, %mul3A_1254 : vector<16xf32>
        %mul3A_1258 = arith.mulf %div3A_1242, %add3A_1257 : vector<16xf32>
        %convert_element_type3A_1259 = arith.sitofp %sub3A_1228 : vector<16xi32> to vector<16xf32>
        %mul3A_1260 = arith.constant 0.693147182 : f32
        %mul3A_1261 = vector.broadcast %mul3A_1260 : f32 to vector<16xf32>
        %mul3A_1262 = arith.mulf %convert_element_type3A_1259, %mul3A_1261 : vector<16xf32>
        %add3A_1263 = arith.addf %mul3A_1262, %mul3A_1258 : vector<16xf32>
        %mul3A_1264 = arith.mulf %add3A_1199, %add3A_1263 : vector<16xf32>
        %exp3A_1265 = math.exp %mul3A_1264 : vector<16xf32>
        %div3A_1266 = arith.divf %exp3A_1265, %select_n3A_1218 : vector<16xf32>
        %mul3A_1267 = arith.mulf %add3A_1201, %exp3A_1265 : vector<16xf32>
        %jit3A_1268 = arith.constant 0.000000e+00 : f32
        %broadcast_in_dim3A_1269 = vector.broadcast %jit3A_1268 : f32 to vector<16xf32>
        %select_n3A_1270 = arith.select %and3A_1215, %mul3A_1267, %broadcast_in_dim3A_1269 : vector<16xi1>, vector<16xf32>
        %mul3A_1271 = arith.mulf %add3A_1203, %div3A_1266 : vector<16xf32>
        %mul3A_1272 = arith.mulf %mul3A_1271, %mul3A_1191 : vector<16xf32>
        %jit3A_1273 = arith.constant 0.000000e+00 : f32
        %broadcast_in_dim3A_1274 = vector.broadcast %jit3A_1273 : f32 to vector<16xf32>
        %select_n3A_1275 = arith.select %and3A_1215, %mul3A_1272, %broadcast_in_dim3A_1274 : vector<16xi1>, vector<16xf32>
        %mul3A_1276 = arith.mulf %select_n3A_1275, %sub3A_1096 : vector<16xf32>
        %add3A_1277 = arith.addf %add3A_1064, %mul3A_1276 : vector<16xf32>
        %mul3A_1278 = arith.mulf %select_n3A_1275, %sub3A_1119 : vector<16xf32>
        %add3A_1279 = arith.addf %add3A_1066, %mul3A_1278 : vector<16xf32>
        %mul3A_1280 = arith.mulf %select_n3A_1275, %sub3A_1142 : vector<16xf32>
        %add3A_1281 = arith.addf %add3A_1068, %mul3A_1280 : vector<16xf32>
        %add3A_1282 = arith.addf %add3A_1069, %select_n3A_1270 : vector<16xf32>
        %mul3A_1283 = arith.constant 16 : i32
        %mul3A_1284 = arith.muli %scan3A_207, %mul3A_1283 : i32
        %add3A_1285 = arith.constant 5 : i32
        %add3A_1286 = arith.addi %mul3A_1284, %add3A_1285 : i32
        %slice3A_1287 = vector.extract_strided_slice %get3A_216 {offsets = [5], sizes = [1], strides = [1]} : vector<16xf32> to vector<1xf32>
        %squeeze3A_1288 = vector.extract %slice3A_1287[0] : f32 from vector<1xf32>
        %broadcast_in_dim3A_1289 = vector.broadcast %squeeze3A_1288 : f32 to vector<16xf32>
        %sub3A_1290 = arith.subf %broadcast_in_dim3A_1289, %get3A_126 : vector<16xf32>
        %gt3A_1291 = arith.constant 5.000000e-01 : f32
        %gt3A_1292 = vector.broadcast %gt3A_1291 : f32 to vector<16xf32>
        %gt3A_1293 = arith.cmpf ogt, %sub3A_1290, %gt3A_1292 : vector<16xf32>
        %jit3A_1294 = arith.constant 1.000000e+00 : f32
        %jit3A_1295 = arith.constant 0.000000e+00 : f32
        %broadcast_in_dim3A_1296 = vector.broadcast %jit3A_1294 : f32 to vector<16xf32>
        %broadcast_in_dim3A_1297 = vector.broadcast %jit3A_1295 : f32 to vector<16xf32>
        %select_n3A_1298 = arith.select %gt3A_1293, %broadcast_in_dim3A_1296, %broadcast_in_dim3A_1297 : vector<16xi1>, vector<16xf32>
        %lt3A_1299 = arith.constant -5.000000e-01 : f32
        %lt3A_1300 = vector.broadcast %lt3A_1299 : f32 to vector<16xf32>
        %lt3A_1301 = arith.cmpf olt, %sub3A_1290, %lt3A_1300 : vector<16xf32>
        %jit3A_1302 = arith.constant 1.000000e+00 : f32
        %jit3A_1303 = arith.constant 0.000000e+00 : f32
        %broadcast_in_dim3A_1304 = vector.broadcast %jit3A_1302 : f32 to vector<16xf32>
        %broadcast_in_dim3A_1305 = vector.broadcast %jit3A_1303 : f32 to vector<16xf32>
        %select_n3A_1306 = arith.select %lt3A_1301, %broadcast_in_dim3A_1304, %broadcast_in_dim3A_1305 : vector<16xi1>, vector<16xf32>
        %sub3A_1307 = arith.subf %select_n3A_1298, %select_n3A_1306 : vector<16xf32>
        %mul3A_1308 = arith.mulf %sub3A_1307, %broadcast_in_dim3A_28 : vector<16xf32>
        %sub3A_1309 = arith.subf %sub3A_1290, %mul3A_1308 : vector<16xf32>
        %slice3A_1310 = vector.extract_strided_slice %get3A_221 {offsets = [5], sizes = [1], strides = [1]} : vector<16xf32> to vector<1xf32>
        %squeeze3A_1311 = vector.extract %slice3A_1310[0] : f32 from vector<1xf32>
        %broadcast_in_dim3A_1312 = vector.broadcast %squeeze3A_1311 : f32 to vector<16xf32>
        %sub3A_1313 = arith.subf %broadcast_in_dim3A_1312, %get3A_129 : vector<16xf32>
        %gt3A_1314 = arith.constant 5.000000e-01 : f32
        %gt3A_1315 = vector.broadcast %gt3A_1314 : f32 to vector<16xf32>
        %gt3A_1316 = arith.cmpf ogt, %sub3A_1313, %gt3A_1315 : vector<16xf32>
        %jit3A_1317 = arith.constant 1.000000e+00 : f32
        %jit3A_1318 = arith.constant 0.000000e+00 : f32
        %broadcast_in_dim3A_1319 = vector.broadcast %jit3A_1317 : f32 to vector<16xf32>
        %broadcast_in_dim3A_1320 = vector.broadcast %jit3A_1318 : f32 to vector<16xf32>
        %select_n3A_1321 = arith.select %gt3A_1316, %broadcast_in_dim3A_1319, %broadcast_in_dim3A_1320 : vector<16xi1>, vector<16xf32>
        %lt3A_1322 = arith.constant -5.000000e-01 : f32
        %lt3A_1323 = vector.broadcast %lt3A_1322 : f32 to vector<16xf32>
        %lt3A_1324 = arith.cmpf olt, %sub3A_1313, %lt3A_1323 : vector<16xf32>
        %jit3A_1325 = arith.constant 1.000000e+00 : f32
        %jit3A_1326 = arith.constant 0.000000e+00 : f32
        %broadcast_in_dim3A_1327 = vector.broadcast %jit3A_1325 : f32 to vector<16xf32>
        %broadcast_in_dim3A_1328 = vector.broadcast %jit3A_1326 : f32 to vector<16xf32>
        %select_n3A_1329 = arith.select %lt3A_1324, %broadcast_in_dim3A_1327, %broadcast_in_dim3A_1328 : vector<16xi1>, vector<16xf32>
        %sub3A_1330 = arith.subf %select_n3A_1321, %select_n3A_1329 : vector<16xf32>
        %mul3A_1331 = arith.mulf %sub3A_1330, %broadcast_in_dim3A_31 : vector<16xf32>
        %sub3A_1332 = arith.subf %sub3A_1313, %mul3A_1331 : vector<16xf32>
        %slice3A_1333 = vector.extract_strided_slice %get3A_226 {offsets = [5], sizes = [1], strides = [1]} : vector<16xf32> to vector<1xf32>
        %squeeze3A_1334 = vector.extract %slice3A_1333[0] : f32 from vector<1xf32>
        %broadcast_in_dim3A_1335 = vector.broadcast %squeeze3A_1334 : f32 to vector<16xf32>
        %sub3A_1336 = arith.subf %broadcast_in_dim3A_1335, %get3A_132 : vector<16xf32>
        %gt3A_1337 = arith.constant 5.000000e-01 : f32
        %gt3A_1338 = vector.broadcast %gt3A_1337 : f32 to vector<16xf32>
        %gt3A_1339 = arith.cmpf ogt, %sub3A_1336, %gt3A_1338 : vector<16xf32>
        %jit3A_1340 = arith.constant 1.000000e+00 : f32
        %jit3A_1341 = arith.constant 0.000000e+00 : f32
        %broadcast_in_dim3A_1342 = vector.broadcast %jit3A_1340 : f32 to vector<16xf32>
        %broadcast_in_dim3A_1343 = vector.broadcast %jit3A_1341 : f32 to vector<16xf32>
        %select_n3A_1344 = arith.select %gt3A_1339, %broadcast_in_dim3A_1342, %broadcast_in_dim3A_1343 : vector<16xi1>, vector<16xf32>
        %lt3A_1345 = arith.constant -5.000000e-01 : f32
        %lt3A_1346 = vector.broadcast %lt3A_1345 : f32 to vector<16xf32>
        %lt3A_1347 = arith.cmpf olt, %sub3A_1336, %lt3A_1346 : vector<16xf32>
        %jit3A_1348 = arith.constant 1.000000e+00 : f32
        %jit3A_1349 = arith.constant 0.000000e+00 : f32
        %broadcast_in_dim3A_1350 = vector.broadcast %jit3A_1348 : f32 to vector<16xf32>
        %broadcast_in_dim3A_1351 = vector.broadcast %jit3A_1349 : f32 to vector<16xf32>
        %select_n3A_1352 = arith.select %lt3A_1347, %broadcast_in_dim3A_1350, %broadcast_in_dim3A_1351 : vector<16xi1>, vector<16xf32>
        %sub3A_1353 = arith.subf %select_n3A_1344, %select_n3A_1352 : vector<16xf32>
        %mul3A_1354 = arith.mulf %sub3A_1353, %broadcast_in_dim3A_34 : vector<16xf32>
        %sub3A_1355 = arith.subf %sub3A_1336, %mul3A_1354 : vector<16xf32>
        %mul3A_1356 = arith.mulf %broadcast_in_dim3A, %sub3A_1309 : vector<16xf32>
        %mul3A_1357 = arith.mulf %mul3A_1356, %sub3A_1309 : vector<16xf32>
        %mul3A_1358 = arith.mulf %broadcast_in_dim3A_13, %sub3A_1332 : vector<16xf32>
        %mul3A_1359 = arith.mulf %mul3A_1358, %sub3A_1332 : vector<16xf32>
        %add3A_1360 = arith.addf %mul3A_1357, %mul3A_1359 : vector<16xf32>
        %mul3A_1361 = arith.mulf %broadcast_in_dim3A_16, %sub3A_1355 : vector<16xf32>
        %mul3A_1362 = arith.mulf %mul3A_1361, %sub3A_1355 : vector<16xf32>
        %add3A_1363 = arith.addf %add3A_1360, %mul3A_1362 : vector<16xf32>
        %mul3A_1364 = arith.mulf %broadcast_in_dim3A_19, %sub3A_1309 : vector<16xf32>
        %mul3A_1365 = arith.mulf %mul3A_1364, %sub3A_1332 : vector<16xf32>
        %add3A_1366 = arith.addf %add3A_1363, %mul3A_1365 : vector<16xf32>
        %mul3A_1367 = arith.mulf %broadcast_in_dim3A_22, %sub3A_1309 : vector<16xf32>
        %mul3A_1368 = arith.mulf %mul3A_1367, %sub3A_1355 : vector<16xf32>
        %add3A_1369 = arith.addf %add3A_1366, %mul3A_1368 : vector<16xf32>
        %mul3A_1370 = arith.mulf %broadcast_in_dim3A_25, %sub3A_1332 : vector<16xf32>
        %mul3A_1371 = arith.mulf %mul3A_1370, %sub3A_1355 : vector<16xf32>
        %add3A_1372 = arith.addf %add3A_1369, %mul3A_1371 : vector<16xf32>
        %max3A_1373 = arith.constant 9.99999996E-13 : f32
        %max3A_1374 = vector.broadcast %max3A_1373 : f32 to vector<16xf32>
        %max3A_1375 = arith.maximumf %add3A_1372, %max3A_1374 : vector<16xf32>
        %bitcast_convert_type3A_1376 = tpu.bitcast %max3A_1375 : vector<16xf32> -> vector<16xi32>
        %shift_right_arithmetic3A_1377 = arith.constant 1 : i32
        %shift_right_arithmetic3A_1378 = vector.broadcast %shift_right_arithmetic3A_1377 : i32 to vector<16xi32>
        %shift_right_arithmetic3A_1379 = arith.shrsi %bitcast_convert_type3A_1376, %shift_right_arithmetic3A_1378 : vector<16xi32>
        %sub3A_1380 = arith.constant 1597463007 : i32
        %sub3A_1381 = vector.broadcast %sub3A_1380 : i32 to vector<16xi32>
        %sub3A_1382 = arith.subi %sub3A_1381, %shift_right_arithmetic3A_1379 : vector<16xi32>
        %bitcast_convert_type3A_1383 = tpu.bitcast %sub3A_1382 : vector<16xi32> -> vector<16xf32>
        %mul3A_1384 = arith.constant 5.000000e-01 : f32
        %mul3A_1385 = vector.broadcast %mul3A_1384 : f32 to vector<16xf32>
        %mul3A_1386 = arith.mulf %mul3A_1385, %max3A_1375 : vector<16xf32>
        %mul3A_1387 = arith.mulf %mul3A_1386, %bitcast_convert_type3A_1383 : vector<16xf32>
        %mul3A_1388 = arith.mulf %mul3A_1387, %bitcast_convert_type3A_1383 : vector<16xf32>
        %sub3A_1389 = arith.constant 1.500000e+00 : f32
        %sub3A_1390 = vector.broadcast %sub3A_1389 : f32 to vector<16xf32>
        %sub3A_1391 = arith.subf %sub3A_1390, %mul3A_1388 : vector<16xf32>
        %mul3A_1392 = arith.mulf %bitcast_convert_type3A_1383, %sub3A_1391 : vector<16xf32>
        %mul3A_1393 = arith.mulf %mul3A_1386, %mul3A_1392 : vector<16xf32>
        %mul3A_1394 = arith.mulf %mul3A_1393, %mul3A_1392 : vector<16xf32>
        %sub3A_1395 = arith.constant 1.500000e+00 : f32
        %sub3A_1396 = vector.broadcast %sub3A_1395 : f32 to vector<16xf32>
        %sub3A_1397 = arith.subf %sub3A_1396, %mul3A_1394 : vector<16xf32>
        %mul3A_1398 = arith.mulf %mul3A_1392, %sub3A_1397 : vector<16xf32>
        %mul3A_1399 = arith.mulf %mul3A_1386, %mul3A_1398 : vector<16xf32>
        %mul3A_1400 = arith.mulf %mul3A_1399, %mul3A_1398 : vector<16xf32>
        %sub3A_1401 = arith.constant 1.500000e+00 : f32
        %sub3A_1402 = vector.broadcast %sub3A_1401 : f32 to vector<16xf32>
        %sub3A_1403 = arith.subf %sub3A_1402, %mul3A_1400 : vector<16xf32>
        %mul3A_1404 = arith.mulf %mul3A_1398, %sub3A_1403 : vector<16xf32>
        %mul3A_1405 = arith.mulf %add3A_1372, %mul3A_1404 : vector<16xf32>
        %slice3A_1406 = vector.extract_strided_slice %get3A_231 {offsets = [5], sizes = [1], strides = [1]} : vector<16xf32> to vector<1xf32>
        %squeeze3A_1407 = vector.extract %slice3A_1406[0] : f32 from vector<1xf32>
        %broadcast_in_dim3A_1408 = vector.broadcast %squeeze3A_1407 : f32 to vector<16xf32>
        %mul3A_1409 = arith.mulf %add3A_141, %broadcast_in_dim3A_1408 : vector<16xf32>
        %add3A_1410 = arith.addf %add3A_139, %mul3A_1409 : vector<16xf32>
        %mul3A_1411 = arith.mulf %add3A_145, %broadcast_in_dim3A_1408 : vector<16xf32>
        %add3A_1412 = arith.addf %add3A_143, %mul3A_1411 : vector<16xf32>
        %mul3A_1413 = arith.mulf %add3A_149, %broadcast_in_dim3A_1408 : vector<16xf32>
        %add3A_1414 = arith.addf %add3A_147, %mul3A_1413 : vector<16xf32>
        %mul3A_1415 = arith.mulf %add3A_153, %broadcast_in_dim3A_1408 : vector<16xf32>
        %add3A_1416 = arith.addf %add3A_151, %mul3A_1415 : vector<16xf32>
        %mul3A_1417 = arith.mulf %mul3A_1405, %add3A_1410 : vector<16xf32>
        %sub3A_1418 = arith.constant 1.000000e+00 : f32
        %sub3A_1419 = vector.broadcast %sub3A_1418 : f32 to vector<16xf32>
        %sub3A_1420 = arith.subf %sub3A_1419, %mul3A_1417 : vector<16xf32>
        %lt3A_1421 = arith.cmpf olt, %add3A_1372, %broadcast_in_dim3A_64 : vector<16xf32>
        %gt3A_1422 = arith.constant 0.000000e+00 : f32
        %gt3A_1423 = vector.broadcast %gt3A_1422 : f32 to vector<16xf32>
        %gt3A_1424 = arith.cmpf ogt, %sub3A_1420, %gt3A_1423 : vector<16xf32>
        %and3A_1425 = arith.andi %lt3A_1421, %gt3A_1424 : vector<16xi1>
        %ne3A_1426 = vector.broadcast %add3A_1286 : i32 to vector<16xi32>
        %ne3A_1427 = arith.cmpi ne, %add3A_137, %ne3A_1426 : vector<16xi32>
        %and3A_1428 = arith.andi %and3A_1425, %ne3A_1427 : vector<16xi1>
        %jit3A_1429 = arith.constant 5.000000e-01 : f32
        %broadcast_in_dim3A_1430 = vector.broadcast %jit3A_1429 : f32 to vector<16xf32>
        %select_n3A_1431 = arith.select %and3A_1428, %sub3A_1420, %broadcast_in_dim3A_1430 : vector<16xi1>, vector<16xf32>
        %bitcast_convert_type3A_1432 = tpu.bitcast %select_n3A_1431 : vector<16xf32> -> vector<16xi32>
        %shift_right_arithmetic3A_1433 = arith.constant 23 : i32
        %shift_right_arithmetic3A_1434 = vector.broadcast %shift_right_arithmetic3A_1433 : i32 to vector<16xi32>
        %shift_right_arithmetic3A_1435 = arith.shrsi %bitcast_convert_type3A_1432, %shift_right_arithmetic3A_1434 : vector<16xi32>
        %and3A_1436 = arith.constant 255 : i32
        %and3A_1437 = vector.broadcast %and3A_1436 : i32 to vector<16xi32>
        %and3A_1438 = arith.andi %shift_right_arithmetic3A_1435, %and3A_1437 : vector<16xi32>
        %sub3A_1439 = arith.constant 127 : i32
        %sub3A_1440 = vector.broadcast %sub3A_1439 : i32 to vector<16xi32>
        %sub3A_1441 = arith.subi %and3A_1438, %sub3A_1440 : vector<16xi32>
        %and3A_1442 = arith.constant 8388607 : i32
        %and3A_1443 = vector.broadcast %and3A_1442 : i32 to vector<16xi32>
        %and3A_1444 = arith.andi %bitcast_convert_type3A_1432, %and3A_1443 : vector<16xi32>
        %or3A_1445 = arith.constant 1065353216 : i32
        %or3A_1446 = vector.broadcast %or3A_1445 : i32 to vector<16xi32>
        %or3A_1447 = arith.ori %and3A_1444, %or3A_1446 : vector<16xi32>
        %bitcast_convert_type3A_1448 = tpu.bitcast %or3A_1447 : vector<16xi32> -> vector<16xf32>
        %sub3A_1449 = arith.constant 1.000000e+00 : f32
        %sub3A_1450 = vector.broadcast %sub3A_1449 : f32 to vector<16xf32>
        %sub3A_1451 = arith.subf %bitcast_convert_type3A_1448, %sub3A_1450 : vector<16xf32>
        %add3A_1452 = arith.constant 1.000000e+00 : f32
        %add3A_1453 = vector.broadcast %add3A_1452 : f32 to vector<16xf32>
        %add3A_1454 = arith.addf %bitcast_convert_type3A_1448, %add3A_1453 : vector<16xf32>
        %div3A_1455 = arith.divf %sub3A_1451, %add3A_1454 : vector<16xf32>
        %mul3A_1456 = arith.mulf %div3A_1455, %div3A_1455 : vector<16xf32>
        %mul3A_1457 = arith.constant 0.285714298 : f32
        %mul3A_1458 = vector.broadcast %mul3A_1457 : f32 to vector<16xf32>
        %mul3A_1459 = arith.mulf %mul3A_1456, %mul3A_1458 : vector<16xf32>
        %add3A_1460 = arith.constant 4.000000e-01 : f32
        %add3A_1461 = vector.broadcast %add3A_1460 : f32 to vector<16xf32>
        %add3A_1462 = arith.addf %add3A_1461, %mul3A_1459 : vector<16xf32>
        %mul3A_1463 = arith.mulf %mul3A_1456, %add3A_1462 : vector<16xf32>
        %add3A_1464 = arith.constant 0.666666686 : f32
        %add3A_1465 = vector.broadcast %add3A_1464 : f32 to vector<16xf32>
        %add3A_1466 = arith.addf %add3A_1465, %mul3A_1463 : vector<16xf32>
        %mul3A_1467 = arith.mulf %mul3A_1456, %add3A_1466 : vector<16xf32>
        %add3A_1468 = arith.constant 2.000000e+00 : f32
        %add3A_1469 = vector.broadcast %add3A_1468 : f32 to vector<16xf32>
        %add3A_1470 = arith.addf %add3A_1469, %mul3A_1467 : vector<16xf32>
        %mul3A_1471 = arith.mulf %div3A_1455, %add3A_1470 : vector<16xf32>
        %convert_element_type3A_1472 = arith.sitofp %sub3A_1441 : vector<16xi32> to vector<16xf32>
        %mul3A_1473 = arith.constant 0.693147182 : f32
        %mul3A_1474 = vector.broadcast %mul3A_1473 : f32 to vector<16xf32>
        %mul3A_1475 = arith.mulf %convert_element_type3A_1472, %mul3A_1474 : vector<16xf32>
        %add3A_1476 = arith.addf %mul3A_1475, %mul3A_1471 : vector<16xf32>
        %mul3A_1477 = arith.mulf %add3A_1412, %add3A_1476 : vector<16xf32>
        %exp3A_1478 = math.exp %mul3A_1477 : vector<16xf32>
        %div3A_1479 = arith.divf %exp3A_1478, %select_n3A_1431 : vector<16xf32>
        %mul3A_1480 = arith.mulf %add3A_1414, %exp3A_1478 : vector<16xf32>
        %jit3A_1481 = arith.constant 0.000000e+00 : f32
        %broadcast_in_dim3A_1482 = vector.broadcast %jit3A_1481 : f32 to vector<16xf32>
        %select_n3A_1483 = arith.select %and3A_1428, %mul3A_1480, %broadcast_in_dim3A_1482 : vector<16xi1>, vector<16xf32>
        %mul3A_1484 = arith.mulf %add3A_1416, %div3A_1479 : vector<16xf32>
        %mul3A_1485 = arith.mulf %mul3A_1484, %mul3A_1404 : vector<16xf32>
        %jit3A_1486 = arith.constant 0.000000e+00 : f32
        %broadcast_in_dim3A_1487 = vector.broadcast %jit3A_1486 : f32 to vector<16xf32>
        %select_n3A_1488 = arith.select %and3A_1428, %mul3A_1485, %broadcast_in_dim3A_1487 : vector<16xi1>, vector<16xf32>
        %mul3A_1489 = arith.mulf %select_n3A_1488, %sub3A_1309 : vector<16xf32>
        %add3A_1490 = arith.addf %add3A_1277, %mul3A_1489 : vector<16xf32>
        %mul3A_1491 = arith.mulf %select_n3A_1488, %sub3A_1332 : vector<16xf32>
        %add3A_1492 = arith.addf %add3A_1279, %mul3A_1491 : vector<16xf32>
        %mul3A_1493 = arith.mulf %select_n3A_1488, %sub3A_1355 : vector<16xf32>
        %add3A_1494 = arith.addf %add3A_1281, %mul3A_1493 : vector<16xf32>
        %add3A_1495 = arith.addf %add3A_1282, %select_n3A_1483 : vector<16xf32>
        %mul3A_1496 = arith.constant 16 : i32
        %mul3A_1497 = arith.muli %scan3A_207, %mul3A_1496 : i32
        %add3A_1498 = arith.constant 6 : i32
        %add3A_1499 = arith.addi %mul3A_1497, %add3A_1498 : i32
        %slice3A_1500 = vector.extract_strided_slice %get3A_216 {offsets = [6], sizes = [1], strides = [1]} : vector<16xf32> to vector<1xf32>
        %squeeze3A_1501 = vector.extract %slice3A_1500[0] : f32 from vector<1xf32>
        %broadcast_in_dim3A_1502 = vector.broadcast %squeeze3A_1501 : f32 to vector<16xf32>
        %sub3A_1503 = arith.subf %broadcast_in_dim3A_1502, %get3A_126 : vector<16xf32>
        %gt3A_1504 = arith.constant 5.000000e-01 : f32
        %gt3A_1505 = vector.broadcast %gt3A_1504 : f32 to vector<16xf32>
        %gt3A_1506 = arith.cmpf ogt, %sub3A_1503, %gt3A_1505 : vector<16xf32>
        %jit3A_1507 = arith.constant 1.000000e+00 : f32
        %jit3A_1508 = arith.constant 0.000000e+00 : f32
        %broadcast_in_dim3A_1509 = vector.broadcast %jit3A_1507 : f32 to vector<16xf32>
        %broadcast_in_dim3A_1510 = vector.broadcast %jit3A_1508 : f32 to vector<16xf32>
        %select_n3A_1511 = arith.select %gt3A_1506, %broadcast_in_dim3A_1509, %broadcast_in_dim3A_1510 : vector<16xi1>, vector<16xf32>
        %lt3A_1512 = arith.constant -5.000000e-01 : f32
        %lt3A_1513 = vector.broadcast %lt3A_1512 : f32 to vector<16xf32>
        %lt3A_1514 = arith.cmpf olt, %sub3A_1503, %lt3A_1513 : vector<16xf32>
        %jit3A_1515 = arith.constant 1.000000e+00 : f32
        %jit3A_1516 = arith.constant 0.000000e+00 : f32
        %broadcast_in_dim3A_1517 = vector.broadcast %jit3A_1515 : f32 to vector<16xf32>
        %broadcast_in_dim3A_1518 = vector.broadcast %jit3A_1516 : f32 to vector<16xf32>
        %select_n3A_1519 = arith.select %lt3A_1514, %broadcast_in_dim3A_1517, %broadcast_in_dim3A_1518 : vector<16xi1>, vector<16xf32>
        %sub3A_1520 = arith.subf %select_n3A_1511, %select_n3A_1519 : vector<16xf32>
        %mul3A_1521 = arith.mulf %sub3A_1520, %broadcast_in_dim3A_28 : vector<16xf32>
        %sub3A_1522 = arith.subf %sub3A_1503, %mul3A_1521 : vector<16xf32>
        %slice3A_1523 = vector.extract_strided_slice %get3A_221 {offsets = [6], sizes = [1], strides = [1]} : vector<16xf32> to vector<1xf32>
        %squeeze3A_1524 = vector.extract %slice3A_1523[0] : f32 from vector<1xf32>
        %broadcast_in_dim3A_1525 = vector.broadcast %squeeze3A_1524 : f32 to vector<16xf32>
        %sub3A_1526 = arith.subf %broadcast_in_dim3A_1525, %get3A_129 : vector<16xf32>
        %gt3A_1527 = arith.constant 5.000000e-01 : f32
        %gt3A_1528 = vector.broadcast %gt3A_1527 : f32 to vector<16xf32>
        %gt3A_1529 = arith.cmpf ogt, %sub3A_1526, %gt3A_1528 : vector<16xf32>
        %jit3A_1530 = arith.constant 1.000000e+00 : f32
        %jit3A_1531 = arith.constant 0.000000e+00 : f32
        %broadcast_in_dim3A_1532 = vector.broadcast %jit3A_1530 : f32 to vector<16xf32>
        %broadcast_in_dim3A_1533 = vector.broadcast %jit3A_1531 : f32 to vector<16xf32>
        %select_n3A_1534 = arith.select %gt3A_1529, %broadcast_in_dim3A_1532, %broadcast_in_dim3A_1533 : vector<16xi1>, vector<16xf32>
        %lt3A_1535 = arith.constant -5.000000e-01 : f32
        %lt3A_1536 = vector.broadcast %lt3A_1535 : f32 to vector<16xf32>
        %lt3A_1537 = arith.cmpf olt, %sub3A_1526, %lt3A_1536 : vector<16xf32>
        %jit3A_1538 = arith.constant 1.000000e+00 : f32
        %jit3A_1539 = arith.constant 0.000000e+00 : f32
        %broadcast_in_dim3A_1540 = vector.broadcast %jit3A_1538 : f32 to vector<16xf32>
        %broadcast_in_dim3A_1541 = vector.broadcast %jit3A_1539 : f32 to vector<16xf32>
        %select_n3A_1542 = arith.select %lt3A_1537, %broadcast_in_dim3A_1540, %broadcast_in_dim3A_1541 : vector<16xi1>, vector<16xf32>
        %sub3A_1543 = arith.subf %select_n3A_1534, %select_n3A_1542 : vector<16xf32>
        %mul3A_1544 = arith.mulf %sub3A_1543, %broadcast_in_dim3A_31 : vector<16xf32>
        %sub3A_1545 = arith.subf %sub3A_1526, %mul3A_1544 : vector<16xf32>
        %slice3A_1546 = vector.extract_strided_slice %get3A_226 {offsets = [6], sizes = [1], strides = [1]} : vector<16xf32> to vector<1xf32>
        %squeeze3A_1547 = vector.extract %slice3A_1546[0] : f32 from vector<1xf32>
        %broadcast_in_dim3A_1548 = vector.broadcast %squeeze3A_1547 : f32 to vector<16xf32>
        %sub3A_1549 = arith.subf %broadcast_in_dim3A_1548, %get3A_132 : vector<16xf32>
        %gt3A_1550 = arith.constant 5.000000e-01 : f32
        %gt3A_1551 = vector.broadcast %gt3A_1550 : f32 to vector<16xf32>
        %gt3A_1552 = arith.cmpf ogt, %sub3A_1549, %gt3A_1551 : vector<16xf32>
        %jit3A_1553 = arith.constant 1.000000e+00 : f32
        %jit3A_1554 = arith.constant 0.000000e+00 : f32
        %broadcast_in_dim3A_1555 = vector.broadcast %jit3A_1553 : f32 to vector<16xf32>
        %broadcast_in_dim3A_1556 = vector.broadcast %jit3A_1554 : f32 to vector<16xf32>
        %select_n3A_1557 = arith.select %gt3A_1552, %broadcast_in_dim3A_1555, %broadcast_in_dim3A_1556 : vector<16xi1>, vector<16xf32>
        %lt3A_1558 = arith.constant -5.000000e-01 : f32
        %lt3A_1559 = vector.broadcast %lt3A_1558 : f32 to vector<16xf32>
        %lt3A_1560 = arith.cmpf olt, %sub3A_1549, %lt3A_1559 : vector<16xf32>
        %jit3A_1561 = arith.constant 1.000000e+00 : f32
        %jit3A_1562 = arith.constant 0.000000e+00 : f32
        %broadcast_in_dim3A_1563 = vector.broadcast %jit3A_1561 : f32 to vector<16xf32>
        %broadcast_in_dim3A_1564 = vector.broadcast %jit3A_1562 : f32 to vector<16xf32>
        %select_n3A_1565 = arith.select %lt3A_1560, %broadcast_in_dim3A_1563, %broadcast_in_dim3A_1564 : vector<16xi1>, vector<16xf32>
        %sub3A_1566 = arith.subf %select_n3A_1557, %select_n3A_1565 : vector<16xf32>
        %mul3A_1567 = arith.mulf %sub3A_1566, %broadcast_in_dim3A_34 : vector<16xf32>
        %sub3A_1568 = arith.subf %sub3A_1549, %mul3A_1567 : vector<16xf32>
        %mul3A_1569 = arith.mulf %broadcast_in_dim3A, %sub3A_1522 : vector<16xf32>
        %mul3A_1570 = arith.mulf %mul3A_1569, %sub3A_1522 : vector<16xf32>
        %mul3A_1571 = arith.mulf %broadcast_in_dim3A_13, %sub3A_1545 : vector<16xf32>
        %mul3A_1572 = arith.mulf %mul3A_1571, %sub3A_1545 : vector<16xf32>
        %add3A_1573 = arith.addf %mul3A_1570, %mul3A_1572 : vector<16xf32>
        %mul3A_1574 = arith.mulf %broadcast_in_dim3A_16, %sub3A_1568 : vector<16xf32>
        %mul3A_1575 = arith.mulf %mul3A_1574, %sub3A_1568 : vector<16xf32>
        %add3A_1576 = arith.addf %add3A_1573, %mul3A_1575 : vector<16xf32>
        %mul3A_1577 = arith.mulf %broadcast_in_dim3A_19, %sub3A_1522 : vector<16xf32>
        %mul3A_1578 = arith.mulf %mul3A_1577, %sub3A_1545 : vector<16xf32>
        %add3A_1579 = arith.addf %add3A_1576, %mul3A_1578 : vector<16xf32>
        %mul3A_1580 = arith.mulf %broadcast_in_dim3A_22, %sub3A_1522 : vector<16xf32>
        %mul3A_1581 = arith.mulf %mul3A_1580, %sub3A_1568 : vector<16xf32>
        %add3A_1582 = arith.addf %add3A_1579, %mul3A_1581 : vector<16xf32>
        %mul3A_1583 = arith.mulf %broadcast_in_dim3A_25, %sub3A_1545 : vector<16xf32>
        %mul3A_1584 = arith.mulf %mul3A_1583, %sub3A_1568 : vector<16xf32>
        %add3A_1585 = arith.addf %add3A_1582, %mul3A_1584 : vector<16xf32>
        %max3A_1586 = arith.constant 9.99999996E-13 : f32
        %max3A_1587 = vector.broadcast %max3A_1586 : f32 to vector<16xf32>
        %max3A_1588 = arith.maximumf %add3A_1585, %max3A_1587 : vector<16xf32>
        %bitcast_convert_type3A_1589 = tpu.bitcast %max3A_1588 : vector<16xf32> -> vector<16xi32>
        %shift_right_arithmetic3A_1590 = arith.constant 1 : i32
        %shift_right_arithmetic3A_1591 = vector.broadcast %shift_right_arithmetic3A_1590 : i32 to vector<16xi32>
        %shift_right_arithmetic3A_1592 = arith.shrsi %bitcast_convert_type3A_1589, %shift_right_arithmetic3A_1591 : vector<16xi32>
        %sub3A_1593 = arith.constant 1597463007 : i32
        %sub3A_1594 = vector.broadcast %sub3A_1593 : i32 to vector<16xi32>
        %sub3A_1595 = arith.subi %sub3A_1594, %shift_right_arithmetic3A_1592 : vector<16xi32>
        %bitcast_convert_type3A_1596 = tpu.bitcast %sub3A_1595 : vector<16xi32> -> vector<16xf32>
        %mul3A_1597 = arith.constant 5.000000e-01 : f32
        %mul3A_1598 = vector.broadcast %mul3A_1597 : f32 to vector<16xf32>
        %mul3A_1599 = arith.mulf %mul3A_1598, %max3A_1588 : vector<16xf32>
        %mul3A_1600 = arith.mulf %mul3A_1599, %bitcast_convert_type3A_1596 : vector<16xf32>
        %mul3A_1601 = arith.mulf %mul3A_1600, %bitcast_convert_type3A_1596 : vector<16xf32>
        %sub3A_1602 = arith.constant 1.500000e+00 : f32
        %sub3A_1603 = vector.broadcast %sub3A_1602 : f32 to vector<16xf32>
        %sub3A_1604 = arith.subf %sub3A_1603, %mul3A_1601 : vector<16xf32>
        %mul3A_1605 = arith.mulf %bitcast_convert_type3A_1596, %sub3A_1604 : vector<16xf32>
        %mul3A_1606 = arith.mulf %mul3A_1599, %mul3A_1605 : vector<16xf32>
        %mul3A_1607 = arith.mulf %mul3A_1606, %mul3A_1605 : vector<16xf32>
        %sub3A_1608 = arith.constant 1.500000e+00 : f32
        %sub3A_1609 = vector.broadcast %sub3A_1608 : f32 to vector<16xf32>
        %sub3A_1610 = arith.subf %sub3A_1609, %mul3A_1607 : vector<16xf32>
        %mul3A_1611 = arith.mulf %mul3A_1605, %sub3A_1610 : vector<16xf32>
        %mul3A_1612 = arith.mulf %mul3A_1599, %mul3A_1611 : vector<16xf32>
        %mul3A_1613 = arith.mulf %mul3A_1612, %mul3A_1611 : vector<16xf32>
        %sub3A_1614 = arith.constant 1.500000e+00 : f32
        %sub3A_1615 = vector.broadcast %sub3A_1614 : f32 to vector<16xf32>
        %sub3A_1616 = arith.subf %sub3A_1615, %mul3A_1613 : vector<16xf32>
        %mul3A_1617 = arith.mulf %mul3A_1611, %sub3A_1616 : vector<16xf32>
        %mul3A_1618 = arith.mulf %add3A_1585, %mul3A_1617 : vector<16xf32>
        %slice3A_1619 = vector.extract_strided_slice %get3A_231 {offsets = [6], sizes = [1], strides = [1]} : vector<16xf32> to vector<1xf32>
        %squeeze3A_1620 = vector.extract %slice3A_1619[0] : f32 from vector<1xf32>
        %broadcast_in_dim3A_1621 = vector.broadcast %squeeze3A_1620 : f32 to vector<16xf32>
        %mul3A_1622 = arith.mulf %add3A_141, %broadcast_in_dim3A_1621 : vector<16xf32>
        %add3A_1623 = arith.addf %add3A_139, %mul3A_1622 : vector<16xf32>
        %mul3A_1624 = arith.mulf %add3A_145, %broadcast_in_dim3A_1621 : vector<16xf32>
        %add3A_1625 = arith.addf %add3A_143, %mul3A_1624 : vector<16xf32>
        %mul3A_1626 = arith.mulf %add3A_149, %broadcast_in_dim3A_1621 : vector<16xf32>
        %add3A_1627 = arith.addf %add3A_147, %mul3A_1626 : vector<16xf32>
        %mul3A_1628 = arith.mulf %add3A_153, %broadcast_in_dim3A_1621 : vector<16xf32>
        %add3A_1629 = arith.addf %add3A_151, %mul3A_1628 : vector<16xf32>
        %mul3A_1630 = arith.mulf %mul3A_1618, %add3A_1623 : vector<16xf32>
        %sub3A_1631 = arith.constant 1.000000e+00 : f32
        %sub3A_1632 = vector.broadcast %sub3A_1631 : f32 to vector<16xf32>
        %sub3A_1633 = arith.subf %sub3A_1632, %mul3A_1630 : vector<16xf32>
        %lt3A_1634 = arith.cmpf olt, %add3A_1585, %broadcast_in_dim3A_64 : vector<16xf32>
        %gt3A_1635 = arith.constant 0.000000e+00 : f32
        %gt3A_1636 = vector.broadcast %gt3A_1635 : f32 to vector<16xf32>
        %gt3A_1637 = arith.cmpf ogt, %sub3A_1633, %gt3A_1636 : vector<16xf32>
        %and3A_1638 = arith.andi %lt3A_1634, %gt3A_1637 : vector<16xi1>
        %ne3A_1639 = vector.broadcast %add3A_1499 : i32 to vector<16xi32>
        %ne3A_1640 = arith.cmpi ne, %add3A_137, %ne3A_1639 : vector<16xi32>
        %and3A_1641 = arith.andi %and3A_1638, %ne3A_1640 : vector<16xi1>
        %jit3A_1642 = arith.constant 5.000000e-01 : f32
        %broadcast_in_dim3A_1643 = vector.broadcast %jit3A_1642 : f32 to vector<16xf32>
        %select_n3A_1644 = arith.select %and3A_1641, %sub3A_1633, %broadcast_in_dim3A_1643 : vector<16xi1>, vector<16xf32>
        %bitcast_convert_type3A_1645 = tpu.bitcast %select_n3A_1644 : vector<16xf32> -> vector<16xi32>
        %shift_right_arithmetic3A_1646 = arith.constant 23 : i32
        %shift_right_arithmetic3A_1647 = vector.broadcast %shift_right_arithmetic3A_1646 : i32 to vector<16xi32>
        %shift_right_arithmetic3A_1648 = arith.shrsi %bitcast_convert_type3A_1645, %shift_right_arithmetic3A_1647 : vector<16xi32>
        %and3A_1649 = arith.constant 255 : i32
        %and3A_1650 = vector.broadcast %and3A_1649 : i32 to vector<16xi32>
        %and3A_1651 = arith.andi %shift_right_arithmetic3A_1648, %and3A_1650 : vector<16xi32>
        %sub3A_1652 = arith.constant 127 : i32
        %sub3A_1653 = vector.broadcast %sub3A_1652 : i32 to vector<16xi32>
        %sub3A_1654 = arith.subi %and3A_1651, %sub3A_1653 : vector<16xi32>
        %and3A_1655 = arith.constant 8388607 : i32
        %and3A_1656 = vector.broadcast %and3A_1655 : i32 to vector<16xi32>
        %and3A_1657 = arith.andi %bitcast_convert_type3A_1645, %and3A_1656 : vector<16xi32>
        %or3A_1658 = arith.constant 1065353216 : i32
        %or3A_1659 = vector.broadcast %or3A_1658 : i32 to vector<16xi32>
        %or3A_1660 = arith.ori %and3A_1657, %or3A_1659 : vector<16xi32>
        %bitcast_convert_type3A_1661 = tpu.bitcast %or3A_1660 : vector<16xi32> -> vector<16xf32>
        %sub3A_1662 = arith.constant 1.000000e+00 : f32
        %sub3A_1663 = vector.broadcast %sub3A_1662 : f32 to vector<16xf32>
        %sub3A_1664 = arith.subf %bitcast_convert_type3A_1661, %sub3A_1663 : vector<16xf32>
        %add3A_1665 = arith.constant 1.000000e+00 : f32
        %add3A_1666 = vector.broadcast %add3A_1665 : f32 to vector<16xf32>
        %add3A_1667 = arith.addf %bitcast_convert_type3A_1661, %add3A_1666 : vector<16xf32>
        %div3A_1668 = arith.divf %sub3A_1664, %add3A_1667 : vector<16xf32>
        %mul3A_1669 = arith.mulf %div3A_1668, %div3A_1668 : vector<16xf32>
        %mul3A_1670 = arith.constant 0.285714298 : f32
        %mul3A_1671 = vector.broadcast %mul3A_1670 : f32 to vector<16xf32>
        %mul3A_1672 = arith.mulf %mul3A_1669, %mul3A_1671 : vector<16xf32>
        %add3A_1673 = arith.constant 4.000000e-01 : f32
        %add3A_1674 = vector.broadcast %add3A_1673 : f32 to vector<16xf32>
        %add3A_1675 = arith.addf %add3A_1674, %mul3A_1672 : vector<16xf32>
        %mul3A_1676 = arith.mulf %mul3A_1669, %add3A_1675 : vector<16xf32>
        %add3A_1677 = arith.constant 0.666666686 : f32
        %add3A_1678 = vector.broadcast %add3A_1677 : f32 to vector<16xf32>
        %add3A_1679 = arith.addf %add3A_1678, %mul3A_1676 : vector<16xf32>
        %mul3A_1680 = arith.mulf %mul3A_1669, %add3A_1679 : vector<16xf32>
        %add3A_1681 = arith.constant 2.000000e+00 : f32
        %add3A_1682 = vector.broadcast %add3A_1681 : f32 to vector<16xf32>
        %add3A_1683 = arith.addf %add3A_1682, %mul3A_1680 : vector<16xf32>
        %mul3A_1684 = arith.mulf %div3A_1668, %add3A_1683 : vector<16xf32>
        %convert_element_type3A_1685 = arith.sitofp %sub3A_1654 : vector<16xi32> to vector<16xf32>
        %mul3A_1686 = arith.constant 0.693147182 : f32
        %mul3A_1687 = vector.broadcast %mul3A_1686 : f32 to vector<16xf32>
        %mul3A_1688 = arith.mulf %convert_element_type3A_1685, %mul3A_1687 : vector<16xf32>
        %add3A_1689 = arith.addf %mul3A_1688, %mul3A_1684 : vector<16xf32>
        %mul3A_1690 = arith.mulf %add3A_1625, %add3A_1689 : vector<16xf32>
        %exp3A_1691 = math.exp %mul3A_1690 : vector<16xf32>
        %div3A_1692 = arith.divf %exp3A_1691, %select_n3A_1644 : vector<16xf32>
        %mul3A_1693 = arith.mulf %add3A_1627, %exp3A_1691 : vector<16xf32>
        %jit3A_1694 = arith.constant 0.000000e+00 : f32
        %broadcast_in_dim3A_1695 = vector.broadcast %jit3A_1694 : f32 to vector<16xf32>
        %select_n3A_1696 = arith.select %and3A_1641, %mul3A_1693, %broadcast_in_dim3A_1695 : vector<16xi1>, vector<16xf32>
        %mul3A_1697 = arith.mulf %add3A_1629, %div3A_1692 : vector<16xf32>
        %mul3A_1698 = arith.mulf %mul3A_1697, %mul3A_1617 : vector<16xf32>
        %jit3A_1699 = arith.constant 0.000000e+00 : f32
        %broadcast_in_dim3A_1700 = vector.broadcast %jit3A_1699 : f32 to vector<16xf32>
        %select_n3A_1701 = arith.select %and3A_1641, %mul3A_1698, %broadcast_in_dim3A_1700 : vector<16xi1>, vector<16xf32>
        %mul3A_1702 = arith.mulf %select_n3A_1701, %sub3A_1522 : vector<16xf32>
        %add3A_1703 = arith.addf %add3A_1490, %mul3A_1702 : vector<16xf32>
        %mul3A_1704 = arith.mulf %select_n3A_1701, %sub3A_1545 : vector<16xf32>
        %add3A_1705 = arith.addf %add3A_1492, %mul3A_1704 : vector<16xf32>
        %mul3A_1706 = arith.mulf %select_n3A_1701, %sub3A_1568 : vector<16xf32>
        %add3A_1707 = arith.addf %add3A_1494, %mul3A_1706 : vector<16xf32>
        %add3A_1708 = arith.addf %add3A_1495, %select_n3A_1696 : vector<16xf32>
        %mul3A_1709 = arith.constant 16 : i32
        %mul3A_1710 = arith.muli %scan3A_207, %mul3A_1709 : i32
        %add3A_1711 = arith.constant 7 : i32
        %add3A_1712 = arith.addi %mul3A_1710, %add3A_1711 : i32
        %slice3A_1713 = vector.extract_strided_slice %get3A_216 {offsets = [7], sizes = [1], strides = [1]} : vector<16xf32> to vector<1xf32>
        %squeeze3A_1714 = vector.extract %slice3A_1713[0] : f32 from vector<1xf32>
        %broadcast_in_dim3A_1715 = vector.broadcast %squeeze3A_1714 : f32 to vector<16xf32>
        %sub3A_1716 = arith.subf %broadcast_in_dim3A_1715, %get3A_126 : vector<16xf32>
        %gt3A_1717 = arith.constant 5.000000e-01 : f32
        %gt3A_1718 = vector.broadcast %gt3A_1717 : f32 to vector<16xf32>
        %gt3A_1719 = arith.cmpf ogt, %sub3A_1716, %gt3A_1718 : vector<16xf32>
        %jit3A_1720 = arith.constant 1.000000e+00 : f32
        %jit3A_1721 = arith.constant 0.000000e+00 : f32
        %broadcast_in_dim3A_1722 = vector.broadcast %jit3A_1720 : f32 to vector<16xf32>
        %broadcast_in_dim3A_1723 = vector.broadcast %jit3A_1721 : f32 to vector<16xf32>
        %select_n3A_1724 = arith.select %gt3A_1719, %broadcast_in_dim3A_1722, %broadcast_in_dim3A_1723 : vector<16xi1>, vector<16xf32>
        %lt3A_1725 = arith.constant -5.000000e-01 : f32
        %lt3A_1726 = vector.broadcast %lt3A_1725 : f32 to vector<16xf32>
        %lt3A_1727 = arith.cmpf olt, %sub3A_1716, %lt3A_1726 : vector<16xf32>
        %jit3A_1728 = arith.constant 1.000000e+00 : f32
        %jit3A_1729 = arith.constant 0.000000e+00 : f32
        %broadcast_in_dim3A_1730 = vector.broadcast %jit3A_1728 : f32 to vector<16xf32>
        %broadcast_in_dim3A_1731 = vector.broadcast %jit3A_1729 : f32 to vector<16xf32>
        %select_n3A_1732 = arith.select %lt3A_1727, %broadcast_in_dim3A_1730, %broadcast_in_dim3A_1731 : vector<16xi1>, vector<16xf32>
        %sub3A_1733 = arith.subf %select_n3A_1724, %select_n3A_1732 : vector<16xf32>
        %mul3A_1734 = arith.mulf %sub3A_1733, %broadcast_in_dim3A_28 : vector<16xf32>
        %sub3A_1735 = arith.subf %sub3A_1716, %mul3A_1734 : vector<16xf32>
        %slice3A_1736 = vector.extract_strided_slice %get3A_221 {offsets = [7], sizes = [1], strides = [1]} : vector<16xf32> to vector<1xf32>
        %squeeze3A_1737 = vector.extract %slice3A_1736[0] : f32 from vector<1xf32>
        %broadcast_in_dim3A_1738 = vector.broadcast %squeeze3A_1737 : f32 to vector<16xf32>
        %sub3A_1739 = arith.subf %broadcast_in_dim3A_1738, %get3A_129 : vector<16xf32>
        %gt3A_1740 = arith.constant 5.000000e-01 : f32
        %gt3A_1741 = vector.broadcast %gt3A_1740 : f32 to vector<16xf32>
        %gt3A_1742 = arith.cmpf ogt, %sub3A_1739, %gt3A_1741 : vector<16xf32>
        %jit3A_1743 = arith.constant 1.000000e+00 : f32
        %jit3A_1744 = arith.constant 0.000000e+00 : f32
        %broadcast_in_dim3A_1745 = vector.broadcast %jit3A_1743 : f32 to vector<16xf32>
        %broadcast_in_dim3A_1746 = vector.broadcast %jit3A_1744 : f32 to vector<16xf32>
        %select_n3A_1747 = arith.select %gt3A_1742, %broadcast_in_dim3A_1745, %broadcast_in_dim3A_1746 : vector<16xi1>, vector<16xf32>
        %lt3A_1748 = arith.constant -5.000000e-01 : f32
        %lt3A_1749 = vector.broadcast %lt3A_1748 : f32 to vector<16xf32>
        %lt3A_1750 = arith.cmpf olt, %sub3A_1739, %lt3A_1749 : vector<16xf32>
        %jit3A_1751 = arith.constant 1.000000e+00 : f32
        %jit3A_1752 = arith.constant 0.000000e+00 : f32
        %broadcast_in_dim3A_1753 = vector.broadcast %jit3A_1751 : f32 to vector<16xf32>
        %broadcast_in_dim3A_1754 = vector.broadcast %jit3A_1752 : f32 to vector<16xf32>
        %select_n3A_1755 = arith.select %lt3A_1750, %broadcast_in_dim3A_1753, %broadcast_in_dim3A_1754 : vector<16xi1>, vector<16xf32>
        %sub3A_1756 = arith.subf %select_n3A_1747, %select_n3A_1755 : vector<16xf32>
        %mul3A_1757 = arith.mulf %sub3A_1756, %broadcast_in_dim3A_31 : vector<16xf32>
        %sub3A_1758 = arith.subf %sub3A_1739, %mul3A_1757 : vector<16xf32>
        %slice3A_1759 = vector.extract_strided_slice %get3A_226 {offsets = [7], sizes = [1], strides = [1]} : vector<16xf32> to vector<1xf32>
        %squeeze3A_1760 = vector.extract %slice3A_1759[0] : f32 from vector<1xf32>
        %broadcast_in_dim3A_1761 = vector.broadcast %squeeze3A_1760 : f32 to vector<16xf32>
        %sub3A_1762 = arith.subf %broadcast_in_dim3A_1761, %get3A_132 : vector<16xf32>
        %gt3A_1763 = arith.constant 5.000000e-01 : f32
        %gt3A_1764 = vector.broadcast %gt3A_1763 : f32 to vector<16xf32>
        %gt3A_1765 = arith.cmpf ogt, %sub3A_1762, %gt3A_1764 : vector<16xf32>
        %jit3A_1766 = arith.constant 1.000000e+00 : f32
        %jit3A_1767 = arith.constant 0.000000e+00 : f32
        %broadcast_in_dim3A_1768 = vector.broadcast %jit3A_1766 : f32 to vector<16xf32>
        %broadcast_in_dim3A_1769 = vector.broadcast %jit3A_1767 : f32 to vector<16xf32>
        %select_n3A_1770 = arith.select %gt3A_1765, %broadcast_in_dim3A_1768, %broadcast_in_dim3A_1769 : vector<16xi1>, vector<16xf32>
        %lt3A_1771 = arith.constant -5.000000e-01 : f32
        %lt3A_1772 = vector.broadcast %lt3A_1771 : f32 to vector<16xf32>
        %lt3A_1773 = arith.cmpf olt, %sub3A_1762, %lt3A_1772 : vector<16xf32>
        %jit3A_1774 = arith.constant 1.000000e+00 : f32
        %jit3A_1775 = arith.constant 0.000000e+00 : f32
        %broadcast_in_dim3A_1776 = vector.broadcast %jit3A_1774 : f32 to vector<16xf32>
        %broadcast_in_dim3A_1777 = vector.broadcast %jit3A_1775 : f32 to vector<16xf32>
        %select_n3A_1778 = arith.select %lt3A_1773, %broadcast_in_dim3A_1776, %broadcast_in_dim3A_1777 : vector<16xi1>, vector<16xf32>
        %sub3A_1779 = arith.subf %select_n3A_1770, %select_n3A_1778 : vector<16xf32>
        %mul3A_1780 = arith.mulf %sub3A_1779, %broadcast_in_dim3A_34 : vector<16xf32>
        %sub3A_1781 = arith.subf %sub3A_1762, %mul3A_1780 : vector<16xf32>
        %mul3A_1782 = arith.mulf %broadcast_in_dim3A, %sub3A_1735 : vector<16xf32>
        %mul3A_1783 = arith.mulf %mul3A_1782, %sub3A_1735 : vector<16xf32>
        %mul3A_1784 = arith.mulf %broadcast_in_dim3A_13, %sub3A_1758 : vector<16xf32>
        %mul3A_1785 = arith.mulf %mul3A_1784, %sub3A_1758 : vector<16xf32>
        %add3A_1786 = arith.addf %mul3A_1783, %mul3A_1785 : vector<16xf32>
        %mul3A_1787 = arith.mulf %broadcast_in_dim3A_16, %sub3A_1781 : vector<16xf32>
        %mul3A_1788 = arith.mulf %mul3A_1787, %sub3A_1781 : vector<16xf32>
        %add3A_1789 = arith.addf %add3A_1786, %mul3A_1788 : vector<16xf32>
        %mul3A_1790 = arith.mulf %broadcast_in_dim3A_19, %sub3A_1735 : vector<16xf32>
        %mul3A_1791 = arith.mulf %mul3A_1790, %sub3A_1758 : vector<16xf32>
        %add3A_1792 = arith.addf %add3A_1789, %mul3A_1791 : vector<16xf32>
        %mul3A_1793 = arith.mulf %broadcast_in_dim3A_22, %sub3A_1735 : vector<16xf32>
        %mul3A_1794 = arith.mulf %mul3A_1793, %sub3A_1781 : vector<16xf32>
        %add3A_1795 = arith.addf %add3A_1792, %mul3A_1794 : vector<16xf32>
        %mul3A_1796 = arith.mulf %broadcast_in_dim3A_25, %sub3A_1758 : vector<16xf32>
        %mul3A_1797 = arith.mulf %mul3A_1796, %sub3A_1781 : vector<16xf32>
        %add3A_1798 = arith.addf %add3A_1795, %mul3A_1797 : vector<16xf32>
        %max3A_1799 = arith.constant 9.99999996E-13 : f32
        %max3A_1800 = vector.broadcast %max3A_1799 : f32 to vector<16xf32>
        %max3A_1801 = arith.maximumf %add3A_1798, %max3A_1800 : vector<16xf32>
        %bitcast_convert_type3A_1802 = tpu.bitcast %max3A_1801 : vector<16xf32> -> vector<16xi32>
        %shift_right_arithmetic3A_1803 = arith.constant 1 : i32
        %shift_right_arithmetic3A_1804 = vector.broadcast %shift_right_arithmetic3A_1803 : i32 to vector<16xi32>
        %shift_right_arithmetic3A_1805 = arith.shrsi %bitcast_convert_type3A_1802, %shift_right_arithmetic3A_1804 : vector<16xi32>
        %sub3A_1806 = arith.constant 1597463007 : i32
        %sub3A_1807 = vector.broadcast %sub3A_1806 : i32 to vector<16xi32>
        %sub3A_1808 = arith.subi %sub3A_1807, %shift_right_arithmetic3A_1805 : vector<16xi32>
        %bitcast_convert_type3A_1809 = tpu.bitcast %sub3A_1808 : vector<16xi32> -> vector<16xf32>
        %mul3A_1810 = arith.constant 5.000000e-01 : f32
        %mul3A_1811 = vector.broadcast %mul3A_1810 : f32 to vector<16xf32>
        %mul3A_1812 = arith.mulf %mul3A_1811, %max3A_1801 : vector<16xf32>
        %mul3A_1813 = arith.mulf %mul3A_1812, %bitcast_convert_type3A_1809 : vector<16xf32>
        %mul3A_1814 = arith.mulf %mul3A_1813, %bitcast_convert_type3A_1809 : vector<16xf32>
        %sub3A_1815 = arith.constant 1.500000e+00 : f32
        %sub3A_1816 = vector.broadcast %sub3A_1815 : f32 to vector<16xf32>
        %sub3A_1817 = arith.subf %sub3A_1816, %mul3A_1814 : vector<16xf32>
        %mul3A_1818 = arith.mulf %bitcast_convert_type3A_1809, %sub3A_1817 : vector<16xf32>
        %mul3A_1819 = arith.mulf %mul3A_1812, %mul3A_1818 : vector<16xf32>
        %mul3A_1820 = arith.mulf %mul3A_1819, %mul3A_1818 : vector<16xf32>
        %sub3A_1821 = arith.constant 1.500000e+00 : f32
        %sub3A_1822 = vector.broadcast %sub3A_1821 : f32 to vector<16xf32>
        %sub3A_1823 = arith.subf %sub3A_1822, %mul3A_1820 : vector<16xf32>
        %mul3A_1824 = arith.mulf %mul3A_1818, %sub3A_1823 : vector<16xf32>
        %mul3A_1825 = arith.mulf %mul3A_1812, %mul3A_1824 : vector<16xf32>
        %mul3A_1826 = arith.mulf %mul3A_1825, %mul3A_1824 : vector<16xf32>
        %sub3A_1827 = arith.constant 1.500000e+00 : f32
        %sub3A_1828 = vector.broadcast %sub3A_1827 : f32 to vector<16xf32>
        %sub3A_1829 = arith.subf %sub3A_1828, %mul3A_1826 : vector<16xf32>
        %mul3A_1830 = arith.mulf %mul3A_1824, %sub3A_1829 : vector<16xf32>
        %mul3A_1831 = arith.mulf %add3A_1798, %mul3A_1830 : vector<16xf32>
        %slice3A_1832 = vector.extract_strided_slice %get3A_231 {offsets = [7], sizes = [1], strides = [1]} : vector<16xf32> to vector<1xf32>
        %squeeze3A_1833 = vector.extract %slice3A_1832[0] : f32 from vector<1xf32>
        %broadcast_in_dim3A_1834 = vector.broadcast %squeeze3A_1833 : f32 to vector<16xf32>
        %mul3A_1835 = arith.mulf %add3A_141, %broadcast_in_dim3A_1834 : vector<16xf32>
        %add3A_1836 = arith.addf %add3A_139, %mul3A_1835 : vector<16xf32>
        %mul3A_1837 = arith.mulf %add3A_145, %broadcast_in_dim3A_1834 : vector<16xf32>
        %add3A_1838 = arith.addf %add3A_143, %mul3A_1837 : vector<16xf32>
        %mul3A_1839 = arith.mulf %add3A_149, %broadcast_in_dim3A_1834 : vector<16xf32>
        %add3A_1840 = arith.addf %add3A_147, %mul3A_1839 : vector<16xf32>
        %mul3A_1841 = arith.mulf %add3A_153, %broadcast_in_dim3A_1834 : vector<16xf32>
        %add3A_1842 = arith.addf %add3A_151, %mul3A_1841 : vector<16xf32>
        %mul3A_1843 = arith.mulf %mul3A_1831, %add3A_1836 : vector<16xf32>
        %sub3A_1844 = arith.constant 1.000000e+00 : f32
        %sub3A_1845 = vector.broadcast %sub3A_1844 : f32 to vector<16xf32>
        %sub3A_1846 = arith.subf %sub3A_1845, %mul3A_1843 : vector<16xf32>
        %lt3A_1847 = arith.cmpf olt, %add3A_1798, %broadcast_in_dim3A_64 : vector<16xf32>
        %gt3A_1848 = arith.constant 0.000000e+00 : f32
        %gt3A_1849 = vector.broadcast %gt3A_1848 : f32 to vector<16xf32>
        %gt3A_1850 = arith.cmpf ogt, %sub3A_1846, %gt3A_1849 : vector<16xf32>
        %and3A_1851 = arith.andi %lt3A_1847, %gt3A_1850 : vector<16xi1>
        %ne3A_1852 = vector.broadcast %add3A_1712 : i32 to vector<16xi32>
        %ne3A_1853 = arith.cmpi ne, %add3A_137, %ne3A_1852 : vector<16xi32>
        %and3A_1854 = arith.andi %and3A_1851, %ne3A_1853 : vector<16xi1>
        %jit3A_1855 = arith.constant 5.000000e-01 : f32
        %broadcast_in_dim3A_1856 = vector.broadcast %jit3A_1855 : f32 to vector<16xf32>
        %select_n3A_1857 = arith.select %and3A_1854, %sub3A_1846, %broadcast_in_dim3A_1856 : vector<16xi1>, vector<16xf32>
        %bitcast_convert_type3A_1858 = tpu.bitcast %select_n3A_1857 : vector<16xf32> -> vector<16xi32>
        %shift_right_arithmetic3A_1859 = arith.constant 23 : i32
        %shift_right_arithmetic3A_1860 = vector.broadcast %shift_right_arithmetic3A_1859 : i32 to vector<16xi32>
        %shift_right_arithmetic3A_1861 = arith.shrsi %bitcast_convert_type3A_1858, %shift_right_arithmetic3A_1860 : vector<16xi32>
        %and3A_1862 = arith.constant 255 : i32
        %and3A_1863 = vector.broadcast %and3A_1862 : i32 to vector<16xi32>
        %and3A_1864 = arith.andi %shift_right_arithmetic3A_1861, %and3A_1863 : vector<16xi32>
        %sub3A_1865 = arith.constant 127 : i32
        %sub3A_1866 = vector.broadcast %sub3A_1865 : i32 to vector<16xi32>
        %sub3A_1867 = arith.subi %and3A_1864, %sub3A_1866 : vector<16xi32>
        %and3A_1868 = arith.constant 8388607 : i32
        %and3A_1869 = vector.broadcast %and3A_1868 : i32 to vector<16xi32>
        %and3A_1870 = arith.andi %bitcast_convert_type3A_1858, %and3A_1869 : vector<16xi32>
        %or3A_1871 = arith.constant 1065353216 : i32
        %or3A_1872 = vector.broadcast %or3A_1871 : i32 to vector<16xi32>
        %or3A_1873 = arith.ori %and3A_1870, %or3A_1872 : vector<16xi32>
        %bitcast_convert_type3A_1874 = tpu.bitcast %or3A_1873 : vector<16xi32> -> vector<16xf32>
        %sub3A_1875 = arith.constant 1.000000e+00 : f32
        %sub3A_1876 = vector.broadcast %sub3A_1875 : f32 to vector<16xf32>
        %sub3A_1877 = arith.subf %bitcast_convert_type3A_1874, %sub3A_1876 : vector<16xf32>
        %add3A_1878 = arith.constant 1.000000e+00 : f32
        %add3A_1879 = vector.broadcast %add3A_1878 : f32 to vector<16xf32>
        %add3A_1880 = arith.addf %bitcast_convert_type3A_1874, %add3A_1879 : vector<16xf32>
        %div3A_1881 = arith.divf %sub3A_1877, %add3A_1880 : vector<16xf32>
        %mul3A_1882 = arith.mulf %div3A_1881, %div3A_1881 : vector<16xf32>
        %mul3A_1883 = arith.constant 0.285714298 : f32
        %mul3A_1884 = vector.broadcast %mul3A_1883 : f32 to vector<16xf32>
        %mul3A_1885 = arith.mulf %mul3A_1882, %mul3A_1884 : vector<16xf32>
        %add3A_1886 = arith.constant 4.000000e-01 : f32
        %add3A_1887 = vector.broadcast %add3A_1886 : f32 to vector<16xf32>
        %add3A_1888 = arith.addf %add3A_1887, %mul3A_1885 : vector<16xf32>
        %mul3A_1889 = arith.mulf %mul3A_1882, %add3A_1888 : vector<16xf32>
        %add3A_1890 = arith.constant 0.666666686 : f32
        %add3A_1891 = vector.broadcast %add3A_1890 : f32 to vector<16xf32>
        %add3A_1892 = arith.addf %add3A_1891, %mul3A_1889 : vector<16xf32>
        %mul3A_1893 = arith.mulf %mul3A_1882, %add3A_1892 : vector<16xf32>
        %add3A_1894 = arith.constant 2.000000e+00 : f32
        %add3A_1895 = vector.broadcast %add3A_1894 : f32 to vector<16xf32>
        %add3A_1896 = arith.addf %add3A_1895, %mul3A_1893 : vector<16xf32>
        %mul3A_1897 = arith.mulf %div3A_1881, %add3A_1896 : vector<16xf32>
        %convert_element_type3A_1898 = arith.sitofp %sub3A_1867 : vector<16xi32> to vector<16xf32>
        %mul3A_1899 = arith.constant 0.693147182 : f32
        %mul3A_1900 = vector.broadcast %mul3A_1899 : f32 to vector<16xf32>
        %mul3A_1901 = arith.mulf %convert_element_type3A_1898, %mul3A_1900 : vector<16xf32>
        %add3A_1902 = arith.addf %mul3A_1901, %mul3A_1897 : vector<16xf32>
        %mul3A_1903 = arith.mulf %add3A_1838, %add3A_1902 : vector<16xf32>
        %exp3A_1904 = math.exp %mul3A_1903 : vector<16xf32>
        %div3A_1905 = arith.divf %exp3A_1904, %select_n3A_1857 : vector<16xf32>
        %mul3A_1906 = arith.mulf %add3A_1840, %exp3A_1904 : vector<16xf32>
        %jit3A_1907 = arith.constant 0.000000e+00 : f32
        %broadcast_in_dim3A_1908 = vector.broadcast %jit3A_1907 : f32 to vector<16xf32>
        %select_n3A_1909 = arith.select %and3A_1854, %mul3A_1906, %broadcast_in_dim3A_1908 : vector<16xi1>, vector<16xf32>
        %mul3A_1910 = arith.mulf %add3A_1842, %div3A_1905 : vector<16xf32>
        %mul3A_1911 = arith.mulf %mul3A_1910, %mul3A_1830 : vector<16xf32>
        %jit3A_1912 = arith.constant 0.000000e+00 : f32
        %broadcast_in_dim3A_1913 = vector.broadcast %jit3A_1912 : f32 to vector<16xf32>
        %select_n3A_1914 = arith.select %and3A_1854, %mul3A_1911, %broadcast_in_dim3A_1913 : vector<16xi1>, vector<16xf32>
        %mul3A_1915 = arith.mulf %select_n3A_1914, %sub3A_1735 : vector<16xf32>
        %add3A_1916 = arith.addf %add3A_1703, %mul3A_1915 : vector<16xf32>
        %mul3A_1917 = arith.mulf %select_n3A_1914, %sub3A_1758 : vector<16xf32>
        %add3A_1918 = arith.addf %add3A_1705, %mul3A_1917 : vector<16xf32>
        %mul3A_1919 = arith.mulf %select_n3A_1914, %sub3A_1781 : vector<16xf32>
        %add3A_1920 = arith.addf %add3A_1707, %mul3A_1919 : vector<16xf32>
        %add3A_1921 = arith.addf %add3A_1708, %select_n3A_1909 : vector<16xf32>
        %mul3A_1922 = arith.constant 16 : i32
        %mul3A_1923 = arith.muli %scan3A_207, %mul3A_1922 : i32
        %add3A_1924 = arith.constant 8 : i32
        %add3A_1925 = arith.addi %mul3A_1923, %add3A_1924 : i32
        %slice3A_1926 = vector.extract_strided_slice %get3A_216 {offsets = [8], sizes = [1], strides = [1]} : vector<16xf32> to vector<1xf32>
        %squeeze3A_1927 = vector.extract %slice3A_1926[0] : f32 from vector<1xf32>
        %broadcast_in_dim3A_1928 = vector.broadcast %squeeze3A_1927 : f32 to vector<16xf32>
        %sub3A_1929 = arith.subf %broadcast_in_dim3A_1928, %get3A_126 : vector<16xf32>
        %gt3A_1930 = arith.constant 5.000000e-01 : f32
        %gt3A_1931 = vector.broadcast %gt3A_1930 : f32 to vector<16xf32>
        %gt3A_1932 = arith.cmpf ogt, %sub3A_1929, %gt3A_1931 : vector<16xf32>
        %jit3A_1933 = arith.constant 1.000000e+00 : f32
        %jit3A_1934 = arith.constant 0.000000e+00 : f32
        %broadcast_in_dim3A_1935 = vector.broadcast %jit3A_1933 : f32 to vector<16xf32>
        %broadcast_in_dim3A_1936 = vector.broadcast %jit3A_1934 : f32 to vector<16xf32>
        %select_n3A_1937 = arith.select %gt3A_1932, %broadcast_in_dim3A_1935, %broadcast_in_dim3A_1936 : vector<16xi1>, vector<16xf32>
        %lt3A_1938 = arith.constant -5.000000e-01 : f32
        %lt3A_1939 = vector.broadcast %lt3A_1938 : f32 to vector<16xf32>
        %lt3A_1940 = arith.cmpf olt, %sub3A_1929, %lt3A_1939 : vector<16xf32>
        %jit3A_1941 = arith.constant 1.000000e+00 : f32
        %jit3A_1942 = arith.constant 0.000000e+00 : f32
        %broadcast_in_dim3A_1943 = vector.broadcast %jit3A_1941 : f32 to vector<16xf32>
        %broadcast_in_dim3A_1944 = vector.broadcast %jit3A_1942 : f32 to vector<16xf32>
        %select_n3A_1945 = arith.select %lt3A_1940, %broadcast_in_dim3A_1943, %broadcast_in_dim3A_1944 : vector<16xi1>, vector<16xf32>
        %sub3A_1946 = arith.subf %select_n3A_1937, %select_n3A_1945 : vector<16xf32>
        %mul3A_1947 = arith.mulf %sub3A_1946, %broadcast_in_dim3A_28 : vector<16xf32>
        %sub3A_1948 = arith.subf %sub3A_1929, %mul3A_1947 : vector<16xf32>
        %slice3A_1949 = vector.extract_strided_slice %get3A_221 {offsets = [8], sizes = [1], strides = [1]} : vector<16xf32> to vector<1xf32>
        %squeeze3A_1950 = vector.extract %slice3A_1949[0] : f32 from vector<1xf32>
        %broadcast_in_dim3A_1951 = vector.broadcast %squeeze3A_1950 : f32 to vector<16xf32>
        %sub3A_1952 = arith.subf %broadcast_in_dim3A_1951, %get3A_129 : vector<16xf32>
        %gt3A_1953 = arith.constant 5.000000e-01 : f32
        %gt3A_1954 = vector.broadcast %gt3A_1953 : f32 to vector<16xf32>
        %gt3A_1955 = arith.cmpf ogt, %sub3A_1952, %gt3A_1954 : vector<16xf32>
        %jit3A_1956 = arith.constant 1.000000e+00 : f32
        %jit3A_1957 = arith.constant 0.000000e+00 : f32
        %broadcast_in_dim3A_1958 = vector.broadcast %jit3A_1956 : f32 to vector<16xf32>
        %broadcast_in_dim3A_1959 = vector.broadcast %jit3A_1957 : f32 to vector<16xf32>
        %select_n3A_1960 = arith.select %gt3A_1955, %broadcast_in_dim3A_1958, %broadcast_in_dim3A_1959 : vector<16xi1>, vector<16xf32>
        %lt3A_1961 = arith.constant -5.000000e-01 : f32
        %lt3A_1962 = vector.broadcast %lt3A_1961 : f32 to vector<16xf32>
        %lt3A_1963 = arith.cmpf olt, %sub3A_1952, %lt3A_1962 : vector<16xf32>
        %jit3A_1964 = arith.constant 1.000000e+00 : f32
        %jit3A_1965 = arith.constant 0.000000e+00 : f32
        %broadcast_in_dim3A_1966 = vector.broadcast %jit3A_1964 : f32 to vector<16xf32>
        %broadcast_in_dim3A_1967 = vector.broadcast %jit3A_1965 : f32 to vector<16xf32>
        %select_n3A_1968 = arith.select %lt3A_1963, %broadcast_in_dim3A_1966, %broadcast_in_dim3A_1967 : vector<16xi1>, vector<16xf32>
        %sub3A_1969 = arith.subf %select_n3A_1960, %select_n3A_1968 : vector<16xf32>
        %mul3A_1970 = arith.mulf %sub3A_1969, %broadcast_in_dim3A_31 : vector<16xf32>
        %sub3A_1971 = arith.subf %sub3A_1952, %mul3A_1970 : vector<16xf32>
        %slice3A_1972 = vector.extract_strided_slice %get3A_226 {offsets = [8], sizes = [1], strides = [1]} : vector<16xf32> to vector<1xf32>
        %squeeze3A_1973 = vector.extract %slice3A_1972[0] : f32 from vector<1xf32>
        %broadcast_in_dim3A_1974 = vector.broadcast %squeeze3A_1973 : f32 to vector<16xf32>
        %sub3A_1975 = arith.subf %broadcast_in_dim3A_1974, %get3A_132 : vector<16xf32>
        %gt3A_1976 = arith.constant 5.000000e-01 : f32
        %gt3A_1977 = vector.broadcast %gt3A_1976 : f32 to vector<16xf32>
        %gt3A_1978 = arith.cmpf ogt, %sub3A_1975, %gt3A_1977 : vector<16xf32>
        %jit3A_1979 = arith.constant 1.000000e+00 : f32
        %jit3A_1980 = arith.constant 0.000000e+00 : f32
        %broadcast_in_dim3A_1981 = vector.broadcast %jit3A_1979 : f32 to vector<16xf32>
        %broadcast_in_dim3A_1982 = vector.broadcast %jit3A_1980 : f32 to vector<16xf32>
        %select_n3A_1983 = arith.select %gt3A_1978, %broadcast_in_dim3A_1981, %broadcast_in_dim3A_1982 : vector<16xi1>, vector<16xf32>
        %lt3A_1984 = arith.constant -5.000000e-01 : f32
        %lt3A_1985 = vector.broadcast %lt3A_1984 : f32 to vector<16xf32>
        %lt3A_1986 = arith.cmpf olt, %sub3A_1975, %lt3A_1985 : vector<16xf32>
        %jit3A_1987 = arith.constant 1.000000e+00 : f32
        %jit3A_1988 = arith.constant 0.000000e+00 : f32
        %broadcast_in_dim3A_1989 = vector.broadcast %jit3A_1987 : f32 to vector<16xf32>
        %broadcast_in_dim3A_1990 = vector.broadcast %jit3A_1988 : f32 to vector<16xf32>
        %select_n3A_1991 = arith.select %lt3A_1986, %broadcast_in_dim3A_1989, %broadcast_in_dim3A_1990 : vector<16xi1>, vector<16xf32>
        %sub3A_1992 = arith.subf %select_n3A_1983, %select_n3A_1991 : vector<16xf32>
        %mul3A_1993 = arith.mulf %sub3A_1992, %broadcast_in_dim3A_34 : vector<16xf32>
        %sub3A_1994 = arith.subf %sub3A_1975, %mul3A_1993 : vector<16xf32>
        %mul3A_1995 = arith.mulf %broadcast_in_dim3A, %sub3A_1948 : vector<16xf32>
        %mul3A_1996 = arith.mulf %mul3A_1995, %sub3A_1948 : vector<16xf32>
        %mul3A_1997 = arith.mulf %broadcast_in_dim3A_13, %sub3A_1971 : vector<16xf32>
        %mul3A_1998 = arith.mulf %mul3A_1997, %sub3A_1971 : vector<16xf32>
        %add3A_1999 = arith.addf %mul3A_1996, %mul3A_1998 : vector<16xf32>
        %mul3A_2000 = arith.mulf %broadcast_in_dim3A_16, %sub3A_1994 : vector<16xf32>
        %mul3A_2001 = arith.mulf %mul3A_2000, %sub3A_1994 : vector<16xf32>
        %add3A_2002 = arith.addf %add3A_1999, %mul3A_2001 : vector<16xf32>
        %mul3A_2003 = arith.mulf %broadcast_in_dim3A_19, %sub3A_1948 : vector<16xf32>
        %mul3A_2004 = arith.mulf %mul3A_2003, %sub3A_1971 : vector<16xf32>
        %add3A_2005 = arith.addf %add3A_2002, %mul3A_2004 : vector<16xf32>
        %mul3A_2006 = arith.mulf %broadcast_in_dim3A_22, %sub3A_1948 : vector<16xf32>
        %mul3A_2007 = arith.mulf %mul3A_2006, %sub3A_1994 : vector<16xf32>
        %add3A_2008 = arith.addf %add3A_2005, %mul3A_2007 : vector<16xf32>
        %mul3A_2009 = arith.mulf %broadcast_in_dim3A_25, %sub3A_1971 : vector<16xf32>
        %mul3A_2010 = arith.mulf %mul3A_2009, %sub3A_1994 : vector<16xf32>
        %add3A_2011 = arith.addf %add3A_2008, %mul3A_2010 : vector<16xf32>
        %max3A_2012 = arith.constant 9.99999996E-13 : f32
        %max3A_2013 = vector.broadcast %max3A_2012 : f32 to vector<16xf32>
        %max3A_2014 = arith.maximumf %add3A_2011, %max3A_2013 : vector<16xf32>
        %bitcast_convert_type3A_2015 = tpu.bitcast %max3A_2014 : vector<16xf32> -> vector<16xi32>
        %shift_right_arithmetic3A_2016 = arith.constant 1 : i32
        %shift_right_arithmetic3A_2017 = vector.broadcast %shift_right_arithmetic3A_2016 : i32 to vector<16xi32>
        %shift_right_arithmetic3A_2018 = arith.shrsi %bitcast_convert_type3A_2015, %shift_right_arithmetic3A_2017 : vector<16xi32>
        %sub3A_2019 = arith.constant 1597463007 : i32
        %sub3A_2020 = vector.broadcast %sub3A_2019 : i32 to vector<16xi32>
        %sub3A_2021 = arith.subi %sub3A_2020, %shift_right_arithmetic3A_2018 : vector<16xi32>
        %bitcast_convert_type3A_2022 = tpu.bitcast %sub3A_2021 : vector<16xi32> -> vector<16xf32>
        %mul3A_2023 = arith.constant 5.000000e-01 : f32
        %mul3A_2024 = vector.broadcast %mul3A_2023 : f32 to vector<16xf32>
        %mul3A_2025 = arith.mulf %mul3A_2024, %max3A_2014 : vector<16xf32>
        %mul3A_2026 = arith.mulf %mul3A_2025, %bitcast_convert_type3A_2022 : vector<16xf32>
        %mul3A_2027 = arith.mulf %mul3A_2026, %bitcast_convert_type3A_2022 : vector<16xf32>
        %sub3A_2028 = arith.constant 1.500000e+00 : f32
        %sub3A_2029 = vector.broadcast %sub3A_2028 : f32 to vector<16xf32>
        %sub3A_2030 = arith.subf %sub3A_2029, %mul3A_2027 : vector<16xf32>
        %mul3A_2031 = arith.mulf %bitcast_convert_type3A_2022, %sub3A_2030 : vector<16xf32>
        %mul3A_2032 = arith.mulf %mul3A_2025, %mul3A_2031 : vector<16xf32>
        %mul3A_2033 = arith.mulf %mul3A_2032, %mul3A_2031 : vector<16xf32>
        %sub3A_2034 = arith.constant 1.500000e+00 : f32
        %sub3A_2035 = vector.broadcast %sub3A_2034 : f32 to vector<16xf32>
        %sub3A_2036 = arith.subf %sub3A_2035, %mul3A_2033 : vector<16xf32>
        %mul3A_2037 = arith.mulf %mul3A_2031, %sub3A_2036 : vector<16xf32>
        %mul3A_2038 = arith.mulf %mul3A_2025, %mul3A_2037 : vector<16xf32>
        %mul3A_2039 = arith.mulf %mul3A_2038, %mul3A_2037 : vector<16xf32>
        %sub3A_2040 = arith.constant 1.500000e+00 : f32
        %sub3A_2041 = vector.broadcast %sub3A_2040 : f32 to vector<16xf32>
        %sub3A_2042 = arith.subf %sub3A_2041, %mul3A_2039 : vector<16xf32>
        %mul3A_2043 = arith.mulf %mul3A_2037, %sub3A_2042 : vector<16xf32>
        %mul3A_2044 = arith.mulf %add3A_2011, %mul3A_2043 : vector<16xf32>
        %slice3A_2045 = vector.extract_strided_slice %get3A_231 {offsets = [8], sizes = [1], strides = [1]} : vector<16xf32> to vector<1xf32>
        %squeeze3A_2046 = vector.extract %slice3A_2045[0] : f32 from vector<1xf32>
        %broadcast_in_dim3A_2047 = vector.broadcast %squeeze3A_2046 : f32 to vector<16xf32>
        %mul3A_2048 = arith.mulf %add3A_141, %broadcast_in_dim3A_2047 : vector<16xf32>
        %add3A_2049 = arith.addf %add3A_139, %mul3A_2048 : vector<16xf32>
        %mul3A_2050 = arith.mulf %add3A_145, %broadcast_in_dim3A_2047 : vector<16xf32>
        %add3A_2051 = arith.addf %add3A_143, %mul3A_2050 : vector<16xf32>
        %mul3A_2052 = arith.mulf %add3A_149, %broadcast_in_dim3A_2047 : vector<16xf32>
        %add3A_2053 = arith.addf %add3A_147, %mul3A_2052 : vector<16xf32>
        %mul3A_2054 = arith.mulf %add3A_153, %broadcast_in_dim3A_2047 : vector<16xf32>
        %add3A_2055 = arith.addf %add3A_151, %mul3A_2054 : vector<16xf32>
        %mul3A_2056 = arith.mulf %mul3A_2044, %add3A_2049 : vector<16xf32>
        %sub3A_2057 = arith.constant 1.000000e+00 : f32
        %sub3A_2058 = vector.broadcast %sub3A_2057 : f32 to vector<16xf32>
        %sub3A_2059 = arith.subf %sub3A_2058, %mul3A_2056 : vector<16xf32>
        %lt3A_2060 = arith.cmpf olt, %add3A_2011, %broadcast_in_dim3A_64 : vector<16xf32>
        %gt3A_2061 = arith.constant 0.000000e+00 : f32
        %gt3A_2062 = vector.broadcast %gt3A_2061 : f32 to vector<16xf32>
        %gt3A_2063 = arith.cmpf ogt, %sub3A_2059, %gt3A_2062 : vector<16xf32>
        %and3A_2064 = arith.andi %lt3A_2060, %gt3A_2063 : vector<16xi1>
        %ne3A_2065 = vector.broadcast %add3A_1925 : i32 to vector<16xi32>
        %ne3A_2066 = arith.cmpi ne, %add3A_137, %ne3A_2065 : vector<16xi32>
        %and3A_2067 = arith.andi %and3A_2064, %ne3A_2066 : vector<16xi1>
        %jit3A_2068 = arith.constant 5.000000e-01 : f32
        %broadcast_in_dim3A_2069 = vector.broadcast %jit3A_2068 : f32 to vector<16xf32>
        %select_n3A_2070 = arith.select %and3A_2067, %sub3A_2059, %broadcast_in_dim3A_2069 : vector<16xi1>, vector<16xf32>
        %bitcast_convert_type3A_2071 = tpu.bitcast %select_n3A_2070 : vector<16xf32> -> vector<16xi32>
        %shift_right_arithmetic3A_2072 = arith.constant 23 : i32
        %shift_right_arithmetic3A_2073 = vector.broadcast %shift_right_arithmetic3A_2072 : i32 to vector<16xi32>
        %shift_right_arithmetic3A_2074 = arith.shrsi %bitcast_convert_type3A_2071, %shift_right_arithmetic3A_2073 : vector<16xi32>
        %and3A_2075 = arith.constant 255 : i32
        %and3A_2076 = vector.broadcast %and3A_2075 : i32 to vector<16xi32>
        %and3A_2077 = arith.andi %shift_right_arithmetic3A_2074, %and3A_2076 : vector<16xi32>
        %sub3A_2078 = arith.constant 127 : i32
        %sub3A_2079 = vector.broadcast %sub3A_2078 : i32 to vector<16xi32>
        %sub3A_2080 = arith.subi %and3A_2077, %sub3A_2079 : vector<16xi32>
        %and3A_2081 = arith.constant 8388607 : i32
        %and3A_2082 = vector.broadcast %and3A_2081 : i32 to vector<16xi32>
        %and3A_2083 = arith.andi %bitcast_convert_type3A_2071, %and3A_2082 : vector<16xi32>
        %or3A_2084 = arith.constant 1065353216 : i32
        %or3A_2085 = vector.broadcast %or3A_2084 : i32 to vector<16xi32>
        %or3A_2086 = arith.ori %and3A_2083, %or3A_2085 : vector<16xi32>
        %bitcast_convert_type3A_2087 = tpu.bitcast %or3A_2086 : vector<16xi32> -> vector<16xf32>
        %sub3A_2088 = arith.constant 1.000000e+00 : f32
        %sub3A_2089 = vector.broadcast %sub3A_2088 : f32 to vector<16xf32>
        %sub3A_2090 = arith.subf %bitcast_convert_type3A_2087, %sub3A_2089 : vector<16xf32>
        %add3A_2091 = arith.constant 1.000000e+00 : f32
        %add3A_2092 = vector.broadcast %add3A_2091 : f32 to vector<16xf32>
        %add3A_2093 = arith.addf %bitcast_convert_type3A_2087, %add3A_2092 : vector<16xf32>
        %div3A_2094 = arith.divf %sub3A_2090, %add3A_2093 : vector<16xf32>
        %mul3A_2095 = arith.mulf %div3A_2094, %div3A_2094 : vector<16xf32>
        %mul3A_2096 = arith.constant 0.285714298 : f32
        %mul3A_2097 = vector.broadcast %mul3A_2096 : f32 to vector<16xf32>
        %mul3A_2098 = arith.mulf %mul3A_2095, %mul3A_2097 : vector<16xf32>
        %add3A_2099 = arith.constant 4.000000e-01 : f32
        %add3A_2100 = vector.broadcast %add3A_2099 : f32 to vector<16xf32>
        %add3A_2101 = arith.addf %add3A_2100, %mul3A_2098 : vector<16xf32>
        %mul3A_2102 = arith.mulf %mul3A_2095, %add3A_2101 : vector<16xf32>
        %add3A_2103 = arith.constant 0.666666686 : f32
        %add3A_2104 = vector.broadcast %add3A_2103 : f32 to vector<16xf32>
        %add3A_2105 = arith.addf %add3A_2104, %mul3A_2102 : vector<16xf32>
        %mul3A_2106 = arith.mulf %mul3A_2095, %add3A_2105 : vector<16xf32>
        %add3A_2107 = arith.constant 2.000000e+00 : f32
        %add3A_2108 = vector.broadcast %add3A_2107 : f32 to vector<16xf32>
        %add3A_2109 = arith.addf %add3A_2108, %mul3A_2106 : vector<16xf32>
        %mul3A_2110 = arith.mulf %div3A_2094, %add3A_2109 : vector<16xf32>
        %convert_element_type3A_2111 = arith.sitofp %sub3A_2080 : vector<16xi32> to vector<16xf32>
        %mul3A_2112 = arith.constant 0.693147182 : f32
        %mul3A_2113 = vector.broadcast %mul3A_2112 : f32 to vector<16xf32>
        %mul3A_2114 = arith.mulf %convert_element_type3A_2111, %mul3A_2113 : vector<16xf32>
        %add3A_2115 = arith.addf %mul3A_2114, %mul3A_2110 : vector<16xf32>
        %mul3A_2116 = arith.mulf %add3A_2051, %add3A_2115 : vector<16xf32>
        %exp3A_2117 = math.exp %mul3A_2116 : vector<16xf32>
        %div3A_2118 = arith.divf %exp3A_2117, %select_n3A_2070 : vector<16xf32>
        %mul3A_2119 = arith.mulf %add3A_2053, %exp3A_2117 : vector<16xf32>
        %jit3A_2120 = arith.constant 0.000000e+00 : f32
        %broadcast_in_dim3A_2121 = vector.broadcast %jit3A_2120 : f32 to vector<16xf32>
        %select_n3A_2122 = arith.select %and3A_2067, %mul3A_2119, %broadcast_in_dim3A_2121 : vector<16xi1>, vector<16xf32>
        %mul3A_2123 = arith.mulf %add3A_2055, %div3A_2118 : vector<16xf32>
        %mul3A_2124 = arith.mulf %mul3A_2123, %mul3A_2043 : vector<16xf32>
        %jit3A_2125 = arith.constant 0.000000e+00 : f32
        %broadcast_in_dim3A_2126 = vector.broadcast %jit3A_2125 : f32 to vector<16xf32>
        %select_n3A_2127 = arith.select %and3A_2067, %mul3A_2124, %broadcast_in_dim3A_2126 : vector<16xi1>, vector<16xf32>
        %mul3A_2128 = arith.mulf %select_n3A_2127, %sub3A_1948 : vector<16xf32>
        %add3A_2129 = arith.addf %add3A_1916, %mul3A_2128 : vector<16xf32>
        %mul3A_2130 = arith.mulf %select_n3A_2127, %sub3A_1971 : vector<16xf32>
        %add3A_2131 = arith.addf %add3A_1918, %mul3A_2130 : vector<16xf32>
        %mul3A_2132 = arith.mulf %select_n3A_2127, %sub3A_1994 : vector<16xf32>
        %add3A_2133 = arith.addf %add3A_1920, %mul3A_2132 : vector<16xf32>
        %add3A_2134 = arith.addf %add3A_1921, %select_n3A_2122 : vector<16xf32>
        %mul3A_2135 = arith.constant 16 : i32
        %mul3A_2136 = arith.muli %scan3A_207, %mul3A_2135 : i32
        %add3A_2137 = arith.constant 9 : i32
        %add3A_2138 = arith.addi %mul3A_2136, %add3A_2137 : i32
        %slice3A_2139 = vector.extract_strided_slice %get3A_216 {offsets = [9], sizes = [1], strides = [1]} : vector<16xf32> to vector<1xf32>
        %squeeze3A_2140 = vector.extract %slice3A_2139[0] : f32 from vector<1xf32>
        %broadcast_in_dim3A_2141 = vector.broadcast %squeeze3A_2140 : f32 to vector<16xf32>
        %sub3A_2142 = arith.subf %broadcast_in_dim3A_2141, %get3A_126 : vector<16xf32>
        %gt3A_2143 = arith.constant 5.000000e-01 : f32
        %gt3A_2144 = vector.broadcast %gt3A_2143 : f32 to vector<16xf32>
        %gt3A_2145 = arith.cmpf ogt, %sub3A_2142, %gt3A_2144 : vector<16xf32>
        %jit3A_2146 = arith.constant 1.000000e+00 : f32
        %jit3A_2147 = arith.constant 0.000000e+00 : f32
        %broadcast_in_dim3A_2148 = vector.broadcast %jit3A_2146 : f32 to vector<16xf32>
        %broadcast_in_dim3A_2149 = vector.broadcast %jit3A_2147 : f32 to vector<16xf32>
        %select_n3A_2150 = arith.select %gt3A_2145, %broadcast_in_dim3A_2148, %broadcast_in_dim3A_2149 : vector<16xi1>, vector<16xf32>
        %lt3A_2151 = arith.constant -5.000000e-01 : f32
        %lt3A_2152 = vector.broadcast %lt3A_2151 : f32 to vector<16xf32>
        %lt3A_2153 = arith.cmpf olt, %sub3A_2142, %lt3A_2152 : vector<16xf32>
        %jit3A_2154 = arith.constant 1.000000e+00 : f32
        %jit3A_2155 = arith.constant 0.000000e+00 : f32
        %broadcast_in_dim3A_2156 = vector.broadcast %jit3A_2154 : f32 to vector<16xf32>
        %broadcast_in_dim3A_2157 = vector.broadcast %jit3A_2155 : f32 to vector<16xf32>
        %select_n3A_2158 = arith.select %lt3A_2153, %broadcast_in_dim3A_2156, %broadcast_in_dim3A_2157 : vector<16xi1>, vector<16xf32>
        %sub3A_2159 = arith.subf %select_n3A_2150, %select_n3A_2158 : vector<16xf32>
        %mul3A_2160 = arith.mulf %sub3A_2159, %broadcast_in_dim3A_28 : vector<16xf32>
        %sub3A_2161 = arith.subf %sub3A_2142, %mul3A_2160 : vector<16xf32>
        %slice3A_2162 = vector.extract_strided_slice %get3A_221 {offsets = [9], sizes = [1], strides = [1]} : vector<16xf32> to vector<1xf32>
        %squeeze3A_2163 = vector.extract %slice3A_2162[0] : f32 from vector<1xf32>
        %broadcast_in_dim3A_2164 = vector.broadcast %squeeze3A_2163 : f32 to vector<16xf32>
        %sub3A_2165 = arith.subf %broadcast_in_dim3A_2164, %get3A_129 : vector<16xf32>
        %gt3A_2166 = arith.constant 5.000000e-01 : f32
        %gt3A_2167 = vector.broadcast %gt3A_2166 : f32 to vector<16xf32>
        %gt3A_2168 = arith.cmpf ogt, %sub3A_2165, %gt3A_2167 : vector<16xf32>
        %jit3A_2169 = arith.constant 1.000000e+00 : f32
        %jit3A_2170 = arith.constant 0.000000e+00 : f32
        %broadcast_in_dim3A_2171 = vector.broadcast %jit3A_2169 : f32 to vector<16xf32>
        %broadcast_in_dim3A_2172 = vector.broadcast %jit3A_2170 : f32 to vector<16xf32>
        %select_n3A_2173 = arith.select %gt3A_2168, %broadcast_in_dim3A_2171, %broadcast_in_dim3A_2172 : vector<16xi1>, vector<16xf32>
        %lt3A_2174 = arith.constant -5.000000e-01 : f32
        %lt3A_2175 = vector.broadcast %lt3A_2174 : f32 to vector<16xf32>
        %lt3A_2176 = arith.cmpf olt, %sub3A_2165, %lt3A_2175 : vector<16xf32>
        %jit3A_2177 = arith.constant 1.000000e+00 : f32
        %jit3A_2178 = arith.constant 0.000000e+00 : f32
        %broadcast_in_dim3A_2179 = vector.broadcast %jit3A_2177 : f32 to vector<16xf32>
        %broadcast_in_dim3A_2180 = vector.broadcast %jit3A_2178 : f32 to vector<16xf32>
        %select_n3A_2181 = arith.select %lt3A_2176, %broadcast_in_dim3A_2179, %broadcast_in_dim3A_2180 : vector<16xi1>, vector<16xf32>
        %sub3A_2182 = arith.subf %select_n3A_2173, %select_n3A_2181 : vector<16xf32>
        %mul3A_2183 = arith.mulf %sub3A_2182, %broadcast_in_dim3A_31 : vector<16xf32>
        %sub3A_2184 = arith.subf %sub3A_2165, %mul3A_2183 : vector<16xf32>
        %slice3A_2185 = vector.extract_strided_slice %get3A_226 {offsets = [9], sizes = [1], strides = [1]} : vector<16xf32> to vector<1xf32>
        %squeeze3A_2186 = vector.extract %slice3A_2185[0] : f32 from vector<1xf32>
        %broadcast_in_dim3A_2187 = vector.broadcast %squeeze3A_2186 : f32 to vector<16xf32>
        %sub3A_2188 = arith.subf %broadcast_in_dim3A_2187, %get3A_132 : vector<16xf32>
        %gt3A_2189 = arith.constant 5.000000e-01 : f32
        %gt3A_2190 = vector.broadcast %gt3A_2189 : f32 to vector<16xf32>
        %gt3A_2191 = arith.cmpf ogt, %sub3A_2188, %gt3A_2190 : vector<16xf32>
        %jit3A_2192 = arith.constant 1.000000e+00 : f32
        %jit3A_2193 = arith.constant 0.000000e+00 : f32
        %broadcast_in_dim3A_2194 = vector.broadcast %jit3A_2192 : f32 to vector<16xf32>
        %broadcast_in_dim3A_2195 = vector.broadcast %jit3A_2193 : f32 to vector<16xf32>
        %select_n3A_2196 = arith.select %gt3A_2191, %broadcast_in_dim3A_2194, %broadcast_in_dim3A_2195 : vector<16xi1>, vector<16xf32>
        %lt3A_2197 = arith.constant -5.000000e-01 : f32
        %lt3A_2198 = vector.broadcast %lt3A_2197 : f32 to vector<16xf32>
        %lt3A_2199 = arith.cmpf olt, %sub3A_2188, %lt3A_2198 : vector<16xf32>
        %jit3A_2200 = arith.constant 1.000000e+00 : f32
        %jit3A_2201 = arith.constant 0.000000e+00 : f32
        %broadcast_in_dim3A_2202 = vector.broadcast %jit3A_2200 : f32 to vector<16xf32>
        %broadcast_in_dim3A_2203 = vector.broadcast %jit3A_2201 : f32 to vector<16xf32>
        %select_n3A_2204 = arith.select %lt3A_2199, %broadcast_in_dim3A_2202, %broadcast_in_dim3A_2203 : vector<16xi1>, vector<16xf32>
        %sub3A_2205 = arith.subf %select_n3A_2196, %select_n3A_2204 : vector<16xf32>
        %mul3A_2206 = arith.mulf %sub3A_2205, %broadcast_in_dim3A_34 : vector<16xf32>
        %sub3A_2207 = arith.subf %sub3A_2188, %mul3A_2206 : vector<16xf32>
        %mul3A_2208 = arith.mulf %broadcast_in_dim3A, %sub3A_2161 : vector<16xf32>
        %mul3A_2209 = arith.mulf %mul3A_2208, %sub3A_2161 : vector<16xf32>
        %mul3A_2210 = arith.mulf %broadcast_in_dim3A_13, %sub3A_2184 : vector<16xf32>
        %mul3A_2211 = arith.mulf %mul3A_2210, %sub3A_2184 : vector<16xf32>
        %add3A_2212 = arith.addf %mul3A_2209, %mul3A_2211 : vector<16xf32>
        %mul3A_2213 = arith.mulf %broadcast_in_dim3A_16, %sub3A_2207 : vector<16xf32>
        %mul3A_2214 = arith.mulf %mul3A_2213, %sub3A_2207 : vector<16xf32>
        %add3A_2215 = arith.addf %add3A_2212, %mul3A_2214 : vector<16xf32>
        %mul3A_2216 = arith.mulf %broadcast_in_dim3A_19, %sub3A_2161 : vector<16xf32>
        %mul3A_2217 = arith.mulf %mul3A_2216, %sub3A_2184 : vector<16xf32>
        %add3A_2218 = arith.addf %add3A_2215, %mul3A_2217 : vector<16xf32>
        %mul3A_2219 = arith.mulf %broadcast_in_dim3A_22, %sub3A_2161 : vector<16xf32>
        %mul3A_2220 = arith.mulf %mul3A_2219, %sub3A_2207 : vector<16xf32>
        %add3A_2221 = arith.addf %add3A_2218, %mul3A_2220 : vector<16xf32>
        %mul3A_2222 = arith.mulf %broadcast_in_dim3A_25, %sub3A_2184 : vector<16xf32>
        %mul3A_2223 = arith.mulf %mul3A_2222, %sub3A_2207 : vector<16xf32>
        %add3A_2224 = arith.addf %add3A_2221, %mul3A_2223 : vector<16xf32>
        %max3A_2225 = arith.constant 9.99999996E-13 : f32
        %max3A_2226 = vector.broadcast %max3A_2225 : f32 to vector<16xf32>
        %max3A_2227 = arith.maximumf %add3A_2224, %max3A_2226 : vector<16xf32>
        %bitcast_convert_type3A_2228 = tpu.bitcast %max3A_2227 : vector<16xf32> -> vector<16xi32>
        %shift_right_arithmetic3A_2229 = arith.constant 1 : i32
        %shift_right_arithmetic3A_2230 = vector.broadcast %shift_right_arithmetic3A_2229 : i32 to vector<16xi32>
        %shift_right_arithmetic3A_2231 = arith.shrsi %bitcast_convert_type3A_2228, %shift_right_arithmetic3A_2230 : vector<16xi32>
        %sub3A_2232 = arith.constant 1597463007 : i32
        %sub3A_2233 = vector.broadcast %sub3A_2232 : i32 to vector<16xi32>
        %sub3A_2234 = arith.subi %sub3A_2233, %shift_right_arithmetic3A_2231 : vector<16xi32>
        %bitcast_convert_type3A_2235 = tpu.bitcast %sub3A_2234 : vector<16xi32> -> vector<16xf32>
        %mul3A_2236 = arith.constant 5.000000e-01 : f32
        %mul3A_2237 = vector.broadcast %mul3A_2236 : f32 to vector<16xf32>
        %mul3A_2238 = arith.mulf %mul3A_2237, %max3A_2227 : vector<16xf32>
        %mul3A_2239 = arith.mulf %mul3A_2238, %bitcast_convert_type3A_2235 : vector<16xf32>
        %mul3A_2240 = arith.mulf %mul3A_2239, %bitcast_convert_type3A_2235 : vector<16xf32>
        %sub3A_2241 = arith.constant 1.500000e+00 : f32
        %sub3A_2242 = vector.broadcast %sub3A_2241 : f32 to vector<16xf32>
        %sub3A_2243 = arith.subf %sub3A_2242, %mul3A_2240 : vector<16xf32>
        %mul3A_2244 = arith.mulf %bitcast_convert_type3A_2235, %sub3A_2243 : vector<16xf32>
        %mul3A_2245 = arith.mulf %mul3A_2238, %mul3A_2244 : vector<16xf32>
        %mul3A_2246 = arith.mulf %mul3A_2245, %mul3A_2244 : vector<16xf32>
        %sub3A_2247 = arith.constant 1.500000e+00 : f32
        %sub3A_2248 = vector.broadcast %sub3A_2247 : f32 to vector<16xf32>
        %sub3A_2249 = arith.subf %sub3A_2248, %mul3A_2246 : vector<16xf32>
        %mul3A_2250 = arith.mulf %mul3A_2244, %sub3A_2249 : vector<16xf32>
        %mul3A_2251 = arith.mulf %mul3A_2238, %mul3A_2250 : vector<16xf32>
        %mul3A_2252 = arith.mulf %mul3A_2251, %mul3A_2250 : vector<16xf32>
        %sub3A_2253 = arith.constant 1.500000e+00 : f32
        %sub3A_2254 = vector.broadcast %sub3A_2253 : f32 to vector<16xf32>
        %sub3A_2255 = arith.subf %sub3A_2254, %mul3A_2252 : vector<16xf32>
        %mul3A_2256 = arith.mulf %mul3A_2250, %sub3A_2255 : vector<16xf32>
        %mul3A_2257 = arith.mulf %add3A_2224, %mul3A_2256 : vector<16xf32>
        %slice3A_2258 = vector.extract_strided_slice %get3A_231 {offsets = [9], sizes = [1], strides = [1]} : vector<16xf32> to vector<1xf32>
        %squeeze3A_2259 = vector.extract %slice3A_2258[0] : f32 from vector<1xf32>
        %broadcast_in_dim3A_2260 = vector.broadcast %squeeze3A_2259 : f32 to vector<16xf32>
        %mul3A_2261 = arith.mulf %add3A_141, %broadcast_in_dim3A_2260 : vector<16xf32>
        %add3A_2262 = arith.addf %add3A_139, %mul3A_2261 : vector<16xf32>
        %mul3A_2263 = arith.mulf %add3A_145, %broadcast_in_dim3A_2260 : vector<16xf32>
        %add3A_2264 = arith.addf %add3A_143, %mul3A_2263 : vector<16xf32>
        %mul3A_2265 = arith.mulf %add3A_149, %broadcast_in_dim3A_2260 : vector<16xf32>
        %add3A_2266 = arith.addf %add3A_147, %mul3A_2265 : vector<16xf32>
        %mul3A_2267 = arith.mulf %add3A_153, %broadcast_in_dim3A_2260 : vector<16xf32>
        %add3A_2268 = arith.addf %add3A_151, %mul3A_2267 : vector<16xf32>
        %mul3A_2269 = arith.mulf %mul3A_2257, %add3A_2262 : vector<16xf32>
        %sub3A_2270 = arith.constant 1.000000e+00 : f32
        %sub3A_2271 = vector.broadcast %sub3A_2270 : f32 to vector<16xf32>
        %sub3A_2272 = arith.subf %sub3A_2271, %mul3A_2269 : vector<16xf32>
        %lt3A_2273 = arith.cmpf olt, %add3A_2224, %broadcast_in_dim3A_64 : vector<16xf32>
        %gt3A_2274 = arith.constant 0.000000e+00 : f32
        %gt3A_2275 = vector.broadcast %gt3A_2274 : f32 to vector<16xf32>
        %gt3A_2276 = arith.cmpf ogt, %sub3A_2272, %gt3A_2275 : vector<16xf32>
        %and3A_2277 = arith.andi %lt3A_2273, %gt3A_2276 : vector<16xi1>
        %ne3A_2278 = vector.broadcast %add3A_2138 : i32 to vector<16xi32>
        %ne3A_2279 = arith.cmpi ne, %add3A_137, %ne3A_2278 : vector<16xi32>
        %and3A_2280 = arith.andi %and3A_2277, %ne3A_2279 : vector<16xi1>
        %jit3A_2281 = arith.constant 5.000000e-01 : f32
        %broadcast_in_dim3A_2282 = vector.broadcast %jit3A_2281 : f32 to vector<16xf32>
        %select_n3A_2283 = arith.select %and3A_2280, %sub3A_2272, %broadcast_in_dim3A_2282 : vector<16xi1>, vector<16xf32>
        %bitcast_convert_type3A_2284 = tpu.bitcast %select_n3A_2283 : vector<16xf32> -> vector<16xi32>
        %shift_right_arithmetic3A_2285 = arith.constant 23 : i32
        %shift_right_arithmetic3A_2286 = vector.broadcast %shift_right_arithmetic3A_2285 : i32 to vector<16xi32>
        %shift_right_arithmetic3A_2287 = arith.shrsi %bitcast_convert_type3A_2284, %shift_right_arithmetic3A_2286 : vector<16xi32>
        %and3A_2288 = arith.constant 255 : i32
        %and3A_2289 = vector.broadcast %and3A_2288 : i32 to vector<16xi32>
        %and3A_2290 = arith.andi %shift_right_arithmetic3A_2287, %and3A_2289 : vector<16xi32>
        %sub3A_2291 = arith.constant 127 : i32
        %sub3A_2292 = vector.broadcast %sub3A_2291 : i32 to vector<16xi32>
        %sub3A_2293 = arith.subi %and3A_2290, %sub3A_2292 : vector<16xi32>
        %and3A_2294 = arith.constant 8388607 : i32
        %and3A_2295 = vector.broadcast %and3A_2294 : i32 to vector<16xi32>
        %and3A_2296 = arith.andi %bitcast_convert_type3A_2284, %and3A_2295 : vector<16xi32>
        %or3A_2297 = arith.constant 1065353216 : i32
        %or3A_2298 = vector.broadcast %or3A_2297 : i32 to vector<16xi32>
        %or3A_2299 = arith.ori %and3A_2296, %or3A_2298 : vector<16xi32>
        %bitcast_convert_type3A_2300 = tpu.bitcast %or3A_2299 : vector<16xi32> -> vector<16xf32>
        %sub3A_2301 = arith.constant 1.000000e+00 : f32
        %sub3A_2302 = vector.broadcast %sub3A_2301 : f32 to vector<16xf32>
        %sub3A_2303 = arith.subf %bitcast_convert_type3A_2300, %sub3A_2302 : vector<16xf32>
        %add3A_2304 = arith.constant 1.000000e+00 : f32
        %add3A_2305 = vector.broadcast %add3A_2304 : f32 to vector<16xf32>
        %add3A_2306 = arith.addf %bitcast_convert_type3A_2300, %add3A_2305 : vector<16xf32>
        %div3A_2307 = arith.divf %sub3A_2303, %add3A_2306 : vector<16xf32>
        %mul3A_2308 = arith.mulf %div3A_2307, %div3A_2307 : vector<16xf32>
        %mul3A_2309 = arith.constant 0.285714298 : f32
        %mul3A_2310 = vector.broadcast %mul3A_2309 : f32 to vector<16xf32>
        %mul3A_2311 = arith.mulf %mul3A_2308, %mul3A_2310 : vector<16xf32>
        %add3A_2312 = arith.constant 4.000000e-01 : f32
        %add3A_2313 = vector.broadcast %add3A_2312 : f32 to vector<16xf32>
        %add3A_2314 = arith.addf %add3A_2313, %mul3A_2311 : vector<16xf32>
        %mul3A_2315 = arith.mulf %mul3A_2308, %add3A_2314 : vector<16xf32>
        %add3A_2316 = arith.constant 0.666666686 : f32
        %add3A_2317 = vector.broadcast %add3A_2316 : f32 to vector<16xf32>
        %add3A_2318 = arith.addf %add3A_2317, %mul3A_2315 : vector<16xf32>
        %mul3A_2319 = arith.mulf %mul3A_2308, %add3A_2318 : vector<16xf32>
        %add3A_2320 = arith.constant 2.000000e+00 : f32
        %add3A_2321 = vector.broadcast %add3A_2320 : f32 to vector<16xf32>
        %add3A_2322 = arith.addf %add3A_2321, %mul3A_2319 : vector<16xf32>
        %mul3A_2323 = arith.mulf %div3A_2307, %add3A_2322 : vector<16xf32>
        %convert_element_type3A_2324 = arith.sitofp %sub3A_2293 : vector<16xi32> to vector<16xf32>
        %mul3A_2325 = arith.constant 0.693147182 : f32
        %mul3A_2326 = vector.broadcast %mul3A_2325 : f32 to vector<16xf32>
        %mul3A_2327 = arith.mulf %convert_element_type3A_2324, %mul3A_2326 : vector<16xf32>
        %add3A_2328 = arith.addf %mul3A_2327, %mul3A_2323 : vector<16xf32>
        %mul3A_2329 = arith.mulf %add3A_2264, %add3A_2328 : vector<16xf32>
        %exp3A_2330 = math.exp %mul3A_2329 : vector<16xf32>
        %div3A_2331 = arith.divf %exp3A_2330, %select_n3A_2283 : vector<16xf32>
        %mul3A_2332 = arith.mulf %add3A_2266, %exp3A_2330 : vector<16xf32>
        %jit3A_2333 = arith.constant 0.000000e+00 : f32
        %broadcast_in_dim3A_2334 = vector.broadcast %jit3A_2333 : f32 to vector<16xf32>
        %select_n3A_2335 = arith.select %and3A_2280, %mul3A_2332, %broadcast_in_dim3A_2334 : vector<16xi1>, vector<16xf32>
        %mul3A_2336 = arith.mulf %add3A_2268, %div3A_2331 : vector<16xf32>
        %mul3A_2337 = arith.mulf %mul3A_2336, %mul3A_2256 : vector<16xf32>
        %jit3A_2338 = arith.constant 0.000000e+00 : f32
        %broadcast_in_dim3A_2339 = vector.broadcast %jit3A_2338 : f32 to vector<16xf32>
        %select_n3A_2340 = arith.select %and3A_2280, %mul3A_2337, %broadcast_in_dim3A_2339 : vector<16xi1>, vector<16xf32>
        %mul3A_2341 = arith.mulf %select_n3A_2340, %sub3A_2161 : vector<16xf32>
        %add3A_2342 = arith.addf %add3A_2129, %mul3A_2341 : vector<16xf32>
        %mul3A_2343 = arith.mulf %select_n3A_2340, %sub3A_2184 : vector<16xf32>
        %add3A_2344 = arith.addf %add3A_2131, %mul3A_2343 : vector<16xf32>
        %mul3A_2345 = arith.mulf %select_n3A_2340, %sub3A_2207 : vector<16xf32>
        %add3A_2346 = arith.addf %add3A_2133, %mul3A_2345 : vector<16xf32>
        %add3A_2347 = arith.addf %add3A_2134, %select_n3A_2335 : vector<16xf32>
        %mul3A_2348 = arith.constant 16 : i32
        %mul3A_2349 = arith.muli %scan3A_207, %mul3A_2348 : i32
        %add3A_2350 = arith.constant 10 : i32
        %add3A_2351 = arith.addi %mul3A_2349, %add3A_2350 : i32
        %slice3A_2352 = vector.extract_strided_slice %get3A_216 {offsets = [10], sizes = [1], strides = [1]} : vector<16xf32> to vector<1xf32>
        %squeeze3A_2353 = vector.extract %slice3A_2352[0] : f32 from vector<1xf32>
        %broadcast_in_dim3A_2354 = vector.broadcast %squeeze3A_2353 : f32 to vector<16xf32>
        %sub3A_2355 = arith.subf %broadcast_in_dim3A_2354, %get3A_126 : vector<16xf32>
        %gt3A_2356 = arith.constant 5.000000e-01 : f32
        %gt3A_2357 = vector.broadcast %gt3A_2356 : f32 to vector<16xf32>
        %gt3A_2358 = arith.cmpf ogt, %sub3A_2355, %gt3A_2357 : vector<16xf32>
        %jit3A_2359 = arith.constant 1.000000e+00 : f32
        %jit3A_2360 = arith.constant 0.000000e+00 : f32
        %broadcast_in_dim3A_2361 = vector.broadcast %jit3A_2359 : f32 to vector<16xf32>
        %broadcast_in_dim3A_2362 = vector.broadcast %jit3A_2360 : f32 to vector<16xf32>
        %select_n3A_2363 = arith.select %gt3A_2358, %broadcast_in_dim3A_2361, %broadcast_in_dim3A_2362 : vector<16xi1>, vector<16xf32>
        %lt3A_2364 = arith.constant -5.000000e-01 : f32
        %lt3A_2365 = vector.broadcast %lt3A_2364 : f32 to vector<16xf32>
        %lt3A_2366 = arith.cmpf olt, %sub3A_2355, %lt3A_2365 : vector<16xf32>
        %jit3A_2367 = arith.constant 1.000000e+00 : f32
        %jit3A_2368 = arith.constant 0.000000e+00 : f32
        %broadcast_in_dim3A_2369 = vector.broadcast %jit3A_2367 : f32 to vector<16xf32>
        %broadcast_in_dim3A_2370 = vector.broadcast %jit3A_2368 : f32 to vector<16xf32>
        %select_n3A_2371 = arith.select %lt3A_2366, %broadcast_in_dim3A_2369, %broadcast_in_dim3A_2370 : vector<16xi1>, vector<16xf32>
        %sub3A_2372 = arith.subf %select_n3A_2363, %select_n3A_2371 : vector<16xf32>
        %mul3A_2373 = arith.mulf %sub3A_2372, %broadcast_in_dim3A_28 : vector<16xf32>
        %sub3A_2374 = arith.subf %sub3A_2355, %mul3A_2373 : vector<16xf32>
        %slice3A_2375 = vector.extract_strided_slice %get3A_221 {offsets = [10], sizes = [1], strides = [1]} : vector<16xf32> to vector<1xf32>
        %squeeze3A_2376 = vector.extract %slice3A_2375[0] : f32 from vector<1xf32>
        %broadcast_in_dim3A_2377 = vector.broadcast %squeeze3A_2376 : f32 to vector<16xf32>
        %sub3A_2378 = arith.subf %broadcast_in_dim3A_2377, %get3A_129 : vector<16xf32>
        %gt3A_2379 = arith.constant 5.000000e-01 : f32
        %gt3A_2380 = vector.broadcast %gt3A_2379 : f32 to vector<16xf32>
        %gt3A_2381 = arith.cmpf ogt, %sub3A_2378, %gt3A_2380 : vector<16xf32>
        %jit3A_2382 = arith.constant 1.000000e+00 : f32
        %jit3A_2383 = arith.constant 0.000000e+00 : f32
        %broadcast_in_dim3A_2384 = vector.broadcast %jit3A_2382 : f32 to vector<16xf32>
        %broadcast_in_dim3A_2385 = vector.broadcast %jit3A_2383 : f32 to vector<16xf32>
        %select_n3A_2386 = arith.select %gt3A_2381, %broadcast_in_dim3A_2384, %broadcast_in_dim3A_2385 : vector<16xi1>, vector<16xf32>
        %lt3A_2387 = arith.constant -5.000000e-01 : f32
        %lt3A_2388 = vector.broadcast %lt3A_2387 : f32 to vector<16xf32>
        %lt3A_2389 = arith.cmpf olt, %sub3A_2378, %lt3A_2388 : vector<16xf32>
        %jit3A_2390 = arith.constant 1.000000e+00 : f32
        %jit3A_2391 = arith.constant 0.000000e+00 : f32
        %broadcast_in_dim3A_2392 = vector.broadcast %jit3A_2390 : f32 to vector<16xf32>
        %broadcast_in_dim3A_2393 = vector.broadcast %jit3A_2391 : f32 to vector<16xf32>
        %select_n3A_2394 = arith.select %lt3A_2389, %broadcast_in_dim3A_2392, %broadcast_in_dim3A_2393 : vector<16xi1>, vector<16xf32>
        %sub3A_2395 = arith.subf %select_n3A_2386, %select_n3A_2394 : vector<16xf32>
        %mul3A_2396 = arith.mulf %sub3A_2395, %broadcast_in_dim3A_31 : vector<16xf32>
        %sub3A_2397 = arith.subf %sub3A_2378, %mul3A_2396 : vector<16xf32>
        %slice3A_2398 = vector.extract_strided_slice %get3A_226 {offsets = [10], sizes = [1], strides = [1]} : vector<16xf32> to vector<1xf32>
        %squeeze3A_2399 = vector.extract %slice3A_2398[0] : f32 from vector<1xf32>
        %broadcast_in_dim3A_2400 = vector.broadcast %squeeze3A_2399 : f32 to vector<16xf32>
        %sub3A_2401 = arith.subf %broadcast_in_dim3A_2400, %get3A_132 : vector<16xf32>
        %gt3A_2402 = arith.constant 5.000000e-01 : f32
        %gt3A_2403 = vector.broadcast %gt3A_2402 : f32 to vector<16xf32>
        %gt3A_2404 = arith.cmpf ogt, %sub3A_2401, %gt3A_2403 : vector<16xf32>
        %jit3A_2405 = arith.constant 1.000000e+00 : f32
        %jit3A_2406 = arith.constant 0.000000e+00 : f32
        %broadcast_in_dim3A_2407 = vector.broadcast %jit3A_2405 : f32 to vector<16xf32>
        %broadcast_in_dim3A_2408 = vector.broadcast %jit3A_2406 : f32 to vector<16xf32>
        %select_n3A_2409 = arith.select %gt3A_2404, %broadcast_in_dim3A_2407, %broadcast_in_dim3A_2408 : vector<16xi1>, vector<16xf32>
        %lt3A_2410 = arith.constant -5.000000e-01 : f32
        %lt3A_2411 = vector.broadcast %lt3A_2410 : f32 to vector<16xf32>
        %lt3A_2412 = arith.cmpf olt, %sub3A_2401, %lt3A_2411 : vector<16xf32>
        %jit3A_2413 = arith.constant 1.000000e+00 : f32
        %jit3A_2414 = arith.constant 0.000000e+00 : f32
        %broadcast_in_dim3A_2415 = vector.broadcast %jit3A_2413 : f32 to vector<16xf32>
        %broadcast_in_dim3A_2416 = vector.broadcast %jit3A_2414 : f32 to vector<16xf32>
        %select_n3A_2417 = arith.select %lt3A_2412, %broadcast_in_dim3A_2415, %broadcast_in_dim3A_2416 : vector<16xi1>, vector<16xf32>
        %sub3A_2418 = arith.subf %select_n3A_2409, %select_n3A_2417 : vector<16xf32>
        %mul3A_2419 = arith.mulf %sub3A_2418, %broadcast_in_dim3A_34 : vector<16xf32>
        %sub3A_2420 = arith.subf %sub3A_2401, %mul3A_2419 : vector<16xf32>
        %mul3A_2421 = arith.mulf %broadcast_in_dim3A, %sub3A_2374 : vector<16xf32>
        %mul3A_2422 = arith.mulf %mul3A_2421, %sub3A_2374 : vector<16xf32>
        %mul3A_2423 = arith.mulf %broadcast_in_dim3A_13, %sub3A_2397 : vector<16xf32>
        %mul3A_2424 = arith.mulf %mul3A_2423, %sub3A_2397 : vector<16xf32>
        %add3A_2425 = arith.addf %mul3A_2422, %mul3A_2424 : vector<16xf32>
        %mul3A_2426 = arith.mulf %broadcast_in_dim3A_16, %sub3A_2420 : vector<16xf32>
        %mul3A_2427 = arith.mulf %mul3A_2426, %sub3A_2420 : vector<16xf32>
        %add3A_2428 = arith.addf %add3A_2425, %mul3A_2427 : vector<16xf32>
        %mul3A_2429 = arith.mulf %broadcast_in_dim3A_19, %sub3A_2374 : vector<16xf32>
        %mul3A_2430 = arith.mulf %mul3A_2429, %sub3A_2397 : vector<16xf32>
        %add3A_2431 = arith.addf %add3A_2428, %mul3A_2430 : vector<16xf32>
        %mul3A_2432 = arith.mulf %broadcast_in_dim3A_22, %sub3A_2374 : vector<16xf32>
        %mul3A_2433 = arith.mulf %mul3A_2432, %sub3A_2420 : vector<16xf32>
        %add3A_2434 = arith.addf %add3A_2431, %mul3A_2433 : vector<16xf32>
        %mul3A_2435 = arith.mulf %broadcast_in_dim3A_25, %sub3A_2397 : vector<16xf32>
        %mul3A_2436 = arith.mulf %mul3A_2435, %sub3A_2420 : vector<16xf32>
        %add3A_2437 = arith.addf %add3A_2434, %mul3A_2436 : vector<16xf32>
        %max3A_2438 = arith.constant 9.99999996E-13 : f32
        %max3A_2439 = vector.broadcast %max3A_2438 : f32 to vector<16xf32>
        %max3A_2440 = arith.maximumf %add3A_2437, %max3A_2439 : vector<16xf32>
        %bitcast_convert_type3A_2441 = tpu.bitcast %max3A_2440 : vector<16xf32> -> vector<16xi32>
        %shift_right_arithmetic3A_2442 = arith.constant 1 : i32
        %shift_right_arithmetic3A_2443 = vector.broadcast %shift_right_arithmetic3A_2442 : i32 to vector<16xi32>
        %shift_right_arithmetic3A_2444 = arith.shrsi %bitcast_convert_type3A_2441, %shift_right_arithmetic3A_2443 : vector<16xi32>
        %sub3A_2445 = arith.constant 1597463007 : i32
        %sub3A_2446 = vector.broadcast %sub3A_2445 : i32 to vector<16xi32>
        %sub3A_2447 = arith.subi %sub3A_2446, %shift_right_arithmetic3A_2444 : vector<16xi32>
        %bitcast_convert_type3A_2448 = tpu.bitcast %sub3A_2447 : vector<16xi32> -> vector<16xf32>
        %mul3A_2449 = arith.constant 5.000000e-01 : f32
        %mul3A_2450 = vector.broadcast %mul3A_2449 : f32 to vector<16xf32>
        %mul3A_2451 = arith.mulf %mul3A_2450, %max3A_2440 : vector<16xf32>
        %mul3A_2452 = arith.mulf %mul3A_2451, %bitcast_convert_type3A_2448 : vector<16xf32>
        %mul3A_2453 = arith.mulf %mul3A_2452, %bitcast_convert_type3A_2448 : vector<16xf32>
        %sub3A_2454 = arith.constant 1.500000e+00 : f32
        %sub3A_2455 = vector.broadcast %sub3A_2454 : f32 to vector<16xf32>
        %sub3A_2456 = arith.subf %sub3A_2455, %mul3A_2453 : vector<16xf32>
        %mul3A_2457 = arith.mulf %bitcast_convert_type3A_2448, %sub3A_2456 : vector<16xf32>
        %mul3A_2458 = arith.mulf %mul3A_2451, %mul3A_2457 : vector<16xf32>
        %mul3A_2459 = arith.mulf %mul3A_2458, %mul3A_2457 : vector<16xf32>
        %sub3A_2460 = arith.constant 1.500000e+00 : f32
        %sub3A_2461 = vector.broadcast %sub3A_2460 : f32 to vector<16xf32>
        %sub3A_2462 = arith.subf %sub3A_2461, %mul3A_2459 : vector<16xf32>
        %mul3A_2463 = arith.mulf %mul3A_2457, %sub3A_2462 : vector<16xf32>
        %mul3A_2464 = arith.mulf %mul3A_2451, %mul3A_2463 : vector<16xf32>
        %mul3A_2465 = arith.mulf %mul3A_2464, %mul3A_2463 : vector<16xf32>
        %sub3A_2466 = arith.constant 1.500000e+00 : f32
        %sub3A_2467 = vector.broadcast %sub3A_2466 : f32 to vector<16xf32>
        %sub3A_2468 = arith.subf %sub3A_2467, %mul3A_2465 : vector<16xf32>
        %mul3A_2469 = arith.mulf %mul3A_2463, %sub3A_2468 : vector<16xf32>
        %mul3A_2470 = arith.mulf %add3A_2437, %mul3A_2469 : vector<16xf32>
        %slice3A_2471 = vector.extract_strided_slice %get3A_231 {offsets = [10], sizes = [1], strides = [1]} : vector<16xf32> to vector<1xf32>
        %squeeze3A_2472 = vector.extract %slice3A_2471[0] : f32 from vector<1xf32>
        %broadcast_in_dim3A_2473 = vector.broadcast %squeeze3A_2472 : f32 to vector<16xf32>
        %mul3A_2474 = arith.mulf %add3A_141, %broadcast_in_dim3A_2473 : vector<16xf32>
        %add3A_2475 = arith.addf %add3A_139, %mul3A_2474 : vector<16xf32>
        %mul3A_2476 = arith.mulf %add3A_145, %broadcast_in_dim3A_2473 : vector<16xf32>
        %add3A_2477 = arith.addf %add3A_143, %mul3A_2476 : vector<16xf32>
        %mul3A_2478 = arith.mulf %add3A_149, %broadcast_in_dim3A_2473 : vector<16xf32>
        %add3A_2479 = arith.addf %add3A_147, %mul3A_2478 : vector<16xf32>
        %mul3A_2480 = arith.mulf %add3A_153, %broadcast_in_dim3A_2473 : vector<16xf32>
        %add3A_2481 = arith.addf %add3A_151, %mul3A_2480 : vector<16xf32>
        %mul3A_2482 = arith.mulf %mul3A_2470, %add3A_2475 : vector<16xf32>
        %sub3A_2483 = arith.constant 1.000000e+00 : f32
        %sub3A_2484 = vector.broadcast %sub3A_2483 : f32 to vector<16xf32>
        %sub3A_2485 = arith.subf %sub3A_2484, %mul3A_2482 : vector<16xf32>
        %lt3A_2486 = arith.cmpf olt, %add3A_2437, %broadcast_in_dim3A_64 : vector<16xf32>
        %gt3A_2487 = arith.constant 0.000000e+00 : f32
        %gt3A_2488 = vector.broadcast %gt3A_2487 : f32 to vector<16xf32>
        %gt3A_2489 = arith.cmpf ogt, %sub3A_2485, %gt3A_2488 : vector<16xf32>
        %and3A_2490 = arith.andi %lt3A_2486, %gt3A_2489 : vector<16xi1>
        %ne3A_2491 = vector.broadcast %add3A_2351 : i32 to vector<16xi32>
        %ne3A_2492 = arith.cmpi ne, %add3A_137, %ne3A_2491 : vector<16xi32>
        %and3A_2493 = arith.andi %and3A_2490, %ne3A_2492 : vector<16xi1>
        %jit3A_2494 = arith.constant 5.000000e-01 : f32
        %broadcast_in_dim3A_2495 = vector.broadcast %jit3A_2494 : f32 to vector<16xf32>
        %select_n3A_2496 = arith.select %and3A_2493, %sub3A_2485, %broadcast_in_dim3A_2495 : vector<16xi1>, vector<16xf32>
        %bitcast_convert_type3A_2497 = tpu.bitcast %select_n3A_2496 : vector<16xf32> -> vector<16xi32>
        %shift_right_arithmetic3A_2498 = arith.constant 23 : i32
        %shift_right_arithmetic3A_2499 = vector.broadcast %shift_right_arithmetic3A_2498 : i32 to vector<16xi32>
        %shift_right_arithmetic3A_2500 = arith.shrsi %bitcast_convert_type3A_2497, %shift_right_arithmetic3A_2499 : vector<16xi32>
        %and3A_2501 = arith.constant 255 : i32
        %and3A_2502 = vector.broadcast %and3A_2501 : i32 to vector<16xi32>
        %and3A_2503 = arith.andi %shift_right_arithmetic3A_2500, %and3A_2502 : vector<16xi32>
        %sub3A_2504 = arith.constant 127 : i32
        %sub3A_2505 = vector.broadcast %sub3A_2504 : i32 to vector<16xi32>
        %sub3A_2506 = arith.subi %and3A_2503, %sub3A_2505 : vector<16xi32>
        %and3A_2507 = arith.constant 8388607 : i32
        %and3A_2508 = vector.broadcast %and3A_2507 : i32 to vector<16xi32>
        %and3A_2509 = arith.andi %bitcast_convert_type3A_2497, %and3A_2508 : vector<16xi32>
        %or3A_2510 = arith.constant 1065353216 : i32
        %or3A_2511 = vector.broadcast %or3A_2510 : i32 to vector<16xi32>
        %or3A_2512 = arith.ori %and3A_2509, %or3A_2511 : vector<16xi32>
        %bitcast_convert_type3A_2513 = tpu.bitcast %or3A_2512 : vector<16xi32> -> vector<16xf32>
        %sub3A_2514 = arith.constant 1.000000e+00 : f32
        %sub3A_2515 = vector.broadcast %sub3A_2514 : f32 to vector<16xf32>
        %sub3A_2516 = arith.subf %bitcast_convert_type3A_2513, %sub3A_2515 : vector<16xf32>
        %add3A_2517 = arith.constant 1.000000e+00 : f32
        %add3A_2518 = vector.broadcast %add3A_2517 : f32 to vector<16xf32>
        %add3A_2519 = arith.addf %bitcast_convert_type3A_2513, %add3A_2518 : vector<16xf32>
        %div3A_2520 = arith.divf %sub3A_2516, %add3A_2519 : vector<16xf32>
        %mul3A_2521 = arith.mulf %div3A_2520, %div3A_2520 : vector<16xf32>
        %mul3A_2522 = arith.constant 0.285714298 : f32
        %mul3A_2523 = vector.broadcast %mul3A_2522 : f32 to vector<16xf32>
        %mul3A_2524 = arith.mulf %mul3A_2521, %mul3A_2523 : vector<16xf32>
        %add3A_2525 = arith.constant 4.000000e-01 : f32
        %add3A_2526 = vector.broadcast %add3A_2525 : f32 to vector<16xf32>
        %add3A_2527 = arith.addf %add3A_2526, %mul3A_2524 : vector<16xf32>
        %mul3A_2528 = arith.mulf %mul3A_2521, %add3A_2527 : vector<16xf32>
        %add3A_2529 = arith.constant 0.666666686 : f32
        %add3A_2530 = vector.broadcast %add3A_2529 : f32 to vector<16xf32>
        %add3A_2531 = arith.addf %add3A_2530, %mul3A_2528 : vector<16xf32>
        %mul3A_2532 = arith.mulf %mul3A_2521, %add3A_2531 : vector<16xf32>
        %add3A_2533 = arith.constant 2.000000e+00 : f32
        %add3A_2534 = vector.broadcast %add3A_2533 : f32 to vector<16xf32>
        %add3A_2535 = arith.addf %add3A_2534, %mul3A_2532 : vector<16xf32>
        %mul3A_2536 = arith.mulf %div3A_2520, %add3A_2535 : vector<16xf32>
        %convert_element_type3A_2537 = arith.sitofp %sub3A_2506 : vector<16xi32> to vector<16xf32>
        %mul3A_2538 = arith.constant 0.693147182 : f32
        %mul3A_2539 = vector.broadcast %mul3A_2538 : f32 to vector<16xf32>
        %mul3A_2540 = arith.mulf %convert_element_type3A_2537, %mul3A_2539 : vector<16xf32>
        %add3A_2541 = arith.addf %mul3A_2540, %mul3A_2536 : vector<16xf32>
        %mul3A_2542 = arith.mulf %add3A_2477, %add3A_2541 : vector<16xf32>
        %exp3A_2543 = math.exp %mul3A_2542 : vector<16xf32>
        %div3A_2544 = arith.divf %exp3A_2543, %select_n3A_2496 : vector<16xf32>
        %mul3A_2545 = arith.mulf %add3A_2479, %exp3A_2543 : vector<16xf32>
        %jit3A_2546 = arith.constant 0.000000e+00 : f32
        %broadcast_in_dim3A_2547 = vector.broadcast %jit3A_2546 : f32 to vector<16xf32>
        %select_n3A_2548 = arith.select %and3A_2493, %mul3A_2545, %broadcast_in_dim3A_2547 : vector<16xi1>, vector<16xf32>
        %mul3A_2549 = arith.mulf %add3A_2481, %div3A_2544 : vector<16xf32>
        %mul3A_2550 = arith.mulf %mul3A_2549, %mul3A_2469 : vector<16xf32>
        %jit3A_2551 = arith.constant 0.000000e+00 : f32
        %broadcast_in_dim3A_2552 = vector.broadcast %jit3A_2551 : f32 to vector<16xf32>
        %select_n3A_2553 = arith.select %and3A_2493, %mul3A_2550, %broadcast_in_dim3A_2552 : vector<16xi1>, vector<16xf32>
        %mul3A_2554 = arith.mulf %select_n3A_2553, %sub3A_2374 : vector<16xf32>
        %add3A_2555 = arith.addf %add3A_2342, %mul3A_2554 : vector<16xf32>
        %mul3A_2556 = arith.mulf %select_n3A_2553, %sub3A_2397 : vector<16xf32>
        %add3A_2557 = arith.addf %add3A_2344, %mul3A_2556 : vector<16xf32>
        %mul3A_2558 = arith.mulf %select_n3A_2553, %sub3A_2420 : vector<16xf32>
        %add3A_2559 = arith.addf %add3A_2346, %mul3A_2558 : vector<16xf32>
        %add3A_2560 = arith.addf %add3A_2347, %select_n3A_2548 : vector<16xf32>
        %mul3A_2561 = arith.constant 16 : i32
        %mul3A_2562 = arith.muli %scan3A_207, %mul3A_2561 : i32
        %add3A_2563 = arith.constant 11 : i32
        %add3A_2564 = arith.addi %mul3A_2562, %add3A_2563 : i32
        %slice3A_2565 = vector.extract_strided_slice %get3A_216 {offsets = [11], sizes = [1], strides = [1]} : vector<16xf32> to vector<1xf32>
        %squeeze3A_2566 = vector.extract %slice3A_2565[0] : f32 from vector<1xf32>
        %broadcast_in_dim3A_2567 = vector.broadcast %squeeze3A_2566 : f32 to vector<16xf32>
        %sub3A_2568 = arith.subf %broadcast_in_dim3A_2567, %get3A_126 : vector<16xf32>
        %gt3A_2569 = arith.constant 5.000000e-01 : f32
        %gt3A_2570 = vector.broadcast %gt3A_2569 : f32 to vector<16xf32>
        %gt3A_2571 = arith.cmpf ogt, %sub3A_2568, %gt3A_2570 : vector<16xf32>
        %jit3A_2572 = arith.constant 1.000000e+00 : f32
        %jit3A_2573 = arith.constant 0.000000e+00 : f32
        %broadcast_in_dim3A_2574 = vector.broadcast %jit3A_2572 : f32 to vector<16xf32>
        %broadcast_in_dim3A_2575 = vector.broadcast %jit3A_2573 : f32 to vector<16xf32>
        %select_n3A_2576 = arith.select %gt3A_2571, %broadcast_in_dim3A_2574, %broadcast_in_dim3A_2575 : vector<16xi1>, vector<16xf32>
        %lt3A_2577 = arith.constant -5.000000e-01 : f32
        %lt3A_2578 = vector.broadcast %lt3A_2577 : f32 to vector<16xf32>
        %lt3A_2579 = arith.cmpf olt, %sub3A_2568, %lt3A_2578 : vector<16xf32>
        %jit3A_2580 = arith.constant 1.000000e+00 : f32
        %jit3A_2581 = arith.constant 0.000000e+00 : f32
        %broadcast_in_dim3A_2582 = vector.broadcast %jit3A_2580 : f32 to vector<16xf32>
        %broadcast_in_dim3A_2583 = vector.broadcast %jit3A_2581 : f32 to vector<16xf32>
        %select_n3A_2584 = arith.select %lt3A_2579, %broadcast_in_dim3A_2582, %broadcast_in_dim3A_2583 : vector<16xi1>, vector<16xf32>
        %sub3A_2585 = arith.subf %select_n3A_2576, %select_n3A_2584 : vector<16xf32>
        %mul3A_2586 = arith.mulf %sub3A_2585, %broadcast_in_dim3A_28 : vector<16xf32>
        %sub3A_2587 = arith.subf %sub3A_2568, %mul3A_2586 : vector<16xf32>
        %slice3A_2588 = vector.extract_strided_slice %get3A_221 {offsets = [11], sizes = [1], strides = [1]} : vector<16xf32> to vector<1xf32>
        %squeeze3A_2589 = vector.extract %slice3A_2588[0] : f32 from vector<1xf32>
        %broadcast_in_dim3A_2590 = vector.broadcast %squeeze3A_2589 : f32 to vector<16xf32>
        %sub3A_2591 = arith.subf %broadcast_in_dim3A_2590, %get3A_129 : vector<16xf32>
        %gt3A_2592 = arith.constant 5.000000e-01 : f32
        %gt3A_2593 = vector.broadcast %gt3A_2592 : f32 to vector<16xf32>
        %gt3A_2594 = arith.cmpf ogt, %sub3A_2591, %gt3A_2593 : vector<16xf32>
        %jit3A_2595 = arith.constant 1.000000e+00 : f32
        %jit3A_2596 = arith.constant 0.000000e+00 : f32
        %broadcast_in_dim3A_2597 = vector.broadcast %jit3A_2595 : f32 to vector<16xf32>
        %broadcast_in_dim3A_2598 = vector.broadcast %jit3A_2596 : f32 to vector<16xf32>
        %select_n3A_2599 = arith.select %gt3A_2594, %broadcast_in_dim3A_2597, %broadcast_in_dim3A_2598 : vector<16xi1>, vector<16xf32>
        %lt3A_2600 = arith.constant -5.000000e-01 : f32
        %lt3A_2601 = vector.broadcast %lt3A_2600 : f32 to vector<16xf32>
        %lt3A_2602 = arith.cmpf olt, %sub3A_2591, %lt3A_2601 : vector<16xf32>
        %jit3A_2603 = arith.constant 1.000000e+00 : f32
        %jit3A_2604 = arith.constant 0.000000e+00 : f32
        %broadcast_in_dim3A_2605 = vector.broadcast %jit3A_2603 : f32 to vector<16xf32>
        %broadcast_in_dim3A_2606 = vector.broadcast %jit3A_2604 : f32 to vector<16xf32>
        %select_n3A_2607 = arith.select %lt3A_2602, %broadcast_in_dim3A_2605, %broadcast_in_dim3A_2606 : vector<16xi1>, vector<16xf32>
        %sub3A_2608 = arith.subf %select_n3A_2599, %select_n3A_2607 : vector<16xf32>
        %mul3A_2609 = arith.mulf %sub3A_2608, %broadcast_in_dim3A_31 : vector<16xf32>
        %sub3A_2610 = arith.subf %sub3A_2591, %mul3A_2609 : vector<16xf32>
        %slice3A_2611 = vector.extract_strided_slice %get3A_226 {offsets = [11], sizes = [1], strides = [1]} : vector<16xf32> to vector<1xf32>
        %squeeze3A_2612 = vector.extract %slice3A_2611[0] : f32 from vector<1xf32>
        %broadcast_in_dim3A_2613 = vector.broadcast %squeeze3A_2612 : f32 to vector<16xf32>
        %sub3A_2614 = arith.subf %broadcast_in_dim3A_2613, %get3A_132 : vector<16xf32>
        %gt3A_2615 = arith.constant 5.000000e-01 : f32
        %gt3A_2616 = vector.broadcast %gt3A_2615 : f32 to vector<16xf32>
        %gt3A_2617 = arith.cmpf ogt, %sub3A_2614, %gt3A_2616 : vector<16xf32>
        %jit3A_2618 = arith.constant 1.000000e+00 : f32
        %jit3A_2619 = arith.constant 0.000000e+00 : f32
        %broadcast_in_dim3A_2620 = vector.broadcast %jit3A_2618 : f32 to vector<16xf32>
        %broadcast_in_dim3A_2621 = vector.broadcast %jit3A_2619 : f32 to vector<16xf32>
        %select_n3A_2622 = arith.select %gt3A_2617, %broadcast_in_dim3A_2620, %broadcast_in_dim3A_2621 : vector<16xi1>, vector<16xf32>
        %lt3A_2623 = arith.constant -5.000000e-01 : f32
        %lt3A_2624 = vector.broadcast %lt3A_2623 : f32 to vector<16xf32>
        %lt3A_2625 = arith.cmpf olt, %sub3A_2614, %lt3A_2624 : vector<16xf32>
        %jit3A_2626 = arith.constant 1.000000e+00 : f32
        %jit3A_2627 = arith.constant 0.000000e+00 : f32
        %broadcast_in_dim3A_2628 = vector.broadcast %jit3A_2626 : f32 to vector<16xf32>
        %broadcast_in_dim3A_2629 = vector.broadcast %jit3A_2627 : f32 to vector<16xf32>
        %select_n3A_2630 = arith.select %lt3A_2625, %broadcast_in_dim3A_2628, %broadcast_in_dim3A_2629 : vector<16xi1>, vector<16xf32>
        %sub3A_2631 = arith.subf %select_n3A_2622, %select_n3A_2630 : vector<16xf32>
        %mul3A_2632 = arith.mulf %sub3A_2631, %broadcast_in_dim3A_34 : vector<16xf32>
        %sub3A_2633 = arith.subf %sub3A_2614, %mul3A_2632 : vector<16xf32>
        %mul3A_2634 = arith.mulf %broadcast_in_dim3A, %sub3A_2587 : vector<16xf32>
        %mul3A_2635 = arith.mulf %mul3A_2634, %sub3A_2587 : vector<16xf32>
        %mul3A_2636 = arith.mulf %broadcast_in_dim3A_13, %sub3A_2610 : vector<16xf32>
        %mul3A_2637 = arith.mulf %mul3A_2636, %sub3A_2610 : vector<16xf32>
        %add3A_2638 = arith.addf %mul3A_2635, %mul3A_2637 : vector<16xf32>
        %mul3A_2639 = arith.mulf %broadcast_in_dim3A_16, %sub3A_2633 : vector<16xf32>
        %mul3A_2640 = arith.mulf %mul3A_2639, %sub3A_2633 : vector<16xf32>
        %add3A_2641 = arith.addf %add3A_2638, %mul3A_2640 : vector<16xf32>
        %mul3A_2642 = arith.mulf %broadcast_in_dim3A_19, %sub3A_2587 : vector<16xf32>
        %mul3A_2643 = arith.mulf %mul3A_2642, %sub3A_2610 : vector<16xf32>
        %add3A_2644 = arith.addf %add3A_2641, %mul3A_2643 : vector<16xf32>
        %mul3A_2645 = arith.mulf %broadcast_in_dim3A_22, %sub3A_2587 : vector<16xf32>
        %mul3A_2646 = arith.mulf %mul3A_2645, %sub3A_2633 : vector<16xf32>
        %add3A_2647 = arith.addf %add3A_2644, %mul3A_2646 : vector<16xf32>
        %mul3A_2648 = arith.mulf %broadcast_in_dim3A_25, %sub3A_2610 : vector<16xf32>
        %mul3A_2649 = arith.mulf %mul3A_2648, %sub3A_2633 : vector<16xf32>
        %add3A_2650 = arith.addf %add3A_2647, %mul3A_2649 : vector<16xf32>
        %max3A_2651 = arith.constant 9.99999996E-13 : f32
        %max3A_2652 = vector.broadcast %max3A_2651 : f32 to vector<16xf32>
        %max3A_2653 = arith.maximumf %add3A_2650, %max3A_2652 : vector<16xf32>
        %bitcast_convert_type3A_2654 = tpu.bitcast %max3A_2653 : vector<16xf32> -> vector<16xi32>
        %shift_right_arithmetic3A_2655 = arith.constant 1 : i32
        %shift_right_arithmetic3A_2656 = vector.broadcast %shift_right_arithmetic3A_2655 : i32 to vector<16xi32>
        %shift_right_arithmetic3A_2657 = arith.shrsi %bitcast_convert_type3A_2654, %shift_right_arithmetic3A_2656 : vector<16xi32>
        %sub3A_2658 = arith.constant 1597463007 : i32
        %sub3A_2659 = vector.broadcast %sub3A_2658 : i32 to vector<16xi32>
        %sub3A_2660 = arith.subi %sub3A_2659, %shift_right_arithmetic3A_2657 : vector<16xi32>
        %bitcast_convert_type3A_2661 = tpu.bitcast %sub3A_2660 : vector<16xi32> -> vector<16xf32>
        %mul3A_2662 = arith.constant 5.000000e-01 : f32
        %mul3A_2663 = vector.broadcast %mul3A_2662 : f32 to vector<16xf32>
        %mul3A_2664 = arith.mulf %mul3A_2663, %max3A_2653 : vector<16xf32>
        %mul3A_2665 = arith.mulf %mul3A_2664, %bitcast_convert_type3A_2661 : vector<16xf32>
        %mul3A_2666 = arith.mulf %mul3A_2665, %bitcast_convert_type3A_2661 : vector<16xf32>
        %sub3A_2667 = arith.constant 1.500000e+00 : f32
        %sub3A_2668 = vector.broadcast %sub3A_2667 : f32 to vector<16xf32>
        %sub3A_2669 = arith.subf %sub3A_2668, %mul3A_2666 : vector<16xf32>
        %mul3A_2670 = arith.mulf %bitcast_convert_type3A_2661, %sub3A_2669 : vector<16xf32>
        %mul3A_2671 = arith.mulf %mul3A_2664, %mul3A_2670 : vector<16xf32>
        %mul3A_2672 = arith.mulf %mul3A_2671, %mul3A_2670 : vector<16xf32>
        %sub3A_2673 = arith.constant 1.500000e+00 : f32
        %sub3A_2674 = vector.broadcast %sub3A_2673 : f32 to vector<16xf32>
        %sub3A_2675 = arith.subf %sub3A_2674, %mul3A_2672 : vector<16xf32>
        %mul3A_2676 = arith.mulf %mul3A_2670, %sub3A_2675 : vector<16xf32>
        %mul3A_2677 = arith.mulf %mul3A_2664, %mul3A_2676 : vector<16xf32>
        %mul3A_2678 = arith.mulf %mul3A_2677, %mul3A_2676 : vector<16xf32>
        %sub3A_2679 = arith.constant 1.500000e+00 : f32
        %sub3A_2680 = vector.broadcast %sub3A_2679 : f32 to vector<16xf32>
        %sub3A_2681 = arith.subf %sub3A_2680, %mul3A_2678 : vector<16xf32>
        %mul3A_2682 = arith.mulf %mul3A_2676, %sub3A_2681 : vector<16xf32>
        %mul3A_2683 = arith.mulf %add3A_2650, %mul3A_2682 : vector<16xf32>
        %slice3A_2684 = vector.extract_strided_slice %get3A_231 {offsets = [11], sizes = [1], strides = [1]} : vector<16xf32> to vector<1xf32>
        %squeeze3A_2685 = vector.extract %slice3A_2684[0] : f32 from vector<1xf32>
        %broadcast_in_dim3A_2686 = vector.broadcast %squeeze3A_2685 : f32 to vector<16xf32>
        %mul3A_2687 = arith.mulf %add3A_141, %broadcast_in_dim3A_2686 : vector<16xf32>
        %add3A_2688 = arith.addf %add3A_139, %mul3A_2687 : vector<16xf32>
        %mul3A_2689 = arith.mulf %add3A_145, %broadcast_in_dim3A_2686 : vector<16xf32>
        %add3A_2690 = arith.addf %add3A_143, %mul3A_2689 : vector<16xf32>
        %mul3A_2691 = arith.mulf %add3A_149, %broadcast_in_dim3A_2686 : vector<16xf32>
        %add3A_2692 = arith.addf %add3A_147, %mul3A_2691 : vector<16xf32>
        %mul3A_2693 = arith.mulf %add3A_153, %broadcast_in_dim3A_2686 : vector<16xf32>
        %add3A_2694 = arith.addf %add3A_151, %mul3A_2693 : vector<16xf32>
        %mul3A_2695 = arith.mulf %mul3A_2683, %add3A_2688 : vector<16xf32>
        %sub3A_2696 = arith.constant 1.000000e+00 : f32
        %sub3A_2697 = vector.broadcast %sub3A_2696 : f32 to vector<16xf32>
        %sub3A_2698 = arith.subf %sub3A_2697, %mul3A_2695 : vector<16xf32>
        %lt3A_2699 = arith.cmpf olt, %add3A_2650, %broadcast_in_dim3A_64 : vector<16xf32>
        %gt3A_2700 = arith.constant 0.000000e+00 : f32
        %gt3A_2701 = vector.broadcast %gt3A_2700 : f32 to vector<16xf32>
        %gt3A_2702 = arith.cmpf ogt, %sub3A_2698, %gt3A_2701 : vector<16xf32>
        %and3A_2703 = arith.andi %lt3A_2699, %gt3A_2702 : vector<16xi1>
        %ne3A_2704 = vector.broadcast %add3A_2564 : i32 to vector<16xi32>
        %ne3A_2705 = arith.cmpi ne, %add3A_137, %ne3A_2704 : vector<16xi32>
        %and3A_2706 = arith.andi %and3A_2703, %ne3A_2705 : vector<16xi1>
        %jit3A_2707 = arith.constant 5.000000e-01 : f32
        %broadcast_in_dim3A_2708 = vector.broadcast %jit3A_2707 : f32 to vector<16xf32>
        %select_n3A_2709 = arith.select %and3A_2706, %sub3A_2698, %broadcast_in_dim3A_2708 : vector<16xi1>, vector<16xf32>
        %bitcast_convert_type3A_2710 = tpu.bitcast %select_n3A_2709 : vector<16xf32> -> vector<16xi32>
        %shift_right_arithmetic3A_2711 = arith.constant 23 : i32
        %shift_right_arithmetic3A_2712 = vector.broadcast %shift_right_arithmetic3A_2711 : i32 to vector<16xi32>
        %shift_right_arithmetic3A_2713 = arith.shrsi %bitcast_convert_type3A_2710, %shift_right_arithmetic3A_2712 : vector<16xi32>
        %and3A_2714 = arith.constant 255 : i32
        %and3A_2715 = vector.broadcast %and3A_2714 : i32 to vector<16xi32>
        %and3A_2716 = arith.andi %shift_right_arithmetic3A_2713, %and3A_2715 : vector<16xi32>
        %sub3A_2717 = arith.constant 127 : i32
        %sub3A_2718 = vector.broadcast %sub3A_2717 : i32 to vector<16xi32>
        %sub3A_2719 = arith.subi %and3A_2716, %sub3A_2718 : vector<16xi32>
        %and3A_2720 = arith.constant 8388607 : i32
        %and3A_2721 = vector.broadcast %and3A_2720 : i32 to vector<16xi32>
        %and3A_2722 = arith.andi %bitcast_convert_type3A_2710, %and3A_2721 : vector<16xi32>
        %or3A_2723 = arith.constant 1065353216 : i32
        %or3A_2724 = vector.broadcast %or3A_2723 : i32 to vector<16xi32>
        %or3A_2725 = arith.ori %and3A_2722, %or3A_2724 : vector<16xi32>
        %bitcast_convert_type3A_2726 = tpu.bitcast %or3A_2725 : vector<16xi32> -> vector<16xf32>
        %sub3A_2727 = arith.constant 1.000000e+00 : f32
        %sub3A_2728 = vector.broadcast %sub3A_2727 : f32 to vector<16xf32>
        %sub3A_2729 = arith.subf %bitcast_convert_type3A_2726, %sub3A_2728 : vector<16xf32>
        %add3A_2730 = arith.constant 1.000000e+00 : f32
        %add3A_2731 = vector.broadcast %add3A_2730 : f32 to vector<16xf32>
        %add3A_2732 = arith.addf %bitcast_convert_type3A_2726, %add3A_2731 : vector<16xf32>
        %div3A_2733 = arith.divf %sub3A_2729, %add3A_2732 : vector<16xf32>
        %mul3A_2734 = arith.mulf %div3A_2733, %div3A_2733 : vector<16xf32>
        %mul3A_2735 = arith.constant 0.285714298 : f32
        %mul3A_2736 = vector.broadcast %mul3A_2735 : f32 to vector<16xf32>
        %mul3A_2737 = arith.mulf %mul3A_2734, %mul3A_2736 : vector<16xf32>
        %add3A_2738 = arith.constant 4.000000e-01 : f32
        %add3A_2739 = vector.broadcast %add3A_2738 : f32 to vector<16xf32>
        %add3A_2740 = arith.addf %add3A_2739, %mul3A_2737 : vector<16xf32>
        %mul3A_2741 = arith.mulf %mul3A_2734, %add3A_2740 : vector<16xf32>
        %add3A_2742 = arith.constant 0.666666686 : f32
        %add3A_2743 = vector.broadcast %add3A_2742 : f32 to vector<16xf32>
        %add3A_2744 = arith.addf %add3A_2743, %mul3A_2741 : vector<16xf32>
        %mul3A_2745 = arith.mulf %mul3A_2734, %add3A_2744 : vector<16xf32>
        %add3A_2746 = arith.constant 2.000000e+00 : f32
        %add3A_2747 = vector.broadcast %add3A_2746 : f32 to vector<16xf32>
        %add3A_2748 = arith.addf %add3A_2747, %mul3A_2745 : vector<16xf32>
        %mul3A_2749 = arith.mulf %div3A_2733, %add3A_2748 : vector<16xf32>
        %convert_element_type3A_2750 = arith.sitofp %sub3A_2719 : vector<16xi32> to vector<16xf32>
        %mul3A_2751 = arith.constant 0.693147182 : f32
        %mul3A_2752 = vector.broadcast %mul3A_2751 : f32 to vector<16xf32>
        %mul3A_2753 = arith.mulf %convert_element_type3A_2750, %mul3A_2752 : vector<16xf32>
        %add3A_2754 = arith.addf %mul3A_2753, %mul3A_2749 : vector<16xf32>
        %mul3A_2755 = arith.mulf %add3A_2690, %add3A_2754 : vector<16xf32>
        %exp3A_2756 = math.exp %mul3A_2755 : vector<16xf32>
        %div3A_2757 = arith.divf %exp3A_2756, %select_n3A_2709 : vector<16xf32>
        %mul3A_2758 = arith.mulf %add3A_2692, %exp3A_2756 : vector<16xf32>
        %jit3A_2759 = arith.constant 0.000000e+00 : f32
        %broadcast_in_dim3A_2760 = vector.broadcast %jit3A_2759 : f32 to vector<16xf32>
        %select_n3A_2761 = arith.select %and3A_2706, %mul3A_2758, %broadcast_in_dim3A_2760 : vector<16xi1>, vector<16xf32>
        %mul3A_2762 = arith.mulf %add3A_2694, %div3A_2757 : vector<16xf32>
        %mul3A_2763 = arith.mulf %mul3A_2762, %mul3A_2682 : vector<16xf32>
        %jit3A_2764 = arith.constant 0.000000e+00 : f32
        %broadcast_in_dim3A_2765 = vector.broadcast %jit3A_2764 : f32 to vector<16xf32>
        %select_n3A_2766 = arith.select %and3A_2706, %mul3A_2763, %broadcast_in_dim3A_2765 : vector<16xi1>, vector<16xf32>
        %mul3A_2767 = arith.mulf %select_n3A_2766, %sub3A_2587 : vector<16xf32>
        %add3A_2768 = arith.addf %add3A_2555, %mul3A_2767 : vector<16xf32>
        %mul3A_2769 = arith.mulf %select_n3A_2766, %sub3A_2610 : vector<16xf32>
        %add3A_2770 = arith.addf %add3A_2557, %mul3A_2769 : vector<16xf32>
        %mul3A_2771 = arith.mulf %select_n3A_2766, %sub3A_2633 : vector<16xf32>
        %add3A_2772 = arith.addf %add3A_2559, %mul3A_2771 : vector<16xf32>
        %add3A_2773 = arith.addf %add3A_2560, %select_n3A_2761 : vector<16xf32>
        %mul3A_2774 = arith.constant 16 : i32
        %mul3A_2775 = arith.muli %scan3A_207, %mul3A_2774 : i32
        %add3A_2776 = arith.constant 12 : i32
        %add3A_2777 = arith.addi %mul3A_2775, %add3A_2776 : i32
        %slice3A_2778 = vector.extract_strided_slice %get3A_216 {offsets = [12], sizes = [1], strides = [1]} : vector<16xf32> to vector<1xf32>
        %squeeze3A_2779 = vector.extract %slice3A_2778[0] : f32 from vector<1xf32>
        %broadcast_in_dim3A_2780 = vector.broadcast %squeeze3A_2779 : f32 to vector<16xf32>
        %sub3A_2781 = arith.subf %broadcast_in_dim3A_2780, %get3A_126 : vector<16xf32>
        %gt3A_2782 = arith.constant 5.000000e-01 : f32
        %gt3A_2783 = vector.broadcast %gt3A_2782 : f32 to vector<16xf32>
        %gt3A_2784 = arith.cmpf ogt, %sub3A_2781, %gt3A_2783 : vector<16xf32>
        %jit3A_2785 = arith.constant 1.000000e+00 : f32
        %jit3A_2786 = arith.constant 0.000000e+00 : f32
        %broadcast_in_dim3A_2787 = vector.broadcast %jit3A_2785 : f32 to vector<16xf32>
        %broadcast_in_dim3A_2788 = vector.broadcast %jit3A_2786 : f32 to vector<16xf32>
        %select_n3A_2789 = arith.select %gt3A_2784, %broadcast_in_dim3A_2787, %broadcast_in_dim3A_2788 : vector<16xi1>, vector<16xf32>
        %lt3A_2790 = arith.constant -5.000000e-01 : f32
        %lt3A_2791 = vector.broadcast %lt3A_2790 : f32 to vector<16xf32>
        %lt3A_2792 = arith.cmpf olt, %sub3A_2781, %lt3A_2791 : vector<16xf32>
        %jit3A_2793 = arith.constant 1.000000e+00 : f32
        %jit3A_2794 = arith.constant 0.000000e+00 : f32
        %broadcast_in_dim3A_2795 = vector.broadcast %jit3A_2793 : f32 to vector<16xf32>
        %broadcast_in_dim3A_2796 = vector.broadcast %jit3A_2794 : f32 to vector<16xf32>
        %select_n3A_2797 = arith.select %lt3A_2792, %broadcast_in_dim3A_2795, %broadcast_in_dim3A_2796 : vector<16xi1>, vector<16xf32>
        %sub3A_2798 = arith.subf %select_n3A_2789, %select_n3A_2797 : vector<16xf32>
        %mul3A_2799 = arith.mulf %sub3A_2798, %broadcast_in_dim3A_28 : vector<16xf32>
        %sub3A_2800 = arith.subf %sub3A_2781, %mul3A_2799 : vector<16xf32>
        %slice3A_2801 = vector.extract_strided_slice %get3A_221 {offsets = [12], sizes = [1], strides = [1]} : vector<16xf32> to vector<1xf32>
        %squeeze3A_2802 = vector.extract %slice3A_2801[0] : f32 from vector<1xf32>
        %broadcast_in_dim3A_2803 = vector.broadcast %squeeze3A_2802 : f32 to vector<16xf32>
        %sub3A_2804 = arith.subf %broadcast_in_dim3A_2803, %get3A_129 : vector<16xf32>
        %gt3A_2805 = arith.constant 5.000000e-01 : f32
        %gt3A_2806 = vector.broadcast %gt3A_2805 : f32 to vector<16xf32>
        %gt3A_2807 = arith.cmpf ogt, %sub3A_2804, %gt3A_2806 : vector<16xf32>
        %jit3A_2808 = arith.constant 1.000000e+00 : f32
        %jit3A_2809 = arith.constant 0.000000e+00 : f32
        %broadcast_in_dim3A_2810 = vector.broadcast %jit3A_2808 : f32 to vector<16xf32>
        %broadcast_in_dim3A_2811 = vector.broadcast %jit3A_2809 : f32 to vector<16xf32>
        %select_n3A_2812 = arith.select %gt3A_2807, %broadcast_in_dim3A_2810, %broadcast_in_dim3A_2811 : vector<16xi1>, vector<16xf32>
        %lt3A_2813 = arith.constant -5.000000e-01 : f32
        %lt3A_2814 = vector.broadcast %lt3A_2813 : f32 to vector<16xf32>
        %lt3A_2815 = arith.cmpf olt, %sub3A_2804, %lt3A_2814 : vector<16xf32>
        %jit3A_2816 = arith.constant 1.000000e+00 : f32
        %jit3A_2817 = arith.constant 0.000000e+00 : f32
        %broadcast_in_dim3A_2818 = vector.broadcast %jit3A_2816 : f32 to vector<16xf32>
        %broadcast_in_dim3A_2819 = vector.broadcast %jit3A_2817 : f32 to vector<16xf32>
        %select_n3A_2820 = arith.select %lt3A_2815, %broadcast_in_dim3A_2818, %broadcast_in_dim3A_2819 : vector<16xi1>, vector<16xf32>
        %sub3A_2821 = arith.subf %select_n3A_2812, %select_n3A_2820 : vector<16xf32>
        %mul3A_2822 = arith.mulf %sub3A_2821, %broadcast_in_dim3A_31 : vector<16xf32>
        %sub3A_2823 = arith.subf %sub3A_2804, %mul3A_2822 : vector<16xf32>
        %slice3A_2824 = vector.extract_strided_slice %get3A_226 {offsets = [12], sizes = [1], strides = [1]} : vector<16xf32> to vector<1xf32>
        %squeeze3A_2825 = vector.extract %slice3A_2824[0] : f32 from vector<1xf32>
        %broadcast_in_dim3A_2826 = vector.broadcast %squeeze3A_2825 : f32 to vector<16xf32>
        %sub3A_2827 = arith.subf %broadcast_in_dim3A_2826, %get3A_132 : vector<16xf32>
        %gt3A_2828 = arith.constant 5.000000e-01 : f32
        %gt3A_2829 = vector.broadcast %gt3A_2828 : f32 to vector<16xf32>
        %gt3A_2830 = arith.cmpf ogt, %sub3A_2827, %gt3A_2829 : vector<16xf32>
        %jit3A_2831 = arith.constant 1.000000e+00 : f32
        %jit3A_2832 = arith.constant 0.000000e+00 : f32
        %broadcast_in_dim3A_2833 = vector.broadcast %jit3A_2831 : f32 to vector<16xf32>
        %broadcast_in_dim3A_2834 = vector.broadcast %jit3A_2832 : f32 to vector<16xf32>
        %select_n3A_2835 = arith.select %gt3A_2830, %broadcast_in_dim3A_2833, %broadcast_in_dim3A_2834 : vector<16xi1>, vector<16xf32>
        %lt3A_2836 = arith.constant -5.000000e-01 : f32
        %lt3A_2837 = vector.broadcast %lt3A_2836 : f32 to vector<16xf32>
        %lt3A_2838 = arith.cmpf olt, %sub3A_2827, %lt3A_2837 : vector<16xf32>
        %jit3A_2839 = arith.constant 1.000000e+00 : f32
        %jit3A_2840 = arith.constant 0.000000e+00 : f32
        %broadcast_in_dim3A_2841 = vector.broadcast %jit3A_2839 : f32 to vector<16xf32>
        %broadcast_in_dim3A_2842 = vector.broadcast %jit3A_2840 : f32 to vector<16xf32>
        %select_n3A_2843 = arith.select %lt3A_2838, %broadcast_in_dim3A_2841, %broadcast_in_dim3A_2842 : vector<16xi1>, vector<16xf32>
        %sub3A_2844 = arith.subf %select_n3A_2835, %select_n3A_2843 : vector<16xf32>
        %mul3A_2845 = arith.mulf %sub3A_2844, %broadcast_in_dim3A_34 : vector<16xf32>
        %sub3A_2846 = arith.subf %sub3A_2827, %mul3A_2845 : vector<16xf32>
        %mul3A_2847 = arith.mulf %broadcast_in_dim3A, %sub3A_2800 : vector<16xf32>
        %mul3A_2848 = arith.mulf %mul3A_2847, %sub3A_2800 : vector<16xf32>
        %mul3A_2849 = arith.mulf %broadcast_in_dim3A_13, %sub3A_2823 : vector<16xf32>
        %mul3A_2850 = arith.mulf %mul3A_2849, %sub3A_2823 : vector<16xf32>
        %add3A_2851 = arith.addf %mul3A_2848, %mul3A_2850 : vector<16xf32>
        %mul3A_2852 = arith.mulf %broadcast_in_dim3A_16, %sub3A_2846 : vector<16xf32>
        %mul3A_2853 = arith.mulf %mul3A_2852, %sub3A_2846 : vector<16xf32>
        %add3A_2854 = arith.addf %add3A_2851, %mul3A_2853 : vector<16xf32>
        %mul3A_2855 = arith.mulf %broadcast_in_dim3A_19, %sub3A_2800 : vector<16xf32>
        %mul3A_2856 = arith.mulf %mul3A_2855, %sub3A_2823 : vector<16xf32>
        %add3A_2857 = arith.addf %add3A_2854, %mul3A_2856 : vector<16xf32>
        %mul3A_2858 = arith.mulf %broadcast_in_dim3A_22, %sub3A_2800 : vector<16xf32>
        %mul3A_2859 = arith.mulf %mul3A_2858, %sub3A_2846 : vector<16xf32>
        %add3A_2860 = arith.addf %add3A_2857, %mul3A_2859 : vector<16xf32>
        %mul3A_2861 = arith.mulf %broadcast_in_dim3A_25, %sub3A_2823 : vector<16xf32>
        %mul3A_2862 = arith.mulf %mul3A_2861, %sub3A_2846 : vector<16xf32>
        %add3A_2863 = arith.addf %add3A_2860, %mul3A_2862 : vector<16xf32>
        %max3A_2864 = arith.constant 9.99999996E-13 : f32
        %max3A_2865 = vector.broadcast %max3A_2864 : f32 to vector<16xf32>
        %max3A_2866 = arith.maximumf %add3A_2863, %max3A_2865 : vector<16xf32>
        %bitcast_convert_type3A_2867 = tpu.bitcast %max3A_2866 : vector<16xf32> -> vector<16xi32>
        %shift_right_arithmetic3A_2868 = arith.constant 1 : i32
        %shift_right_arithmetic3A_2869 = vector.broadcast %shift_right_arithmetic3A_2868 : i32 to vector<16xi32>
        %shift_right_arithmetic3A_2870 = arith.shrsi %bitcast_convert_type3A_2867, %shift_right_arithmetic3A_2869 : vector<16xi32>
        %sub3A_2871 = arith.constant 1597463007 : i32
        %sub3A_2872 = vector.broadcast %sub3A_2871 : i32 to vector<16xi32>
        %sub3A_2873 = arith.subi %sub3A_2872, %shift_right_arithmetic3A_2870 : vector<16xi32>
        %bitcast_convert_type3A_2874 = tpu.bitcast %sub3A_2873 : vector<16xi32> -> vector<16xf32>
        %mul3A_2875 = arith.constant 5.000000e-01 : f32
        %mul3A_2876 = vector.broadcast %mul3A_2875 : f32 to vector<16xf32>
        %mul3A_2877 = arith.mulf %mul3A_2876, %max3A_2866 : vector<16xf32>
        %mul3A_2878 = arith.mulf %mul3A_2877, %bitcast_convert_type3A_2874 : vector<16xf32>
        %mul3A_2879 = arith.mulf %mul3A_2878, %bitcast_convert_type3A_2874 : vector<16xf32>
        %sub3A_2880 = arith.constant 1.500000e+00 : f32
        %sub3A_2881 = vector.broadcast %sub3A_2880 : f32 to vector<16xf32>
        %sub3A_2882 = arith.subf %sub3A_2881, %mul3A_2879 : vector<16xf32>
        %mul3A_2883 = arith.mulf %bitcast_convert_type3A_2874, %sub3A_2882 : vector<16xf32>
        %mul3A_2884 = arith.mulf %mul3A_2877, %mul3A_2883 : vector<16xf32>
        %mul3A_2885 = arith.mulf %mul3A_2884, %mul3A_2883 : vector<16xf32>
        %sub3A_2886 = arith.constant 1.500000e+00 : f32
        %sub3A_2887 = vector.broadcast %sub3A_2886 : f32 to vector<16xf32>
        %sub3A_2888 = arith.subf %sub3A_2887, %mul3A_2885 : vector<16xf32>
        %mul3A_2889 = arith.mulf %mul3A_2883, %sub3A_2888 : vector<16xf32>
        %mul3A_2890 = arith.mulf %mul3A_2877, %mul3A_2889 : vector<16xf32>
        %mul3A_2891 = arith.mulf %mul3A_2890, %mul3A_2889 : vector<16xf32>
        %sub3A_2892 = arith.constant 1.500000e+00 : f32
        %sub3A_2893 = vector.broadcast %sub3A_2892 : f32 to vector<16xf32>
        %sub3A_2894 = arith.subf %sub3A_2893, %mul3A_2891 : vector<16xf32>
        %mul3A_2895 = arith.mulf %mul3A_2889, %sub3A_2894 : vector<16xf32>
        %mul3A_2896 = arith.mulf %add3A_2863, %mul3A_2895 : vector<16xf32>
        %slice3A_2897 = vector.extract_strided_slice %get3A_231 {offsets = [12], sizes = [1], strides = [1]} : vector<16xf32> to vector<1xf32>
        %squeeze3A_2898 = vector.extract %slice3A_2897[0] : f32 from vector<1xf32>
        %broadcast_in_dim3A_2899 = vector.broadcast %squeeze3A_2898 : f32 to vector<16xf32>
        %mul3A_2900 = arith.mulf %add3A_141, %broadcast_in_dim3A_2899 : vector<16xf32>
        %add3A_2901 = arith.addf %add3A_139, %mul3A_2900 : vector<16xf32>
        %mul3A_2902 = arith.mulf %add3A_145, %broadcast_in_dim3A_2899 : vector<16xf32>
        %add3A_2903 = arith.addf %add3A_143, %mul3A_2902 : vector<16xf32>
        %mul3A_2904 = arith.mulf %add3A_149, %broadcast_in_dim3A_2899 : vector<16xf32>
        %add3A_2905 = arith.addf %add3A_147, %mul3A_2904 : vector<16xf32>
        %mul3A_2906 = arith.mulf %add3A_153, %broadcast_in_dim3A_2899 : vector<16xf32>
        %add3A_2907 = arith.addf %add3A_151, %mul3A_2906 : vector<16xf32>
        %mul3A_2908 = arith.mulf %mul3A_2896, %add3A_2901 : vector<16xf32>
        %sub3A_2909 = arith.constant 1.000000e+00 : f32
        %sub3A_2910 = vector.broadcast %sub3A_2909 : f32 to vector<16xf32>
        %sub3A_2911 = arith.subf %sub3A_2910, %mul3A_2908 : vector<16xf32>
        %lt3A_2912 = arith.cmpf olt, %add3A_2863, %broadcast_in_dim3A_64 : vector<16xf32>
        %gt3A_2913 = arith.constant 0.000000e+00 : f32
        %gt3A_2914 = vector.broadcast %gt3A_2913 : f32 to vector<16xf32>
        %gt3A_2915 = arith.cmpf ogt, %sub3A_2911, %gt3A_2914 : vector<16xf32>
        %and3A_2916 = arith.andi %lt3A_2912, %gt3A_2915 : vector<16xi1>
        %ne3A_2917 = vector.broadcast %add3A_2777 : i32 to vector<16xi32>
        %ne3A_2918 = arith.cmpi ne, %add3A_137, %ne3A_2917 : vector<16xi32>
        %and3A_2919 = arith.andi %and3A_2916, %ne3A_2918 : vector<16xi1>
        %jit3A_2920 = arith.constant 5.000000e-01 : f32
        %broadcast_in_dim3A_2921 = vector.broadcast %jit3A_2920 : f32 to vector<16xf32>
        %select_n3A_2922 = arith.select %and3A_2919, %sub3A_2911, %broadcast_in_dim3A_2921 : vector<16xi1>, vector<16xf32>
        %bitcast_convert_type3A_2923 = tpu.bitcast %select_n3A_2922 : vector<16xf32> -> vector<16xi32>
        %shift_right_arithmetic3A_2924 = arith.constant 23 : i32
        %shift_right_arithmetic3A_2925 = vector.broadcast %shift_right_arithmetic3A_2924 : i32 to vector<16xi32>
        %shift_right_arithmetic3A_2926 = arith.shrsi %bitcast_convert_type3A_2923, %shift_right_arithmetic3A_2925 : vector<16xi32>
        %and3A_2927 = arith.constant 255 : i32
        %and3A_2928 = vector.broadcast %and3A_2927 : i32 to vector<16xi32>
        %and3A_2929 = arith.andi %shift_right_arithmetic3A_2926, %and3A_2928 : vector<16xi32>
        %sub3A_2930 = arith.constant 127 : i32
        %sub3A_2931 = vector.broadcast %sub3A_2930 : i32 to vector<16xi32>
        %sub3A_2932 = arith.subi %and3A_2929, %sub3A_2931 : vector<16xi32>
        %and3A_2933 = arith.constant 8388607 : i32
        %and3A_2934 = vector.broadcast %and3A_2933 : i32 to vector<16xi32>
        %and3A_2935 = arith.andi %bitcast_convert_type3A_2923, %and3A_2934 : vector<16xi32>
        %or3A_2936 = arith.constant 1065353216 : i32
        %or3A_2937 = vector.broadcast %or3A_2936 : i32 to vector<16xi32>
        %or3A_2938 = arith.ori %and3A_2935, %or3A_2937 : vector<16xi32>
        %bitcast_convert_type3A_2939 = tpu.bitcast %or3A_2938 : vector<16xi32> -> vector<16xf32>
        %sub3A_2940 = arith.constant 1.000000e+00 : f32
        %sub3A_2941 = vector.broadcast %sub3A_2940 : f32 to vector<16xf32>
        %sub3A_2942 = arith.subf %bitcast_convert_type3A_2939, %sub3A_2941 : vector<16xf32>
        %add3A_2943 = arith.constant 1.000000e+00 : f32
        %add3A_2944 = vector.broadcast %add3A_2943 : f32 to vector<16xf32>
        %add3A_2945 = arith.addf %bitcast_convert_type3A_2939, %add3A_2944 : vector<16xf32>
        %div3A_2946 = arith.divf %sub3A_2942, %add3A_2945 : vector<16xf32>
        %mul3A_2947 = arith.mulf %div3A_2946, %div3A_2946 : vector<16xf32>
        %mul3A_2948 = arith.constant 0.285714298 : f32
        %mul3A_2949 = vector.broadcast %mul3A_2948 : f32 to vector<16xf32>
        %mul3A_2950 = arith.mulf %mul3A_2947, %mul3A_2949 : vector<16xf32>
        %add3A_2951 = arith.constant 4.000000e-01 : f32
        %add3A_2952 = vector.broadcast %add3A_2951 : f32 to vector<16xf32>
        %add3A_2953 = arith.addf %add3A_2952, %mul3A_2950 : vector<16xf32>
        %mul3A_2954 = arith.mulf %mul3A_2947, %add3A_2953 : vector<16xf32>
        %add3A_2955 = arith.constant 0.666666686 : f32
        %add3A_2956 = vector.broadcast %add3A_2955 : f32 to vector<16xf32>
        %add3A_2957 = arith.addf %add3A_2956, %mul3A_2954 : vector<16xf32>
        %mul3A_2958 = arith.mulf %mul3A_2947, %add3A_2957 : vector<16xf32>
        %add3A_2959 = arith.constant 2.000000e+00 : f32
        %add3A_2960 = vector.broadcast %add3A_2959 : f32 to vector<16xf32>
        %add3A_2961 = arith.addf %add3A_2960, %mul3A_2958 : vector<16xf32>
        %mul3A_2962 = arith.mulf %div3A_2946, %add3A_2961 : vector<16xf32>
        %convert_element_type3A_2963 = arith.sitofp %sub3A_2932 : vector<16xi32> to vector<16xf32>
        %mul3A_2964 = arith.constant 0.693147182 : f32
        %mul3A_2965 = vector.broadcast %mul3A_2964 : f32 to vector<16xf32>
        %mul3A_2966 = arith.mulf %convert_element_type3A_2963, %mul3A_2965 : vector<16xf32>
        %add3A_2967 = arith.addf %mul3A_2966, %mul3A_2962 : vector<16xf32>
        %mul3A_2968 = arith.mulf %add3A_2903, %add3A_2967 : vector<16xf32>
        %exp3A_2969 = math.exp %mul3A_2968 : vector<16xf32>
        %div3A_2970 = arith.divf %exp3A_2969, %select_n3A_2922 : vector<16xf32>
        %mul3A_2971 = arith.mulf %add3A_2905, %exp3A_2969 : vector<16xf32>
        %jit3A_2972 = arith.constant 0.000000e+00 : f32
        %broadcast_in_dim3A_2973 = vector.broadcast %jit3A_2972 : f32 to vector<16xf32>
        %select_n3A_2974 = arith.select %and3A_2919, %mul3A_2971, %broadcast_in_dim3A_2973 : vector<16xi1>, vector<16xf32>
        %mul3A_2975 = arith.mulf %add3A_2907, %div3A_2970 : vector<16xf32>
        %mul3A_2976 = arith.mulf %mul3A_2975, %mul3A_2895 : vector<16xf32>
        %jit3A_2977 = arith.constant 0.000000e+00 : f32
        %broadcast_in_dim3A_2978 = vector.broadcast %jit3A_2977 : f32 to vector<16xf32>
        %select_n3A_2979 = arith.select %and3A_2919, %mul3A_2976, %broadcast_in_dim3A_2978 : vector<16xi1>, vector<16xf32>
        %mul3A_2980 = arith.mulf %select_n3A_2979, %sub3A_2800 : vector<16xf32>
        %add3A_2981 = arith.addf %add3A_2768, %mul3A_2980 : vector<16xf32>
        %mul3A_2982 = arith.mulf %select_n3A_2979, %sub3A_2823 : vector<16xf32>
        %add3A_2983 = arith.addf %add3A_2770, %mul3A_2982 : vector<16xf32>
        %mul3A_2984 = arith.mulf %select_n3A_2979, %sub3A_2846 : vector<16xf32>
        %add3A_2985 = arith.addf %add3A_2772, %mul3A_2984 : vector<16xf32>
        %add3A_2986 = arith.addf %add3A_2773, %select_n3A_2974 : vector<16xf32>
        %mul3A_2987 = arith.constant 16 : i32
        %mul3A_2988 = arith.muli %scan3A_207, %mul3A_2987 : i32
        %add3A_2989 = arith.constant 13 : i32
        %add3A_2990 = arith.addi %mul3A_2988, %add3A_2989 : i32
        %slice3A_2991 = vector.extract_strided_slice %get3A_216 {offsets = [13], sizes = [1], strides = [1]} : vector<16xf32> to vector<1xf32>
        %squeeze3A_2992 = vector.extract %slice3A_2991[0] : f32 from vector<1xf32>
        %broadcast_in_dim3A_2993 = vector.broadcast %squeeze3A_2992 : f32 to vector<16xf32>
        %sub3A_2994 = arith.subf %broadcast_in_dim3A_2993, %get3A_126 : vector<16xf32>
        %gt3A_2995 = arith.constant 5.000000e-01 : f32
        %gt3A_2996 = vector.broadcast %gt3A_2995 : f32 to vector<16xf32>
        %gt3A_2997 = arith.cmpf ogt, %sub3A_2994, %gt3A_2996 : vector<16xf32>
        %jit3A_2998 = arith.constant 1.000000e+00 : f32
        %jit3A_2999 = arith.constant 0.000000e+00 : f32
        %broadcast_in_dim3A_3000 = vector.broadcast %jit3A_2998 : f32 to vector<16xf32>
        %broadcast_in_dim3A_3001 = vector.broadcast %jit3A_2999 : f32 to vector<16xf32>
        %select_n3A_3002 = arith.select %gt3A_2997, %broadcast_in_dim3A_3000, %broadcast_in_dim3A_3001 : vector<16xi1>, vector<16xf32>
        %lt3A_3003 = arith.constant -5.000000e-01 : f32
        %lt3A_3004 = vector.broadcast %lt3A_3003 : f32 to vector<16xf32>
        %lt3A_3005 = arith.cmpf olt, %sub3A_2994, %lt3A_3004 : vector<16xf32>
        %jit3A_3006 = arith.constant 1.000000e+00 : f32
        %jit3A_3007 = arith.constant 0.000000e+00 : f32
        %broadcast_in_dim3A_3008 = vector.broadcast %jit3A_3006 : f32 to vector<16xf32>
        %broadcast_in_dim3A_3009 = vector.broadcast %jit3A_3007 : f32 to vector<16xf32>
        %select_n3A_3010 = arith.select %lt3A_3005, %broadcast_in_dim3A_3008, %broadcast_in_dim3A_3009 : vector<16xi1>, vector<16xf32>
        %sub3A_3011 = arith.subf %select_n3A_3002, %select_n3A_3010 : vector<16xf32>
        %mul3A_3012 = arith.mulf %sub3A_3011, %broadcast_in_dim3A_28 : vector<16xf32>
        %sub3A_3013 = arith.subf %sub3A_2994, %mul3A_3012 : vector<16xf32>
        %slice3A_3014 = vector.extract_strided_slice %get3A_221 {offsets = [13], sizes = [1], strides = [1]} : vector<16xf32> to vector<1xf32>
        %squeeze3A_3015 = vector.extract %slice3A_3014[0] : f32 from vector<1xf32>
        %broadcast_in_dim3A_3016 = vector.broadcast %squeeze3A_3015 : f32 to vector<16xf32>
        %sub3A_3017 = arith.subf %broadcast_in_dim3A_3016, %get3A_129 : vector<16xf32>
        %gt3A_3018 = arith.constant 5.000000e-01 : f32
        %gt3A_3019 = vector.broadcast %gt3A_3018 : f32 to vector<16xf32>
        %gt3A_3020 = arith.cmpf ogt, %sub3A_3017, %gt3A_3019 : vector<16xf32>
        %jit3A_3021 = arith.constant 1.000000e+00 : f32
        %jit3A_3022 = arith.constant 0.000000e+00 : f32
        %broadcast_in_dim3A_3023 = vector.broadcast %jit3A_3021 : f32 to vector<16xf32>
        %broadcast_in_dim3A_3024 = vector.broadcast %jit3A_3022 : f32 to vector<16xf32>
        %select_n3A_3025 = arith.select %gt3A_3020, %broadcast_in_dim3A_3023, %broadcast_in_dim3A_3024 : vector<16xi1>, vector<16xf32>
        %lt3A_3026 = arith.constant -5.000000e-01 : f32
        %lt3A_3027 = vector.broadcast %lt3A_3026 : f32 to vector<16xf32>
        %lt3A_3028 = arith.cmpf olt, %sub3A_3017, %lt3A_3027 : vector<16xf32>
        %jit3A_3029 = arith.constant 1.000000e+00 : f32
        %jit3A_3030 = arith.constant 0.000000e+00 : f32
        %broadcast_in_dim3A_3031 = vector.broadcast %jit3A_3029 : f32 to vector<16xf32>
        %broadcast_in_dim3A_3032 = vector.broadcast %jit3A_3030 : f32 to vector<16xf32>
        %select_n3A_3033 = arith.select %lt3A_3028, %broadcast_in_dim3A_3031, %broadcast_in_dim3A_3032 : vector<16xi1>, vector<16xf32>
        %sub3A_3034 = arith.subf %select_n3A_3025, %select_n3A_3033 : vector<16xf32>
        %mul3A_3035 = arith.mulf %sub3A_3034, %broadcast_in_dim3A_31 : vector<16xf32>
        %sub3A_3036 = arith.subf %sub3A_3017, %mul3A_3035 : vector<16xf32>
        %slice3A_3037 = vector.extract_strided_slice %get3A_226 {offsets = [13], sizes = [1], strides = [1]} : vector<16xf32> to vector<1xf32>
        %squeeze3A_3038 = vector.extract %slice3A_3037[0] : f32 from vector<1xf32>
        %broadcast_in_dim3A_3039 = vector.broadcast %squeeze3A_3038 : f32 to vector<16xf32>
        %sub3A_3040 = arith.subf %broadcast_in_dim3A_3039, %get3A_132 : vector<16xf32>
        %gt3A_3041 = arith.constant 5.000000e-01 : f32
        %gt3A_3042 = vector.broadcast %gt3A_3041 : f32 to vector<16xf32>
        %gt3A_3043 = arith.cmpf ogt, %sub3A_3040, %gt3A_3042 : vector<16xf32>
        %jit3A_3044 = arith.constant 1.000000e+00 : f32
        %jit3A_3045 = arith.constant 0.000000e+00 : f32
        %broadcast_in_dim3A_3046 = vector.broadcast %jit3A_3044 : f32 to vector<16xf32>
        %broadcast_in_dim3A_3047 = vector.broadcast %jit3A_3045 : f32 to vector<16xf32>
        %select_n3A_3048 = arith.select %gt3A_3043, %broadcast_in_dim3A_3046, %broadcast_in_dim3A_3047 : vector<16xi1>, vector<16xf32>
        %lt3A_3049 = arith.constant -5.000000e-01 : f32
        %lt3A_3050 = vector.broadcast %lt3A_3049 : f32 to vector<16xf32>
        %lt3A_3051 = arith.cmpf olt, %sub3A_3040, %lt3A_3050 : vector<16xf32>
        %jit3A_3052 = arith.constant 1.000000e+00 : f32
        %jit3A_3053 = arith.constant 0.000000e+00 : f32
        %broadcast_in_dim3A_3054 = vector.broadcast %jit3A_3052 : f32 to vector<16xf32>
        %broadcast_in_dim3A_3055 = vector.broadcast %jit3A_3053 : f32 to vector<16xf32>
        %select_n3A_3056 = arith.select %lt3A_3051, %broadcast_in_dim3A_3054, %broadcast_in_dim3A_3055 : vector<16xi1>, vector<16xf32>
        %sub3A_3057 = arith.subf %select_n3A_3048, %select_n3A_3056 : vector<16xf32>
        %mul3A_3058 = arith.mulf %sub3A_3057, %broadcast_in_dim3A_34 : vector<16xf32>
        %sub3A_3059 = arith.subf %sub3A_3040, %mul3A_3058 : vector<16xf32>
        %mul3A_3060 = arith.mulf %broadcast_in_dim3A, %sub3A_3013 : vector<16xf32>
        %mul3A_3061 = arith.mulf %mul3A_3060, %sub3A_3013 : vector<16xf32>
        %mul3A_3062 = arith.mulf %broadcast_in_dim3A_13, %sub3A_3036 : vector<16xf32>
        %mul3A_3063 = arith.mulf %mul3A_3062, %sub3A_3036 : vector<16xf32>
        %add3A_3064 = arith.addf %mul3A_3061, %mul3A_3063 : vector<16xf32>
        %mul3A_3065 = arith.mulf %broadcast_in_dim3A_16, %sub3A_3059 : vector<16xf32>
        %mul3A_3066 = arith.mulf %mul3A_3065, %sub3A_3059 : vector<16xf32>
        %add3A_3067 = arith.addf %add3A_3064, %mul3A_3066 : vector<16xf32>
        %mul3A_3068 = arith.mulf %broadcast_in_dim3A_19, %sub3A_3013 : vector<16xf32>
        %mul3A_3069 = arith.mulf %mul3A_3068, %sub3A_3036 : vector<16xf32>
        %add3A_3070 = arith.addf %add3A_3067, %mul3A_3069 : vector<16xf32>
        %mul3A_3071 = arith.mulf %broadcast_in_dim3A_22, %sub3A_3013 : vector<16xf32>
        %mul3A_3072 = arith.mulf %mul3A_3071, %sub3A_3059 : vector<16xf32>
        %add3A_3073 = arith.addf %add3A_3070, %mul3A_3072 : vector<16xf32>
        %mul3A_3074 = arith.mulf %broadcast_in_dim3A_25, %sub3A_3036 : vector<16xf32>
        %mul3A_3075 = arith.mulf %mul3A_3074, %sub3A_3059 : vector<16xf32>
        %add3A_3076 = arith.addf %add3A_3073, %mul3A_3075 : vector<16xf32>
        %max3A_3077 = arith.constant 9.99999996E-13 : f32
        %max3A_3078 = vector.broadcast %max3A_3077 : f32 to vector<16xf32>
        %max3A_3079 = arith.maximumf %add3A_3076, %max3A_3078 : vector<16xf32>
        %bitcast_convert_type3A_3080 = tpu.bitcast %max3A_3079 : vector<16xf32> -> vector<16xi32>
        %shift_right_arithmetic3A_3081 = arith.constant 1 : i32
        %shift_right_arithmetic3A_3082 = vector.broadcast %shift_right_arithmetic3A_3081 : i32 to vector<16xi32>
        %shift_right_arithmetic3A_3083 = arith.shrsi %bitcast_convert_type3A_3080, %shift_right_arithmetic3A_3082 : vector<16xi32>
        %sub3A_3084 = arith.constant 1597463007 : i32
        %sub3A_3085 = vector.broadcast %sub3A_3084 : i32 to vector<16xi32>
        %sub3A_3086 = arith.subi %sub3A_3085, %shift_right_arithmetic3A_3083 : vector<16xi32>
        %bitcast_convert_type3A_3087 = tpu.bitcast %sub3A_3086 : vector<16xi32> -> vector<16xf32>
        %mul3A_3088 = arith.constant 5.000000e-01 : f32
        %mul3A_3089 = vector.broadcast %mul3A_3088 : f32 to vector<16xf32>
        %mul3A_3090 = arith.mulf %mul3A_3089, %max3A_3079 : vector<16xf32>
        %mul3A_3091 = arith.mulf %mul3A_3090, %bitcast_convert_type3A_3087 : vector<16xf32>
        %mul3A_3092 = arith.mulf %mul3A_3091, %bitcast_convert_type3A_3087 : vector<16xf32>
        %sub3A_3093 = arith.constant 1.500000e+00 : f32
        %sub3A_3094 = vector.broadcast %sub3A_3093 : f32 to vector<16xf32>
        %sub3A_3095 = arith.subf %sub3A_3094, %mul3A_3092 : vector<16xf32>
        %mul3A_3096 = arith.mulf %bitcast_convert_type3A_3087, %sub3A_3095 : vector<16xf32>
        %mul3A_3097 = arith.mulf %mul3A_3090, %mul3A_3096 : vector<16xf32>
        %mul3A_3098 = arith.mulf %mul3A_3097, %mul3A_3096 : vector<16xf32>
        %sub3A_3099 = arith.constant 1.500000e+00 : f32
        %sub3A_3100 = vector.broadcast %sub3A_3099 : f32 to vector<16xf32>
        %sub3A_3101 = arith.subf %sub3A_3100, %mul3A_3098 : vector<16xf32>
        %mul3A_3102 = arith.mulf %mul3A_3096, %sub3A_3101 : vector<16xf32>
        %mul3A_3103 = arith.mulf %mul3A_3090, %mul3A_3102 : vector<16xf32>
        %mul3A_3104 = arith.mulf %mul3A_3103, %mul3A_3102 : vector<16xf32>
        %sub3A_3105 = arith.constant 1.500000e+00 : f32
        %sub3A_3106 = vector.broadcast %sub3A_3105 : f32 to vector<16xf32>
        %sub3A_3107 = arith.subf %sub3A_3106, %mul3A_3104 : vector<16xf32>
        %mul3A_3108 = arith.mulf %mul3A_3102, %sub3A_3107 : vector<16xf32>
        %mul3A_3109 = arith.mulf %add3A_3076, %mul3A_3108 : vector<16xf32>
        %slice3A_3110 = vector.extract_strided_slice %get3A_231 {offsets = [13], sizes = [1], strides = [1]} : vector<16xf32> to vector<1xf32>
        %squeeze3A_3111 = vector.extract %slice3A_3110[0] : f32 from vector<1xf32>
        %broadcast_in_dim3A_3112 = vector.broadcast %squeeze3A_3111 : f32 to vector<16xf32>
        %mul3A_3113 = arith.mulf %add3A_141, %broadcast_in_dim3A_3112 : vector<16xf32>
        %add3A_3114 = arith.addf %add3A_139, %mul3A_3113 : vector<16xf32>
        %mul3A_3115 = arith.mulf %add3A_145, %broadcast_in_dim3A_3112 : vector<16xf32>
        %add3A_3116 = arith.addf %add3A_143, %mul3A_3115 : vector<16xf32>
        %mul3A_3117 = arith.mulf %add3A_149, %broadcast_in_dim3A_3112 : vector<16xf32>
        %add3A_3118 = arith.addf %add3A_147, %mul3A_3117 : vector<16xf32>
        %mul3A_3119 = arith.mulf %add3A_153, %broadcast_in_dim3A_3112 : vector<16xf32>
        %add3A_3120 = arith.addf %add3A_151, %mul3A_3119 : vector<16xf32>
        %mul3A_3121 = arith.mulf %mul3A_3109, %add3A_3114 : vector<16xf32>
        %sub3A_3122 = arith.constant 1.000000e+00 : f32
        %sub3A_3123 = vector.broadcast %sub3A_3122 : f32 to vector<16xf32>
        %sub3A_3124 = arith.subf %sub3A_3123, %mul3A_3121 : vector<16xf32>
        %lt3A_3125 = arith.cmpf olt, %add3A_3076, %broadcast_in_dim3A_64 : vector<16xf32>
        %gt3A_3126 = arith.constant 0.000000e+00 : f32
        %gt3A_3127 = vector.broadcast %gt3A_3126 : f32 to vector<16xf32>
        %gt3A_3128 = arith.cmpf ogt, %sub3A_3124, %gt3A_3127 : vector<16xf32>
        %and3A_3129 = arith.andi %lt3A_3125, %gt3A_3128 : vector<16xi1>
        %ne3A_3130 = vector.broadcast %add3A_2990 : i32 to vector<16xi32>
        %ne3A_3131 = arith.cmpi ne, %add3A_137, %ne3A_3130 : vector<16xi32>
        %and3A_3132 = arith.andi %and3A_3129, %ne3A_3131 : vector<16xi1>
        %jit3A_3133 = arith.constant 5.000000e-01 : f32
        %broadcast_in_dim3A_3134 = vector.broadcast %jit3A_3133 : f32 to vector<16xf32>
        %select_n3A_3135 = arith.select %and3A_3132, %sub3A_3124, %broadcast_in_dim3A_3134 : vector<16xi1>, vector<16xf32>
        %bitcast_convert_type3A_3136 = tpu.bitcast %select_n3A_3135 : vector<16xf32> -> vector<16xi32>
        %shift_right_arithmetic3A_3137 = arith.constant 23 : i32
        %shift_right_arithmetic3A_3138 = vector.broadcast %shift_right_arithmetic3A_3137 : i32 to vector<16xi32>
        %shift_right_arithmetic3A_3139 = arith.shrsi %bitcast_convert_type3A_3136, %shift_right_arithmetic3A_3138 : vector<16xi32>
        %and3A_3140 = arith.constant 255 : i32
        %and3A_3141 = vector.broadcast %and3A_3140 : i32 to vector<16xi32>
        %and3A_3142 = arith.andi %shift_right_arithmetic3A_3139, %and3A_3141 : vector<16xi32>
        %sub3A_3143 = arith.constant 127 : i32
        %sub3A_3144 = vector.broadcast %sub3A_3143 : i32 to vector<16xi32>
        %sub3A_3145 = arith.subi %and3A_3142, %sub3A_3144 : vector<16xi32>
        %and3A_3146 = arith.constant 8388607 : i32
        %and3A_3147 = vector.broadcast %and3A_3146 : i32 to vector<16xi32>
        %and3A_3148 = arith.andi %bitcast_convert_type3A_3136, %and3A_3147 : vector<16xi32>
        %or3A_3149 = arith.constant 1065353216 : i32
        %or3A_3150 = vector.broadcast %or3A_3149 : i32 to vector<16xi32>
        %or3A_3151 = arith.ori %and3A_3148, %or3A_3150 : vector<16xi32>
        %bitcast_convert_type3A_3152 = tpu.bitcast %or3A_3151 : vector<16xi32> -> vector<16xf32>
        %sub3A_3153 = arith.constant 1.000000e+00 : f32
        %sub3A_3154 = vector.broadcast %sub3A_3153 : f32 to vector<16xf32>
        %sub3A_3155 = arith.subf %bitcast_convert_type3A_3152, %sub3A_3154 : vector<16xf32>
        %add3A_3156 = arith.constant 1.000000e+00 : f32
        %add3A_3157 = vector.broadcast %add3A_3156 : f32 to vector<16xf32>
        %add3A_3158 = arith.addf %bitcast_convert_type3A_3152, %add3A_3157 : vector<16xf32>
        %div3A_3159 = arith.divf %sub3A_3155, %add3A_3158 : vector<16xf32>
        %mul3A_3160 = arith.mulf %div3A_3159, %div3A_3159 : vector<16xf32>
        %mul3A_3161 = arith.constant 0.285714298 : f32
        %mul3A_3162 = vector.broadcast %mul3A_3161 : f32 to vector<16xf32>
        %mul3A_3163 = arith.mulf %mul3A_3160, %mul3A_3162 : vector<16xf32>
        %add3A_3164 = arith.constant 4.000000e-01 : f32
        %add3A_3165 = vector.broadcast %add3A_3164 : f32 to vector<16xf32>
        %add3A_3166 = arith.addf %add3A_3165, %mul3A_3163 : vector<16xf32>
        %mul3A_3167 = arith.mulf %mul3A_3160, %add3A_3166 : vector<16xf32>
        %add3A_3168 = arith.constant 0.666666686 : f32
        %add3A_3169 = vector.broadcast %add3A_3168 : f32 to vector<16xf32>
        %add3A_3170 = arith.addf %add3A_3169, %mul3A_3167 : vector<16xf32>
        %mul3A_3171 = arith.mulf %mul3A_3160, %add3A_3170 : vector<16xf32>
        %add3A_3172 = arith.constant 2.000000e+00 : f32
        %add3A_3173 = vector.broadcast %add3A_3172 : f32 to vector<16xf32>
        %add3A_3174 = arith.addf %add3A_3173, %mul3A_3171 : vector<16xf32>
        %mul3A_3175 = arith.mulf %div3A_3159, %add3A_3174 : vector<16xf32>
        %convert_element_type3A_3176 = arith.sitofp %sub3A_3145 : vector<16xi32> to vector<16xf32>
        %mul3A_3177 = arith.constant 0.693147182 : f32
        %mul3A_3178 = vector.broadcast %mul3A_3177 : f32 to vector<16xf32>
        %mul3A_3179 = arith.mulf %convert_element_type3A_3176, %mul3A_3178 : vector<16xf32>
        %add3A_3180 = arith.addf %mul3A_3179, %mul3A_3175 : vector<16xf32>
        %mul3A_3181 = arith.mulf %add3A_3116, %add3A_3180 : vector<16xf32>
        %exp3A_3182 = math.exp %mul3A_3181 : vector<16xf32>
        %div3A_3183 = arith.divf %exp3A_3182, %select_n3A_3135 : vector<16xf32>
        %mul3A_3184 = arith.mulf %add3A_3118, %exp3A_3182 : vector<16xf32>
        %jit3A_3185 = arith.constant 0.000000e+00 : f32
        %broadcast_in_dim3A_3186 = vector.broadcast %jit3A_3185 : f32 to vector<16xf32>
        %select_n3A_3187 = arith.select %and3A_3132, %mul3A_3184, %broadcast_in_dim3A_3186 : vector<16xi1>, vector<16xf32>
        %mul3A_3188 = arith.mulf %add3A_3120, %div3A_3183 : vector<16xf32>
        %mul3A_3189 = arith.mulf %mul3A_3188, %mul3A_3108 : vector<16xf32>
        %jit3A_3190 = arith.constant 0.000000e+00 : f32
        %broadcast_in_dim3A_3191 = vector.broadcast %jit3A_3190 : f32 to vector<16xf32>
        %select_n3A_3192 = arith.select %and3A_3132, %mul3A_3189, %broadcast_in_dim3A_3191 : vector<16xi1>, vector<16xf32>
        %mul3A_3193 = arith.mulf %select_n3A_3192, %sub3A_3013 : vector<16xf32>
        %add3A_3194 = arith.addf %add3A_2981, %mul3A_3193 : vector<16xf32>
        %mul3A_3195 = arith.mulf %select_n3A_3192, %sub3A_3036 : vector<16xf32>
        %add3A_3196 = arith.addf %add3A_2983, %mul3A_3195 : vector<16xf32>
        %mul3A_3197 = arith.mulf %select_n3A_3192, %sub3A_3059 : vector<16xf32>
        %add3A_3198 = arith.addf %add3A_2985, %mul3A_3197 : vector<16xf32>
        %add3A_3199 = arith.addf %add3A_2986, %select_n3A_3187 : vector<16xf32>
        %mul3A_3200 = arith.constant 16 : i32
        %mul3A_3201 = arith.muli %scan3A_207, %mul3A_3200 : i32
        %add3A_3202 = arith.constant 14 : i32
        %add3A_3203 = arith.addi %mul3A_3201, %add3A_3202 : i32
        %slice3A_3204 = vector.extract_strided_slice %get3A_216 {offsets = [14], sizes = [1], strides = [1]} : vector<16xf32> to vector<1xf32>
        %squeeze3A_3205 = vector.extract %slice3A_3204[0] : f32 from vector<1xf32>
        %broadcast_in_dim3A_3206 = vector.broadcast %squeeze3A_3205 : f32 to vector<16xf32>
        %sub3A_3207 = arith.subf %broadcast_in_dim3A_3206, %get3A_126 : vector<16xf32>
        %gt3A_3208 = arith.constant 5.000000e-01 : f32
        %gt3A_3209 = vector.broadcast %gt3A_3208 : f32 to vector<16xf32>
        %gt3A_3210 = arith.cmpf ogt, %sub3A_3207, %gt3A_3209 : vector<16xf32>
        %jit3A_3211 = arith.constant 1.000000e+00 : f32
        %jit3A_3212 = arith.constant 0.000000e+00 : f32
        %broadcast_in_dim3A_3213 = vector.broadcast %jit3A_3211 : f32 to vector<16xf32>
        %broadcast_in_dim3A_3214 = vector.broadcast %jit3A_3212 : f32 to vector<16xf32>
        %select_n3A_3215 = arith.select %gt3A_3210, %broadcast_in_dim3A_3213, %broadcast_in_dim3A_3214 : vector<16xi1>, vector<16xf32>
        %lt3A_3216 = arith.constant -5.000000e-01 : f32
        %lt3A_3217 = vector.broadcast %lt3A_3216 : f32 to vector<16xf32>
        %lt3A_3218 = arith.cmpf olt, %sub3A_3207, %lt3A_3217 : vector<16xf32>
        %jit3A_3219 = arith.constant 1.000000e+00 : f32
        %jit3A_3220 = arith.constant 0.000000e+00 : f32
        %broadcast_in_dim3A_3221 = vector.broadcast %jit3A_3219 : f32 to vector<16xf32>
        %broadcast_in_dim3A_3222 = vector.broadcast %jit3A_3220 : f32 to vector<16xf32>
        %select_n3A_3223 = arith.select %lt3A_3218, %broadcast_in_dim3A_3221, %broadcast_in_dim3A_3222 : vector<16xi1>, vector<16xf32>
        %sub3A_3224 = arith.subf %select_n3A_3215, %select_n3A_3223 : vector<16xf32>
        %mul3A_3225 = arith.mulf %sub3A_3224, %broadcast_in_dim3A_28 : vector<16xf32>
        %sub3A_3226 = arith.subf %sub3A_3207, %mul3A_3225 : vector<16xf32>
        %slice3A_3227 = vector.extract_strided_slice %get3A_221 {offsets = [14], sizes = [1], strides = [1]} : vector<16xf32> to vector<1xf32>
        %squeeze3A_3228 = vector.extract %slice3A_3227[0] : f32 from vector<1xf32>
        %broadcast_in_dim3A_3229 = vector.broadcast %squeeze3A_3228 : f32 to vector<16xf32>
        %sub3A_3230 = arith.subf %broadcast_in_dim3A_3229, %get3A_129 : vector<16xf32>
        %gt3A_3231 = arith.constant 5.000000e-01 : f32
        %gt3A_3232 = vector.broadcast %gt3A_3231 : f32 to vector<16xf32>
        %gt3A_3233 = arith.cmpf ogt, %sub3A_3230, %gt3A_3232 : vector<16xf32>
        %jit3A_3234 = arith.constant 1.000000e+00 : f32
        %jit3A_3235 = arith.constant 0.000000e+00 : f32
        %broadcast_in_dim3A_3236 = vector.broadcast %jit3A_3234 : f32 to vector<16xf32>
        %broadcast_in_dim3A_3237 = vector.broadcast %jit3A_3235 : f32 to vector<16xf32>
        %select_n3A_3238 = arith.select %gt3A_3233, %broadcast_in_dim3A_3236, %broadcast_in_dim3A_3237 : vector<16xi1>, vector<16xf32>
        %lt3A_3239 = arith.constant -5.000000e-01 : f32
        %lt3A_3240 = vector.broadcast %lt3A_3239 : f32 to vector<16xf32>
        %lt3A_3241 = arith.cmpf olt, %sub3A_3230, %lt3A_3240 : vector<16xf32>
        %jit3A_3242 = arith.constant 1.000000e+00 : f32
        %jit3A_3243 = arith.constant 0.000000e+00 : f32
        %broadcast_in_dim3A_3244 = vector.broadcast %jit3A_3242 : f32 to vector<16xf32>
        %broadcast_in_dim3A_3245 = vector.broadcast %jit3A_3243 : f32 to vector<16xf32>
        %select_n3A_3246 = arith.select %lt3A_3241, %broadcast_in_dim3A_3244, %broadcast_in_dim3A_3245 : vector<16xi1>, vector<16xf32>
        %sub3A_3247 = arith.subf %select_n3A_3238, %select_n3A_3246 : vector<16xf32>
        %mul3A_3248 = arith.mulf %sub3A_3247, %broadcast_in_dim3A_31 : vector<16xf32>
        %sub3A_3249 = arith.subf %sub3A_3230, %mul3A_3248 : vector<16xf32>
        %slice3A_3250 = vector.extract_strided_slice %get3A_226 {offsets = [14], sizes = [1], strides = [1]} : vector<16xf32> to vector<1xf32>
        %squeeze3A_3251 = vector.extract %slice3A_3250[0] : f32 from vector<1xf32>
        %broadcast_in_dim3A_3252 = vector.broadcast %squeeze3A_3251 : f32 to vector<16xf32>
        %sub3A_3253 = arith.subf %broadcast_in_dim3A_3252, %get3A_132 : vector<16xf32>
        %gt3A_3254 = arith.constant 5.000000e-01 : f32
        %gt3A_3255 = vector.broadcast %gt3A_3254 : f32 to vector<16xf32>
        %gt3A_3256 = arith.cmpf ogt, %sub3A_3253, %gt3A_3255 : vector<16xf32>
        %jit3A_3257 = arith.constant 1.000000e+00 : f32
        %jit3A_3258 = arith.constant 0.000000e+00 : f32
        %broadcast_in_dim3A_3259 = vector.broadcast %jit3A_3257 : f32 to vector<16xf32>
        %broadcast_in_dim3A_3260 = vector.broadcast %jit3A_3258 : f32 to vector<16xf32>
        %select_n3A_3261 = arith.select %gt3A_3256, %broadcast_in_dim3A_3259, %broadcast_in_dim3A_3260 : vector<16xi1>, vector<16xf32>
        %lt3A_3262 = arith.constant -5.000000e-01 : f32
        %lt3A_3263 = vector.broadcast %lt3A_3262 : f32 to vector<16xf32>
        %lt3A_3264 = arith.cmpf olt, %sub3A_3253, %lt3A_3263 : vector<16xf32>
        %jit3A_3265 = arith.constant 1.000000e+00 : f32
        %jit3A_3266 = arith.constant 0.000000e+00 : f32
        %broadcast_in_dim3A_3267 = vector.broadcast %jit3A_3265 : f32 to vector<16xf32>
        %broadcast_in_dim3A_3268 = vector.broadcast %jit3A_3266 : f32 to vector<16xf32>
        %select_n3A_3269 = arith.select %lt3A_3264, %broadcast_in_dim3A_3267, %broadcast_in_dim3A_3268 : vector<16xi1>, vector<16xf32>
        %sub3A_3270 = arith.subf %select_n3A_3261, %select_n3A_3269 : vector<16xf32>
        %mul3A_3271 = arith.mulf %sub3A_3270, %broadcast_in_dim3A_34 : vector<16xf32>
        %sub3A_3272 = arith.subf %sub3A_3253, %mul3A_3271 : vector<16xf32>
        %mul3A_3273 = arith.mulf %broadcast_in_dim3A, %sub3A_3226 : vector<16xf32>
        %mul3A_3274 = arith.mulf %mul3A_3273, %sub3A_3226 : vector<16xf32>
        %mul3A_3275 = arith.mulf %broadcast_in_dim3A_13, %sub3A_3249 : vector<16xf32>
        %mul3A_3276 = arith.mulf %mul3A_3275, %sub3A_3249 : vector<16xf32>
        %add3A_3277 = arith.addf %mul3A_3274, %mul3A_3276 : vector<16xf32>
        %mul3A_3278 = arith.mulf %broadcast_in_dim3A_16, %sub3A_3272 : vector<16xf32>
        %mul3A_3279 = arith.mulf %mul3A_3278, %sub3A_3272 : vector<16xf32>
        %add3A_3280 = arith.addf %add3A_3277, %mul3A_3279 : vector<16xf32>
        %mul3A_3281 = arith.mulf %broadcast_in_dim3A_19, %sub3A_3226 : vector<16xf32>
        %mul3A_3282 = arith.mulf %mul3A_3281, %sub3A_3249 : vector<16xf32>
        %add3A_3283 = arith.addf %add3A_3280, %mul3A_3282 : vector<16xf32>
        %mul3A_3284 = arith.mulf %broadcast_in_dim3A_22, %sub3A_3226 : vector<16xf32>
        %mul3A_3285 = arith.mulf %mul3A_3284, %sub3A_3272 : vector<16xf32>
        %add3A_3286 = arith.addf %add3A_3283, %mul3A_3285 : vector<16xf32>
        %mul3A_3287 = arith.mulf %broadcast_in_dim3A_25, %sub3A_3249 : vector<16xf32>
        %mul3A_3288 = arith.mulf %mul3A_3287, %sub3A_3272 : vector<16xf32>
        %add3A_3289 = arith.addf %add3A_3286, %mul3A_3288 : vector<16xf32>
        %max3A_3290 = arith.constant 9.99999996E-13 : f32
        %max3A_3291 = vector.broadcast %max3A_3290 : f32 to vector<16xf32>
        %max3A_3292 = arith.maximumf %add3A_3289, %max3A_3291 : vector<16xf32>
        %bitcast_convert_type3A_3293 = tpu.bitcast %max3A_3292 : vector<16xf32> -> vector<16xi32>
        %shift_right_arithmetic3A_3294 = arith.constant 1 : i32
        %shift_right_arithmetic3A_3295 = vector.broadcast %shift_right_arithmetic3A_3294 : i32 to vector<16xi32>
        %shift_right_arithmetic3A_3296 = arith.shrsi %bitcast_convert_type3A_3293, %shift_right_arithmetic3A_3295 : vector<16xi32>
        %sub3A_3297 = arith.constant 1597463007 : i32
        %sub3A_3298 = vector.broadcast %sub3A_3297 : i32 to vector<16xi32>
        %sub3A_3299 = arith.subi %sub3A_3298, %shift_right_arithmetic3A_3296 : vector<16xi32>
        %bitcast_convert_type3A_3300 = tpu.bitcast %sub3A_3299 : vector<16xi32> -> vector<16xf32>
        %mul3A_3301 = arith.constant 5.000000e-01 : f32
        %mul3A_3302 = vector.broadcast %mul3A_3301 : f32 to vector<16xf32>
        %mul3A_3303 = arith.mulf %mul3A_3302, %max3A_3292 : vector<16xf32>
        %mul3A_3304 = arith.mulf %mul3A_3303, %bitcast_convert_type3A_3300 : vector<16xf32>
        %mul3A_3305 = arith.mulf %mul3A_3304, %bitcast_convert_type3A_3300 : vector<16xf32>
        %sub3A_3306 = arith.constant 1.500000e+00 : f32
        %sub3A_3307 = vector.broadcast %sub3A_3306 : f32 to vector<16xf32>
        %sub3A_3308 = arith.subf %sub3A_3307, %mul3A_3305 : vector<16xf32>
        %mul3A_3309 = arith.mulf %bitcast_convert_type3A_3300, %sub3A_3308 : vector<16xf32>
        %mul3A_3310 = arith.mulf %mul3A_3303, %mul3A_3309 : vector<16xf32>
        %mul3A_3311 = arith.mulf %mul3A_3310, %mul3A_3309 : vector<16xf32>
        %sub3A_3312 = arith.constant 1.500000e+00 : f32
        %sub3A_3313 = vector.broadcast %sub3A_3312 : f32 to vector<16xf32>
        %sub3A_3314 = arith.subf %sub3A_3313, %mul3A_3311 : vector<16xf32>
        %mul3A_3315 = arith.mulf %mul3A_3309, %sub3A_3314 : vector<16xf32>
        %mul3A_3316 = arith.mulf %mul3A_3303, %mul3A_3315 : vector<16xf32>
        %mul3A_3317 = arith.mulf %mul3A_3316, %mul3A_3315 : vector<16xf32>
        %sub3A_3318 = arith.constant 1.500000e+00 : f32
        %sub3A_3319 = vector.broadcast %sub3A_3318 : f32 to vector<16xf32>
        %sub3A_3320 = arith.subf %sub3A_3319, %mul3A_3317 : vector<16xf32>
        %mul3A_3321 = arith.mulf %mul3A_3315, %sub3A_3320 : vector<16xf32>
        %mul3A_3322 = arith.mulf %add3A_3289, %mul3A_3321 : vector<16xf32>
        %slice3A_3323 = vector.extract_strided_slice %get3A_231 {offsets = [14], sizes = [1], strides = [1]} : vector<16xf32> to vector<1xf32>
        %squeeze3A_3324 = vector.extract %slice3A_3323[0] : f32 from vector<1xf32>
        %broadcast_in_dim3A_3325 = vector.broadcast %squeeze3A_3324 : f32 to vector<16xf32>
        %mul3A_3326 = arith.mulf %add3A_141, %broadcast_in_dim3A_3325 : vector<16xf32>
        %add3A_3327 = arith.addf %add3A_139, %mul3A_3326 : vector<16xf32>
        %mul3A_3328 = arith.mulf %add3A_145, %broadcast_in_dim3A_3325 : vector<16xf32>
        %add3A_3329 = arith.addf %add3A_143, %mul3A_3328 : vector<16xf32>
        %mul3A_3330 = arith.mulf %add3A_149, %broadcast_in_dim3A_3325 : vector<16xf32>
        %add3A_3331 = arith.addf %add3A_147, %mul3A_3330 : vector<16xf32>
        %mul3A_3332 = arith.mulf %add3A_153, %broadcast_in_dim3A_3325 : vector<16xf32>
        %add3A_3333 = arith.addf %add3A_151, %mul3A_3332 : vector<16xf32>
        %mul3A_3334 = arith.mulf %mul3A_3322, %add3A_3327 : vector<16xf32>
        %sub3A_3335 = arith.constant 1.000000e+00 : f32
        %sub3A_3336 = vector.broadcast %sub3A_3335 : f32 to vector<16xf32>
        %sub3A_3337 = arith.subf %sub3A_3336, %mul3A_3334 : vector<16xf32>
        %lt3A_3338 = arith.cmpf olt, %add3A_3289, %broadcast_in_dim3A_64 : vector<16xf32>
        %gt3A_3339 = arith.constant 0.000000e+00 : f32
        %gt3A_3340 = vector.broadcast %gt3A_3339 : f32 to vector<16xf32>
        %gt3A_3341 = arith.cmpf ogt, %sub3A_3337, %gt3A_3340 : vector<16xf32>
        %and3A_3342 = arith.andi %lt3A_3338, %gt3A_3341 : vector<16xi1>
        %ne3A_3343 = vector.broadcast %add3A_3203 : i32 to vector<16xi32>
        %ne3A_3344 = arith.cmpi ne, %add3A_137, %ne3A_3343 : vector<16xi32>
        %and3A_3345 = arith.andi %and3A_3342, %ne3A_3344 : vector<16xi1>
        %jit3A_3346 = arith.constant 5.000000e-01 : f32
        %broadcast_in_dim3A_3347 = vector.broadcast %jit3A_3346 : f32 to vector<16xf32>
        %select_n3A_3348 = arith.select %and3A_3345, %sub3A_3337, %broadcast_in_dim3A_3347 : vector<16xi1>, vector<16xf32>
        %bitcast_convert_type3A_3349 = tpu.bitcast %select_n3A_3348 : vector<16xf32> -> vector<16xi32>
        %shift_right_arithmetic3A_3350 = arith.constant 23 : i32
        %shift_right_arithmetic3A_3351 = vector.broadcast %shift_right_arithmetic3A_3350 : i32 to vector<16xi32>
        %shift_right_arithmetic3A_3352 = arith.shrsi %bitcast_convert_type3A_3349, %shift_right_arithmetic3A_3351 : vector<16xi32>
        %and3A_3353 = arith.constant 255 : i32
        %and3A_3354 = vector.broadcast %and3A_3353 : i32 to vector<16xi32>
        %and3A_3355 = arith.andi %shift_right_arithmetic3A_3352, %and3A_3354 : vector<16xi32>
        %sub3A_3356 = arith.constant 127 : i32
        %sub3A_3357 = vector.broadcast %sub3A_3356 : i32 to vector<16xi32>
        %sub3A_3358 = arith.subi %and3A_3355, %sub3A_3357 : vector<16xi32>
        %and3A_3359 = arith.constant 8388607 : i32
        %and3A_3360 = vector.broadcast %and3A_3359 : i32 to vector<16xi32>
        %and3A_3361 = arith.andi %bitcast_convert_type3A_3349, %and3A_3360 : vector<16xi32>
        %or3A_3362 = arith.constant 1065353216 : i32
        %or3A_3363 = vector.broadcast %or3A_3362 : i32 to vector<16xi32>
        %or3A_3364 = arith.ori %and3A_3361, %or3A_3363 : vector<16xi32>
        %bitcast_convert_type3A_3365 = tpu.bitcast %or3A_3364 : vector<16xi32> -> vector<16xf32>
        %sub3A_3366 = arith.constant 1.000000e+00 : f32
        %sub3A_3367 = vector.broadcast %sub3A_3366 : f32 to vector<16xf32>
        %sub3A_3368 = arith.subf %bitcast_convert_type3A_3365, %sub3A_3367 : vector<16xf32>
        %add3A_3369 = arith.constant 1.000000e+00 : f32
        %add3A_3370 = vector.broadcast %add3A_3369 : f32 to vector<16xf32>
        %add3A_3371 = arith.addf %bitcast_convert_type3A_3365, %add3A_3370 : vector<16xf32>
        %div3A_3372 = arith.divf %sub3A_3368, %add3A_3371 : vector<16xf32>
        %mul3A_3373 = arith.mulf %div3A_3372, %div3A_3372 : vector<16xf32>
        %mul3A_3374 = arith.constant 0.285714298 : f32
        %mul3A_3375 = vector.broadcast %mul3A_3374 : f32 to vector<16xf32>
        %mul3A_3376 = arith.mulf %mul3A_3373, %mul3A_3375 : vector<16xf32>
        %add3A_3377 = arith.constant 4.000000e-01 : f32
        %add3A_3378 = vector.broadcast %add3A_3377 : f32 to vector<16xf32>
        %add3A_3379 = arith.addf %add3A_3378, %mul3A_3376 : vector<16xf32>
        %mul3A_3380 = arith.mulf %mul3A_3373, %add3A_3379 : vector<16xf32>
        %add3A_3381 = arith.constant 0.666666686 : f32
        %add3A_3382 = vector.broadcast %add3A_3381 : f32 to vector<16xf32>
        %add3A_3383 = arith.addf %add3A_3382, %mul3A_3380 : vector<16xf32>
        %mul3A_3384 = arith.mulf %mul3A_3373, %add3A_3383 : vector<16xf32>
        %add3A_3385 = arith.constant 2.000000e+00 : f32
        %add3A_3386 = vector.broadcast %add3A_3385 : f32 to vector<16xf32>
        %add3A_3387 = arith.addf %add3A_3386, %mul3A_3384 : vector<16xf32>
        %mul3A_3388 = arith.mulf %div3A_3372, %add3A_3387 : vector<16xf32>
        %convert_element_type3A_3389 = arith.sitofp %sub3A_3358 : vector<16xi32> to vector<16xf32>
        %mul3A_3390 = arith.constant 0.693147182 : f32
        %mul3A_3391 = vector.broadcast %mul3A_3390 : f32 to vector<16xf32>
        %mul3A_3392 = arith.mulf %convert_element_type3A_3389, %mul3A_3391 : vector<16xf32>
        %add3A_3393 = arith.addf %mul3A_3392, %mul3A_3388 : vector<16xf32>
        %mul3A_3394 = arith.mulf %add3A_3329, %add3A_3393 : vector<16xf32>
        %exp3A_3395 = math.exp %mul3A_3394 : vector<16xf32>
        %div3A_3396 = arith.divf %exp3A_3395, %select_n3A_3348 : vector<16xf32>
        %mul3A_3397 = arith.mulf %add3A_3331, %exp3A_3395 : vector<16xf32>
        %jit3A_3398 = arith.constant 0.000000e+00 : f32
        %broadcast_in_dim3A_3399 = vector.broadcast %jit3A_3398 : f32 to vector<16xf32>
        %select_n3A_3400 = arith.select %and3A_3345, %mul3A_3397, %broadcast_in_dim3A_3399 : vector<16xi1>, vector<16xf32>
        %mul3A_3401 = arith.mulf %add3A_3333, %div3A_3396 : vector<16xf32>
        %mul3A_3402 = arith.mulf %mul3A_3401, %mul3A_3321 : vector<16xf32>
        %jit3A_3403 = arith.constant 0.000000e+00 : f32
        %broadcast_in_dim3A_3404 = vector.broadcast %jit3A_3403 : f32 to vector<16xf32>
        %select_n3A_3405 = arith.select %and3A_3345, %mul3A_3402, %broadcast_in_dim3A_3404 : vector<16xi1>, vector<16xf32>
        %mul3A_3406 = arith.mulf %select_n3A_3405, %sub3A_3226 : vector<16xf32>
        %add3A_3407 = arith.addf %add3A_3194, %mul3A_3406 : vector<16xf32>
        %mul3A_3408 = arith.mulf %select_n3A_3405, %sub3A_3249 : vector<16xf32>
        %add3A_3409 = arith.addf %add3A_3196, %mul3A_3408 : vector<16xf32>
        %mul3A_3410 = arith.mulf %select_n3A_3405, %sub3A_3272 : vector<16xf32>
        %add3A_3411 = arith.addf %add3A_3198, %mul3A_3410 : vector<16xf32>
        %add3A_3412 = arith.addf %add3A_3199, %select_n3A_3400 : vector<16xf32>
        %mul3A_3413 = arith.constant 16 : i32
        %mul3A_3414 = arith.muli %scan3A_207, %mul3A_3413 : i32
        %add3A_3415 = arith.constant 15 : i32
        %add3A_3416 = arith.addi %mul3A_3414, %add3A_3415 : i32
        %slice3A_3417 = vector.extract_strided_slice %get3A_216 {offsets = [15], sizes = [1], strides = [1]} : vector<16xf32> to vector<1xf32>
        %squeeze3A_3418 = vector.extract %slice3A_3417[0] : f32 from vector<1xf32>
        %broadcast_in_dim3A_3419 = vector.broadcast %squeeze3A_3418 : f32 to vector<16xf32>
        %sub3A_3420 = arith.subf %broadcast_in_dim3A_3419, %get3A_126 : vector<16xf32>
        %gt3A_3421 = arith.constant 5.000000e-01 : f32
        %gt3A_3422 = vector.broadcast %gt3A_3421 : f32 to vector<16xf32>
        %gt3A_3423 = arith.cmpf ogt, %sub3A_3420, %gt3A_3422 : vector<16xf32>
        %jit3A_3424 = arith.constant 1.000000e+00 : f32
        %jit3A_3425 = arith.constant 0.000000e+00 : f32
        %broadcast_in_dim3A_3426 = vector.broadcast %jit3A_3424 : f32 to vector<16xf32>
        %broadcast_in_dim3A_3427 = vector.broadcast %jit3A_3425 : f32 to vector<16xf32>
        %select_n3A_3428 = arith.select %gt3A_3423, %broadcast_in_dim3A_3426, %broadcast_in_dim3A_3427 : vector<16xi1>, vector<16xf32>
        %lt3A_3429 = arith.constant -5.000000e-01 : f32
        %lt3A_3430 = vector.broadcast %lt3A_3429 : f32 to vector<16xf32>
        %lt3A_3431 = arith.cmpf olt, %sub3A_3420, %lt3A_3430 : vector<16xf32>
        %jit3A_3432 = arith.constant 1.000000e+00 : f32
        %jit3A_3433 = arith.constant 0.000000e+00 : f32
        %broadcast_in_dim3A_3434 = vector.broadcast %jit3A_3432 : f32 to vector<16xf32>
        %broadcast_in_dim3A_3435 = vector.broadcast %jit3A_3433 : f32 to vector<16xf32>
        %select_n3A_3436 = arith.select %lt3A_3431, %broadcast_in_dim3A_3434, %broadcast_in_dim3A_3435 : vector<16xi1>, vector<16xf32>
        %sub3A_3437 = arith.subf %select_n3A_3428, %select_n3A_3436 : vector<16xf32>
        %mul3A_3438 = arith.mulf %sub3A_3437, %broadcast_in_dim3A_28 : vector<16xf32>
        %sub3A_3439 = arith.subf %sub3A_3420, %mul3A_3438 : vector<16xf32>
        %slice3A_3440 = vector.extract_strided_slice %get3A_221 {offsets = [15], sizes = [1], strides = [1]} : vector<16xf32> to vector<1xf32>
        %squeeze3A_3441 = vector.extract %slice3A_3440[0] : f32 from vector<1xf32>
        %broadcast_in_dim3A_3442 = vector.broadcast %squeeze3A_3441 : f32 to vector<16xf32>
        %sub3A_3443 = arith.subf %broadcast_in_dim3A_3442, %get3A_129 : vector<16xf32>
        %gt3A_3444 = arith.constant 5.000000e-01 : f32
        %gt3A_3445 = vector.broadcast %gt3A_3444 : f32 to vector<16xf32>
        %gt3A_3446 = arith.cmpf ogt, %sub3A_3443, %gt3A_3445 : vector<16xf32>
        %jit3A_3447 = arith.constant 1.000000e+00 : f32
        %jit3A_3448 = arith.constant 0.000000e+00 : f32
        %broadcast_in_dim3A_3449 = vector.broadcast %jit3A_3447 : f32 to vector<16xf32>
        %broadcast_in_dim3A_3450 = vector.broadcast %jit3A_3448 : f32 to vector<16xf32>
        %select_n3A_3451 = arith.select %gt3A_3446, %broadcast_in_dim3A_3449, %broadcast_in_dim3A_3450 : vector<16xi1>, vector<16xf32>
        %lt3A_3452 = arith.constant -5.000000e-01 : f32
        %lt3A_3453 = vector.broadcast %lt3A_3452 : f32 to vector<16xf32>
        %lt3A_3454 = arith.cmpf olt, %sub3A_3443, %lt3A_3453 : vector<16xf32>
        %jit3A_3455 = arith.constant 1.000000e+00 : f32
        %jit3A_3456 = arith.constant 0.000000e+00 : f32
        %broadcast_in_dim3A_3457 = vector.broadcast %jit3A_3455 : f32 to vector<16xf32>
        %broadcast_in_dim3A_3458 = vector.broadcast %jit3A_3456 : f32 to vector<16xf32>
        %select_n3A_3459 = arith.select %lt3A_3454, %broadcast_in_dim3A_3457, %broadcast_in_dim3A_3458 : vector<16xi1>, vector<16xf32>
        %sub3A_3460 = arith.subf %select_n3A_3451, %select_n3A_3459 : vector<16xf32>
        %mul3A_3461 = arith.mulf %sub3A_3460, %broadcast_in_dim3A_31 : vector<16xf32>
        %sub3A_3462 = arith.subf %sub3A_3443, %mul3A_3461 : vector<16xf32>
        %slice3A_3463 = vector.extract_strided_slice %get3A_226 {offsets = [15], sizes = [1], strides = [1]} : vector<16xf32> to vector<1xf32>
        %squeeze3A_3464 = vector.extract %slice3A_3463[0] : f32 from vector<1xf32>
        %broadcast_in_dim3A_3465 = vector.broadcast %squeeze3A_3464 : f32 to vector<16xf32>
        %sub3A_3466 = arith.subf %broadcast_in_dim3A_3465, %get3A_132 : vector<16xf32>
        %gt3A_3467 = arith.constant 5.000000e-01 : f32
        %gt3A_3468 = vector.broadcast %gt3A_3467 : f32 to vector<16xf32>
        %gt3A_3469 = arith.cmpf ogt, %sub3A_3466, %gt3A_3468 : vector<16xf32>
        %jit3A_3470 = arith.constant 1.000000e+00 : f32
        %jit3A_3471 = arith.constant 0.000000e+00 : f32
        %broadcast_in_dim3A_3472 = vector.broadcast %jit3A_3470 : f32 to vector<16xf32>
        %broadcast_in_dim3A_3473 = vector.broadcast %jit3A_3471 : f32 to vector<16xf32>
        %select_n3A_3474 = arith.select %gt3A_3469, %broadcast_in_dim3A_3472, %broadcast_in_dim3A_3473 : vector<16xi1>, vector<16xf32>
        %lt3A_3475 = arith.constant -5.000000e-01 : f32
        %lt3A_3476 = vector.broadcast %lt3A_3475 : f32 to vector<16xf32>
        %lt3A_3477 = arith.cmpf olt, %sub3A_3466, %lt3A_3476 : vector<16xf32>
        %jit3A_3478 = arith.constant 1.000000e+00 : f32
        %jit3A_3479 = arith.constant 0.000000e+00 : f32
        %broadcast_in_dim3A_3480 = vector.broadcast %jit3A_3478 : f32 to vector<16xf32>
        %broadcast_in_dim3A_3481 = vector.broadcast %jit3A_3479 : f32 to vector<16xf32>
        %select_n3A_3482 = arith.select %lt3A_3477, %broadcast_in_dim3A_3480, %broadcast_in_dim3A_3481 : vector<16xi1>, vector<16xf32>
        %sub3A_3483 = arith.subf %select_n3A_3474, %select_n3A_3482 : vector<16xf32>
        %mul3A_3484 = arith.mulf %sub3A_3483, %broadcast_in_dim3A_34 : vector<16xf32>
        %sub3A_3485 = arith.subf %sub3A_3466, %mul3A_3484 : vector<16xf32>
        %mul3A_3486 = arith.mulf %broadcast_in_dim3A, %sub3A_3439 : vector<16xf32>
        %mul3A_3487 = arith.mulf %mul3A_3486, %sub3A_3439 : vector<16xf32>
        %mul3A_3488 = arith.mulf %broadcast_in_dim3A_13, %sub3A_3462 : vector<16xf32>
        %mul3A_3489 = arith.mulf %mul3A_3488, %sub3A_3462 : vector<16xf32>
        %add3A_3490 = arith.addf %mul3A_3487, %mul3A_3489 : vector<16xf32>
        %mul3A_3491 = arith.mulf %broadcast_in_dim3A_16, %sub3A_3485 : vector<16xf32>
        %mul3A_3492 = arith.mulf %mul3A_3491, %sub3A_3485 : vector<16xf32>
        %add3A_3493 = arith.addf %add3A_3490, %mul3A_3492 : vector<16xf32>
        %mul3A_3494 = arith.mulf %broadcast_in_dim3A_19, %sub3A_3439 : vector<16xf32>
        %mul3A_3495 = arith.mulf %mul3A_3494, %sub3A_3462 : vector<16xf32>
        %add3A_3496 = arith.addf %add3A_3493, %mul3A_3495 : vector<16xf32>
        %mul3A_3497 = arith.mulf %broadcast_in_dim3A_22, %sub3A_3439 : vector<16xf32>
        %mul3A_3498 = arith.mulf %mul3A_3497, %sub3A_3485 : vector<16xf32>
        %add3A_3499 = arith.addf %add3A_3496, %mul3A_3498 : vector<16xf32>
        %mul3A_3500 = arith.mulf %broadcast_in_dim3A_25, %sub3A_3462 : vector<16xf32>
        %mul3A_3501 = arith.mulf %mul3A_3500, %sub3A_3485 : vector<16xf32>
        %add3A_3502 = arith.addf %add3A_3499, %mul3A_3501 : vector<16xf32>
        %max3A_3503 = arith.constant 9.99999996E-13 : f32
        %max3A_3504 = vector.broadcast %max3A_3503 : f32 to vector<16xf32>
        %max3A_3505 = arith.maximumf %add3A_3502, %max3A_3504 : vector<16xf32>
        %bitcast_convert_type3A_3506 = tpu.bitcast %max3A_3505 : vector<16xf32> -> vector<16xi32>
        %shift_right_arithmetic3A_3507 = arith.constant 1 : i32
        %shift_right_arithmetic3A_3508 = vector.broadcast %shift_right_arithmetic3A_3507 : i32 to vector<16xi32>
        %shift_right_arithmetic3A_3509 = arith.shrsi %bitcast_convert_type3A_3506, %shift_right_arithmetic3A_3508 : vector<16xi32>
        %sub3A_3510 = arith.constant 1597463007 : i32
        %sub3A_3511 = vector.broadcast %sub3A_3510 : i32 to vector<16xi32>
        %sub3A_3512 = arith.subi %sub3A_3511, %shift_right_arithmetic3A_3509 : vector<16xi32>
        %bitcast_convert_type3A_3513 = tpu.bitcast %sub3A_3512 : vector<16xi32> -> vector<16xf32>
        %mul3A_3514 = arith.constant 5.000000e-01 : f32
        %mul3A_3515 = vector.broadcast %mul3A_3514 : f32 to vector<16xf32>
        %mul3A_3516 = arith.mulf %mul3A_3515, %max3A_3505 : vector<16xf32>
        %mul3A_3517 = arith.mulf %mul3A_3516, %bitcast_convert_type3A_3513 : vector<16xf32>
        %mul3A_3518 = arith.mulf %mul3A_3517, %bitcast_convert_type3A_3513 : vector<16xf32>
        %sub3A_3519 = arith.constant 1.500000e+00 : f32
        %sub3A_3520 = vector.broadcast %sub3A_3519 : f32 to vector<16xf32>
        %sub3A_3521 = arith.subf %sub3A_3520, %mul3A_3518 : vector<16xf32>
        %mul3A_3522 = arith.mulf %bitcast_convert_type3A_3513, %sub3A_3521 : vector<16xf32>
        %mul3A_3523 = arith.mulf %mul3A_3516, %mul3A_3522 : vector<16xf32>
        %mul3A_3524 = arith.mulf %mul3A_3523, %mul3A_3522 : vector<16xf32>
        %sub3A_3525 = arith.constant 1.500000e+00 : f32
        %sub3A_3526 = vector.broadcast %sub3A_3525 : f32 to vector<16xf32>
        %sub3A_3527 = arith.subf %sub3A_3526, %mul3A_3524 : vector<16xf32>
        %mul3A_3528 = arith.mulf %mul3A_3522, %sub3A_3527 : vector<16xf32>
        %mul3A_3529 = arith.mulf %mul3A_3516, %mul3A_3528 : vector<16xf32>
        %mul3A_3530 = arith.mulf %mul3A_3529, %mul3A_3528 : vector<16xf32>
        %sub3A_3531 = arith.constant 1.500000e+00 : f32
        %sub3A_3532 = vector.broadcast %sub3A_3531 : f32 to vector<16xf32>
        %sub3A_3533 = arith.subf %sub3A_3532, %mul3A_3530 : vector<16xf32>
        %mul3A_3534 = arith.mulf %mul3A_3528, %sub3A_3533 : vector<16xf32>
        %mul3A_3535 = arith.mulf %add3A_3502, %mul3A_3534 : vector<16xf32>
        %slice3A_3536 = vector.extract_strided_slice %get3A_231 {offsets = [15], sizes = [1], strides = [1]} : vector<16xf32> to vector<1xf32>
        %squeeze3A_3537 = vector.extract %slice3A_3536[0] : f32 from vector<1xf32>
        %broadcast_in_dim3A_3538 = vector.broadcast %squeeze3A_3537 : f32 to vector<16xf32>
        %mul3A_3539 = arith.mulf %add3A_141, %broadcast_in_dim3A_3538 : vector<16xf32>
        %add3A_3540 = arith.addf %add3A_139, %mul3A_3539 : vector<16xf32>
        %mul3A_3541 = arith.mulf %add3A_145, %broadcast_in_dim3A_3538 : vector<16xf32>
        %add3A_3542 = arith.addf %add3A_143, %mul3A_3541 : vector<16xf32>
        %mul3A_3543 = arith.mulf %add3A_149, %broadcast_in_dim3A_3538 : vector<16xf32>
        %add3A_3544 = arith.addf %add3A_147, %mul3A_3543 : vector<16xf32>
        %mul3A_3545 = arith.mulf %add3A_153, %broadcast_in_dim3A_3538 : vector<16xf32>
        %add3A_3546 = arith.addf %add3A_151, %mul3A_3545 : vector<16xf32>
        %mul3A_3547 = arith.mulf %mul3A_3535, %add3A_3540 : vector<16xf32>
        %sub3A_3548 = arith.constant 1.000000e+00 : f32
        %sub3A_3549 = vector.broadcast %sub3A_3548 : f32 to vector<16xf32>
        %sub3A_3550 = arith.subf %sub3A_3549, %mul3A_3547 : vector<16xf32>
        %lt3A_3551 = arith.cmpf olt, %add3A_3502, %broadcast_in_dim3A_64 : vector<16xf32>
        %gt3A_3552 = arith.constant 0.000000e+00 : f32
        %gt3A_3553 = vector.broadcast %gt3A_3552 : f32 to vector<16xf32>
        %gt3A_3554 = arith.cmpf ogt, %sub3A_3550, %gt3A_3553 : vector<16xf32>
        %and3A_3555 = arith.andi %lt3A_3551, %gt3A_3554 : vector<16xi1>
        %ne3A_3556 = vector.broadcast %add3A_3416 : i32 to vector<16xi32>
        %ne3A_3557 = arith.cmpi ne, %add3A_137, %ne3A_3556 : vector<16xi32>
        %and3A_3558 = arith.andi %and3A_3555, %ne3A_3557 : vector<16xi1>
        %jit3A_3559 = arith.constant 5.000000e-01 : f32
        %broadcast_in_dim3A_3560 = vector.broadcast %jit3A_3559 : f32 to vector<16xf32>
        %select_n3A_3561 = arith.select %and3A_3558, %sub3A_3550, %broadcast_in_dim3A_3560 : vector<16xi1>, vector<16xf32>
        %bitcast_convert_type3A_3562 = tpu.bitcast %select_n3A_3561 : vector<16xf32> -> vector<16xi32>
        %shift_right_arithmetic3A_3563 = arith.constant 23 : i32
        %shift_right_arithmetic3A_3564 = vector.broadcast %shift_right_arithmetic3A_3563 : i32 to vector<16xi32>
        %shift_right_arithmetic3A_3565 = arith.shrsi %bitcast_convert_type3A_3562, %shift_right_arithmetic3A_3564 : vector<16xi32>
        %and3A_3566 = arith.constant 255 : i32
        %and3A_3567 = vector.broadcast %and3A_3566 : i32 to vector<16xi32>
        %and3A_3568 = arith.andi %shift_right_arithmetic3A_3565, %and3A_3567 : vector<16xi32>
        %sub3A_3569 = arith.constant 127 : i32
        %sub3A_3570 = vector.broadcast %sub3A_3569 : i32 to vector<16xi32>
        %sub3A_3571 = arith.subi %and3A_3568, %sub3A_3570 : vector<16xi32>
        %and3A_3572 = arith.constant 8388607 : i32
        %and3A_3573 = vector.broadcast %and3A_3572 : i32 to vector<16xi32>
        %and3A_3574 = arith.andi %bitcast_convert_type3A_3562, %and3A_3573 : vector<16xi32>
        %or3A_3575 = arith.constant 1065353216 : i32
        %or3A_3576 = vector.broadcast %or3A_3575 : i32 to vector<16xi32>
        %or3A_3577 = arith.ori %and3A_3574, %or3A_3576 : vector<16xi32>
        %bitcast_convert_type3A_3578 = tpu.bitcast %or3A_3577 : vector<16xi32> -> vector<16xf32>
        %sub3A_3579 = arith.constant 1.000000e+00 : f32
        %sub3A_3580 = vector.broadcast %sub3A_3579 : f32 to vector<16xf32>
        %sub3A_3581 = arith.subf %bitcast_convert_type3A_3578, %sub3A_3580 : vector<16xf32>
        %add3A_3582 = arith.constant 1.000000e+00 : f32
        %add3A_3583 = vector.broadcast %add3A_3582 : f32 to vector<16xf32>
        %add3A_3584 = arith.addf %bitcast_convert_type3A_3578, %add3A_3583 : vector<16xf32>
        %div3A_3585 = arith.divf %sub3A_3581, %add3A_3584 : vector<16xf32>
        %mul3A_3586 = arith.mulf %div3A_3585, %div3A_3585 : vector<16xf32>
        %mul3A_3587 = arith.constant 0.285714298 : f32
        %mul3A_3588 = vector.broadcast %mul3A_3587 : f32 to vector<16xf32>
        %mul3A_3589 = arith.mulf %mul3A_3586, %mul3A_3588 : vector<16xf32>
        %add3A_3590 = arith.constant 4.000000e-01 : f32
        %add3A_3591 = vector.broadcast %add3A_3590 : f32 to vector<16xf32>
        %add3A_3592 = arith.addf %add3A_3591, %mul3A_3589 : vector<16xf32>
        %mul3A_3593 = arith.mulf %mul3A_3586, %add3A_3592 : vector<16xf32>
        %add3A_3594 = arith.constant 0.666666686 : f32
        %add3A_3595 = vector.broadcast %add3A_3594 : f32 to vector<16xf32>
        %add3A_3596 = arith.addf %add3A_3595, %mul3A_3593 : vector<16xf32>
        %mul3A_3597 = arith.mulf %mul3A_3586, %add3A_3596 : vector<16xf32>
        %add3A_3598 = arith.constant 2.000000e+00 : f32
        %add3A_3599 = vector.broadcast %add3A_3598 : f32 to vector<16xf32>
        %add3A_3600 = arith.addf %add3A_3599, %mul3A_3597 : vector<16xf32>
        %mul3A_3601 = arith.mulf %div3A_3585, %add3A_3600 : vector<16xf32>
        %convert_element_type3A_3602 = arith.sitofp %sub3A_3571 : vector<16xi32> to vector<16xf32>
        %mul3A_3603 = arith.constant 0.693147182 : f32
        %mul3A_3604 = vector.broadcast %mul3A_3603 : f32 to vector<16xf32>
        %mul3A_3605 = arith.mulf %convert_element_type3A_3602, %mul3A_3604 : vector<16xf32>
        %add3A_3606 = arith.addf %mul3A_3605, %mul3A_3601 : vector<16xf32>
        %mul3A_3607 = arith.mulf %add3A_3542, %add3A_3606 : vector<16xf32>
        %exp3A_3608 = math.exp %mul3A_3607 : vector<16xf32>
        %div3A_3609 = arith.divf %exp3A_3608, %select_n3A_3561 : vector<16xf32>
        %mul3A_3610 = arith.mulf %add3A_3544, %exp3A_3608 : vector<16xf32>
        %jit3A_3611 = arith.constant 0.000000e+00 : f32
        %broadcast_in_dim3A_3612 = vector.broadcast %jit3A_3611 : f32 to vector<16xf32>
        %select_n3A_3613 = arith.select %and3A_3558, %mul3A_3610, %broadcast_in_dim3A_3612 : vector<16xi1>, vector<16xf32>
        %mul3A_3614 = arith.mulf %add3A_3546, %div3A_3609 : vector<16xf32>
        %mul3A_3615 = arith.mulf %mul3A_3614, %mul3A_3534 : vector<16xf32>
        %jit3A_3616 = arith.constant 0.000000e+00 : f32
        %broadcast_in_dim3A_3617 = vector.broadcast %jit3A_3616 : f32 to vector<16xf32>
        %select_n3A_3618 = arith.select %and3A_3558, %mul3A_3615, %broadcast_in_dim3A_3617 : vector<16xi1>, vector<16xf32>
        %mul3A_3619 = arith.mulf %select_n3A_3618, %sub3A_3439 : vector<16xf32>
        %add3A_3620 = arith.addf %add3A_3407, %mul3A_3619 : vector<16xf32>
        %mul3A_3621 = arith.mulf %select_n3A_3618, %sub3A_3462 : vector<16xf32>
        %add3A_3622 = arith.addf %add3A_3409, %mul3A_3621 : vector<16xf32>
        %mul3A_3623 = arith.mulf %select_n3A_3618, %sub3A_3485 : vector<16xf32>
        %add3A_3624 = arith.addf %add3A_3411, %mul3A_3623 : vector<16xf32>
        %add3A_3625 = arith.addf %add3A_3412, %select_n3A_3613 : vector<16xf32>
        scf.yield %add3A_3620, %add3A_3622, %add3A_3624, %add3A_3625 : vector<16xf32>, vector<16xf32>, vector<16xf32>, vector<16xf32>
      }
      %scan3A_161 = arith.constant 64 : i32
      %mul3A_162 = arith.mulf %scan3A_160#0, %broadcast_in_dim3A_37 : vector<16xf32>
      %mul3A_163 = arith.mulf %scan3A_160#1, %broadcast_in_dim3A_46 : vector<16xf32>
      %add3A_164 = arith.addf %mul3A_162, %mul3A_163 : vector<16xf32>
      %mul3A_165 = arith.mulf %scan3A_160#2, %broadcast_in_dim3A_55 : vector<16xf32>
      %add3A_166 = arith.addf %add3A_164, %mul3A_165 : vector<16xf32>
      %mul3A_167 = arith.constant 16 : i32
      %mul3A_168 = arith.muli %scan3A_119, %mul3A_167 : i32
      %swap3A = arith.index_cast %mul3A_168 : i32 to index
      %swap3A_169 = tpu.vector_load %arg16[%swap3A] {strides = array<i32>} : memref<128xf32, #tpu.memory_space<vmem>>, vector<16xf32>,
      %swap3A_170 = vector.shape_cast %swap3A_169 : vector<16xf32> to vector<16xf32>
      %swap3A_171 = vector.shape_cast %add3A_166 : vector<16xf32> to vector<16xf32>
      tpu.vector_store %arg16[%swap3A], %swap3A_171 {strides = array<i32>} : memref<128xf32, #tpu.memory_space<vmem>>, vector<16xf32>,
      %mul3A_172 = arith.mulf %scan3A_160#0, %broadcast_in_dim3A_40 : vector<16xf32>
      %mul3A_173 = arith.mulf %scan3A_160#1, %broadcast_in_dim3A_49 : vector<16xf32>
      %add3A_174 = arith.addf %mul3A_172, %mul3A_173 : vector<16xf32>
      %mul3A_175 = arith.mulf %scan3A_160#2, %broadcast_in_dim3A_58 : vector<16xf32>
      %add3A_176 = arith.addf %add3A_174, %mul3A_175 : vector<16xf32>
      %mul3A_177 = arith.constant 16 : i32
      %mul3A_178 = arith.muli %scan3A_119, %mul3A_177 : i32
      %add3A_179 = arith.constant 32 : i32
      %add3A_180 = arith.addi %add3A_179, %mul3A_178 : i32
      %swap3A_181 = arith.index_cast %add3A_180 : i32 to index
      %swap3A_182 = tpu.vector_load %arg16[%swap3A_181] {strides = array<i32>} : memref<128xf32, #tpu.memory_space<vmem>>, vector<16xf32>,
      %swap3A_183 = vector.shape_cast %swap3A_182 : vector<16xf32> to vector<16xf32>
      %swap3A_184 = vector.shape_cast %add3A_176 : vector<16xf32> to vector<16xf32>
      tpu.vector_store %arg16[%swap3A_181], %swap3A_184 {strides = array<i32>} : memref<128xf32, #tpu.memory_space<vmem>>, vector<16xf32>,
      %mul3A_185 = arith.mulf %scan3A_160#0, %broadcast_in_dim3A_43 : vector<16xf32>
      %mul3A_186 = arith.mulf %scan3A_160#1, %broadcast_in_dim3A_52 : vector<16xf32>
      %add3A_187 = arith.addf %mul3A_185, %mul3A_186 : vector<16xf32>
      %mul3A_188 = arith.mulf %scan3A_160#2, %broadcast_in_dim3A_61 : vector<16xf32>
      %add3A_189 = arith.addf %add3A_187, %mul3A_188 : vector<16xf32>
      %mul3A_190 = arith.constant 16 : i32
      %mul3A_191 = arith.muli %scan3A_119, %mul3A_190 : i32
      %add3A_192 = arith.constant 64 : i32
      %add3A_193 = arith.addi %add3A_192, %mul3A_191 : i32
      %swap3A_194 = arith.index_cast %add3A_193 : i32 to index
      %swap3A_195 = tpu.vector_load %arg16[%swap3A_194] {strides = array<i32>} : memref<128xf32, #tpu.memory_space<vmem>>, vector<16xf32>,
      %swap3A_196 = vector.shape_cast %swap3A_195 : vector<16xf32> to vector<16xf32>
      %swap3A_197 = vector.shape_cast %add3A_189 : vector<16xf32> to vector<16xf32>
      tpu.vector_store %arg16[%swap3A_194], %swap3A_197 {strides = array<i32>} : memref<128xf32, #tpu.memory_space<vmem>>, vector<16xf32>,
      %mul3A_198 = arith.constant 16 : i32
      %mul3A_199 = arith.muli %scan3A_119, %mul3A_198 : i32
      %add3A_200 = arith.constant 96 : i32
      %add3A_201 = arith.addi %add3A_200, %mul3A_199 : i32
      %swap3A_202 = arith.index_cast %add3A_201 : i32 to index
      %swap3A_203 = tpu.vector_load %arg16[%swap3A_202] {strides = array<i32>} : memref<128xf32, #tpu.memory_space<vmem>>, vector<16xf32>,
      %swap3A_204 = vector.shape_cast %swap3A_203 : vector<16xf32> to vector<16xf32>
      %swap3A_205 = vector.shape_cast %scan3A_160#3 : vector<16xf32> to vector<16xf32>
      tpu.vector_store %arg16[%swap3A_202], %swap3A_205 {strides = array<i32>} : memref<128xf32, #tpu.memory_space<vmem>>, vector<16xf32>,
      %scan3A_206 = arith.constant 0 : i32
      scf.yield %scan3A_206 : i32
    }
    %scan3A_118 = arith.constant 2 : i32
    "tpu.region"() ({
      %run_scoped3A = tpu.sem_alloc : memref<!tpu.dma_semaphore, #tpu.memory_space<semaphore_mem>>
      %dma_start3A = arith.constant 0 : i32
      %dma_start3A_119 = tpu.memref_slice %arg16[%dma_start3A] : memref<128xf32, #tpu.memory_space<vmem>> -> memref<32xf32, #tpu.memory_space<vmem>>
      %dma_start3A_120 = tpu.memref_slice %arg7[%mul3A_2] : memref<1024xf32, #tpu.memory_space<hbm>> -> memref<32xf32, #tpu.memory_space<hbm>>
      %dma_start3A_121 = tpu.memref_slice %arg7[%mul3A_2] : memref<1024xf32, #tpu.memory_space<hbm>> -> memref<32xf32, #tpu.memory_space<hbm>>
      %dma_start3A_122 = arith.constant 0 : i32
      %dma_start3A_123 = tpu.memref_slice %arg16[%dma_start3A_122] : memref<128xf32, #tpu.memory_space<vmem>> -> memref<32xf32, #tpu.memory_space<vmem>>
      tpu.enqueue_dma source(%dma_start3A_123 : memref<32xf32, #tpu.memory_space<vmem>>) target(%dma_start3A_121 : memref<32xf32, #tpu.memory_space<hbm>>) target_semaphore(%run_scoped3A : memref<!tpu.dma_semaphore, #tpu.memory_space<semaphore_mem>>)
      %dma_wait3A = arith.constant 0 : i32
      %dma_wait3A_124 = tpu.memref_slice %arg16[%dma_wait3A] : memref<128xf32, #tpu.memory_space<vmem>> -> memref<32xf32, #tpu.memory_space<vmem>>
      %dma_wait3A_125 = tpu.memref_slice %arg7[%mul3A_2] : memref<1024xf32, #tpu.memory_space<hbm>> -> memref<32xf32, #tpu.memory_space<hbm>>
      %dma_wait3A_126 = tpu.memref_slice %arg7[%mul3A_2] : memref<1024xf32, #tpu.memory_space<hbm>> -> memref<32xf32, #tpu.memory_space<hbm>>
      %dma_wait3A_127 = arith.constant 0 : i32
      %dma_wait3A_128 = tpu.memref_slice %arg16[%dma_wait3A_127] : memref<128xf32, #tpu.memory_space<vmem>> -> memref<32xf32, #tpu.memory_space<vmem>>
      tpu.wait_dma2 semaphore(%run_scoped3A : memref<!tpu.dma_semaphore, #tpu.memory_space<semaphore_mem>>) src(%dma_wait3A_128 : memref<32xf32, #tpu.memory_space<vmem>>) dst(%dma_wait3A_126 : memref<32xf32, #tpu.memory_space<hbm>>)
      tpu.yield
    }) : () -> ()
    "tpu.region"() ({
      %run_scoped3A = tpu.sem_alloc : memref<!tpu.dma_semaphore, #tpu.memory_space<semaphore_mem>>
      %dma_start3A = arith.constant 32 : i32
      %dma_start3A_119 = tpu.memref_slice %arg16[%dma_start3A] : memref<128xf32, #tpu.memory_space<vmem>> -> memref<32xf32, #tpu.memory_space<vmem>>
      %dma_start3A_120 = tpu.memref_slice %arg8[%mul3A_2] : memref<1024xf32, #tpu.memory_space<hbm>> -> memref<32xf32, #tpu.memory_space<hbm>>
      %dma_start3A_121 = tpu.memref_slice %arg8[%mul3A_2] : memref<1024xf32, #tpu.memory_space<hbm>> -> memref<32xf32, #tpu.memory_space<hbm>>
      %dma_start3A_122 = arith.constant 32 : i32
      %dma_start3A_123 = tpu.memref_slice %arg16[%dma_start3A_122] : memref<128xf32, #tpu.memory_space<vmem>> -> memref<32xf32, #tpu.memory_space<vmem>>
      tpu.enqueue_dma source(%dma_start3A_123 : memref<32xf32, #tpu.memory_space<vmem>>) target(%dma_start3A_121 : memref<32xf32, #tpu.memory_space<hbm>>) target_semaphore(%run_scoped3A : memref<!tpu.dma_semaphore, #tpu.memory_space<semaphore_mem>>)
      %dma_wait3A = arith.constant 32 : i32
      %dma_wait3A_124 = tpu.memref_slice %arg16[%dma_wait3A] : memref<128xf32, #tpu.memory_space<vmem>> -> memref<32xf32, #tpu.memory_space<vmem>>
      %dma_wait3A_125 = tpu.memref_slice %arg8[%mul3A_2] : memref<1024xf32, #tpu.memory_space<hbm>> -> memref<32xf32, #tpu.memory_space<hbm>>
      %dma_wait3A_126 = tpu.memref_slice %arg8[%mul3A_2] : memref<1024xf32, #tpu.memory_space<hbm>> -> memref<32xf32, #tpu.memory_space<hbm>>
      %dma_wait3A_127 = arith.constant 32 : i32
      %dma_wait3A_128 = tpu.memref_slice %arg16[%dma_wait3A_127] : memref<128xf32, #tpu.memory_space<vmem>> -> memref<32xf32, #tpu.memory_space<vmem>>
      tpu.wait_dma2 semaphore(%run_scoped3A : memref<!tpu.dma_semaphore, #tpu.memory_space<semaphore_mem>>) src(%dma_wait3A_128 : memref<32xf32, #tpu.memory_space<vmem>>) dst(%dma_wait3A_126 : memref<32xf32, #tpu.memory_space<hbm>>)
      tpu.yield
    }) : () -> ()
    "tpu.region"() ({
      %run_scoped3A = tpu.sem_alloc : memref<!tpu.dma_semaphore, #tpu.memory_space<semaphore_mem>>
      %dma_start3A = arith.constant 64 : i32
      %dma_start3A_119 = tpu.memref_slice %arg16[%dma_start3A] : memref<128xf32, #tpu.memory_space<vmem>> -> memref<32xf32, #tpu.memory_space<vmem>>
      %dma_start3A_120 = tpu.memref_slice %arg9[%mul3A_2] : memref<1024xf32, #tpu.memory_space<hbm>> -> memref<32xf32, #tpu.memory_space<hbm>>
      %dma_start3A_121 = tpu.memref_slice %arg9[%mul3A_2] : memref<1024xf32, #tpu.memory_space<hbm>> -> memref<32xf32, #tpu.memory_space<hbm>>
      %dma_start3A_122 = arith.constant 64 : i32
      %dma_start3A_123 = tpu.memref_slice %arg16[%dma_start3A_122] : memref<128xf32, #tpu.memory_space<vmem>> -> memref<32xf32, #tpu.memory_space<vmem>>
      tpu.enqueue_dma source(%dma_start3A_123 : memref<32xf32, #tpu.memory_space<vmem>>) target(%dma_start3A_121 : memref<32xf32, #tpu.memory_space<hbm>>) target_semaphore(%run_scoped3A : memref<!tpu.dma_semaphore, #tpu.memory_space<semaphore_mem>>)
      %dma_wait3A = arith.constant 64 : i32
      %dma_wait3A_124 = tpu.memref_slice %arg16[%dma_wait3A] : memref<128xf32, #tpu.memory_space<vmem>> -> memref<32xf32, #tpu.memory_space<vmem>>
      %dma_wait3A_125 = tpu.memref_slice %arg9[%mul3A_2] : memref<1024xf32, #tpu.memory_space<hbm>> -> memref<32xf32, #tpu.memory_space<hbm>>
      %dma_wait3A_126 = tpu.memref_slice %arg9[%mul3A_2] : memref<1024xf32, #tpu.memory_space<hbm>> -> memref<32xf32, #tpu.memory_space<hbm>>
      %dma_wait3A_127 = arith.constant 64 : i32
      %dma_wait3A_128 = tpu.memref_slice %arg16[%dma_wait3A_127] : memref<128xf32, #tpu.memory_space<vmem>> -> memref<32xf32, #tpu.memory_space<vmem>>
      tpu.wait_dma2 semaphore(%run_scoped3A : memref<!tpu.dma_semaphore, #tpu.memory_space<semaphore_mem>>) src(%dma_wait3A_128 : memref<32xf32, #tpu.memory_space<vmem>>) dst(%dma_wait3A_126 : memref<32xf32, #tpu.memory_space<hbm>>)
      tpu.yield
    }) : () -> ()
    "tpu.region"() ({
      %run_scoped3A = tpu.sem_alloc : memref<!tpu.dma_semaphore, #tpu.memory_space<semaphore_mem>>
      %dma_start3A = arith.constant 96 : i32
      %dma_start3A_119 = tpu.memref_slice %arg16[%dma_start3A] : memref<128xf32, #tpu.memory_space<vmem>> -> memref<32xf32, #tpu.memory_space<vmem>>
      %dma_start3A_120 = tpu.memref_slice %arg10[%mul3A_2] : memref<1024xf32, #tpu.memory_space<hbm>> -> memref<32xf32, #tpu.memory_space<hbm>>
      %dma_start3A_121 = tpu.memref_slice %arg10[%mul3A_2] : memref<1024xf32, #tpu.memory_space<hbm>> -> memref<32xf32, #tpu.memory_space<hbm>>
      %dma_start3A_122 = arith.constant 96 : i32
      %dma_start3A_123 = tpu.memref_slice %arg16[%dma_start3A_122] : memref<128xf32, #tpu.memory_space<vmem>> -> memref<32xf32, #tpu.memory_space<vmem>>
      tpu.enqueue_dma source(%dma_start3A_123 : memref<32xf32, #tpu.memory_space<vmem>>) target(%dma_start3A_121 : memref<32xf32, #tpu.memory_space<hbm>>) target_semaphore(%run_scoped3A : memref<!tpu.dma_semaphore, #tpu.memory_space<semaphore_mem>>)
      %dma_wait3A = arith.constant 96 : i32
      %dma_wait3A_124 = tpu.memref_slice %arg16[%dma_wait3A] : memref<128xf32, #tpu.memory_space<vmem>> -> memref<32xf32, #tpu.memory_space<vmem>>
      %dma_wait3A_125 = tpu.memref_slice %arg10[%mul3A_2] : memref<1024xf32, #tpu.memory_space<hbm>> -> memref<32xf32, #tpu.memory_space<hbm>>
      %dma_wait3A_126 = tpu.memref_slice %arg10[%mul3A_2] : memref<1024xf32, #tpu.memory_space<hbm>> -> memref<32xf32, #tpu.memory_space<hbm>>
      %dma_wait3A_127 = arith.constant 96 : i32
      %dma_wait3A_128 = tpu.memref_slice %arg16[%dma_wait3A_127] : memref<128xf32, #tpu.memory_space<vmem>> -> memref<32xf32, #tpu.memory_space<vmem>>
      tpu.wait_dma2 semaphore(%run_scoped3A : memref<!tpu.dma_semaphore, #tpu.memory_space<semaphore_mem>>) src(%dma_wait3A_128 : memref<32xf32, #tpu.memory_space<vmem>>) dst(%dma_wait3A_126 : memref<32xf32, #tpu.memory_space<hbm>>)
      tpu.yield
    }) : () -> ()
    return
  }
}

module attributes {stable_mosaic.version = 14 : i64} {
  func.func @_tc_pair_kernel(%arg0: i32, %arg1: i32, %arg2: memref<48xf32, #tpu.memory_space<smem>>, %arg3: memref<8x1024xf32, #tpu.memory_space<vmem>>, %arg4: memref<1024x8xf32, #tpu.memory_space<vmem>>, %arg5: memref<1024x8xf32, #tpu.memory_space<vmem>>, %arg6: memref<1x8x1024xf32, #tpu.memory_space<vmem>>) attributes {dimension_semantics = [#tpu.dimension_semantics<arbitrary>, #tpu.dimension_semantics<arbitrary>], iteration_bounds = array<i64: 4, 3>, scalar_prefetch = 0 : i64, scratch_operands = 0 : i64, tpu.core_type = #tpu.core_type<tc>, window_params = [{transform_indices = @transform_0, window_bounds = array<i64: 48>}, {transform_indices = @transform_1, window_bounds = array<i64: 8, 1024>}, {transform_indices = @transform_2, window_bounds = array<i64: 1024, 8>}, {transform_indices = @transform_3, window_bounds = array<i64: 1024, 8>}, {transform_indices = @transform_4, window_bounds = array<i64: 1, 8, 1024>}]} {
    %get3A = arith.constant 0 : index
    %get3A_0 = memref.load %arg2[%get3A] : memref<48xf32, #tpu.memory_space<smem>>
    %get3A_1 = arith.constant 1 : index
    %get3A_2 = memref.load %arg2[%get3A_1] : memref<48xf32, #tpu.memory_space<smem>>
    %get3A_3 = arith.constant 2 : index
    %get3A_4 = memref.load %arg2[%get3A_3] : memref<48xf32, #tpu.memory_space<smem>>
    %get3A_5 = arith.constant 3 : index
    %get3A_6 = memref.load %arg2[%get3A_5] : memref<48xf32, #tpu.memory_space<smem>>
    %get3A_7 = arith.constant 4 : index
    %get3A_8 = memref.load %arg2[%get3A_7] : memref<48xf32, #tpu.memory_space<smem>>
    %get3A_9 = arith.constant 5 : index
    %get3A_10 = memref.load %arg2[%get3A_9] : memref<48xf32, #tpu.memory_space<smem>>
    %get3A_11 = arith.constant 6 : index
    %get3A_12 = memref.load %arg2[%get3A_11] : memref<48xf32, #tpu.memory_space<smem>>
    %get3A_13 = arith.constant 7 : index
    %get3A_14 = memref.load %arg2[%get3A_13] : memref<48xf32, #tpu.memory_space<smem>>
    %get3A_15 = arith.constant 8 : index
    %get3A_16 = memref.load %arg2[%get3A_15] : memref<48xf32, #tpu.memory_space<smem>>
    %get3A_17 = arith.constant 12 : index
    %get3A_18 = memref.load %arg2[%get3A_17] : memref<48xf32, #tpu.memory_space<smem>>
    %get3A_19 = arith.constant 14 : index
    %get3A_20 = memref.load %arg2[%get3A_19] : memref<48xf32, #tpu.memory_space<smem>>
    %get3A_21 = arith.constant 15 : index
    %get3A_22 = memref.load %arg2[%get3A_21] : memref<48xf32, #tpu.memory_space<smem>>
    %get3A_23 = arith.constant 16 : index
    %get3A_24 = memref.load %arg2[%get3A_23] : memref<48xf32, #tpu.memory_space<smem>>
    %get3A_25 = arith.constant 17 : index
    %get3A_26 = memref.load %arg2[%get3A_25] : memref<48xf32, #tpu.memory_space<smem>>
    %get3A_27 = arith.constant 18 : index
    %get3A_28 = memref.load %arg2[%get3A_27] : memref<48xf32, #tpu.memory_space<smem>>
    %get3A_29 = arith.constant 19 : index
    %get3A_30 = memref.load %arg2[%get3A_29] : memref<48xf32, #tpu.memory_space<smem>>
    %get3A_31 = arith.constant 20 : index
    %get3A_32 = memref.load %arg2[%get3A_31] : memref<48xf32, #tpu.memory_space<smem>>
    %get3A_33 = arith.constant 21 : index
    %get3A_34 = memref.load %arg2[%get3A_33] : memref<48xf32, #tpu.memory_space<smem>>
    %get3A_35 = arith.constant 22 : index
    %get3A_36 = memref.load %arg2[%get3A_35] : memref<48xf32, #tpu.memory_space<smem>>
    %get3A_37 = arith.constant 23 : index
    %get3A_38 = memref.load %arg2[%get3A_37] : memref<48xf32, #tpu.memory_space<smem>>
    %get3A_39 = arith.constant 24 : index
    %get3A_40 = memref.load %arg2[%get3A_39] : memref<48xf32, #tpu.memory_space<smem>>
    %get3A_41 = arith.constant 25 : index
    %get3A_42 = memref.load %arg2[%get3A_41] : memref<48xf32, #tpu.memory_space<smem>>
    %get3A_43 = arith.constant 26 : index
    %get3A_44 = memref.load %arg2[%get3A_43] : memref<48xf32, #tpu.memory_space<smem>>
    %get3A_45 = arith.constant 27 : index
    %get3A_46 = memref.load %arg2[%get3A_45] : memref<48xf32, #tpu.memory_space<smem>>
    %get3A_47 = arith.constant 28 : index
    %get3A_48 = memref.load %arg2[%get3A_47] : memref<48xf32, #tpu.memory_space<smem>>
    %get3A_49 = arith.constant 29 : index
    %get3A_50 = memref.load %arg2[%get3A_49] : memref<48xf32, #tpu.memory_space<smem>>
    %get3A_51 = arith.constant 30 : index
    %get3A_52 = memref.load %arg2[%get3A_51] : memref<48xf32, #tpu.memory_space<smem>>
    %get3A_53 = arith.constant 31 : index
    %get3A_54 = memref.load %arg2[%get3A_53] : memref<48xf32, #tpu.memory_space<smem>>
    %get3A_55 = arith.constant 32 : index
    %get3A_56 = memref.load %arg2[%get3A_55] : memref<48xf32, #tpu.memory_space<smem>>
    %get3A_57 = arith.constant 33 : index
    %get3A_58 = memref.load %arg2[%get3A_57] : memref<48xf32, #tpu.memory_space<smem>>
    %get3A_59 = arith.constant 34 : index
    %get3A_60 = memref.load %arg2[%get3A_59] : memref<48xf32, #tpu.memory_space<smem>>
    %get3A_61 = arith.constant 35 : index
    %get3A_62 = memref.load %arg2[%get3A_61] : memref<48xf32, #tpu.memory_space<smem>>
    %get3A_63 = arith.constant 36 : index
    %get3A_64 = memref.load %arg2[%get3A_63] : memref<48xf32, #tpu.memory_space<smem>>
    %get3A_65 = arith.constant 37 : index
    %get3A_66 = memref.load %arg2[%get3A_65] : memref<48xf32, #tpu.memory_space<smem>>
    %get3A_67 = arith.constant 38 : index
    %get3A_68 = memref.load %arg2[%get3A_67] : memref<48xf32, #tpu.memory_space<smem>>
    %eq3A = arith.constant 0 : i32
    %eq3A_69 = arith.cmpi eq, %arg1, %eq3A : i32
    %convert_element_type3A = arith.extui %eq3A_69 : i1 to i32
    %cond3A = arith.constant 0 : i32
    %cond3A_70 = arith.cmpi ne, %convert_element_type3A, %cond3A : i32
    scf.if %cond3A_70 {
      %broadcast_in_dim3A = arith.constant 0.000000e+00 : f32
      %broadcast_in_dim3A_84 = vector.broadcast %broadcast_in_dim3A : f32 to vector<1024x8xf32>
      %swap3A = arith.constant 0 : index
      %swap3A_85 = arith.constant 0 : index
      %swap3A_86 = vector.load %arg5[%swap3A, %swap3A_85] : memref<1024x8xf32, #tpu.memory_space<vmem>>, vector<1024x8xf32>
      tpu.vector_store %arg5[%swap3A, %swap3A_85], %broadcast_in_dim3A_84 {strides = array<i32>} : memref<1024x8xf32, #tpu.memory_space<vmem>>, vector<1024x8xf32>,
    } else {
    }
    %mul3A = arith.constant 1024 : i32
    %mul3A_71 = arith.muli %arg0, %mul3A : i32
    %add3A = arith.constant 1 : i32
    %add3A_72 = arith.addi %arg1, %add3A : i32
    %mul3A_73 = arith.constant 1024 : i32
    %mul3A_74 = arith.muli %add3A_72, %mul3A_73 : i32
    %add3A_75 = arith.constant 1024 : i32
    %add3A_76 = arith.addi %add3A_75, %mul3A_74 : i32
    %lt3A = arith.cmpi slt, %mul3A_71, %add3A_76 : i32
    %convert_element_type3A_77 = arith.extui %lt3A : i1 to i32
    %cond3A_78 = arith.constant 0 : i32
    %cond3A_79 = arith.cmpi ne, %convert_element_type3A_77, %cond3A_78 : i32
    scf.if %cond3A_79 {
      %get3A_84 = arith.constant 0 : index
      %get3A_85 = arith.constant 0 : index
      %get3A_86 = vector.load %arg4[%get3A_84, %get3A_85] : memref<1024x8xf32, #tpu.memory_space<vmem>>, vector<1024x1xf32>
      %get3A_87 = vector.shape_cast %get3A_86 : vector<1024x1xf32> to vector<1024xf32>
      %reshape3A = vector.shape_cast %get3A_87 : vector<1024xf32> to vector<1024x1xf32>
      %get3A_88 = arith.constant 0 : index
      %get3A_89 = arith.constant 0 : index
      %get3A_90 = vector.load %arg3[%get3A_88, %get3A_89] : memref<8x1024xf32, #tpu.memory_space<vmem>>, vector<1x1024xf32>
      %get3A_91 = vector.shape_cast %get3A_90 : vector<1x1024xf32> to vector<1024xf32>
      %reshape3A_92 = vector.shape_cast %get3A_91 : vector<1024xf32> to vector<1x1024xf32>
      %sub3A = vector.broadcast %reshape3A_92 : vector<1x1024xf32> to vector<1024x1024xf32>
      %sub3A_93 = vector.broadcast %reshape3A : vector<1024x1xf32> to vector<1024x1024xf32>
      %sub3A_94 = arith.subf %sub3A, %sub3A_93 : vector<1024x1024xf32>
      %round3A = math.roundeven %sub3A_94 : vector<1024x1024xf32>
      %mul3A_95 = vector.broadcast %get3A_12 : f32 to vector<1024x1024xf32>
      %mul3A_96 = arith.mulf %round3A, %mul3A_95 : vector<1024x1024xf32>
      %sub3A_97 = arith.subf %sub3A_94, %mul3A_96 : vector<1024x1024xf32>
      %get3A_98 = arith.constant 0 : index
      %get3A_99 = arith.constant 1 : index
      %get3A_100 = vector.load %arg4[%get3A_98, %get3A_99] : memref<1024x8xf32, #tpu.memory_space<vmem>>, vector<1024x1xf32>
      %get3A_101 = vector.shape_cast %get3A_100 : vector<1024x1xf32> to vector<1024xf32>
      %reshape3A_102 = vector.shape_cast %get3A_101 : vector<1024xf32> to vector<1024x1xf32>
      %get3A_103 = arith.constant 1 : index
      %get3A_104 = arith.constant 0 : index
      %get3A_105 = vector.load %arg3[%get3A_103, %get3A_104] : memref<8x1024xf32, #tpu.memory_space<vmem>>, vector<1x1024xf32>
      %get3A_106 = vector.shape_cast %get3A_105 : vector<1x1024xf32> to vector<1024xf32>
      %reshape3A_107 = vector.shape_cast %get3A_106 : vector<1024xf32> to vector<1x1024xf32>
      %sub3A_108 = vector.broadcast %reshape3A_107 : vector<1x1024xf32> to vector<1024x1024xf32>
      %sub3A_109 = vector.broadcast %reshape3A_102 : vector<1024x1xf32> to vector<1024x1024xf32>
      %sub3A_110 = arith.subf %sub3A_108, %sub3A_109 : vector<1024x1024xf32>
      %round3A_111 = math.roundeven %sub3A_110 : vector<1024x1024xf32>
      %mul3A_112 = vector.broadcast %get3A_14 : f32 to vector<1024x1024xf32>
      %mul3A_113 = arith.mulf %round3A_111, %mul3A_112 : vector<1024x1024xf32>
      %sub3A_114 = arith.subf %sub3A_110, %mul3A_113 : vector<1024x1024xf32>
      %get3A_115 = arith.constant 0 : index
      %get3A_116 = arith.constant 2 : index
      %get3A_117 = vector.load %arg4[%get3A_115, %get3A_116] : memref<1024x8xf32, #tpu.memory_space<vmem>>, vector<1024x1xf32>
      %get3A_118 = vector.shape_cast %get3A_117 : vector<1024x1xf32> to vector<1024xf32>
      %reshape3A_119 = vector.shape_cast %get3A_118 : vector<1024xf32> to vector<1024x1xf32>
      %get3A_120 = arith.constant 2 : index
      %get3A_121 = arith.constant 0 : index
      %get3A_122 = vector.load %arg3[%get3A_120, %get3A_121] : memref<8x1024xf32, #tpu.memory_space<vmem>>, vector<1x1024xf32>
      %get3A_123 = vector.shape_cast %get3A_122 : vector<1x1024xf32> to vector<1024xf32>
      %reshape3A_124 = vector.shape_cast %get3A_123 : vector<1024xf32> to vector<1x1024xf32>
      %sub3A_125 = vector.broadcast %reshape3A_124 : vector<1x1024xf32> to vector<1024x1024xf32>
      %sub3A_126 = vector.broadcast %reshape3A_119 : vector<1024x1xf32> to vector<1024x1024xf32>
      %sub3A_127 = arith.subf %sub3A_125, %sub3A_126 : vector<1024x1024xf32>
      %round3A_128 = math.roundeven %sub3A_127 : vector<1024x1024xf32>
      %mul3A_129 = vector.broadcast %get3A_16 : f32 to vector<1024x1024xf32>
      %mul3A_130 = arith.mulf %round3A_128, %mul3A_129 : vector<1024x1024xf32>
      %sub3A_131 = arith.subf %sub3A_127, %mul3A_130 : vector<1024x1024xf32>
      %mul3A_132 = vector.broadcast %get3A_0 : f32 to vector<1024x1024xf32>
      %mul3A_133 = arith.mulf %mul3A_132, %sub3A_97 : vector<1024x1024xf32>
      %mul3A_134 = arith.mulf %mul3A_133, %sub3A_97 : vector<1024x1024xf32>
      %mul3A_135 = vector.broadcast %get3A_2 : f32 to vector<1024x1024xf32>
      %mul3A_136 = arith.mulf %mul3A_135, %sub3A_114 : vector<1024x1024xf32>
      %mul3A_137 = arith.mulf %mul3A_136, %sub3A_114 : vector<1024x1024xf32>
      %add3A_138 = arith.addf %mul3A_134, %mul3A_137 : vector<1024x1024xf32>
      %mul3A_139 = vector.broadcast %get3A_4 : f32 to vector<1024x1024xf32>
      %mul3A_140 = arith.mulf %mul3A_139, %sub3A_131 : vector<1024x1024xf32>
      %mul3A_141 = arith.mulf %mul3A_140, %sub3A_131 : vector<1024x1024xf32>
      %add3A_142 = arith.addf %add3A_138, %mul3A_141 : vector<1024x1024xf32>
      %mul3A_143 = vector.broadcast %get3A_6 : f32 to vector<1024x1024xf32>
      %mul3A_144 = arith.mulf %mul3A_143, %sub3A_97 : vector<1024x1024xf32>
      %mul3A_145 = arith.mulf %mul3A_144, %sub3A_114 : vector<1024x1024xf32>
      %add3A_146 = arith.addf %add3A_142, %mul3A_145 : vector<1024x1024xf32>
      %mul3A_147 = vector.broadcast %get3A_8 : f32 to vector<1024x1024xf32>
      %mul3A_148 = arith.mulf %mul3A_147, %sub3A_97 : vector<1024x1024xf32>
      %mul3A_149 = arith.mulf %mul3A_148, %sub3A_131 : vector<1024x1024xf32>
      %add3A_150 = arith.addf %add3A_146, %mul3A_149 : vector<1024x1024xf32>
      %mul3A_151 = vector.broadcast %get3A_10 : f32 to vector<1024x1024xf32>
      %mul3A_152 = arith.mulf %mul3A_151, %sub3A_114 : vector<1024x1024xf32>
      %mul3A_153 = arith.mulf %mul3A_152, %sub3A_131 : vector<1024x1024xf32>
      %add3A_154 = arith.addf %add3A_150, %mul3A_153 : vector<1024x1024xf32>
      %mul3A_155 = arith.constant 1024 : i32
      %mul3A_156 = arith.muli %arg0, %mul3A_155 : i32
      %iota3A = tpu.iota {dimensions = array<i32: 0>} : vector<1024x1024xi32>
      %add3A_157 = vector.broadcast %mul3A_156 : i32 to vector<1024x1024xi32>
      %add3A_158 = arith.addi %add3A_157, %iota3A : vector<1024x1024xi32>
      %mul3A_159 = arith.constant 1024 : i32
      %mul3A_160 = arith.muli %arg1, %mul3A_159 : i32
      %add3A_161 = arith.constant 1024 : i32
      %add3A_162 = arith.addi %add3A_161, %mul3A_160 : i32
      %iota3A_163 = tpu.iota {dimensions = array<i32: 1>} : vector<1024x1024xi32>
      %add3A_164 = vector.broadcast %add3A_162 : i32 to vector<1024x1024xi32>
      %add3A_165 = arith.addi %add3A_164, %iota3A_163 : vector<1024x1024xi32>
      %gt3A = arith.cmpi sgt, %add3A_165, %add3A_158 : vector<1024x1024xi32>
      %jit3A = arith.constant 1.000000e+00 : f32
      %broadcast_in_dim3A = vector.broadcast %jit3A : f32 to vector<1024x1024xf32>
      %select_n3A = arith.select %gt3A, %add3A_154, %broadcast_in_dim3A : vector<1024x1024xi1>, vector<1024x1024xf32>
      %rsqrt3A = math.rsqrt %select_n3A : vector<1024x1024xf32>
      %mul3A_166 = arith.mulf %select_n3A, %rsqrt3A : vector<1024x1024xf32>
      %get3A_167 = arith.constant 0 : index
      %get3A_168 = arith.constant 3 : index
      %get3A_169 = vector.load %arg4[%get3A_167, %get3A_168] : memref<1024x8xf32, #tpu.memory_space<vmem>>, vector<1024x1xf32>
      %get3A_170 = vector.shape_cast %get3A_169 : vector<1024x1xf32> to vector<1024xf32>
      %reshape3A_171 = vector.shape_cast %get3A_170 : vector<1024xf32> to vector<1024x1xf32>
      %get3A_172 = arith.constant 3 : index
      %get3A_173 = arith.constant 0 : index
      %get3A_174 = vector.load %arg3[%get3A_172, %get3A_173] : memref<8x1024xf32, #tpu.memory_space<vmem>>, vector<1x1024xf32>
      %get3A_175 = vector.shape_cast %get3A_174 : vector<1x1024xf32> to vector<1024xf32>
      %reshape3A_176 = vector.shape_cast %get3A_175 : vector<1024xf32> to vector<1x1024xf32>
      %mul3A_177 = vector.broadcast %reshape3A_171 : vector<1024x1xf32> to vector<1024x1024xf32>
      %mul3A_178 = vector.broadcast %reshape3A_176 : vector<1x1024xf32> to vector<1024x1024xf32>
      %mul3A_179 = arith.mulf %mul3A_177, %mul3A_178 : vector<1024x1024xf32>
      %mul3A_180 = vector.broadcast %get3A_22 : f32 to vector<1024x1xf32>
      %mul3A_181 = arith.mulf %mul3A_180, %reshape3A_171 : vector<1024x1xf32>
      %add3A_182 = vector.broadcast %get3A_20 : f32 to vector<1024x1xf32>
      %add3A_183 = arith.addf %add3A_182, %mul3A_181 : vector<1024x1xf32>
      %mul3A_184 = vector.broadcast %get3A_24 : f32 to vector<1x1024xf32>
      %mul3A_185 = arith.mulf %mul3A_184, %reshape3A_176 : vector<1x1024xf32>
      %add3A_186 = vector.broadcast %add3A_183 : vector<1024x1xf32> to vector<1024x1024xf32>
      %add3A_187 = vector.broadcast %mul3A_185 : vector<1x1024xf32> to vector<1024x1024xf32>
      %add3A_188 = arith.addf %add3A_186, %add3A_187 : vector<1024x1024xf32>
      %mul3A_189 = vector.broadcast %get3A_26 : f32 to vector<1024x1024xf32>
      %mul3A_190 = arith.mulf %mul3A_189, %mul3A_179 : vector<1024x1024xf32>
      %add3A_191 = arith.addf %add3A_188, %mul3A_190 : vector<1024x1024xf32>
      %mul3A_192 = vector.broadcast %get3A_30 : f32 to vector<1024x1xf32>
      %mul3A_193 = arith.mulf %mul3A_192, %reshape3A_171 : vector<1024x1xf32>
      %add3A_194 = vector.broadcast %get3A_28 : f32 to vector<1024x1xf32>
      %add3A_195 = arith.addf %add3A_194, %mul3A_193 : vector<1024x1xf32>
      %mul3A_196 = vector.broadcast %get3A_32 : f32 to vector<1x1024xf32>
      %mul3A_197 = arith.mulf %mul3A_196, %reshape3A_176 : vector<1x1024xf32>
      %add3A_198 = vector.broadcast %add3A_195 : vector<1024x1xf32> to vector<1024x1024xf32>
      %add3A_199 = vector.broadcast %mul3A_197 : vector<1x1024xf32> to vector<1024x1024xf32>
      %add3A_200 = arith.addf %add3A_198, %add3A_199 : vector<1024x1024xf32>
      %mul3A_201 = vector.broadcast %get3A_34 : f32 to vector<1024x1024xf32>
      %mul3A_202 = arith.mulf %mul3A_201, %mul3A_179 : vector<1024x1024xf32>
      %add3A_203 = arith.addf %add3A_200, %mul3A_202 : vector<1024x1024xf32>
      %mul3A_204 = vector.broadcast %get3A_38 : f32 to vector<1024x1xf32>
      %mul3A_205 = arith.mulf %mul3A_204, %reshape3A_171 : vector<1024x1xf32>
      %add3A_206 = vector.broadcast %get3A_36 : f32 to vector<1024x1xf32>
      %add3A_207 = arith.addf %add3A_206, %mul3A_205 : vector<1024x1xf32>
      %mul3A_208 = vector.broadcast %get3A_40 : f32 to vector<1x1024xf32>
      %mul3A_209 = arith.mulf %mul3A_208, %reshape3A_176 : vector<1x1024xf32>
      %add3A_210 = vector.broadcast %add3A_207 : vector<1024x1xf32> to vector<1024x1024xf32>
      %add3A_211 = vector.broadcast %mul3A_209 : vector<1x1024xf32> to vector<1024x1024xf32>
      %add3A_212 = arith.addf %add3A_210, %add3A_211 : vector<1024x1024xf32>
      %mul3A_213 = vector.broadcast %get3A_42 : f32 to vector<1024x1024xf32>
      %mul3A_214 = arith.mulf %mul3A_213, %mul3A_179 : vector<1024x1024xf32>
      %add3A_215 = arith.addf %add3A_212, %mul3A_214 : vector<1024x1024xf32>
      %mul3A_216 = vector.broadcast %get3A_46 : f32 to vector<1024x1xf32>
      %mul3A_217 = arith.mulf %mul3A_216, %reshape3A_171 : vector<1024x1xf32>
      %add3A_218 = vector.broadcast %get3A_44 : f32 to vector<1024x1xf32>
      %add3A_219 = arith.addf %add3A_218, %mul3A_217 : vector<1024x1xf32>
      %mul3A_220 = vector.broadcast %get3A_48 : f32 to vector<1x1024xf32>
      %mul3A_221 = arith.mulf %mul3A_220, %reshape3A_176 : vector<1x1024xf32>
      %add3A_222 = vector.broadcast %add3A_219 : vector<1024x1xf32> to vector<1024x1024xf32>
      %add3A_223 = vector.broadcast %mul3A_221 : vector<1x1024xf32> to vector<1024x1024xf32>
      %add3A_224 = arith.addf %add3A_222, %add3A_223 : vector<1024x1024xf32>
      %mul3A_225 = vector.broadcast %get3A_50 : f32 to vector<1024x1024xf32>
      %mul3A_226 = arith.mulf %mul3A_225, %mul3A_179 : vector<1024x1024xf32>
      %add3A_227 = arith.addf %add3A_224, %mul3A_226 : vector<1024x1024xf32>
      %mul3A_228 = arith.mulf %mul3A_166, %add3A_191 : vector<1024x1024xf32>
      %sub3A_229 = arith.constant 1.000000e+00 : f32
      %sub3A_230 = vector.broadcast %sub3A_229 : f32 to vector<1024x1024xf32>
      %sub3A_231 = arith.subf %sub3A_230, %mul3A_228 : vector<1024x1024xf32>
      %lt3A_232 = vector.broadcast %get3A_18 : f32 to vector<1024x1024xf32>
      %lt3A_233 = arith.cmpf olt, %add3A_154, %lt3A_232 : vector<1024x1024xf32>
      %gt3A_234 = arith.constant 0.000000e+00 : f32
      %gt3A_235 = vector.broadcast %gt3A_234 : f32 to vector<1024x1024xf32>
      %gt3A_236 = arith.cmpf ogt, %sub3A_231, %gt3A_235 : vector<1024x1024xf32>
      %and3A = arith.andi %lt3A_233, %gt3A_236 : vector<1024x1024xi1>
      %and3A_237 = arith.andi %and3A, %gt3A : vector<1024x1024xi1>
      %jit3A_238 = arith.constant 5.000000e-01 : f32
      %broadcast_in_dim3A_239 = vector.broadcast %jit3A_238 : f32 to vector<1024x1024xf32>
      %select_n3A_240 = arith.select %and3A_237, %sub3A_231, %broadcast_in_dim3A_239 : vector<1024x1024xi1>, vector<1024x1024xf32>
      %log3A = math.log %select_n3A_240 : vector<1024x1024xf32>
      %sub3A_241 = arith.constant 1.000000e+00 : f32
      %sub3A_242 = vector.broadcast %sub3A_241 : f32 to vector<1024x1024xf32>
      %sub3A_243 = arith.subf %add3A_203, %sub3A_242 : vector<1024x1024xf32>
      %mul3A_244 = arith.mulf %sub3A_243, %log3A : vector<1024x1024xf32>
      %exp3A = math.exp %mul3A_244 : vector<1024x1024xf32>
      %mul3A_245 = arith.mulf %exp3A, %select_n3A_240 : vector<1024x1024xf32>
      %mul3A_246 = arith.mulf %add3A_215, %mul3A_245 : vector<1024x1024xf32>
      %jit3A_247 = arith.constant 0.000000e+00 : f32
      %broadcast_in_dim3A_248 = vector.broadcast %jit3A_247 : f32 to vector<1024x1024xf32>
      %select_n3A_249 = arith.select %and3A_237, %mul3A_246, %broadcast_in_dim3A_248 : vector<1024x1024xi1>, vector<1024x1024xf32>
      %mul3A_250 = arith.mulf %add3A_227, %exp3A : vector<1024x1024xf32>
      %mul3A_251 = arith.mulf %mul3A_250, %rsqrt3A : vector<1024x1024xf32>
      %jit3A_252 = arith.constant 0.000000e+00 : f32
      %broadcast_in_dim3A_253 = vector.broadcast %jit3A_252 : f32 to vector<1024x1024xf32>
      %select_n3A_254 = arith.select %and3A_237, %mul3A_251, %broadcast_in_dim3A_253 : vector<1024x1024xi1>, vector<1024x1024xf32>
      %mul3A_255 = arith.mulf %select_n3A_254, %sub3A_97 : vector<1024x1024xf32>
      %mul3A_256 = arith.mulf %select_n3A_254, %sub3A_114 : vector<1024x1024xf32>
      %mul3A_257 = arith.mulf %select_n3A_254, %sub3A_131 : vector<1024x1024xf32>
      %reduce_sum3A = arith.constant dense<0.000000e+00> : vector<1024xf32>
      %reduce_sum3A_258 = vector.multi_reduction <add>, %mul3A_255, %reduce_sum3A [1] : vector<1024x1024xf32> to vector<1024xf32>
      %reshape3A_259 = vector.shape_cast %reduce_sum3A_258 : vector<1024xf32> to vector<1024x1xf32>
      %reduce_sum3A_260 = arith.constant dense<0.000000e+00> : vector<1024xf32>
      %reduce_sum3A_261 = vector.multi_reduction <add>, %mul3A_256, %reduce_sum3A_260 [1] : vector<1024x1024xf32> to vector<1024xf32>
      %reshape3A_262 = vector.shape_cast %reduce_sum3A_261 : vector<1024xf32> to vector<1024x1xf32>
      %reduce_sum3A_263 = arith.constant dense<0.000000e+00> : vector<1024xf32>
      %reduce_sum3A_264 = vector.multi_reduction <add>, %mul3A_257, %reduce_sum3A_263 [1] : vector<1024x1024xf32> to vector<1024xf32>
      %reshape3A_265 = vector.shape_cast %reduce_sum3A_264 : vector<1024xf32> to vector<1024x1xf32>
      %reduce_sum3A_266 = arith.constant dense<0.000000e+00> : vector<1024xf32>
      %reduce_sum3A_267 = vector.multi_reduction <add>, %select_n3A_249, %reduce_sum3A_266 [1] : vector<1024x1024xf32> to vector<1024xf32>
      %reshape3A_268 = vector.shape_cast %reduce_sum3A_267 : vector<1024xf32> to vector<1024x1xf32>
      %mul3A_269 = vector.broadcast %get3A_52 : f32 to vector<1024x1xf32>
      %mul3A_270 = arith.mulf %reshape3A_259, %mul3A_269 : vector<1024x1xf32>
      %mul3A_271 = vector.broadcast %get3A_58 : f32 to vector<1024x1xf32>
      %mul3A_272 = arith.mulf %reshape3A_262, %mul3A_271 : vector<1024x1xf32>
      %add3A_273 = arith.addf %mul3A_270, %mul3A_272 : vector<1024x1xf32>
      %mul3A_274 = vector.broadcast %get3A_64 : f32 to vector<1024x1xf32>
      %mul3A_275 = arith.mulf %reshape3A_265, %mul3A_274 : vector<1024x1xf32>
      %add3A_276 = arith.addf %add3A_273, %mul3A_275 : vector<1024x1xf32>
      %mul3A_277 = vector.broadcast %get3A_54 : f32 to vector<1024x1xf32>
      %mul3A_278 = arith.mulf %reshape3A_259, %mul3A_277 : vector<1024x1xf32>
      %mul3A_279 = vector.broadcast %get3A_60 : f32 to vector<1024x1xf32>
      %mul3A_280 = arith.mulf %reshape3A_262, %mul3A_279 : vector<1024x1xf32>
      %add3A_281 = arith.addf %mul3A_278, %mul3A_280 : vector<1024x1xf32>
      %mul3A_282 = vector.broadcast %get3A_66 : f32 to vector<1024x1xf32>
      %mul3A_283 = arith.mulf %reshape3A_265, %mul3A_282 : vector<1024x1xf32>
      %add3A_284 = arith.addf %add3A_281, %mul3A_283 : vector<1024x1xf32>
      %mul3A_285 = vector.broadcast %get3A_56 : f32 to vector<1024x1xf32>
      %mul3A_286 = arith.mulf %reshape3A_259, %mul3A_285 : vector<1024x1xf32>
      %mul3A_287 = vector.broadcast %get3A_62 : f32 to vector<1024x1xf32>
      %mul3A_288 = arith.mulf %reshape3A_262, %mul3A_287 : vector<1024x1xf32>
      %add3A_289 = arith.addf %mul3A_286, %mul3A_288 : vector<1024x1xf32>
      %mul3A_290 = vector.broadcast %get3A_68 : f32 to vector<1024x1xf32>
      %mul3A_291 = arith.mulf %reshape3A_265, %mul3A_290 : vector<1024x1xf32>
      %add3A_292 = arith.addf %add3A_289, %mul3A_291 : vector<1024x1xf32>
      %broadcast_in_dim3A_293 = arith.constant 0.000000e+00 : f32
      %broadcast_in_dim3A_294 = vector.broadcast %broadcast_in_dim3A_293 : f32 to vector<1024x4xf32>
      %get3A_295 = arith.constant 0 : index
      %get3A_296 = arith.constant 0 : index
      %get3A_297 = vector.load %arg5[%get3A_295, %get3A_296] : memref<1024x8xf32, #tpu.memory_space<vmem>>, vector<1024x8xf32>
      %concatenate3A = tpu.concatenate %add3A_276, %add3A_284, %add3A_292, %reshape3A_268, %broadcast_in_dim3A_294 in 1 : vector<1024x1xf32>, vector<1024x1xf32>, vector<1024x1xf32>, vector<1024x1xf32>, vector<1024x4xf32> -> vector<1024x8xf32>
      %add3A_298 = arith.addf %get3A_297, %concatenate3A : vector<1024x8xf32>
      %swap3A = arith.constant 0 : index
      %swap3A_299 = arith.constant 0 : index
      %swap3A_300 = vector.load %arg5[%swap3A, %swap3A_299] : memref<1024x8xf32, #tpu.memory_space<vmem>>, vector<1024x8xf32>
      tpu.vector_store %arg5[%swap3A, %swap3A_299], %add3A_298 {strides = array<i32>} : memref<1024x8xf32, #tpu.memory_space<vmem>>, vector<1024x8xf32>,
      %reduce_sum3A_301 = arith.constant dense<0.000000e+00> : vector<1024xf32>
      %reduce_sum3A_302 = vector.multi_reduction <add>, %mul3A_255, %reduce_sum3A_301 [0] : vector<1024x1024xf32> to vector<1024xf32>
      %reshape3A_303 = vector.shape_cast %reduce_sum3A_302 : vector<1024xf32> to vector<1x1024xf32>
      %neg3A = arith.constant 0.000000e+00 : f32
      %neg3A_304 = vector.broadcast %neg3A : f32 to vector<1x1024xf32>
      %neg3A_305 = arith.subf %neg3A_304, %reshape3A_303 : vector<1x1024xf32>
      %reduce_sum3A_306 = arith.constant dense<0.000000e+00> : vector<1024xf32>
      %reduce_sum3A_307 = vector.multi_reduction <add>, %mul3A_256, %reduce_sum3A_306 [0] : vector<1024x1024xf32> to vector<1024xf32>
      %reshape3A_308 = vector.shape_cast %reduce_sum3A_307 : vector<1024xf32> to vector<1x1024xf32>
      %neg3A_309 = arith.constant 0.000000e+00 : f32
      %neg3A_310 = vector.broadcast %neg3A_309 : f32 to vector<1x1024xf32>
      %neg3A_311 = arith.subf %neg3A_310, %reshape3A_308 : vector<1x1024xf32>
      %reduce_sum3A_312 = arith.constant dense<0.000000e+00> : vector<1024xf32>
      %reduce_sum3A_313 = vector.multi_reduction <add>, %mul3A_257, %reduce_sum3A_312 [0] : vector<1024x1024xf32> to vector<1024xf32>
      %reshape3A_314 = vector.shape_cast %reduce_sum3A_313 : vector<1024xf32> to vector<1x1024xf32>
      %neg3A_315 = arith.constant 0.000000e+00 : f32
      %neg3A_316 = vector.broadcast %neg3A_315 : f32 to vector<1x1024xf32>
      %neg3A_317 = arith.subf %neg3A_316, %reshape3A_314 : vector<1x1024xf32>
      %mul3A_318 = vector.broadcast %get3A_52 : f32 to vector<1x1024xf32>
      %mul3A_319 = arith.mulf %neg3A_305, %mul3A_318 : vector<1x1024xf32>
      %mul3A_320 = vector.broadcast %get3A_58 : f32 to vector<1x1024xf32>
      %mul3A_321 = arith.mulf %neg3A_311, %mul3A_320 : vector<1x1024xf32>
      %add3A_322 = arith.addf %mul3A_319, %mul3A_321 : vector<1x1024xf32>
      %mul3A_323 = vector.broadcast %get3A_64 : f32 to vector<1x1024xf32>
      %mul3A_324 = arith.mulf %neg3A_317, %mul3A_323 : vector<1x1024xf32>
      %add3A_325 = arith.addf %add3A_322, %mul3A_324 : vector<1x1024xf32>
      %mul3A_326 = vector.broadcast %get3A_54 : f32 to vector<1x1024xf32>
      %mul3A_327 = arith.mulf %neg3A_305, %mul3A_326 : vector<1x1024xf32>
      %mul3A_328 = vector.broadcast %get3A_60 : f32 to vector<1x1024xf32>
      %mul3A_329 = arith.mulf %neg3A_311, %mul3A_328 : vector<1x1024xf32>
      %add3A_330 = arith.addf %mul3A_327, %mul3A_329 : vector<1x1024xf32>
      %mul3A_331 = vector.broadcast %get3A_66 : f32 to vector<1x1024xf32>
      %mul3A_332 = arith.mulf %neg3A_317, %mul3A_331 : vector<1x1024xf32>
      %add3A_333 = arith.addf %add3A_330, %mul3A_332 : vector<1x1024xf32>
      %mul3A_334 = vector.broadcast %get3A_56 : f32 to vector<1x1024xf32>
      %mul3A_335 = arith.mulf %neg3A_305, %mul3A_334 : vector<1x1024xf32>
      %mul3A_336 = vector.broadcast %get3A_62 : f32 to vector<1x1024xf32>
      %mul3A_337 = arith.mulf %neg3A_311, %mul3A_336 : vector<1x1024xf32>
      %add3A_338 = arith.addf %mul3A_335, %mul3A_337 : vector<1x1024xf32>
      %mul3A_339 = vector.broadcast %get3A_68 : f32 to vector<1x1024xf32>
      %mul3A_340 = arith.mulf %neg3A_317, %mul3A_339 : vector<1x1024xf32>
      %add3A_341 = arith.addf %add3A_338, %mul3A_340 : vector<1x1024xf32>
      %broadcast_in_dim3A_342 = arith.constant 0.000000e+00 : f32
      %broadcast_in_dim3A_343 = vector.broadcast %broadcast_in_dim3A_342 : f32 to vector<5x1024xf32>
      %concatenate3A_344 = tpu.concatenate %add3A_325, %add3A_333, %add3A_341, %broadcast_in_dim3A_343 in 0 : vector<1x1024xf32>, vector<1x1024xf32>, vector<1x1024xf32>, vector<5x1024xf32> -> vector<8x1024xf32>
      %broadcast_in_dim3A_345 = vector.shape_cast %concatenate3A_344 : vector<8x1024xf32> to vector<1x8x1024xf32>
      %swap3A_346 = arith.constant 0 : index
      %swap3A_347 = arith.constant 0 : index
      %swap3A_348 = arith.constant 0 : index
      %swap3A_349 = vector.load %arg6[%swap3A_346, %swap3A_347, %swap3A_348] : memref<1x8x1024xf32, #tpu.memory_space<vmem>>, vector<1x8x1024xf32>
      tpu.vector_store %arg6[%swap3A_346, %swap3A_347, %swap3A_348], %broadcast_in_dim3A_345 {strides = array<i32>} : memref<1x8x1024xf32, #tpu.memory_space<vmem>>, vector<1x8x1024xf32>,
    } else {
    }
    %not3A = arith.constant true
    %not3A_80 = arith.xori %lt3A, %not3A : i1
    %convert_element_type3A_81 = arith.extui %not3A_80 : i1 to i32
    %cond3A_82 = arith.constant 0 : i32
    %cond3A_83 = arith.cmpi ne, %convert_element_type3A_81, %cond3A_82 : i32
    scf.if %cond3A_83 {
      %broadcast_in_dim3A = arith.constant 0.000000e+00 : f32
      %broadcast_in_dim3A_84 = vector.broadcast %broadcast_in_dim3A : f32 to vector<1x8x1024xf32>
      %swap3A = arith.constant 0 : index
      %swap3A_85 = arith.constant 0 : index
      %swap3A_86 = arith.constant 0 : index
      %swap3A_87 = vector.load %arg6[%swap3A, %swap3A_85, %swap3A_86] : memref<1x8x1024xf32, #tpu.memory_space<vmem>>, vector<1x8x1024xf32>
      tpu.vector_store %arg6[%swap3A, %swap3A_85, %swap3A_86], %broadcast_in_dim3A_84 {strides = array<i32>} : memref<1x8x1024xf32, #tpu.memory_space<vmem>>, vector<1x8x1024xf32>,
    } else {
    }
    return
  }
  func.func @transform_0(%arg0: i32, %arg1: i32) -> i32 {
    %c0_i32 = arith.constant 0 : i32
    %c0_i32_0 = arith.constant 0 : i32
    return %c0_i32 : i32
  }
  func.func @transform_1(%arg0: i32, %arg1: i32) -> (i32, i32) {
    %c0_i32 = arith.constant 0 : i32
    %c0_i32_0 = arith.constant 0 : i32
    return %c0_i32, %arg1 : i32, i32
  }
  func.func @transform_2(%arg0: i32, %arg1: i32) -> (i32, i32) {
    %c0_i32 = arith.constant 0 : i32
    %c0_i32_0 = arith.constant 0 : i32
    return %arg0, %c0_i32 : i32, i32
  }
  func.func @transform_3(%arg0: i32, %arg1: i32) -> (i32, i32) {
    %c0_i32 = arith.constant 0 : i32
    %c0_i32_0 = arith.constant 0 : i32
    return %arg0, %c0_i32 : i32, i32
  }
  func.func @transform_4(%arg0: i32, %arg1: i32) -> (i32, i32, i32) {
    %c0_i32 = arith.constant 0 : i32
    %c0_i32_0 = arith.constant 0 : i32
    return %arg0, %c0_i32, %arg1 : i32, i32, i32
  }
}

</mosaic_0001>

<sc_bundles>
// kernel: kernel.4.cloned.1.call-start
scs
__scs_entry_jumppad:
0x0: {  	(pc) =	sbr.rel $0x88, $3  }
0x1: {  	(tag) =	ssettag $0x0;
	lr =	simm.s32 $0x1  }
0x2: {  	[smem:$0x3F99] =	sst lr;
	_ =	strace $0xD0000000  }
0x3: {  	_ = 	snop  }
0x4: {  	_ = 	snop  }
0x5: {  	_ = 	snop  }
0x6: {  	_ = 	snop  }
0x7: {  	_ = 	snop  }
__scs_overlays_trampoline_lowered:
0x8: {  	[smem:$0x3FA8] =	sst s0  }
0x9: {  	[smem:$0x3FA9] =	sst s1  }
0xa: {  	[smem:$0x3FAA] =	sst s2  }
0xb: {  	[smem:$0x3FAB] =	sst s3  }
0xc: {  	[smem:$0x3FAC] =	sst s4  }
0xd: {  	[smem:$0x3FAD] =	sst s5  }
0xe: {  	[smem:$0x3FAE] =	sst s6  }
0xf: {  	[smem:$0x3FAF] =	sst s7  }
0x10: {  	[smem:$0x3FB0] =	sst s8  }
0x11: {  	[smem:$0x3FB1] =	sst s9;
	s0 =	simm.s32 @!p0 $0x0  }
0x12: {  	s1 =	sld [smem:$0x3F97];
	s0 =	simm.s32 @p0 $0x1  }
0x13: {  	[smem:$0x3FB2] =	sst s0;
	s0 =	simm.s32 @!p1 $0x0  }
0x14: {  	s2 =	sld [smem:$0x3F96];
	s0 =	simm.s32 @p1 $0x1  }
0x15: {  	[smem:$0x3FB3] =	sst s0;
	s0 =	simm.s32 @!p2 $0x0  }
0x16: {  	s3 =	sld [smem:$0x3FDB];
	s0 =	simm.s32 @p2 $0x1  }
0x17: {  	s4 =	simm.s32 $0x1BF5;
	[smem:$0x3FB5] =	sst s0  }
0x18: {  	s0 =	sld [smem:$0x3F98];
	_ =	swait.ge [sflag:s4], $0x0  }
0x19: {  	s7 =	sld [smem:$0x3F99]  }
0x1a: {  	s8 =	sadd.s32 $0xFFFFE003, lr  }
0x1b: {  	s9 =	sadd.s32 $0xFFFFFEF7, lr;
	s5 =	simm.s32 $0xFFFFFFFF;
	p2 =	slt.u32 s8, $0xFFFFF086  }
0x1c: {  	p1 =	slt.u32 s9, $0xF7A;
	s5 =	simm.s32 @!p2 $0x0  }
0x1d: {  	s5 =	simm.s32 @p1 $0x1;
	p0 =	seq.s32 s7, s2  }
0x1e: {  	s7 =	smul.u32 @!p0 $0xF7A, s2;
	p2 =	seq.s32 @!p0 s5, $0x0  }
0x1f: {  	s9 =	smul.u32 $0xF7A, s1;
	s8 =	simm.s32 @!p0 $0x1BF5;
	p2 =	por !p2, p0  }
0x20: {  	[sflag:s8] =	ssyncset.s32 @!p0 $0xFFFFF086;
	s6 =	sadd.s32 @!p0 s3, s7;
	s7 =	simm.s32 @!p0 $0x108  }
0x21: {  	s3 =	sadd.s32 s3, s9;
	s6 =	sadd.s32 @!p0 $0x88, s6;
	s7 =	simm.s32 @p2 $0x1082  }
0x22: {  	[simem:s7], [sflag:s8] =	dma.local @!p0 [hbm:s6], $0xF7A  }
0x23: {  	s9 =	sor.u32 $0xD0000000, s2;
	s6 =	simm.s32 $0x108;
	_ =	swait.ge @!p0 [sflag:s8], $0x0  }
0x24: {  	s3 =	sadd.s32 $0x88, s3;
	s6 =	simm.s32 @!p1 $0x1082;
	[sflag:s4] =	ssyncset.s32 $0xFFFFF086  }
0x25: {  	[simem:s6], [sflag:s4] =	dma.local [hbm:s3], $0xF7A  }
0x26: {  	[smem:$0x3F99] =	sst s1;
	(tag) =	ssettag s2;
	_ =	strace s9  }
0x27: {  	s1 =	sld [smem:$0x3FA9]  }
0x28: {  	s2 =	sld [smem:$0x3FAA]  }
0x29: {  	s4 =	sld [smem:$0x3FAC]  }
0x2a: {  	p0 =	seq.s32 s5, $0x0;
	s5 =	sld [smem:$0x3FAD]  }
0x2b: {  	s6 =	sld [smem:$0x3FAE]  }
0x2c: {  	s7 =	sld [smem:$0x3FAF]  }
0x2d: {  	s3 =	simm.s32 $0x108;
	s8 =	sld [smem:$0x3FB0]  }
0x2e: {  	s3 =	simm.s32 @!p0 $0x1082;
	s9 =	sld [smem:$0x3FB1]  }
0x2f: {  	lr =	sadd.s32 s0, s3;
	s0 =	sld [smem:$0x3FA8]  }
0x30: {  	s3 =	sld [smem:$0x3FAB]  }
0x31: {  	[smem:$0x3FB4] =	sst s10  }
0x32: {  	s10 =	sld [smem:$0x3FB2];
	_ =	sdelay $0x3  }
0x33: {  	p0 =	seq.s32 s10, $0x1;
	s10 =	sld [smem:$0x3FB4];
	_ =	sdelay $0x3  }
0x34: {  	[smem:$0x3FB4] =	sst s10  }
0x35: {  	s10 =	sld [smem:$0x3FB3];
	_ =	sdelay $0x3  }
0x36: {  	p1 =	seq.s32 s10, $0x1;
	s10 =	sld [smem:$0x3FB4];
	_ =	sdelay $0x3  }
0x37: {  	[smem:$0x3FB4] =	sst s10  }
0x38: {  	s10 =	sld [smem:$0x3FB5]  }
0x39: {  	_ = 	snop;
	(pc) =	sbr.ind lr, $3  }
0x3a: {  	_ = 	snop  }
0x3b: {  	_ = 	snop  }
0x3c: {  	p2 =	seq.s32 s10, $0x1;
	s10 =	sld [smem:$0x3FB4]  }
0x3d: {  	_ =	shalt  }
0x3e: {  	_ =	shalt  }
0x3f: {  	_ =	shalt  }
0x40: {  	_ =	shalt  }
0x41: {  	_ =	shalt  }
0x42: {  	_ =	shalt  }
0x43: {  	_ =	shalt  }
0x44: {  	_ =	shalt  }
0x45: {  	_ =	shalt  }
0x46: {  	_ =	shalt  }
0x47: {  	_ =	shalt  }
0x48: {  	_ =	shalt  }
0x49: {  	_ =	shalt  }
0x4a: {  	_ =	shalt  }
0x4b: {  	_ =	shalt  }
0x4c: {  	_ =	shalt  }
0x4d: {  	_ =	shalt  }
0x4e: {  	_ =	shalt  }
0x4f: {  	_ =	shalt  }
0x50: {  	_ =	shalt  }
0x51: {  	_ =	shalt  }
0x52: {  	_ =	shalt  }
0x53: {  	_ =	shalt  }
0x54: {  	_ =	shalt  }
0x55: {  	_ =	shalt  }
0x56: {  	_ =	shalt  }
0x57: {  	_ =	shalt  }
0x58: {  	_ =	shalt  }
0x59: {  	_ =	shalt  }
0x5a: {  	_ =	shalt  }
0x5b: {  	_ =	shalt  }
0x5c: {  	_ =	shalt  }
0x5d: {  	_ =	shalt  }
0x5e: {  	_ =	shalt  }
0x5f: {  	_ =	shalt  }
0x60: {  	_ =	shalt  }
0x61: {  	_ =	shalt  }
0x62: {  	_ =	shalt  }
0x63: {  	_ =	shalt  }
0x64: {  	_ =	shalt  }
0x65: {  	_ =	shalt  }
0x66: {  	_ =	shalt  }
0x67: {  	_ =	shalt  }
0x68: {  	_ =	shalt  }
0x69: {  	_ =	shalt  }
0x6a: {  	_ =	shalt  }
0x6b: {  	_ =	shalt  }
0x6c: {  	_ =	shalt  }
0x6d: {  	_ =	shalt  }
0x6e: {  	_ =	shalt  }
0x6f: {  	_ =	shalt  }
0x70: {  	_ =	shalt  }
0x71: {  	_ =	shalt  }
0x72: {  	_ =	shalt  }
0x73: {  	_ =	shalt  }
0x74: {  	_ =	shalt  }
0x75: {  	_ =	shalt  }
0x76: {  	_ =	shalt  }
0x77: {  	_ =	shalt  }
0x78: {  	_ =	shalt  }
0x79: {  	_ =	shalt  }
0x7a: {  	_ =	shalt  }
0x7b: {  	_ =	shalt  }
0x7c: {  	_ =	shalt  }
0x7d: {  	_ =	shalt  }
0x7e: {  	_ =	shalt  }
0x7f: {  	_ =	shalt  }
0x80: {  	_ =	shalt  }
0x81: {  	_ =	shalt  }
0x82: {  	_ =	shalt  }
0x83: {  	_ =	shalt  }
0x84: {  	_ =	shalt  }
0x85: {  	_ =	shalt  }
0x86: {  	_ =	shalt  }
0x87: {  	_ =	shalt  }
.Lfunc_end0:
.L_simem_size_0:
called_computation_lowered:
.L_overlay_start_0:
0x88: {  	s2 =	sld [smem:$0x3FD9]  }
0x89: {  	s3 =	sld [smem:$0x3FFE];
	_ =	sdelay $0x1  }
0x8a: {  	s1 =	srdreg.scid  }
0x8b: {  	s0 =	sand.u32 $0x1, s1  }
0x8c: {  	s14 =	sshll.u32 s0, $0xA;
	s2 =	sadd.s32 s3, s2  }
0x8d: {  	s2 =	sadd.s32 s2, s14  }
0x8e: {  	[smem:$0x3FC0] =	sst s2  }
0x8f: {  	_ = 	snop  }
0x90: {  	s2 =	sld [smem:$0x3FD0];
	_ =	sdelay $0x2  }
0x91: {  	s15 =	simm.s32 $0xA;
	s4 =	simm.s32 $0x10  }
0x92: {  	[smem:s4], [sflag:s15] =	dma.local [hbm:s2], $0x1  }
0x93: {  	_ =	swait.eq [sflag:s15], $0x1  }
0x94: {  	[sflag:s15] =	ssyncset.done $0x0  }
0x95: {  	s16 =	sld [smem:$0x10];
	[sflag:s15] =	ssyncadd.s32 $0xFFFFFFFF  }
0x96: {  	s17 =	sld [smem:$0x11];
	(tm) =	ssettm $0x1  }
0x97: {  	s18 =	sld [smem:$0x3FFB];
	_ =	sdelay $0x3  }
0x98: {  	_ =	strace s18  }
0x99: {  	s4 =	sld [smem:$0x3FFC];
	_ =	sdelay $0x3  }
0x9a: {  	_ =	strace s4  }
0x9b: {  	s4 =	sld [smem:$0x3FFD];
	_ =	sdelay $0x3  }
0x9c: {  	_ =	strace s4  }
0x9d: {  	_ =	strace $0x8FFFFFFF  }
0x9e: {  	s19 =	sld [smem:$0x3FDB];
	_ =	sdelay $0x1  }
0x9f: {  	s5 =	simm.s32 $_scs_section_size  }
0xa0: {  	s6 =	simm.s32 $_size__tile_overlayer_lowered;
	s7 =	simm.s32 $_tile_overlayer_lowered  }
0xa1: {  	s22 =	simm.s32 $0x1BFF;
	s21 =	sshll.u32 s7, $0x1;
	s4 =	sadd.s32 s5, s19  }
0xa2: {  	s8 =	simm.s32 $0x0;
	s20 =	sshll.u32 s6, $0x1;
	s6 =	sadd.s32 s21, s4  }
0xa3: {  	[timem:s8], [sflag:s22] =	dma.local [hbm:s6], s20  }
0xa4: {  	_ =	swait.ge [sflag:s22], s20  }
0xa5: {  	s5 =	ssub.s32 $0x0, s20;
	[sflag:s22] =	ssyncset.done $0x0  }
0xa6: {  	[sflag:s22] =	ssyncadd.s32 s5;
	_ =	sdelay $0x1  }
0xa7: {  	s23 =	simm.s32 $0x1B8B  }
0xa8: {  	_ =	swait.ge [sflag:s23], $0x1  }
0xa9: {  	[sflag:s23] =	ssyncset.done $0x0  }
0xaa: {  	s25 =	simm.s32 $0x1B8E;
	s24 =	sld [smem:$0x3FFE];
	[sflag:s23] =	ssyncadd.s32 $0xFFFFFFFF  }
0xab: {  	s26 =	simm.s32 $execute0_lowered;
	[smem:$0x3FD2] =	sst s25  }
0xac: {  	s6 =	sshll.u32 s26, $0x1;
	_ =	strace $0x80000046;
	[dreg:$0x1] =	wrdreg $0xFFFFFFFF  }
0xad: {  	s28 =	simm.s32 $_size_execute0_lowered;
	s4 =	sadd.s32 s4, s6;
	[dreg:$0x0] =	wrdreg $0x0  }
0xae: {  	s6 =	sshll.u32 s28, $0x1;
	[dreg:$0x2] =	wrdreg s4  }
0xaf: {  	[dreg:$0x3] =	wrdreg s6  }
0xb0: {  	[dreg:$0x4] =	wrdreg $0xC0  }
0xb1: {  	_ =	task [dreg:s8], $0x5FFFF  }
0xb2: {  	[dreg:$0x1] =	wrdreg $0xFFFFFFFF  }
0xb3: {  	[dreg:$0x0] =	wrdreg $0x60  }
0xb4: {  	[dreg:$0x2] =	wrdreg s24  }
0xb5: {  	[dreg:$0x3] =	wrdreg s17  }
0xb6: {  	[dreg:$0x4] =	wrdreg s16  }
0xb7: {  	[dreg:$0x5] =	wrdreg $0x9  }
0xb8: {  	_ =	task.clear_ibuf [dreg:s8], $0x6FFFF;
	_ =	strace $0x90000046  }
0xb9: {  	s29 =	simm.s32 $0x9;
	_ =	strace $0x80000048  }
0xba: {  	_ =	swait.ge [sflag:s29], $0x1  }
0xbb: {  	[sflag:s29] =	ssyncadd.s32 $0xFFFFFFFF  }
0xbc: {  	_ =	strace $0x90000048  }
0xbd: {  	_ =	sfence  }
0xbe: {  	s30 =	sld [smem:$0x0];
	_ =	sdelay $0x2  }
0xbf: {  	s31 =	sshll.u32 s1, $0xD;
	s1 =	sshrl.u32 s1, $0x2  }
0xc0: {  	s3 =	sand.u32 $0x4000, s31;
	s1 =	sadd.s32 s1, s30  }
0xc1: {  	s0 =	sor.u32 s3, s0;
	s1 =	sshll.u32 s1, $0x11  }
0xc2: {  	s0 =	sor.u32 s1, s0  }
0xc3: {  	s0 =	sadd.s32 $0x8F2B, s0  }
0xc4: {  	[sflag:s0] =	ssyncadd.remote.s32 $0x1  }
0xc5: {  	_ =	sfence.sel $0xFFFF  }
0xc6: {  	[dreg:$0x0] =	wrdreg $0xFFFFFFFF;
	(pc) =	sbr.abs _section_cstart, $3  }
0xc7: {  	[dreg:$0x1] =	wrdreg $0xFFFFFFFF  }
0xc8: {  	_ =	task.clear_ibuf [dreg:s8], $0x2FFFF;
	_ =	strace $0x9FFFFFFF  }
0xc9: {  	(tm) =	ssettm $0x7FFFFFFF  }
tec
execute0_lowered:
.L_overlay_start_1:
0x0: {  	(tag) =	ssettag $0x1  }
0x1: {  	s9 =	rddreg [dreg:$0x0]  }
0x2: {  	s1 =	rddreg [dreg:$0x1]  }
0x3: {  	s2 =	rddreg [dreg:$0x2]  }
0x4: {  	s0 =	rddreg [dreg:$0x3];
	s4 =	simm.s32 $0x0;
	s5 =	srdreg.scid  }
0x5: {  	s3 =	stileid.u32;
	s15 =	simm.s32 $0x400;
	s16 =	simm.s32 $0x800  }
0x6: {  	s17 =	simm.s32 $0xC00;
	s18 =	simm.s32 $0x1000;
	s19 =	simm.s32 $0x1080  }
0x7: {  	s20 =	simm.s32 $0x10A0;
	s21 =	simm.s32 $0x10C0;
	s22 =	simm.s32 $0x10E0  }
0x8: {  	s23 =	simm.s32 $0x0;
	[smem:$0x7FF] =	sst s4;
	s7 =	sand.u32 $0x1, s5  }
0x9: {  	s6 =	sshll.u32 s3, $0x6;
	s5 =	sadd.s32 $0x3A00, s9;
	s8 =	sshll.u32 s7, $0x5  }
0xa: {  	_ =	strace $0x80000047;
	s10 =	ssub.s32 $0x2, s7;
	s6 =	sor.u32 s8, s6  }
0xb: {  	s7 =	sadd.s32 $0x1A00, s9;
	s12 =	sshrl.u32 s10, $0x1;
	s11 =	sshrl.u32 s6, $0x3  }
0xc: {  	s8 =	sadd.s32 $0x3800, s9;
	s14 =	ssub.s32 s10, s12;
	s13 =	sadd.s32 s11, s9  }
0xd: {  	s9 =	sadd.s32 $0x1200, s13;
	s10 =	sadd.s32 $0x1400, s13;
	s11 =	sadd.s32 $0x1600, s13  }
0xe: {  	v63 =	vimm.f32 $0.0e+00;
	s12 =	sadd.s32 $0x1000, s13;
	s13 =	smax.u32 s14, $0x1;
	s14 =	simm.s32 $0x1  }
.LBB2_1:
0xf: {  	[tilespmem:s4], [sflag:$0x1] =	stream.linear.gather [hbm4b:s5+s4], $0x400, $0x38;
	[tilespmem:$0x1100] =	vst v63  }
0x10: {  	_ =	swait.ge [sflag:s14], $0x400  }
0x11: {  	[sflag:s14] =	ssyncset.done $0x0  }
0x12: {  	[sflag:s14] =	ssyncadd.s32 $0xFFFFFC00  }
0x13: {  	[tilespmem:s15], [sflag:$0x1] =	stream.linear.gather [hbm4b:s7+s4], $0x400, $0x38;
	[tilespmem:$0x1100] =	vst v63  }
0x14: {  	_ =	swait.ge [sflag:s14], $0x400  }
0x15: {  	[sflag:s14] =	ssyncset.done $0x0  }
0x16: {  	[sflag:s14] =	ssyncadd.s32 $0xFFFFFC00  }
0x17: {  	[tilespmem:s16], [sflag:$0x1] =	stream.linear.gather [hbm4b:s1+s4], $0x400, $0x38;
	[tilespmem:$0x1100] =	vst v63  }
0x18: {  	_ =	swait.ge [sflag:s14], $0x400  }
0x19: {  	[sflag:s14] =	ssyncset.done $0x0  }
0x1a: {  	[sflag:s14] =	ssyncadd.s32 $0xFFFFFC00  }
0x1b: {  	[tilespmem:s17], [sflag:$0x1] =	stream.linear.gather [hbm4b:s8+s4], $0x400, $0x38;
	[tilespmem:$0x1100] =	vst v63  }
0x1c: {  	_ =	swait.ge [sflag:s14], $0x400  }
0x1d: {  	[sflag:s14] =	ssyncset.done $0x0  }
0x1e: {  	[sflag:s14] =	ssyncadd.s32 $0xFFFFFC00  }
0x1f: {  	[tilespmem:s18], [sflag:$0x1] =	stream.linear.gather [hbm4b:s2+s4], $0x80, $0x38;
	[tilespmem:$0x1100] =	vst v63  }
0x20: {  	_ =	swait.ge [sflag:s14], $0x80  }
0x21: {  	[sflag:s14] =	ssyncset.done $0x0  }
0x22: {  	[sflag:s14] =	ssyncadd.s32 $0xFFFFFF80  }
0x23: {  	v2 =	vld [tilespmem:$0x1010]  }
0x24: {  	v0 =	vld [tilespmem:$0x1000]  }
0x25: {  	v11 =	vld [tilespmem:$0x1020];
	_ =	sdelay $0x2  }
0x26: {  	v3 =	vbroadcast v2, $0xE  }
0x27: {  	v39 =	vbroadcast v0, $0x0;
	v31 =	vbroadcast v2, $0xF  }
0x28: {  	v40 =	vbroadcast v0, $0x1;
	v32 =	vbroadcast v11, $0x0;
	[tilespmem:$0x1FE60] =	vst v3  }
0x29: {  	v41 =	vbroadcast v0, $0x2;
	v33 =	vbroadcast v11, $0x1;
	[tilespmem:$0x1FE70] =	vst v31  }
0x2a: {  	v42 =	vbroadcast v0, $0x3;
	v34 =	vbroadcast v11, $0x2;
	[tilespmem:$0x1FE80] =	vst v32  }
0x2b: {  	v43 =	vbroadcast v0, $0x4;
	v35 =	vbroadcast v11, $0x3;
	[tilespmem:$0x1FE90] =	vst v33  }
0x2c: {  	v60 =	vbroadcast v0, $0x5;
	v36 =	vbroadcast v11, $0x4;
	[tilespmem:$0x1FEA0] =	vst v34  }
0x2d: {  	v45 =	vbroadcast v0, $0x6;
	v37 =	vbroadcast v11, $0x5;
	[tilespmem:$0x1FEB0] =	vst v35  }
0x2e: {  	v46 =	vbroadcast v0, $0x7;
	v38 =	vbroadcast v11, $0x6;
	[tilespmem:$0x1FEC0] =	vst v36  }
0x2f: {  	v47 =	vbroadcast v0, $0x8;
	v44 =	vbroadcast v0, $0xE;
	[tilespmem:$0x1FED0] =	vst v37  }
0x30: {  	v7 =	vbroadcast v0, $0xC;
	v0 =	vbroadcast v0, $0xF;
	[tilespmem:$0x1FEE0] =	vst v38  }
0x31: {  	v48 =	vbroadcast v2, $0x0;
	[tilespmem:$0x1FEF0] =	vst v44  }
0x32: {  	v49 =	vbroadcast v2, $0x1;
	[tilespmem:$0x1FF00] =	vst v0  }
0x33: {  	v50 =	vbroadcast v2, $0x2;
	[tilespmem:$0x1FF10] =	vst v48  }
0x34: {  	v51 =	vbroadcast v2, $0x3;
	[tilespmem:$0x1FF20] =	vst v49  }
0x35: {  	v52 =	vbroadcast v2, $0x4;
	[tilespmem:$0x1FF30] =	vst v50  }
0x36: {  	v53 =	vbroadcast v2, $0x5;
	[tilespmem:$0x1FF40] =	vst v51  }
0x37: {  	v54 =	vbroadcast v2, $0x6;
	[tilespmem:$0x1FF50] =	vst v52  }
0x38: {  	v55 =	vbroadcast v2, $0x7;
	[tilespmem:$0x1FF60] =	vst v53  }
0x39: {  	v56 =	vbroadcast v2, $0x8;
	[tilespmem:$0x1FF70] =	vst v54  }
0x3a: {  	v57 =	vbroadcast v2, $0x9;
	[tilespmem:$0x1FF80] =	vst v55  }
0x3b: {  	v58 =	vbroadcast v2, $0xA;
	[tilespmem:$0x1FF90] =	vst v56  }
0x3c: {  	v59 =	vbroadcast v2, $0xB;
	[tilespmem:$0x1FFA0] =	vst v57  }
0x3d: {  	v61 =	vbroadcast v2, $0xC;
	[tilespmem:$0x1FFB0] =	vst v58  }
0x3e: {  	v62 =	vbroadcast v2, $0xD;
	[tilespmem:$0x1FFC0] =	vst v59  }
0x3f: {  	[tilespmem:$0x1FFD0] =	vst v61  }
0x40: {  	[tilespmem:$0x1FFE0] =	vst v62  }
0x41: {  	p1 =	por $0x1, $0x1;
	s24 =	simm.s32 $0x0;
	[tilespmem:$0x1FFF0] =	vst v7  }
.LBB2_2:
0x42: {  	s28 =	sor.u32 s6, s24;
	v3 =	vld [tilespmem:$0x1FF20]  }
0x43: {  	v0 =	vld [tilespmem:s28+$0xC00];
	_ =	sdelay $0x4  }
0x44: {  	v11 =	vmul.f32 v0, v3;
	v3 =	vld [tilespmem:$0x1FF40];
	_ =	sdelay $0x2  }
0x45: {  	v2 =	vld [tilespmem:$0x1FF00];
	_ =	sdelay $0x1  }
0x46: {  	v12 =	vmul.f32 v0, v3;
	v3 =	vld [tilespmem:$0x1FEF0];
	_ =	sdelay $0x2  }
0x47: {  	v2 =	vmul.f32 v0, v2;
	_ =	sdelay $0x1  }
0x48: {  	v2 =	vadd.f32 v2, v3;
	v3 =	vld [tilespmem:$0x1FF30];
	_ =	sdelay $0x4  }
0x49: {  	v3 =	vadd.f32 v12, v3  }
0x4a: {  	[tilespmem:$0x1FDA0] =	vst v2;
	v2 =	vld [tilespmem:$0x1FF10]  }
0x4b: {  	[tilespmem:$0x1FDC0] =	vst v3;
	v3 =	vld [tilespmem:$0x1FF80];
	_ =	sdelay $0x4  }
0x4c: {  	v2 =	vadd.f32 v11, v2;
	v11 =	vmul.f32 v0, v3;
	v3 =	vld [tilespmem:$0x1FFA0];
	_ =	sdelay $0x2  }
0x4d: {  	[tilespmem:$0x1FDB0] =	vst v2;
	v2 =	vld [tilespmem:$0x1FF60];
	_ =	sdelay $0x1  }
0x4e: {  	v62 =	vmul.f32 v0, v3;
	v3 =	vld [tilespmem:$0x1FF50];
	_ =	sdelay $0x2  }
0x4f: {  	v2 =	vmul.f32 v0, v2;
	_ =	sdelay $0x1  }
0x50: {  	v2 =	vadd.f32 v2, v3  }
0x51: {  	v3 =	vld [tilespmem:$0x1FFE0]  }
0x52: {  	[tilespmem:$0x1FDD0] =	vst v2;
	v2 =	vld [tilespmem:$0x1FFC0];
	_ =	sdelay $0x4  }
0x53: {  	v2 =	vmul.f32 v0, v2;
	v0 =	vmul.f32 v0, v3;
	v3 =	vld [tilespmem:s28+$0x0];
	_ =	sdelay $0x4  }
0x54: {  	[tilespmem:$0x1FDE0] =	vst v3;
	v3 =	vlaneseq.u32  }
0x55: {  	v3 =	vor.u32 s28, v3  }
0x56: {  	[tilespmem:$0x1FDF0] =	vst v3;
	v3 =	vld [tilespmem:$0x1FF70];
	_ =	sdelay $0x4  }
0x57: {  	v1 =	vadd.f32 v11, v3;
	v3 =	vld [tilespmem:$0x1FF90];
	_ =	sdelay $0x4  }
0x58: {  	[tilespmem:$0x1FE00] =	vst v1;
	v1 =	vadd.f32 v62, v3  }
0x59: {  	v3 =	vld [tilespmem:$0x1FFB0]  }
0x5a: {  	[tilespmem:$0x1FE10] =	vst v1;
	v1 =	vld [tilespmem:s28+$0x400];
	_ =	sdelay $0x4  }
0x5b: {  	[tilespmem:$0x1FE20] =	vst v1;
	v1 =	vadd.f32 v2, v3;
	v2 =	vld [tilespmem:$0x1FFD0];
	_ =	sdelay $0x4  }
0x5c: {  	v0 =	vadd.f32 v0, v2;
	_ =	sdelay $0x1  }
0x5d: {  	[tilespmem:$0x1FE40] =	vst v0;
	v0 =	vld [tilespmem:s28+$0x800];
	_ =	sdelay $0x3  }
0x5e: {  	s25 =	simm.s32 $0xF;
	s26 =	simm.s32 $0x0;
	p0 =	por p1, p1;
	v8 =	vimm.f32 $0.0e+00;
	[tilespmem:$0x1FE30] =	vst v1  }
0x5f: {  	s29 =	simm.s32 $0x800;
	s30 =	simm.s32 $0xC00;
	v9 =	vimm.f32 $0.0e+00;
	v20 =	vimm.f32 $0.0e+00;
	v1 =	vimm.f32 $0.0e+00;
	s28 =	simm.s32 $0x400;
	[tilespmem:$0x1FE50] =	vst v0  }
.LBB2_3:
0x60: {  	v56 =	vld [tilespmem:s26+$0x0]  }
0x61: {  	v53 =	vld [tilespmem:s28+$0x0]  }
0x62: {  	v51 =	vld [tilespmem:s29+$0x0]  }
0x63: {  	v48 =	vld [tilespmem:$0x1FDE0]  }
0x64: {  	v44 =	vld [tilespmem:$0x1FE20]  }
0x65: {  	v61 =	vld [tilespmem:$0x1FE50];
	_ =	sdelay $0x1  }
0x66: {  	v0 =	vbroadcast v56, $0x0;
	v2 =	vbroadcast v53, $0x0  }
0x67: {  	v11 =	vbroadcast v51, $0x0  }
0x68: {  	v0 =	vsub.f32 v0, v48;
	v2 =	vsub.f32 v2, v44  }
0x69: {  	v11 =	vsub.f32 v11, v61  }
0x6a: {  	vm0 =	vgt.f32 v0, $5.000000000e-01;
	vm1 =	vlt.f32 v0, $-5.000000000e-01;
	vm6 =	vgt.f32 v2, $5.000000000e-01  }
0x6b: {  	vm7 =	vlt.f32 v2, $-5.000000000e-01;
	v12 =	vsel vm0, $0x3F800000, v63;
	v13 =	vsel vm1, $0x3F800000, v63  }
0x6c: {  	v54 =	vsel vm6, $0x3F800000, v63;
	v14 =	vsel vm7, $0x3F800000, v63;
	v12 =	vsub.f32 v12, v13  }
0x6d: {  	vm8 =	vgt.f32 v11, $5.000000000e-01;
	vm9 =	vlt.f32 v11, $-5.000000000e-01;
	v13 =	vsub.f32 v54, v14  }
0x6e: {  	v55 =	vsel vm8, $0x3F800000, v63;
	v15 =	vsel vm9, $0x3F800000, v63;
	v12 =	vmul.f32 v12, v45  }
0x6f: {  	v14 =	vsub.f32 v55, v15;
	v13 =	vmul.f32 v13, v46  }
0x70: {  	v4 =	vsub.f32 v0, v12  }
0x71: {  	v5 =	vsub.f32 v2, v13;
	v0 =	vmul.f32 v14, v47  }
0x72: {  	v2 =	vmul.f32 v4, v39  }
0x73: {  	v6 =	vsub.f32 v11, v0;
	v0 =	vmul.f32 v5, v40  }
0x74: {  	v2 =	vmul.f32 v2, v4  }
0x75: {  	v0 =	vmul.f32 v0, v5;
	v11 =	vmul.f32 v6, v41;
	_ =	sdelay $0x1  }
0x76: {  	v0 =	vadd.f32 v0, v2;
	v2 =	vmul.f32 v11, v6;
	v11 =	vmul.f32 v4, v42;
	_ =	sdelay $0x1  }
0x77: {  	v0 =	vadd.f32 v2, v0;
	v2 =	vmul.f32 v5, v11;
	v11 =	vmul.f32 v4, v43;
	_ =	sdelay $0x1  }
0x78: {  	v0 =	vadd.f32 v0, v2;
	v2 =	vmul.f32 v6, v11;
	v11 =	vmul.f32 v5, v60;
	_ =	sdelay $0x1  }
0x79: {  	v0 =	vadd.f32 v0, v2;
	v2 =	vmul.f32 v6, v11;
	_ =	sdelay $0x1  }
0x7a: {  	v0 =	vadd.f32 v0, v2;
	_ =	sdelay $0x1  }
0x7b: {  	v2 =	vmax.f32 v0, $9.999999960e-13  }
0x7c: {  	v11 =	vshra.s32 v2, $0x1;
	v2 =	vmul.f32 $5.000000000e-01, v2  }
0x7d: {  	v11 =	vsub.s32 $0x5F3759DF, v11  }
0x7e: {  	v57 =	vmul.f32 v11, v2;
	_ =	sdelay $0x1  }
0x7f: {  	v12 =	vmul.f32 v11, v57;
	_ =	sdelay $0x1  }
0x80: {  	v12 =	vsub.f32 $1.500000000e+00, v12;
	_ =	sdelay $0x1  }
0x81: {  	v59 =	vbroadcast v53, $0x1;
	v11 =	vmul.f32 v11, v12;
	_ =	sdelay $0x1  }
0x82: {  	v62 =	vsub.f32 v59, v44;
	v12 =	vmul.f32 v11, v2  }
0x83: {  	v58 =	vbroadcast v56, $0x1;
	v24 =	vbroadcast v51, $0x1  }
0x84: {  	vm12 =	vgt.f32 v62, $5.000000000e-01;
	v12 =	vmul.f32 v12, v11  }
0x85: {  	vm13 =	vlt.f32 v62, $-5.000000000e-01;
	v13 =	vsub.f32 v58, v48;
	v14 =	vsub.f32 v24, v61  }
0x86: {  	v26 =	vsel vm12, $0x3F800000, v63;
	v17 =	vsel vm13, $0x3F800000, v63;
	v12 =	vsub.f32 $1.500000000e+00, v12  }
0x87: {  	vm10 =	vgt.f32 v13, $5.000000000e-01;
	vm11 =	vlt.f32 v13, $-5.000000000e-01;
	vm14 =	vgt.f32 v14, $5.000000000e-01  }
0x88: {  	v25 =	vsel vm10, $0x3F800000, v63;
	v16 =	vsel vm11, $0x3F800000, v63;
	v11 =	vmul.f32 v12, v11  }
0x89: {  	vm15 =	vlt.f32 v14, $-5.000000000e-01;
	v27 =	vsel vm14, $0x3F800000, v63;
	v15 =	vsub.f32 v25, v16  }
0x8a: {  	v18 =	vsel vm15, $0x3F800000, v63;
	v16 =	vsub.f32 v26, v17;
	v2 =	vmul.f32 v11, v2  }
0x8b: {  	v17 =	vsub.f32 v27, v18;
	v15 =	vmul.f32 v15, v45  }
0x8c: {  	v16 =	vmul.f32 v16, v46;
	v2 =	vmul.f32 v2, v11  }
0x8d: {  	v28 =	vmul.f32 v17, v47;
	v37 =	vsub.f32 v13, v15  }
0x8e: {  	v10 =	vsub.f32 v62, v16;
	v2 =	vsub.f32 $1.500000000e+00, v2  }
0x8f: {  	v38 =	vsub.f32 v14, v28;
	v13 =	vmul.f32 v37, v39  }
0x90: {  	v55 =	vmul.f32 v2, v11;
	v2 =	vmul.f32 v10, v40  }
0x91: {  	v30 =	vmul.f32 v38, v41  }
0x92: {  	v49 =	vld [tilespmem:s30+$0x0];
	v29 =	vmul.f32 v13, v37;
	v2 =	vmul.f32 v2, v10;
	_ =	sdelay $0x1  }
0x93: {  	v50 =	vld [tilespmem:$0x1FDB0];
	v33 =	vmul.f32 v37, v42;
	v32 =	vmul.f32 v30, v38;
	v2 =	vadd.f32 v2, v29;
	_ =	sdelay $0x1  }
0x94: {  	v35 =	vmul.f32 v37, v43;
	v34 =	vmul.f32 v10, v33;
	v2 =	vadd.f32 v32, v2  }
0x95: {  	v54 =	vbroadcast v49, $0x0;
	v26 =	vld [tilespmem:$0x1FDA0]  }
0x96: {  	v52 =	vmul.f32 v10, v60;
	v36 =	vmul.f32 v38, v35;
	v2 =	vadd.f32 v2, v34  }
0x97: {  	vm4 =	vlt.f32 v0, v7;
	v11 =	vmul.f32 v54, v50  }
0x98: {  	v31 =	vmul.f32 v55, v0;
	v0 =	vadd.f32 v2, v36;
	v2 =	vmul.f32 v38, v52;
	_ =	sdelay $0x1  }
0x99: {  	v11 =	vadd.f32 v11, v26;
	v0 =	vadd.f32 v0, v2;
	_ =	sdelay $0x1  }
0x9a: {  	v59 =	vld [tilespmem:$0x1FDF0];
	v11 =	vmul.f32 v31, v11;
	v57 =	vmax.f32 v0, $9.999999960e-13  }
0x9b: {  	v58 =	vshra.s32 v57, $0x1;
	v12 =	vmul.f32 $5.000000000e-01, v57  }
0x9c: {  	v11 =	vsub.f32 $1.000000000e+00, v11;
	v13 =	vsub.s32 $0x5F3759DF, v58  }
0x9d: {  	v24 =	vmul.f32 v13, v12  }
0x9e: {  	s31 =	sadd.s32 $0xFFFFFFF1, s25;
	vm5 =	vgt.f32 v11, $0.0e+00  }
0x9f: {  	vm6 =	vne.s32 v59, s31;
	vm0 =	vmand vm4, vm5;
	v25 =	vmul.f32 v13, v24  }
0xa0: {  	vm1 =	vmand vm6, vm0  }
0xa1: {  	v2 =	vnsel vm1, $0x3F000000, v11;
	v14 =	vsub.f32 $1.500000000e+00, v25  }
0xa2: {  	v11 =	vand.u32 $0x7FFFFF, v2  }
0xa3: {  	v11 =	vor.u32 $0x3F800000, v11;
	v13 =	vmul.f32 v13, v14  }
0xa4: {  	v62 =	vadd.f32 $1.000000000e+00, v11  }
0xa5: {  	v14 =	vmul.f32 v13, v12  }
0xa6: {  	(erf) = vrcp.f32 v62  }
0xa7: {  	v14 =	vmul.f32 v14, v13;
	_ =	sdelay $0x1  }
0xa8: {  	v19 =	vbroadcast v53, $0x2;
	v14 =	vsub.f32 $1.500000000e+00, v14  }
0xa9: {  	v29 =	vbroadcast v56, $0x2  }
0xaa: {  	v31 =	vsub.f32 v19, v44;
	v13 =	vmul.f32 v14, v13  }
0xab: {  	[tilespmem:$0x1F910] =	vst v8;
	v8 =	vbroadcast v49, $0x1;
	v16 =	vsub.f32 v29, v48  }
0xac: {  	v32 =	vbroadcast v51, $0x2;
	vm9 =	vlt.f32 v31, $-5.000000000e-01;
	v12 =	vmul.f32 v13, v12  }
0xad: {  	vm8 =	vgt.f32 v31, $5.000000000e-01;
	v23 =	vsel vm9, $0x3F800000, v63;
	v11 =	vadd.f32 $-1.000000000e+00, v11  }
0xae: {  	vm7 =	vgt.f32 v16, $5.000000000e-01;
	vm2 =	vlt.f32 v16, $-5.000000000e-01;
	v27 =	vpop (erf);
	v12 =	vmul.f32 v12, v13  }
0xaf: {  	v21 =	vsel vm7, $0x3F800000, v63;
	v22 =	vsel vm2, $0x3F800000, v63;
	v11 =	vmul.f32 v27, v11  }
0xb0: {  	v21 =	vsub.f32 v21, v22;
	v22 =	vsel vm8, $0x3F800000, v63;
	v12 =	vsub.f32 $1.500000000e+00, v12  }
0xb1: {  	v19 =	vmul.f32 v8, v50;
	v22 =	vsub.f32 v22, v23;
	v15 =	vmul.f32 v11, v11  }
0xb2: {  	v21 =	vmul.f32 v21, v45;
	v3 =	vmul.f32 v12, v13;
	v13 =	vsub.f32 v32, v61  }
0xb3: {  	v18 =	vshrl.u32 v2, $0x17;
	v33 =	vmul.f32 v22, v46;
	v28 =	vmul.f32 $2.857142980e-01, v15  }
0xb4: {  	[tilespmem:$0x1F940] =	vst v1;
	v1 =	vld [tilespmem:$0x1FDD0];
	v21 =	vsub.f32 v16, v21;
	vm10 =	vgt.f32 v13, $5.000000000e-01;
	vm11 =	vlt.f32 v13, $-5.000000000e-01  }
0xb5: {  	v14 =	vadd.f32 $4.000000060e-01, v28;
	v23 =	vsel vm10, $0x3F800000, v63;
	v24 =	vsel vm11, $0x3F800000, v63  }
0xb6: {  	v18 =	vand.u32 $0xFF, v18;
	v34 =	vsub.f32 v31, v33;
	v22 =	vsub.f32 v23, v24  }
0xb7: {  	v36 =	vadd.s32 $0xFFFFFF81, v18;
	v18 =	vmul.f32 v21, v39;
	v14 =	vmul.f32 v14, v15  }
0xb8: {  	v19 =	vadd.f32 v19, v26;
	v23 =	vmul.f32 v3, v0;
	v35 =	vmul.f32 v22, v47  }
0xb9: {  	v30 =	vmul.f32 v54, v1;
	v57 =	vmul.f32 v34, v40;
	v14 =	vadd.f32 $6.666666860e-01, v14;
	[tilespmem:$0x1F8F0] =	vst v3;
	v3 =	vld [tilespmem:$0x1FDC0]  }
0xba: {  	v25 =	vmul.f32 v18, v21;
	v52 =	vmul.f32 v23, v19;
	v19 =	vsub.f32 v13, v35  }
0xbb: {  	v14 =	vmul.f32 v14, v15;
	v12 =	vmul.f32 v57, v34  }
0xbc: {  	vm12 =	vlt.f32 v0, v7;
	v58 =	vcvt.s32.f32 v36;
	v28 =	vmul.f32 v19, v41  }
0xbd: {  	v32 =	vmul.f32 v21, v43;
	v14 =	vadd.f32 $2.000000000e+00, v14;
	v0 =	vadd.f32 v12, v25  }
0xbe: {  	v27 =	vadd.f32 v30, v3;
	v30 =	vmul.f32 v21, v42;
	v29 =	vmul.f32 v28, v19  }
0xbf: {  	s31 =	sadd.s32 $0xFFFFFFF2, s25;
	v11 =	vmul.f32 v14, v11;
	v62 =	vsub.f32 $1.000000000e+00, v52;
	v13 =	vmul.f32 $6.931471820e-01, v58  }
0xc0: {  	vm14 =	vne.s32 v59, s31;
	v31 =	vmul.f32 v34, v30;
	v0 =	vadd.f32 v29, v0  }
0xc1: {  	vm13 =	vgt.f32 v62, $0.0e+00;
	v11 =	vadd.f32 v11, v13;
	v33 =	vmul.f32 v19, v32  }
0xc2: {  	[tilespmem:$0x1F970] =	vst v34;
	vm0 =	vmand vm12, vm13;
	v34 =	vmul.f32 v34, v60;
	v0 =	vadd.f32 v0, v31  }
0xc3: {  	v11 =	vmul.f32 v11, v27;
	vm0 =	vmand vm14, vm0  }
0xc4: {  	v14 =	vnsel vm0, $0x3F000000, v62;
	v36 =	vmul.f32 v19, v34;
	v0 =	vadd.f32 v0, v33  }
0xc5: {  	v11 =	vmul.f32 $1.442695020e+00, v11;
	v35 =	vand.u32 $0x7FFFFF, v14  }
0xc6: {  	v52 =	vor.u32 $0x3F800000, v35;
	v0 =	vadd.f32 v0, v36  }
0xc7: {  	(erf) = vpow2.f32 v11;
	v11 =	vadd.f32 $1.000000000e+00, v52  }
0xc8: {  	(erf) = vrcp.f32 v2;
	v2 =	vmax.f32 v0, $9.999999960e-13  }
0xc9: {  	(erf) = vrcp.f32 v11;
	v11 =	vshra.s32 v2, $0x1;
	v2 =	vmul.f32 $5.000000000e-01, v2  }
0xca: {  	v11 =	vsub.s32 $0x5F3759DF, v11  }
0xcb: {  	v57 =	vmul.f32 v11, v2;
	_ =	sdelay $0x1  }
0xcc: {  	v12 =	vmul.f32 v11, v57;
	_ =	sdelay $0x1  }
0xcd: {  	v12 =	vsub.f32 $1.500000000e+00, v12  }
0xce: {  	v27 =	vbroadcast v56, $0x3  }
0xcf: {  	[tilespmem:$0x1F900] =	vst v9;
	v11 =	vmul.f32 v11, v12  }
0xd0: {  	v9 =	vbroadcast v49, $0x2;
	[tilespmem:$0x1F980] =	vst v19;
	v19 =	vbroadcast v53, $0x3;
	v16 =	vsub.f32 v27, v48;
	v58 =	vpop (erf)  }
0xd1: {  	v18 =	vmul.f32 v8, v1;
	v13 =	vadd.f32 $-1.000000000e+00, v52;
	v62 =	vpop (erf);
	v25 =	vmul.f32 v11, v2  }
0xd2: {  	v29 =	vsub.f32 v19, v44;
	v19 =	vbroadcast v51, $0x3;
	vm15 =	vgt.f32 v16, $5.000000000e-01;
	v24 =	vpop (erf)  }
0xd3: {  	vm3 =	vlt.f32 v16, $-5.000000000e-01;
	v12 =	vmul.f32 v24, v13;
	v13 =	vmul.f32 v25, v11  }
0xd4: {  	[tilespmem:$0x1F960] =	vst v21;
	v21 =	vsel vm15, $0x3F800000, v63;
	v22 =	vsel vm3, $0x3F800000, v63;
	vm6 =	vgt.f32 v29, $5.000000000e-01  }
0xd5: {  	vm7 =	vlt.f32 v29, $-5.000000000e-01;
	v19 =	vsub.f32 v19, v61;
	v13 =	vsub.f32 $1.500000000e+00, v13  }
0xd6: {  	v21 =	vsub.f32 v21, v22;
	v22 =	vsel vm6, $0x3F800000, v63;
	v23 =	vsel vm7, $0x3F800000, v63  }
0xd7: {  	v35 =	vmul.f32 v9, v50;
	v22 =	vsub.f32 v22, v23;
	v11 =	vmul.f32 v13, v11  }
0xd8: {  	vm8 =	vgt.f32 v19, $5.000000000e-01;
	vm9 =	vlt.f32 v19, $-5.000000000e-01;
	v15 =	vmul.f32 v12, v12  }
0xd9: {  	v23 =	vsel vm8, $0x3F800000, v63;
	v30 =	vsel vm9, $0x3F800000, v63;
	v2 =	vmul.f32 v11, v2  }
0xda: {  	v21 =	vmul.f32 v21, v45;
	v23 =	vsub.f32 v23, v30;
	v28 =	vmul.f32 $2.857142980e-01, v15  }
0xdb: {  	v22 =	vmul.f32 v22, v46;
	v2 =	vmul.f32 v2, v11  }
0xdc: {  	v32 =	vmul.f32 v23, v47;
	v25 =	vsub.f32 v16, v21;
	v17 =	vadd.f32 $4.000000060e-01, v28  }
0xdd: {  	v31 =	vshrl.u32 v14, $0x17;
	v22 =	vsub.f32 v29, v22;
	v2 =	vsub.f32 $1.500000000e+00, v2  }
0xde: {  	v23 =	vsub.f32 v19, v32;
	v21 =	vmul.f32 v25, v39;
	v17 =	vmul.f32 v17, v15  }
0xdf: {  	v33 =	vand.u32 $0xFF, v31;
	v34 =	vmul.f32 v2, v11;
	v2 =	vmul.f32 v22, v40  }
0xe0: {  	v27 =	vmul.f32 v22, v60;
	v19 =	vmul.f32 v23, v41;
	v16 =	vadd.s32 $0xFFFFFF81, v33  }
0xe1: {  	v36 =	vmul.f32 v21, v25;
	v11 =	vadd.f32 $6.666666860e-01, v17;
	v2 =	vmul.f32 v2, v22  }
0xe2: {  	v57 =	vmul.f32 v19, v23;
	v16 =	vcvt.s32.f32 v16  }
0xe3: {  	v19 =	vmul.f32 v25, v42;
	v11 =	vmul.f32 v11, v15;
	v2 =	vadd.f32 v2, v36  }
0xe4: {  	[tilespmem:$0x1F8C0] =	vst v62;
	v62 =	vmul.f32 v25, v43;
	v13 =	vadd.f32 v35, v26;
	v52 =	vmul.f32 v34, v0  }
0xe5: {  	[tilespmem:$0x1F8B0] =	vst v58;
	v58 =	vmul.f32 v22, v19;
	v11 =	vadd.f32 $2.000000000e+00, v11;
	v2 =	vadd.f32 v57, v2  }
0xe6: {  	v24 =	vmul.f32 $6.931471820e-01, v16;
	v13 =	vmul.f32 v52, v13  }
0xe7: {  	[tilespmem:$0x1F9D0] =	vst v25;
	v25 =	vmul.f32 v23, v62;
	v11 =	vmul.f32 v11, v12;
	v2 =	vadd.f32 v2, v58  }
0xe8: {  	vm10 =	vlt.f32 v0, v7;
	v28 =	vadd.f32 v18, v3;
	v13 =	vsub.f32 $1.000000000e+00, v13  }
0xe9: {  	s31 =	sadd.s32 $0xFFFFFFF3, s25;
	v11 =	vadd.f32 v11, v24;
	v0 =	vadd.f32 v2, v25;
	v2 =	vmul.f32 v23, v27  }
0xea: {  	vm12 =	vne.s32 v59, s31;
	vm11 =	vgt.f32 v13, $0.0e+00  }
0xeb: {  	vm2 =	vmand vm10, vm11;
	v11 =	vmul.f32 v11, v28;
	v0 =	vadd.f32 v0, v2  }
0xec: {  	vm2 =	vmand vm12, vm2  }
0xed: {  	v2 =	vnsel vm2, $0x3F000000, v13;
	v11 =	vmul.f32 $1.442695020e+00, v11;
	v30 =	vmax.f32 v0, $9.999999960e-13  }
0xee: {  	v29 =	vand.u32 $0x7FFFFF, v2;
	v31 =	vshra.s32 v30, $0x1;
	v13 =	vmul.f32 $5.000000000e-01, v30  }
0xef: {  	v12 =	vor.u32 $0x3F800000, v29;
	v15 =	vsub.s32 $0x5F3759DF, v31  }
0xf0: {  	(erf) = vpow2.f32 v11;
	v11 =	vadd.f32 $1.000000000e+00, v12;
	v32 =	vmul.f32 v15, v13  }
0xf1: {  	(erf) = vrcp.f32 v14  }
0xf2: {  	(erf) = vrcp.f32 v11;
	v11 =	vmul.f32 v15, v32;
	_ =	sdelay $0x1  }
0xf3: {  	v11 =	vsub.f32 $1.500000000e+00, v11;
	_ =	sdelay $0x1  }
0xf4: {  	v11 =	vmul.f32 v15, v11;
	_ =	sdelay $0x1  }
0xf5: {  	[tilespmem:$0x1F950] =	vst v34;
	v34 =	vmul.f32 v11, v13;
	_ =	sdelay $0x1  }
0xf6: {  	v14 =	vmul.f32 v34, v11;
	_ =	sdelay $0x1  }
0xf7: {  	v14 =	vsub.f32 $1.500000000e+00, v14;
	_ =	sdelay $0x1  }
0xf8: {  	v11 =	vmul.f32 v14, v11  }
0xf9: {  	v57 =	vbroadcast v56, $0x4  }
0xfa: {  	v33 =	vpop (erf);
	v13 =	vmul.f32 v11, v13  }
0xfb: {  	v19 =	vbroadcast v53, $0x4;
	v16 =	vsub.f32 v57, v48;
	v12 =	vadd.f32 $-1.000000000e+00, v12;
	v35 =	vpop (erf)  }
0xfc: {  	v58 =	vmul.f32 v9, v1;
	v36 =	vpop (erf);
	v13 =	vmul.f32 v13, v11  }
0xfd: {  	vm13 =	vgt.f32 v16, $5.000000000e-01;
	vm4 =	vlt.f32 v16, $-5.000000000e-01;
	v12 =	vmul.f32 v36, v12  }
0xfe: {  	[tilespmem:$0x1F9E0] =	vst v22;
	v21 =	vsel vm13, $0x3F800000, v63;
	v22 =	vsel vm4, $0x3F800000, v63;
	v13 =	vsub.f32 $1.500000000e+00, v13  }
0xff: {  	v24 =	vbroadcast v51, $0x4;
	v21 =	vsub.f32 v21, v22;
	v15 =	vmul.f32 v12, v12  }
0x100: {  	v27 =	vbroadcast v49, $0x3;
	v62 =	vmul.f32 v13, v11;
	v11 =	vsub.f32 v19, v44  }
0x101: {  	v18 =	vshrl.u32 v2, $0x17;
	v21 =	vmul.f32 v21, v45;
	v52 =	vmul.f32 $2.857142980e-01, v15  }
0x102: {  	v13 =	vsub.f32 v24, v61;
	vm14 =	vgt.f32 v11, $5.000000000e-01;
	vm15 =	vlt.f32 v11, $-5.000000000e-01  }
0x103: {  	[tilespmem:$0x1FA00] =	vst v23;
	v14 =	vadd.f32 $4.000000060e-01, v52;
	v22 =	vsel vm14, $0x3F800000, v63;
	v23 =	vsel vm15, $0x3F800000, v63  }
0x104: {  	vm8 =	vgt.f32 v13, $5.000000000e-01;
	vm9 =	vlt.f32 v13, $-5.000000000e-01;
	v22 =	vsub.f32 v22, v23  }
0x105: {  	v19 =	vmul.f32 v27, v50;
	v28 =	vsel vm9, $0x3F800000, v63;
	v23 =	vsel vm8, $0x3F800000, v63  }
0x106: {  	v18 =	vand.u32 $0xFF, v18;
	v29 =	vmul.f32 v22, v46;
	v22 =	vsub.f32 v23, v28  }
0x107: {  	v21 =	vsub.f32 v16, v21;
	v14 =	vmul.f32 v14, v15;
	v19 =	vadd.f32 v19, v26  }
0x108: {  	v23 =	vmul.f32 v62, v0;
	v30 =	vsub.f32 v11, v29;
	v11 =	vmul.f32 v22, v47  }
0x109: {  	v31 =	vadd.s32 $0xFFFFFF81, v18;
	v18 =	vmul.f32 v21, v39;
	v14 =	vadd.f32 $6.666666860e-01, v14  }
0x10a: {  	v32 =	vmul.f32 v23, v19;
	v19 =	vsub.f32 v13, v11;
	v11 =	vmul.f32 v30, v40  }
0x10b: {  	[tilespmem:$0x1F8E0] =	vst v35;
	v35 =	vmul.f32 v18, v21;
	v14 =	vmul.f32 v14, v15  }
0x10c: {  	v11 =	vmul.f32 v11, v30;
	v52 =	vmul.f32 v19, v41  }
0x10d: {  	vm10 =	vlt.f32 v0, v7;
	[tilespmem:$0x1F8D0] =	vst v33;
	v33 =	vcvt.s32.f32 v31;
	v14 =	vadd.f32 $2.000000000e+00, v14  }
0x10e: {  	v57 =	vmul.f32 v21, v42;
	v0 =	vadd.f32 v11, v35;
	v11 =	vmul.f32 v52, v19  }
0x10f: {  	v36 =	vadd.f32 v58, v3;
	v12 =	vmul.f32 v14, v12;
	v13 =	vmul.f32 $6.931471820e-01, v33  }
0x110: {  	v58 =	vmul.f32 v21, v43;
	v0 =	vadd.f32 v11, v0;
	v11 =	vmul.f32 v30, v57  }
0x111: {  	v34 =	vsub.f32 $1.000000000e+00, v32;
	v12 =	vadd.f32 v12, v13  }
0x112: {  	s31 =	sadd.s32 $0xFFFFFFF4, s25;
	[tilespmem:$0x1F9C0] =	vst v62;
	v62 =	vmul.f32 v30, v60;
	v0 =	vadd.f32 v0, v11;
	v11 =	vmul.f32 v19, v58  }
0x113: {  	vm12 =	vne.s32 v59, s31;
	vm11 =	vgt.f32 v34, $0.0e+00;
	v12 =	vmul.f32 v12, v36  }
0x114: {  	vm3 =	vmand vm10, vm11;
	v0 =	vadd.f32 v0, v11;
	v11 =	vmul.f32 v19, v62  }
0x115: {  	vm3 =	vmand vm12, vm3;
	v12 =	vmul.f32 $1.442695020e+00, v12  }
0x116: {  	v14 =	vnsel vm3, $0x3F000000, v34;
	v0 =	vadd.f32 v0, v11  }
0x117: {  	v24 =	vand.u32 $0x7FFFFF, v14;
	(erf) = vpow2.f32 v12  }
0x118: {  	v25 =	vor.u32 $0x3F800000, v24;
	(erf) = vrcp.f32 v2;
	v2 =	vmax.f32 v0, $9.999999960e-13  }
0x119: {  	v28 =	vadd.f32 $1.000000000e+00, v25;
	v11 =	vshra.s32 v2, $0x1;
	v2 =	vmul.f32 $5.000000000e-01, v2  }
0x11a: {  	v11 =	vsub.s32 $0x5F3759DF, v11  }
0x11b: {  	(erf) = vrcp.f32 v28;
	v29 =	vmul.f32 v11, v2;
	_ =	sdelay $0x1  }
0x11c: {  	v12 =	vmul.f32 v11, v29  }
0x11d: {  	v34 =	vbroadcast v56, $0x5  }
0x11e: {  	v12 =	vsub.f32 $1.500000000e+00, v12  }
0x11f: {  	v16 =	vsub.f32 v34, v48  }
0x120: {  	v11 =	vmul.f32 v11, v12  }
0x121: {  	[tilespmem:$0x1FA90] =	vst v30;
	v13 =	vadd.f32 $-1.000000000e+00, v25;
	vm13 =	vgt.f32 v16, $5.000000000e-01;
	v30 =	vpop (erf)  }
0x122: {  	[tilespmem:$0x1FAA0] =	vst v19;
	vm5 =	vlt.f32 v16, $-5.000000000e-01;
	v19 =	vbroadcast v53, $0x5;
	v31 =	vpop (erf);
	v33 =	vmul.f32 v11, v2  }
0x123: {  	[tilespmem:$0x1FA80] =	vst v21;
	v18 =	vmul.f32 v27, v1;
	v21 =	vsel vm13, $0x3F800000, v63;
	v22 =	vsel vm5, $0x3F800000, v63;
	v32 =	vpop (erf)  }
0x124: {  	v36 =	vsub.f32 v19, v44;
	v12 =	vmul.f32 v32, v13;
	v13 =	vmul.f32 v33, v11  }
0x125: {  	v24 =	vbroadcast v49, $0x4;
	v21 =	vsub.f32 v21, v22;
	v19 =	vbroadcast v51, $0x5  }
0x126: {  	vm14 =	vgt.f32 v36, $5.000000000e-01;
	vm15 =	vlt.f32 v36, $-5.000000000e-01;
	v13 =	vsub.f32 $1.500000000e+00, v13  }
0x127: {  	v19 =	vsub.f32 v19, v61;
	v22 =	vsel vm14, $0x3F800000, v63;
	v23 =	vsel vm15, $0x3F800000, v63  }
0x128: {  	v21 =	vmul.f32 v21, v45;
	v22 =	vsub.f32 v22, v23;
	v11 =	vmul.f32 v13, v11  }
0x129: {  	vm8 =	vgt.f32 v19, $5.000000000e-01;
	vm9 =	vlt.f32 v19, $-5.000000000e-01;
	v15 =	vmul.f32 v12, v12  }
0x12a: {  	v23 =	vsel vm8, $0x3F800000, v63;
	v52 =	vsel vm9, $0x3F800000, v63;
	v2 =	vmul.f32 v11, v2  }
0x12b: {  	v58 =	vsub.f32 v16, v21;
	v23 =	vsub.f32 v23, v52;
	v35 =	vmul.f32 $2.857142980e-01, v15  }
0x12c: {  	v57 =	vshrl.u32 v14, $0x17;
	v22 =	vmul.f32 v22, v46;
	v2 =	vmul.f32 v2, v11  }
0x12d: {  	v21 =	vmul.f32 v58, v39;
	v29 =	vmul.f32 v23, v47;
	v17 =	vadd.f32 $4.000000060e-01, v35  }
0x12e: {  	[tilespmem:$0x1F920] =	vst v30;
	v30 =	vand.u32 $0xFF, v57;
	v62 =	vsub.f32 v36, v22;
	v2 =	vsub.f32 $1.500000000e+00, v2  }
0x12f: {  	[tilespmem:$0x1F930] =	vst v31;
	v31 =	vmul.f32 v24, v50;
	v22 =	vsub.f32 v19, v29;
	v17 =	vmul.f32 v17, v15  }
0x130: {  	v16 =	vadd.s32 $0xFFFFFF81, v30;
	v23 =	vmul.f32 v2, v11;
	v2 =	vmul.f32 v62, v40  }
0x131: {  	v16 =	vcvt.s32.f32 v16;
	v19 =	vmul.f32 v22, v41  }
0x132: {  	v32 =	vmul.f32 v21, v58;
	v11 =	vadd.f32 $6.666666860e-01, v17;
	v2 =	vmul.f32 v2, v62  }
0x133: {  	v36 =	vmul.f32 v58, v43;
	v34 =	vmul.f32 v19, v22  }
0x134: {  	v19 =	vmul.f32 v58, v42;
	v11 =	vmul.f32 v11, v15;
	v2 =	vadd.f32 v2, v32  }
0x135: {  	v52 =	vmul.f32 $6.931471820e-01, v16;
	v13 =	vadd.f32 v31, v26;
	v33 =	vmul.f32 v23, v0  }
0x136: {  	v35 =	vmul.f32 v62, v19;
	v11 =	vadd.f32 $2.000000000e+00, v11;
	v2 =	vadd.f32 v34, v2  }
0x137: {  	v57 =	vmul.f32 v22, v36;
	v13 =	vmul.f32 v33, v13  }
0x138: {  	[tilespmem:$0x1FAB0] =	vst v58;
	v58 =	vmul.f32 v62, v60;
	v11 =	vmul.f32 v11, v12;
	v2 =	vadd.f32 v2, v35  }
0x139: {  	vm10 =	vlt.f32 v0, v7;
	[tilespmem:$0x1FAC0] =	vst v62;
	v62 =	vadd.f32 v18, v3;
	v13 =	vsub.f32 $1.000000000e+00, v13  }
0x13a: {  	s31 =	sadd.s32 $0xFFFFFFF5, s25;
	v11 =	vadd.f32 v11, v52;
	v0 =	vadd.f32 v2, v57;
	v2 =	vmul.f32 v22, v58  }
0x13b: {  	vm12 =	vne.s32 v59, s31;
	vm11 =	vgt.f32 v13, $0.0e+00  }
0x13c: {  	vm4 =	vmand vm10, vm11;
	v11 =	vmul.f32 v11, v62;
	v0 =	vadd.f32 v0, v2  }
0x13d: {  	vm4 =	vmand vm12, vm4  }
0x13e: {  	[tilespmem:$0x1F990] =	vst v27;
	v2 =	vnsel vm4, $0x3F000000, v13;
	v11 =	vmul.f32 $1.442695020e+00, v11;
	v27 =	vmax.f32 v0, $9.999999960e-13  }
0x13f: {  	v25 =	vand.u32 $0x7FFFFF, v2;
	v28 =	vshra.s32 v27, $0x1;
	v13 =	vmul.f32 $5.000000000e-01, v27  }
0x140: {  	v12 =	vor.u32 $0x3F800000, v25;
	v15 =	vsub.s32 $0x5F3759DF, v28  }
0x141: {  	(erf) = vpow2.f32 v11;
	v11 =	vadd.f32 $1.000000000e+00, v12;
	v29 =	vmul.f32 v15, v13  }
0x142: {  	(erf) = vrcp.f32 v14  }
0x143: {  	(erf) = vrcp.f32 v11;
	v11 =	vmul.f32 v15, v29;
	_ =	sdelay $0x1  }
0x144: {  	v11 =	vsub.f32 $1.500000000e+00, v11;
	_ =	sdelay $0x1  }
0x145: {  	v11 =	vmul.f32 v15, v11;
	_ =	sdelay $0x1  }
0x146: {  	v31 =	vmul.f32 v11, v13;
	_ =	sdelay $0x1  }
0x147: {  	v14 =	vmul.f32 v31, v11;
	_ =	sdelay $0x1  }
0x148: {  	v30 =	vpop (erf);
	v14 =	vsub.f32 $1.500000000e+00, v14  }
0x149: {  	v35 =	vbroadcast v56, $0x6;
	v12 =	vadd.f32 $-1.000000000e+00, v12;
	v32 =	vpop (erf)  }
0x14a: {  	v33 =	vpop (erf);
	v11 =	vmul.f32 v14, v11  }
0x14b: {  	v16 =	vsub.f32 v35, v48;
	v12 =	vmul.f32 v33, v12  }
0x14c: {  	v36 =	vmul.f32 v24, v1;
	v13 =	vmul.f32 v11, v13  }
0x14d: {  	vm13 =	vgt.f32 v16, $5.000000000e-01;
	vm6 =	vlt.f32 v16, $-5.000000000e-01;
	v15 =	vmul.f32 v12, v12  }
0x14e: {  	[tilespmem:$0x1FAE0] =	vst v22;
	v21 =	vsel vm13, $0x3F800000, v63;
	v22 =	vsel vm6, $0x3F800000, v63;
	v13 =	vmul.f32 v13, v11  }
0x14f: {  	v19 =	vbroadcast v53, $0x6;
	v21 =	vsub.f32 v21, v22;
	v34 =	vmul.f32 $2.857142980e-01, v15  }
0x150: {  	s31 =	sadd.s32 $0xFFFFFFF6, s25;
	v57 =	vbroadcast v51, $0x6;
	v18 =	vshrl.u32 v2, $0x17;
	v13 =	vsub.f32 $1.500000000e+00, v13  }
0x151: {  	vm13 =	vne.s32 v59, s31;
	v21 =	vmul.f32 v21, v45;
	v14 =	vadd.f32 $4.000000060e-01, v34  }
0x152: {  	v18 =	vand.u32 $0xFF, v18;
	v52 =	vmul.f32 v13, v11;
	v11 =	vsub.f32 v19, v44  }
0x153: {  	v27 =	vbroadcast v49, $0x5;
	v21 =	vsub.f32 v16, v21;
	v14 =	vmul.f32 v14, v15  }
0x154: {  	v13 =	vsub.f32 v57, v61;
	vm14 =	vgt.f32 v11, $5.000000000e-01;
	vm15 =	vlt.f32 v11, $-5.000000000e-01  }
0x155: {  	[tilespmem:$0x1FA60] =	vst v23;
	v14 =	vadd.f32 $6.666666860e-01, v14;
	v22 =	vsel vm14, $0x3F800000, v63;
	v23 =	vsel vm15, $0x3F800000, v63  }
0x156: {  	vm9 =	vgt.f32 v13, $5.000000000e-01;
	vm10 =	vlt.f32 v13, $-5.000000000e-01;
	v22 =	vsub.f32 v22, v23  }
0x157: {  	v19 =	vmul.f32 v27, v50;
	v58 =	vsel vm10, $0x3F800000, v63;
	v23 =	vsel vm9, $0x3F800000, v63  }
0x158: {  	v29 =	vadd.s32 $0xFFFFFF81, v18;
	v62 =	vmul.f32 v22, v46;
	v22 =	vsub.f32 v23, v58  }
0x159: {  	v18 =	vmul.f32 v21, v39;
	v14 =	vmul.f32 v14, v15;
	v19 =	vadd.f32 v19, v26  }
0x15a: {  	v23 =	vmul.f32 v52, v0;
	v28 =	vsub.f32 v11, v62;
	v11 =	vmul.f32 v22, v47  }
0x15b: {  	v31 =	vcvt.s32.f32 v29;
	v33 =	vmul.f32 v18, v21;
	v14 =	vadd.f32 $2.000000000e+00, v14  }
0x15c: {  	[tilespmem:$0x1F9A0] =	vst v30;
	v30 =	vmul.f32 v23, v19;
	v19 =	vsub.f32 v13, v11;
	v11 =	vmul.f32 v28, v40  }
0x15d: {  	vm11 =	vlt.f32 v0, v7;
	v12 =	vmul.f32 v14, v12;
	v13 =	vmul.f32 $6.931471820e-01, v31  }
0x15e: {  	[tilespmem:$0x1F9B0] =	vst v32;
	v32 =	vsub.f32 $1.000000000e+00, v30;
	v11 =	vmul.f32 v11, v28;
	v35 =	vmul.f32 v19, v41  }
0x15f: {  	v34 =	vadd.f32 v36, v3;
	v36 =	vmul.f32 v21, v42;
	v12 =	vadd.f32 v12, v13  }
0x160: {  	vm12 =	vgt.f32 v32, $0.0e+00;
	v0 =	vadd.f32 v11, v33;
	v11 =	vmul.f32 v35, v19  }
0x161: {  	[tilespmem:$0x1FA70] =	vst v52;
	v52 =	vmul.f32 v21, v43;
	vm5 =	vmand vm11, vm12;
	v12 =	vmul.f32 v12, v34  }
0x162: {  	vm5 =	vmand vm13, vm5;
	v0 =	vadd.f32 v11, v0;
	v11 =	vmul.f32 v28, v36  }
0x163: {  	v57 =	vmul.f32 v28, v60;
	v14 =	vnsel vm5, $0x3F000000, v32;
	v12 =	vmul.f32 $1.442695020e+00, v12  }
0x164: {  	v58 =	vand.u32 $0x7FFFFF, v14;
	v0 =	vadd.f32 v0, v11;
	v11 =	vmul.f32 v19, v52  }
0x165: {  	v62 =	vor.u32 $0x3F800000, v58;
	(erf) = vpow2.f32 v12  }
0x166: {  	v16 =	vadd.f32 $1.000000000e+00, v62;
	v0 =	vadd.f32 v0, v11;
	v11 =	vmul.f32 v19, v57  }
0x167: {  	(erf) = vrcp.f32 v2  }
0x168: {  	(erf) = vrcp.f32 v16;
	v0 =	vadd.f32 v0, v11;
	_ =	sdelay $0x1  }
0x169: {  	v2 =	vmax.f32 v0, $9.999999960e-13  }
0x16a: {  	v11 =	vshra.s32 v2, $0x1;
	v2 =	vmul.f32 $5.000000000e-01, v2  }
0x16b: {  	v11 =	vsub.s32 $0x5F3759DF, v11  }
0x16c: {  	v17 =	vmul.f32 v11, v2;
	_ =	sdelay $0x1  }
0x16d: {  	[tilespmem:$0x1F9F0] =	vst v24;
	v24 =	vpop (erf);
	v12 =	vmul.f32 v11, v17  }
0x16e: {  	v13 =	vadd.f32 $-1.000000000e+00, v62;
	v25 =	vpop (erf)  }
0x16f: {  	[tilespmem:$0x1FC40] =	vst v28;
	v28 =	vpop (erf);
	v12 =	vsub.f32 $1.500000000e+00, v12  }
0x170: {  	v29 =	vmul.f32 v28, v13  }
0x171: {  	v11 =	vmul.f32 v11, v12  }
0x172: {  	v15 =	vmul.f32 v29, v29  }
0x173: {  	v30 =	vmul.f32 v11, v2  }
0x174: {  	v31 =	vmul.f32 $2.857142980e-01, v15  }
0x175: {  	v13 =	vmul.f32 v30, v11  }
0x176: {  	v16 =	vadd.f32 $4.000000060e-01, v31  }
0x177: {  	v13 =	vsub.f32 $1.500000000e+00, v13  }
0x178: {  	v32 =	vmul.f32 v16, v15  }
0x179: {  	v11 =	vmul.f32 v13, v11  }
0x17a: {  	v13 =	vadd.f32 $6.666666860e-01, v32  }
0x17b: {  	v2 =	vmul.f32 v11, v2  }
0x17c: {  	v13 =	vmul.f32 v13, v15  }
0x17d: {  	v2 =	vmul.f32 v2, v11  }
0x17e: {  	v22 =	vbroadcast v49, $0x6;
	v58 =	vbroadcast v51, $0x7;
	v13 =	vadd.f32 $2.000000000e+00, v13  }
0x17f: {  	v33 =	vbroadcast v56, $0x7;
	v52 =	vbroadcast v53, $0x7;
	v2 =	vsub.f32 $1.500000000e+00, v2  }
0x180: {  	v34 =	vshrl.u32 v14, $0x17;
	v17 =	vsub.f32 v58, v61;
	v12 =	vmul.f32 v13, v29  }
0x181: {  	v13 =	vsub.f32 v52, v44;
	v35 =	vmul.f32 v2, v11;
	v11 =	vsub.f32 v33, v48  }
0x182: {  	v36 =	vand.u32 $0xFF, v34;
	vm10 =	vgt.f32 v17, $5.000000000e-01;
	vm11 =	vlt.f32 v17, $-5.000000000e-01  }
0x183: {  	vm15 =	vgt.f32 v13, $5.000000000e-01;
	vm14 =	vgt.f32 v11, $5.000000000e-01;
	vm7 =	vlt.f32 v11, $-5.000000000e-01  }
0x184: {  	vm9 =	vlt.f32 v13, $-5.000000000e-01;
	v62 =	vsel vm14, $0x3F800000, v63;
	v18 =	vsel vm7, $0x3F800000, v63  }
0x185: {  	[tilespmem:$0x1FC50] =	vst v19;
	v19 =	vsel vm9, $0x3F800000, v63;
	v16 =	vsub.f32 v62, v18;
	v18 =	vsel vm15, $0x3F800000, v63  }
0x186: {  	[tilespmem:$0x1FC30] =	vst v21;
	v21 =	vsel vm11, $0x3F800000, v63;
	v2 =	vmul.f32 v22, v50;
	v18 =	vsub.f32 v18, v19  }
0x187: {  	v57 =	vmul.f32 v35, v0;
	v19 =	vsel vm10, $0x3F800000, v63;
	v16 =	vmul.f32 v16, v45  }
0x188: {  	v2 =	vadd.f32 v2, v26;
	v19 =	vsub.f32 v19, v21;
	v18 =	vmul.f32 v18, v46  }
0x189: {  	v15 =	vadd.s32 $0xFFFFFF81, v36;
	v21 =	vsub.f32 v11, v16  }
0x18a: {  	[tilespmem:$0x1FA20] =	vst v24;
	v2 =	vmul.f32 v57, v2;
	v24 =	vmul.f32 v19, v47;
	v18 =	vsub.f32 v13, v18  }
0x18b: {  	vm12 =	vlt.f32 v0, v7;
	v15 =	vcvt.s32.f32 v15;
	v0 =	vmul.f32 v21, v39  }
0x18c: {  	[tilespmem:$0x1FA30] =	vst v25;
	v2 =	vsub.f32 $1.000000000e+00, v2;
	v17 =	vsub.f32 v17, v24;
	v25 =	vmul.f32 v18, v40  }
0x18d: {  	v11 =	vmul.f32 v27, v1;
	v0 =	vmul.f32 v0, v21  }
0x18e: {  	s31 =	sadd.s32 $0xFFFFFFF7, s25;
	[tilespmem:$0x1FA10] =	vst v27;
	vm13 =	vgt.f32 v2, $0.0e+00;
	v27 =	vmul.f32 v17, v41;
	v13 =	vmul.f32 v25, v18  }
0x18f: {  	v15 =	vmul.f32 $6.931471820e-01, v15;
	vm14 =	vne.s32 v59, s31;
	vm6 =	vmand vm12, vm13  }
0x190: {  	v29 =	vmul.f32 v21, v42;
	v28 =	vmul.f32 v27, v17;
	v0 =	vadd.f32 v13, v0  }
0x191: {  	v12 =	vadd.f32 v12, v15;
	vm6 =	vmand vm14, vm6;
	v11 =	vadd.f32 v11, v3  }
0x192: {  	v32 =	vmul.f32 v21, v43;
	v31 =	vmul.f32 v18, v29;
	v0 =	vadd.f32 v28, v0  }
0x193: {  	v2 =	vnsel vm6, $0x3F000000, v2;
	v34 =	vmul.f32 v18, v60  }
0x194: {  	v11 =	vmul.f32 v12, v11;
	v33 =	vmul.f32 v17, v32;
	v0 =	vadd.f32 v0, v31  }
0x195: {  	v30 =	vand.u32 $0x7FFFFF, v2  }
0x196: {  	[tilespmem:$0x1FB10] =	vst v35;
	v35 =	vmul.f32 v17, v34;
	v11 =	vmul.f32 $1.442695020e+00, v11;
	v0 =	vadd.f32 v0, v33  }
0x197: {  	v12 =	vor.u32 $0x3F800000, v30  }
0x198: {  	(erf) = vpow2.f32 v11;
	v11 =	vadd.f32 $1.000000000e+00, v12;
	v0 =	vadd.f32 v0, v35  }
0x199: {  	(erf) = vrcp.f32 v14  }
0x19a: {  	(erf) = vrcp.f32 v11;
	v11 =	vmax.f32 v0, $9.999999960e-13  }
0x19b: {  	v36 =	vshra.s32 v11, $0x1;
	v11 =	vmul.f32 $5.000000000e-01, v11  }
0x19c: {  	v13 =	vsub.s32 $0x5F3759DF, v36  }
0x19d: {  	v52 =	vmul.f32 v13, v11;
	_ =	sdelay $0x1  }
0x19e: {  	v14 =	vmul.f32 v13, v52;
	_ =	sdelay $0x1  }
0x19f: {  	v14 =	vsub.f32 $1.500000000e+00, v14;
	_ =	sdelay $0x1  }
0x1a0: {  	v13 =	vmul.f32 v13, v14;
	_ =	sdelay $0x1  }
0x1a1: {  	v27 =	vmul.f32 v13, v11;
	_ =	sdelay $0x1  }
0x1a2: {  	v57 =	vpop (erf);
	v16 =	vmul.f32 v27, v13  }
0x1a3: {  	v12 =	vadd.f32 $-1.000000000e+00, v12;
	v58 =	vpop (erf)  }
0x1a4: {  	v62 =	vpop (erf);
	v16 =	vsub.f32 $1.500000000e+00, v16  }
0x1a5: {  	v28 =	vbroadcast v56, $0x8;
	v12 =	vmul.f32 v62, v12  }
0x1a6: {  	v13 =	vmul.f32 v16, v13  }
0x1a7: {  	v29 =	vsub.f32 v28, v48;
	v24 =	vmul.f32 v12, v12  }
0x1a8: {  	v11 =	vmul.f32 v13, v11  }
0x1a9: {  	vm15 =	vgt.f32 v29, $5.000000000e-01;
	vm8 =	vlt.f32 v29, $-5.000000000e-01;
	v25 =	vmul.f32 $2.857142980e-01, v24  }
0x1aa: {  	[tilespmem:$0x1FC70] =	vst v18;
	v31 =	vsel vm15, $0x3F800000, v63;
	v18 =	vsel vm8, $0x3F800000, v63;
	v11 =	vmul.f32 v11, v13  }
0x1ab: {  	v32 =	vsub.f32 v31, v18;
	v15 =	vadd.f32 $4.000000060e-01, v25  }
0x1ac: {  	v23 =	vbroadcast v49, $0x7;
	v30 =	vbroadcast v53, $0x8;
	v11 =	vsub.f32 $1.500000000e+00, v11  }
0x1ad: {  	v33 =	vmul.f32 v32, v45;
	v15 =	vmul.f32 v15, v24  }
0x1ae: {  	[tilespmem:$0x1FC60] =	vst v21;
	v16 =	vsub.f32 v30, v44;
	v21 =	vmul.f32 v11, v13;
	v11 =	vbroadcast v51, $0x8  }
0x1af: {  	[tilespmem:$0x1FA40] =	vst v57;
	v57 =	vmul.f32 v23, v50;
	v19 =	vsub.f32 v29, v33;
	v15 =	vadd.f32 $6.666666860e-01, v15  }
0x1b0: {  	vm12 =	vgt.f32 v16, $5.000000000e-01;
	vm13 =	vlt.f32 v16, $-5.000000000e-01;
	v11 =	vsub.f32 v11, v61  }
0x1b1: {  	v14 =	vmul.f32 v15, v24;
	v34 =	vsel vm12, $0x3F800000, v63;
	v35 =	vsel vm13, $0x3F800000, v63  }
0x1b2: {  	v36 =	vsub.f32 v34, v35;
	vm14 =	vgt.f32 v11, $5.000000000e-01;
	vm15 =	vlt.f32 v11, $-5.000000000e-01  }
0x1b3: {  	[tilespmem:$0x1FA50] =	vst v58;
	v14 =	vadd.f32 $2.000000000e+00, v14;
	v58 =	vsel vm14, $0x3F800000, v63;
	v18 =	vsel vm15, $0x3F800000, v63  }
0x1b4: {  	[tilespmem:$0x1FC80] =	vst v17;
	v52 =	vshrl.u32 v2, $0x17;
	v13 =	vmul.f32 v36, v46;
	v17 =	vsub.f32 v58, v18  }
0x1b5: {  	v15 =	vadd.f32 v57, v26;
	v12 =	vmul.f32 v14, v12;
	v14 =	vand.u32 $0xFF, v52  }
0x1b6: {  	[tilespmem:$0x1FB80] =	vst v21;
	v18 =	vmul.f32 v21, v0;
	v21 =	vsub.f32 v16, v13;
	v24 =	vmul.f32 v17, v47  }
0x1b7: {  	v29 =	vmul.f32 v22, v1;
	v25 =	vmul.f32 v19, v39;
	v14 =	vadd.s32 $0xFFFFFF81, v14  }
0x1b8: {  	v15 =	vmul.f32 v18, v15;
	v27 =	vmul.f32 v21, v40;
	v18 =	vsub.f32 v11, v24  }
0x1b9: {  	v28 =	vmul.f32 v25, v19;
	v62 =	vcvt.s32.f32 v14  }
0x1ba: {  	v31 =	vadd.f32 v29, v3;
	v13 =	vmul.f32 v27, v21;
	v30 =	vmul.f32 v18, v41  }
0x1bb: {  	vm12 =	vlt.f32 v0, v7;
	v34 =	vmul.f32 v19, v42;
	v11 =	vmul.f32 $6.931471820e-01, v62  }
0x1bc: {  	s31 =	sadd.s32 $0xFFFFFFF8, s25;
	v32 =	vsub.f32 $1.000000000e+00, v15;
	v13 =	vadd.f32 v13, v28;
	v33 =	vmul.f32 v30, v18  }
0x1bd: {  	v35 =	vmul.f32 v19, v43;
	vm14 =	vne.s32 v59, s31;
	v11 =	vadd.f32 v12, v11  }
0x1be: {  	vm13 =	vgt.f32 v32, $0.0e+00;
	v12 =	vmul.f32 v21, v34;
	v0 =	vadd.f32 v33, v13  }
0x1bf: {  	v36 =	vmul.f32 v21, v60;
	vm7 =	vmand vm12, vm13;
	v11 =	vmul.f32 v11, v31  }
0x1c0: {  	vm7 =	vmand vm14, vm7;
	v13 =	vmul.f32 v18, v35;
	v0 =	vadd.f32 v0, v12  }
0x1c1: {  	v11 =	vmul.f32 $1.442695020e+00, v11;
	v12 =	vnsel vm7, $0x3F000000, v32  }
0x1c2: {  	v52 =	vmul.f32 v18, v36;
	v14 =	vand.u32 $0x7FFFFF, v12;
	v0 =	vadd.f32 v0, v13  }
0x1c3: {  	(erf) = vpow2.f32 v11;
	v11 =	vor.u32 $0x3F800000, v14  }
0x1c4: {  	v14 =	vadd.f32 $1.000000000e+00, v11;
	v0 =	vadd.f32 v0, v52  }
0x1c5: {  	(erf) = vrcp.f32 v2  }
0x1c6: {  	(erf) = vrcp.f32 v14;
	v2 =	vmax.f32 v0, $9.999999960e-13  }
0x1c7: {  	v57 =	vshra.s32 v2, $0x1;
	v2 =	vmul.f32 $5.000000000e-01, v2  }
0x1c8: {  	v13 =	vsub.s32 $0x5F3759DF, v57  }
0x1c9: {  	v58 =	vmul.f32 v13, v2;
	_ =	sdelay $0x1  }
0x1ca: {  	v14 =	vmul.f32 v13, v58;
	_ =	sdelay $0x1  }
0x1cb: {  	v62 =	vpop (erf);
	v14 =	vsub.f32 $1.500000000e+00, v14  }
0x1cc: {  	v11 =	vadd.f32 $-1.000000000e+00, v11;
	v24 =	vpop (erf)  }
0x1cd: {  	v25 =	vpop (erf);
	v13 =	vmul.f32 v13, v14  }
0x1ce: {  	v11 =	vmul.f32 v25, v11  }
0x1cf: {  	v28 =	vmul.f32 v13, v2  }
0x1d0: {  	v27 =	vmul.f32 v11, v11  }
0x1d1: {  	v15 =	vmul.f32 v28, v13  }
0x1d2: {  	v29 =	vmul.f32 $2.857142980e-01, v27  }
0x1d3: {  	v15 =	vsub.f32 $1.500000000e+00, v15  }
0x1d4: {  	v31 =	vbroadcast v56, $0x9;
	v16 =	vadd.f32 $4.000000060e-01, v29  }
0x1d5: {  	v13 =	vmul.f32 v15, v13  }
0x1d6: {  	v33 =	vbroadcast v53, $0x9;
	v32 =	vsub.f32 v31, v48;
	v16 =	vmul.f32 v16, v27  }
0x1d7: {  	v35 =	vbroadcast v51, $0x9;
	v2 =	vmul.f32 v13, v2  }
0x1d8: {  	vm15 =	vgt.f32 v32, $5.000000000e-01;
	vm9 =	vlt.f32 v32, $-5.000000000e-01;
	v30 =	vadd.f32 $6.666666860e-01, v16  }
0x1d9: {  	v34 =	vsel vm15, $0x3F800000, v63;
	[tilespmem:$0x1FB00] =	vst v24;
	v24 =	vbroadcast v49, $0x8;
	v2 =	vmul.f32 v2, v13  }
0x1da: {  	[tilespmem:$0x1FCB0] =	vst v18;
	v18 =	vsel vm9, $0x3F800000, v63;
	v16 =	vsub.f32 v33, v44;
	v14 =	vmul.f32 v30, v27  }
0x1db: {  	v57 =	vshrl.u32 v12, $0x17;
	v58 =	vmul.f32 v24, v50;
	v2 =	vsub.f32 $1.500000000e+00, v2  }
0x1dc: {  	vm12 =	vgt.f32 v16, $5.000000000e-01;
	vm13 =	vlt.f32 v16, $-5.000000000e-01;
	v14 =	vadd.f32 $2.000000000e+00, v14  }
0x1dd: {  	[tilespmem:$0x1FAD0] =	vst v22;
	v36 =	vsel vm12, $0x3F800000, v63;
	v22 =	vmul.f32 v2, v13;
	v13 =	vsub.f32 v35, v61  }
0x1de: {  	v52 =	vsel vm13, $0x3F800000, v63;
	v11 =	vmul.f32 v14, v11;
	v2 =	vsub.f32 v34, v18  }
0x1df: {  	v14 =	vsub.f32 v36, v52;
	vm14 =	vgt.f32 v13, $5.000000000e-01;
	vm15 =	vlt.f32 v13, $-5.000000000e-01  }
0x1e0: {  	[tilespmem:$0x1FAF0] =	vst v62;
	v2 =	vmul.f32 v2, v45;
	v62 =	vsel vm14, $0x3F800000, v63;
	v18 =	vsel vm15, $0x3F800000, v63  }
0x1e1: {  	v15 =	vadd.f32 v58, v26;
	v14 =	vmul.f32 v14, v46;
	v25 =	vsub.f32 v62, v18  }
0x1e2: {  	[tilespmem:$0x1FC90] =	vst v19;
	v27 =	vmul.f32 v22, v0;
	v19 =	vsub.f32 v32, v2;
	v2 =	vand.u32 $0xFF, v57  }
0x1e3: {  	[tilespmem:$0x1FCA0] =	vst v21;
	v21 =	vsub.f32 v16, v14;
	v2 =	vadd.s32 $0xFFFFFF81, v2;
	v14 =	vmul.f32 v25, v47  }
0x1e4: {  	v2 =	vcvt.s32.f32 v2;
	v28 =	vmul.f32 v19, v39  }
0x1e5: {  	v15 =	vmul.f32 v27, v15;
	v29 =	vmul.f32 v21, v40;
	v18 =	vsub.f32 v13, v14  }
0x1e6: {  	v2 =	vmul.f32 $6.931471820e-01, v2;
	v30 =	vmul.f32 v28, v19  }
0x1e7: {  	vm12 =	vlt.f32 v0, v7;
	v31 =	vmul.f32 v29, v21;
	v33 =	vmul.f32 v18, v41  }
0x1e8: {  	v32 =	vmul.f32 v23, v1;
	v36 =	vmul.f32 v19, v42;
	v2 =	vadd.f32 v11, v2  }
0x1e9: {  	s31 =	sadd.s32 $0xFFFFFFF9, s25;
	v11 =	vsub.f32 $1.000000000e+00, v15;
	v0 =	vadd.f32 v31, v30;
	v35 =	vmul.f32 v33, v18  }
0x1ea: {  	vm14 =	vne.s32 v59, s31;
	v34 =	vadd.f32 v32, v3;
	v57 =	vmul.f32 v19, v43  }
0x1eb: {  	v52 =	vmul.f32 v21, v36;
	vm13 =	vgt.f32 v11, $0.0e+00;
	v0 =	vadd.f32 v35, v0  }
0x1ec: {  	v62 =	vmul.f32 v21, v60;
	v14 =	vmul.f32 v18, v57;
	vm8 =	vmand vm12, vm13  }
0x1ed: {  	v2 =	vmul.f32 v2, v34;
	vm8 =	vmand vm14, vm8;
	v0 =	vadd.f32 v0, v52  }
0x1ee: {  	v25 =	vmul.f32 v18, v62;
	v11 =	vnsel vm8, $0x3F000000, v11  }
0x1ef: {  	v2 =	vmul.f32 $1.442695020e+00, v2;
	v58 =	vand.u32 $0x7FFFFF, v11;
	v0 =	vadd.f32 v0, v14  }
0x1f0: {  	v13 =	vor.u32 $0x3F800000, v58  }
0x1f1: {  	(erf) = vpow2.f32 v2;
	v2 =	vadd.f32 $1.000000000e+00, v13;
	v0 =	vadd.f32 v0, v25  }
0x1f2: {  	(erf) = vrcp.f32 v12  }
0x1f3: {  	(erf) = vrcp.f32 v2;
	v2 =	vmax.f32 v0, $9.999999960e-13  }
0x1f4: {  	v27 =	vshra.s32 v2, $0x1;
	v2 =	vmul.f32 $5.000000000e-01, v2  }
0x1f5: {  	v12 =	vsub.s32 $0x5F3759DF, v27  }
0x1f6: {  	v28 =	vmul.f32 v12, v2;
	_ =	sdelay $0x1  }
0x1f7: {  	v14 =	vmul.f32 v12, v28;
	_ =	sdelay $0x1  }
0x1f8: {  	v14 =	vsub.f32 $1.500000000e+00, v14;
	_ =	sdelay $0x1  }
0x1f9: {  	[tilespmem:$0x1FB20] =	vst v23;
	v23 =	vmov v1;
	v1 =	vpop (erf);
	v12 =	vmul.f32 v12, v14  }
0x1fa: {  	v13 =	vadd.f32 $-1.000000000e+00, v13;
	[tilespmem:$0x1FB30] =	vst v1;
	v1 =	vpop (erf)  }
0x1fb: {  	v29 =	vpop (erf);
	v32 =	vmul.f32 v12, v2  }
0x1fc: {  	v13 =	vmul.f32 v29, v13  }
0x1fd: {  	v16 =	vmul.f32 v32, v12  }
0x1fe: {  	v30 =	vmul.f32 v13, v13  }
0x1ff: {  	v33 =	vbroadcast v56, $0xA;
	v16 =	vsub.f32 $1.500000000e+00, v16  }
0x200: {  	v31 =	vmul.f32 $2.857142980e-01, v30  }
0x201: {  	v34 =	vsub.f32 v33, v48;
	v12 =	vmul.f32 v16, v12  }
0x202: {  	v15 =	vadd.f32 $4.000000060e-01, v31  }
0x203: {  	vm15 =	vgt.f32 v34, $5.000000000e-01;
	vm10 =	vlt.f32 v34, $-5.000000000e-01;
	v2 =	vmul.f32 v12, v2  }
0x204: {  	[tilespmem:$0x1FCE0] =	vst v18;
	v36 =	vsel vm15, $0x3F800000, v63;
	v18 =	vsel vm10, $0x3F800000, v63;
	v15 =	vmul.f32 v15, v30  }
0x205: {  	v52 =	vsub.f32 v36, v18;
	v2 =	vmul.f32 v2, v12  }
0x206: {  	[tilespmem:$0x1FCC0] =	vst v19;
	v19 =	vbroadcast v49, $0x9;
	v35 =	vbroadcast v53, $0xA;
	v15 =	vadd.f32 $6.666666860e-01, v15  }
0x207: {  	v57 =	vmul.f32 v52, v45;
	v2 =	vsub.f32 $1.500000000e+00, v2  }
0x208: {  	v28 =	vmul.f32 v19, v50;
	v16 =	vsub.f32 v35, v44;
	v14 =	vmul.f32 v15, v30  }
0x209: {  	v27 =	vshrl.u32 v11, $0x17;
	v18 =	vmul.f32 v2, v12;
	v2 =	vbroadcast v51, $0xA  }
0x20a: {  	vm12 =	vgt.f32 v16, $5.000000000e-01;
	vm13 =	vlt.f32 v16, $-5.000000000e-01;
	v14 =	vadd.f32 $2.000000000e+00, v14  }
0x20b: {  	v58 =	vsel vm12, $0x3F800000, v63;
	v62 =	vsel vm13, $0x3F800000, v63;
	v2 =	vsub.f32 v2, v61  }
0x20c: {  	v15 =	vadd.f32 v28, v26;
	v25 =	vsub.f32 v58, v62;
	v13 =	vmul.f32 v14, v13  }
0x20d: {  	v14 =	vand.u32 $0xFF, v27;
	vm14 =	vgt.f32 v2, $5.000000000e-01;
	vm15 =	vlt.f32 v2, $-5.000000000e-01  }
0x20e: {  	[tilespmem:$0x1FCD0] =	vst v21;
	v12 =	vmul.f32 v25, v46;
	v29 =	vsel vm14, $0x3F800000, v63;
	v21 =	vsel vm15, $0x3F800000, v63  }
0x20f: {  	v14 =	vadd.s32 $0xFFFFFF81, v14;
	v30 =	vmul.f32 v18, v0;
	v21 =	vsub.f32 v29, v21  }
0x210: {  	[tilespmem:$0x1FB40] =	vst v1;
	v1 =	vsub.f32 v34, v57;
	v31 =	vcvt.s32.f32 v14;
	v16 =	vsub.f32 v16, v12  }
0x211: {  	v15 =	vmul.f32 v30, v15;
	v32 =	vmul.f32 v21, v47  }
0x212: {  	v34 =	vmul.f32 v16, v40;
	v21 =	vmul.f32 v1, v39  }
0x213: {  	v57 =	vsub.f32 $1.000000000e+00, v15;
	v33 =	vsub.f32 v2, v32;
	v2 =	vmul.f32 $6.931471820e-01, v31  }
0x214: {  	v35 =	vmul.f32 v21, v1;
	v21 =	vmul.f32 v24, v23  }
0x215: {  	vm12 =	vlt.f32 v0, v7;
	v12 =	vmul.f32 v34, v16;
	vm13 =	vgt.f32 v57, $0.0e+00  }
0x216: {  	s31 =	sadd.s32 $0xFFFFFFFA, s25;
	v36 =	vmul.f32 v33, v41;
	v2 =	vadd.f32 v13, v2;
	v52 =	vadd.f32 v21, v3  }
0x217: {  	v62 =	vmul.f32 v1, v42;
	vm14 =	vne.s32 v59, s31;
	vm9 =	vmand vm12, vm13  }
0x218: {  	v12 =	vadd.f32 v12, v35;
	v58 =	vmul.f32 v36, v33;
	v2 =	vmul.f32 v2, v52  }
0x219: {  	[tilespmem:$0x1FB50] =	vst v24;
	v25 =	vmul.f32 v1, v43;
	v24 =	vmul.f32 v16, v62;
	vm9 =	vmand vm14, vm9  }
0x21a: {  	v15 =	vnsel vm9, $0x3F000000, v57;
	v0 =	vadd.f32 v58, v12;
	v2 =	vmul.f32 $1.442695020e+00, v2  }
0x21b: {  	v29 =	vmul.f32 v16, v60;
	v27 =	vmul.f32 v33, v25;
	v28 =	vand.u32 $0x7FFFFF, v15  }
0x21c: {  	v0 =	vadd.f32 v0, v24;
	(erf) = vpow2.f32 v2;
	v2 =	vor.u32 $0x3F800000, v28  }
0x21d: {  	v13 =	vadd.f32 $1.000000000e+00, v2  }
0x21e: {  	v30 =	vmul.f32 v33, v29;
	(erf) = vrcp.f32 v11;
	v0 =	vadd.f32 v0, v27  }
0x21f: {  	(erf) = vrcp.f32 v13  }
0x220: {  	v0 =	vadd.f32 v0, v30;
	_ =	sdelay $0x1  }
0x221: {  	v11 =	vmax.f32 v0, $9.999999960e-13  }
0x222: {  	v31 =	vshra.s32 v11, $0x1;
	v11 =	vmul.f32 $5.000000000e-01, v11  }
0x223: {  	v12 =	vsub.s32 $0x5F3759DF, v31  }
0x224: {  	v32 =	vmul.f32 v12, v11  }
0x225: {  	[tilespmem:$0x1FCF0] =	vst v1;
	v1 =	vpop (erf)  }
0x226: {  	v2 =	vadd.f32 $-1.000000000e+00, v2;
	[tilespmem:$0x1FB60] =	vst v1;
	v1 =	vpop (erf);
	v13 =	vmul.f32 v12, v32  }
0x227: {  	[tilespmem:$0x1FD10] =	vst v33;
	v33 =	vpop (erf)  }
0x228: {  	v13 =	vsub.f32 $1.500000000e+00, v13;
	v2 =	vmul.f32 v33, v2;
	_ =	sdelay $0x1  }
0x229: {  	v12 =	vmul.f32 v12, v13;
	v34 =	vmul.f32 v2, v2;
	_ =	sdelay $0x1  }
0x22a: {  	v35 =	vmul.f32 v12, v11;
	v21 =	vmul.f32 $2.857142980e-01, v34;
	_ =	sdelay $0x1  }
0x22b: {  	v14 =	vmul.f32 v35, v12;
	v21 =	vadd.f32 $4.000000060e-01, v21;
	_ =	sdelay $0x1  }
0x22c: {  	v14 =	vsub.f32 $1.500000000e+00, v14;
	v21 =	vmul.f32 v21, v34;
	_ =	sdelay $0x1  }
0x22d: {  	v12 =	vmul.f32 v14, v12;
	v36 =	vadd.f32 $6.666666860e-01, v21;
	v21 =	vbroadcast v56, $0xB;
	_ =	sdelay $0x1  }
0x22e: {  	v11 =	vmul.f32 v12, v11;
	v52 =	vsub.f32 v21, v48;
	v21 =	vbroadcast v53, $0xB  }
0x22f: {  	v31 =	vbroadcast v51, $0xB  }
0x230: {  	v13 =	vmul.f32 v36, v34;
	v11 =	vmul.f32 v11, v12;
	v21 =	vsub.f32 v21, v44  }
0x231: {  	v34 =	vsub.f32 v31, v61;
	vm15 =	vgt.f32 v52, $5.000000000e-01;
	vm11 =	vlt.f32 v52, $-5.000000000e-01  }
0x232: {  	v57 =	vsel vm15, $0x3F800000, v63;
	v11 =	vsub.f32 $1.500000000e+00, v11;
	vm12 =	vgt.f32 v21, $5.000000000e-01  }
0x233: {  	v58 =	vsel vm11, $0x3F800000, v63;
	vm13 =	vlt.f32 v21, $-5.000000000e-01;
	v32 =	vsel vm12, $0x3F800000, v63  }
0x234: {  	v33 =	vsel vm13, $0x3F800000, v63;
	v62 =	vmul.f32 v11, v12;
	v11 =	vsub.f32 v57, v58  }
0x235: {  	v17 =	vmul.f32 v19, v23;
	v35 =	vshrl.u32 v15, $0x17;
	v25 =	vsub.f32 v32, v33  }
0x236: {  	v14 =	vbroadcast v49, $0xA;
	vm14 =	vgt.f32 v34, $5.000000000e-01;
	v11 =	vmul.f32 v11, v45  }
0x237: {  	vm15 =	vlt.f32 v34, $-5.000000000e-01;
	v29 =	vsel vm14, $0x3F800000, v63;
	v36 =	vmul.f32 v25, v46  }
0x238: {  	[tilespmem:$0x1FB70] =	vst v1;
	v30 =	vsel vm15, $0x3F800000, v63;
	v1 =	vsub.f32 v52, v11;
	v11 =	vand.u32 $0xFF, v35  }
0x239: {  	v52 =	vmul.f32 v14, v50;
	v12 =	vsub.f32 v21, v36;
	v21 =	vsub.f32 v29, v30  }
0x23a: {  	v13 =	vadd.f32 $2.000000000e+00, v13;
	v58 =	vmul.f32 v62, v0;
	v11 =	vadd.s32 $0xFFFFFF81, v11  }
0x23b: {  	v57 =	vcvt.s32.f32 v11;
	v11 =	vadd.f32 v52, v26;
	v21 =	vmul.f32 v21, v47  }
0x23c: {  	v2 =	vmul.f32 v13, v2;
	[tilespmem:$0x1FC00] =	vst v62;
	v62 =	vmul.f32 v1, v39  }
0x23d: {  	v31 =	vmul.f32 v12, v40;
	v25 =	vmul.f32 v58, v11;
	v11 =	vsub.f32 v34, v21  }
0x23e: {  	v21 =	vmul.f32 $6.931471820e-01, v57;
	v13 =	vmul.f32 v62, v1  }
0x23f: {  	[tilespmem:$0x1FD00] =	vst v16;
	v16 =	vmul.f32 v31, v12;
	v33 =	vmul.f32 v11, v41  }
0x240: {  	vm12 =	vlt.f32 v0, v7;
	v35 =	vmul.f32 v1, v42;
	v2 =	vadd.f32 v2, v21  }
0x241: {  	s31 =	sadd.s32 $0xFFFFFFFB, s25;
	v21 =	vsub.f32 $1.000000000e+00, v25;
	v0 =	vadd.f32 v16, v13;
	v25 =	vmul.f32 v33, v11  }
0x242: {  	vm14 =	vne.s32 v59, s31;
	v34 =	vadd.f32 v17, v3  }
0x243: {  	v52 =	vmul.f32 v1, v43;
	v36 =	vmul.f32 v12, v35;
	v0 =	vadd.f32 v25, v0  }
0x244: {  	v58 =	vmul.f32 v12, v60;
	vm13 =	vgt.f32 v21, $0.0e+00;
	v2 =	vmul.f32 v2, v34  }
0x245: {  	v27 =	vmul.f32 v11, v52;
	vm10 =	vmand vm12, vm13;
	v0 =	vadd.f32 v0, v36  }
0x246: {  	vm10 =	vmand vm14, vm10;
	v2 =	vmul.f32 $1.442695020e+00, v2  }
0x247: {  	v62 =	vmul.f32 v11, v58;
	v21 =	vnsel vm10, $0x3F000000, v21;
	v0 =	vadd.f32 v0, v27  }
0x248: {  	v57 =	vand.u32 $0x7FFFFF, v21;
	(erf) = vpow2.f32 v2  }
0x249: {  	v25 =	vor.u32 $0x3F800000, v57;
	(erf) = vrcp.f32 v15;
	v15 =	vadd.f32 v0, v62  }
0x24a: {  	v2 =	vadd.f32 $1.000000000e+00, v25  }
0x24b: {  	v0 =	vmax.f32 v15, $9.999999960e-13  }
0x24c: {  	(erf) = vrcp.f32 v2;
	v2 =	vshra.s32 v0, $0x1;
	v0 =	vmul.f32 $5.000000000e-01, v0  }
0x24d: {  	v2 =	vsub.s32 $0x5F3759DF, v2  }
0x24e: {  	v13 =	vmul.f32 v2, v0;
	_ =	sdelay $0x1  }
0x24f: {  	v27 =	vmul.f32 v2, v13;
	_ =	sdelay $0x1  }
0x250: {  	v27 =	vsub.f32 $1.500000000e+00, v27;
	_ =	sdelay $0x1  }
0x251: {  	v2 =	vmul.f32 v2, v27;
	_ =	sdelay $0x1  }
0x252: {  	[tilespmem:$0x1FD30] =	vst v1;
	v1 =	vpop (erf);
	v34 =	vmul.f32 v2, v0  }
0x253: {  	v25 =	vadd.f32 $-1.000000000e+00, v25;
	[tilespmem:$0x1FBA0] =	vst v1;
	v1 =	vpop (erf)  }
0x254: {  	v16 =	vpop (erf);
	v30 =	vmul.f32 v34, v2  }
0x255: {  	v25 =	vmul.f32 v16, v25  }
0x256: {  	v30 =	vsub.f32 $1.500000000e+00, v30  }
0x257: {  	v17 =	vmul.f32 v25, v25  }
0x258: {  	v35 =	vbroadcast v56, $0xC;
	v2 =	vmul.f32 v30, v2  }
0x259: {  	v33 =	vmul.f32 $2.857142980e-01, v17  }
0x25a: {  	v36 =	vsub.f32 v35, v48;
	v0 =	vmul.f32 v2, v0  }
0x25b: {  	[tilespmem:$0x1FD40] =	vst v12;
	v12 =	vbroadcast v49, $0xB;
	v29 =	vadd.f32 $4.000000060e-01, v33  }
0x25c: {  	v52 =	vbroadcast v53, $0xC;
	vm11 =	vgt.f32 v36, $5.000000000e-01;
	v0 =	vmul.f32 v0, v2  }
0x25d: {  	vm12 =	vlt.f32 v36, $-5.000000000e-01;
	v57 =	vsel vm11, $0x3F800000, v63;
	v29 =	vmul.f32 v29, v17  }
0x25e: {  	v32 =	vsel vm12, $0x3F800000, v63;
	v30 =	vsub.f32 v52, v44;
	v0 =	vsub.f32 $1.500000000e+00, v0  }
0x25f: {  	v24 =	vmul.f32 v12, v50;
	v58 =	vsub.f32 v57, v32;
	v29 =	vadd.f32 $6.666666860e-01, v29  }
0x260: {  	[tilespmem:$0x1FBB0] =	vst v1;
	vm11 =	vgt.f32 v30, $5.000000000e-01;
	v1 =	vmul.f32 v0, v2;
	v0 =	vbroadcast v51, $0xC  }
0x261: {  	vm12 =	vlt.f32 v30, $-5.000000000e-01;
	v27 =	vmul.f32 v29, v17;
	v2 =	vmul.f32 v58, v45  }
0x262: {  	v13 =	vsel vm11, $0x3F800000, v63;
	v17 =	vshrl.u32 v21, $0x17;
	v62 =	vsub.f32 v0, v61  }
0x263: {  	v16 =	vsel vm12, $0x3F800000, v63;
	v29 =	vand.u32 $0xFF, v17;
	v0 =	vsub.f32 v36, v2  }
0x264: {  	v2 =	vsub.f32 v13, v16;
	vm11 =	vgt.f32 v62, $5.000000000e-01;
	vm12 =	vlt.f32 v62, $-5.000000000e-01  }
0x265: {  	v27 =	vadd.f32 $2.000000000e+00, v27;
	v28 =	vsel vm11, $0x3F800000, v63;
	v33 =	vsel vm12, $0x3F800000, v63  }
0x266: {  	v29 =	vadd.s32 $0xFFFFFF81, v29;
	v2 =	vmul.f32 v2, v46;
	v32 =	vsub.f32 v28, v33  }
0x267: {  	v29 =	vcvt.s32.f32 v29;
	v25 =	vmul.f32 v27, v25  }
0x268: {  	[tilespmem:$0x1FC10] =	vst v1;
	v36 =	vmul.f32 v1, v15;
	v1 =	vsub.f32 v30, v2;
	v52 =	vmul.f32 v32, v47  }
0x269: {  	v31 =	vadd.f32 v24, v26;
	v58 =	vmul.f32 $6.931471820e-01, v29;
	v57 =	vmul.f32 v0, v39  }
0x26a: {  	v16 =	vmul.f32 v14, v23;
	v2 =	vsub.f32 v62, v52;
	v62 =	vmul.f32 v1, v40  }
0x26b: {  	v31 =	vmul.f32 v36, v31;
	v13 =	vmul.f32 v57, v0  }
0x26c: {  	v25 =	vadd.f32 v25, v58;
	v29 =	vmul.f32 v62, v1;
	v17 =	vmul.f32 v2, v41  }
0x26d: {  	v35 =	vadd.f32 v16, v3;
	v36 =	vsub.f32 $1.000000000e+00, v31  }
0x26e: {  	v57 =	vmul.f32 v0, v42;
	v29 =	vadd.f32 v29, v13;
	v52 =	vmul.f32 v17, v2  }
0x26f: {  	vm11 =	vlt.f32 v15, v7;
	v25 =	vmul.f32 v25, v35;
	vm12 =	vgt.f32 v36, $0.0e+00  }
0x270: {  	s31 =	sadd.s32 $0xFFFFFFFC, s25;
	v27 =	vmul.f32 v1, v57;
	v62 =	vmul.f32 v0, v43;
	v58 =	vadd.f32 v52, v29  }
0x271: {  	v35 =	vmul.f32 v1, v60;
	vm11 =	vmand vm11, vm12;
	vm12 =	vne.s32 v59, s31  }
0x272: {  	vm11 =	vmand vm12, vm11;
	v33 =	vmul.f32 v2, v62;
	v15 =	vadd.f32 v58, v27  }
0x273: {  	v25 =	vmul.f32 $1.442695020e+00, v25;
	v30 =	vnsel vm11, $0x3F000000, v36  }
0x274: {  	v34 =	vand.u32 $0x7FFFFF, v30;
	v52 =	vmul.f32 v2, v35;
	v15 =	vadd.f32 v15, v33  }
0x275: {  	v36 =	vor.u32 $0x3F800000, v34  }
0x276: {  	(erf) = vpow2.f32 v25;
	v29 =	vadd.f32 $1.000000000e+00, v36;
	v15 =	vadd.f32 v15, v52  }
0x277: {  	(erf) = vrcp.f32 v21  }
0x278: {  	(erf) = vrcp.f32 v29;
	v21 =	vmax.f32 v15, $9.999999960e-13  }
0x279: {  	v57 =	vshra.s32 v21, $0x1;
	v21 =	vmul.f32 $5.000000000e-01, v21  }
0x27a: {  	v58 =	vsub.s32 $0x5F3759DF, v57  }
0x27b: {  	v27 =	vmul.f32 v58, v21;
	_ =	sdelay $0x1  }
0x27c: {  	v62 =	vmul.f32 v58, v27;
	_ =	sdelay $0x1  }
0x27d: {  	v27 =	vpop (erf);
	v31 =	vsub.f32 $1.500000000e+00, v62  }
0x27e: {  	[tilespmem:$0x1FD60] =	vst v0;
	v25 =	vadd.f32 $-1.000000000e+00, v36;
	v0 =	vpop (erf)  }
0x27f: {  	v13 =	vpop (erf);
	v29 =	vmul.f32 v58, v31  }
0x280: {  	v25 =	vmul.f32 v13, v25  }
0x281: {  	v17 =	vmul.f32 v29, v21  }
0x282: {  	v16 =	vmul.f32 v25, v25  }
0x283: {  	v32 =	vmul.f32 v17, v29  }
0x284: {  	v24 =	vmul.f32 $2.857142980e-01, v16  }
0x285: {  	v36 =	vbroadcast v56, $0xD;
	v32 =	vsub.f32 $1.500000000e+00, v32  }
0x286: {  	v33 =	vadd.f32 $4.000000060e-01, v24  }
0x287: {  	v52 =	vsub.f32 v36, v48;
	v29 =	vmul.f32 v32, v29  }
0x288: {  	[tilespmem:$0x1FD50] =	vst v11;
	v11 =	vbroadcast v49, $0xC;
	v33 =	vmul.f32 v33, v16  }
0x289: {  	vm12 =	vgt.f32 v52, $5.000000000e-01;
	v57 =	vbroadcast v53, $0xD;
	v21 =	vmul.f32 v29, v21  }
0x28a: {  	vm13 =	vlt.f32 v52, $-5.000000000e-01;
	v34 =	vsel vm12, $0x3F800000, v63;
	v28 =	vadd.f32 $6.666666860e-01, v33  }
0x28b: {  	v58 =	vbroadcast v51, $0xD;
	v33 =	vsub.f32 v57, v44;
	v21 =	vmul.f32 v21, v29  }
0x28c: {  	v35 =	vsel vm13, $0x3F800000, v63;
	v17 =	vmul.f32 v11, v50;
	v31 =	vmul.f32 v28, v16  }
0x28d: {  	vm12 =	vgt.f32 v33, $5.000000000e-01;
	vm13 =	vlt.f32 v33, $-5.000000000e-01;
	v21 =	vsub.f32 $1.500000000e+00, v21  }
0x28e: {  	v62 =	vsel vm12, $0x3F800000, v63;
	v13 =	vsel vm13, $0x3F800000, v63;
	v31 =	vadd.f32 $2.000000000e+00, v31  }
0x28f: {  	[tilespmem:$0x1FBD0] =	vst v0;
	v0 =	vmul.f32 v21, v29;
	v21 =	vsub.f32 v34, v35;
	v29 =	vsub.f32 v58, v61  }
0x290: {  	v25 =	vmul.f32 v31, v25;
	v31 =	vsub.f32 v62, v13  }
0x291: {  	v32 =	vadd.f32 v17, v26;
	v21 =	vmul.f32 v21, v45;
	vm12 =	vgt.f32 v29, $5.000000000e-01  }
0x292: {  	vm13 =	vlt.f32 v29, $-5.000000000e-01;
	v58 =	vmul.f32 v0, v15;
	v31 =	vmul.f32 v31, v46  }
0x293: {  	v36 =	vsel vm12, $0x3F800000, v63;
	v24 =	vsub.f32 v52, v21;
	v52 =	vsel vm13, $0x3F800000, v63  }
0x294: {  	v16 =	vshrl.u32 v30, $0x17;
	v57 =	vsub.f32 v36, v52  }
0x295: {  	[tilespmem:$0x1FB90] =	vst v22;
	v21 =	vand.u32 $0xFF, v16;
	v32 =	vmul.f32 v58, v32;
	v22 =	vsub.f32 v33, v31  }
0x296: {  	v21 =	vadd.s32 $0xFFFFFF81, v21;
	v52 =	vmul.f32 v12, v23;
	v31 =	vmul.f32 v57, v47  }
0x297: {  	v21 =	vcvt.s32.f32 v21;
	v62 =	vmul.f32 v24, v39  }
0x298: {  	v28 =	vmul.f32 v24, v42;
	v13 =	vmul.f32 v22, v40;
	v16 =	vsub.f32 v29, v31  }
0x299: {  	v57 =	vsub.f32 $1.000000000e+00, v32;
	v21 =	vmul.f32 $6.931471820e-01, v21;
	v17 =	vmul.f32 v62, v24  }
0x29a: {  	vm12 =	vlt.f32 v15, v7;
	v36 =	vmul.f32 v13, v22;
	v58 =	vmul.f32 v16, v41  }
0x29b: {  	v35 =	vmul.f32 v24, v43;
	v13 =	vadd.f32 v52, v3;
	vm13 =	vgt.f32 v57, $0.0e+00  }
0x29c: {  	s31 =	sadd.s32 $0xFFFFFFFD, s25;
	v21 =	vadd.f32 v25, v21;
	v62 =	vadd.f32 v36, v17;
	v17 =	vmul.f32 v58, v16  }
0x29d: {  	v34 =	vmul.f32 v22, v28;
	vm12 =	vmand vm12, vm13;
	vm13 =	vne.s32 v59, s31  }
0x29e: {  	vm12 =	vmand vm13, vm12;
	v21 =	vmul.f32 v21, v13;
	v15 =	vadd.f32 v17, v62  }
0x29f: {  	v52 =	vmul.f32 v22, v60;
	v25 =	vmul.f32 v16, v35;
	v31 =	vnsel vm12, $0x3F000000, v57  }
0x2a0: {  	v36 =	vand.u32 $0x7FFFFF, v31;
	v21 =	vmul.f32 $1.442695020e+00, v21;
	v15 =	vadd.f32 v15, v34  }
0x2a1: {  	v57 =	vmul.f32 v16, v52;
	v29 =	vor.u32 $0x3F800000, v36  }
0x2a2: {  	(erf) = vpow2.f32 v21;
	v21 =	vadd.f32 $1.000000000e+00, v29;
	v15 =	vadd.f32 v15, v25  }
0x2a3: {  	(erf) = vrcp.f32 v30  }
0x2a4: {  	(erf) = vrcp.f32 v21;
	v21 =	vadd.f32 v15, v57;
	_ =	sdelay $0x1  }
0x2a5: {  	v15 =	vmax.f32 v21, $9.999999960e-13  }
0x2a6: {  	v58 =	vshra.s32 v15, $0x1;
	v30 =	vmul.f32 $5.000000000e-01, v15  }
0x2a7: {  	v25 =	vsub.s32 $0x5F3759DF, v58  }
0x2a8: {  	v62 =	vmul.f32 v25, v30;
	_ =	sdelay $0x1  }
0x2a9: {  	v32 =	vmul.f32 v25, v62;
	_ =	sdelay $0x1  }
0x2aa: {  	v15 =	vpop (erf);
	v32 =	vsub.f32 $1.500000000e+00, v32  }
0x2ab: {  	[tilespmem:$0x1FC20] =	vst v0;
	v29 =	vadd.f32 $-1.000000000e+00, v29;
	v0 =	vpop (erf)  }
0x2ac: {  	v28 =	vpop (erf);
	v25 =	vmul.f32 v25, v32  }
0x2ad: {  	v29 =	vmul.f32 v28, v29  }
0x2ae: {  	v57 =	vmul.f32 v25, v30  }
0x2af: {  	v36 =	vmul.f32 v29, v29  }
0x2b0: {  	v34 =	vmul.f32 v57, v25  }
0x2b1: {  	v52 =	vmul.f32 $2.857142980e-01, v36  }
0x2b2: {  	v34 =	vsub.f32 $1.500000000e+00, v34  }
0x2b3: {  	v33 =	vadd.f32 $4.000000060e-01, v52  }
0x2b4: {  	v25 =	vmul.f32 v34, v25  }
0x2b5: {  	v58 =	vbroadcast v56, $0xE;
	v33 =	vmul.f32 v33, v36  }
0x2b6: {  	v30 =	vmul.f32 v25, v30  }
0x2b7: {  	v62 =	vsub.f32 v58, v48;
	v33 =	vadd.f32 $6.666666860e-01, v33  }
0x2b8: {  	[tilespmem:$0x1FBC0] =	vst v12;
	v12 =	vbroadcast v53, $0xE;
	v30 =	vmul.f32 v30, v25  }
0x2b9: {  	vm13 =	vgt.f32 v62, $5.000000000e-01;
	vm14 =	vlt.f32 v62, $-5.000000000e-01;
	v32 =	vmul.f32 v33, v36  }
0x2ba: {  	v13 =	vsel vm13, $0x3F800000, v63;
	v36 =	vsel vm14, $0x3F800000, v63;
	v30 =	vsub.f32 $1.500000000e+00, v30  }
0x2bb: {  	v35 =	vbroadcast v49, $0xD;
	v17 =	vsub.f32 v13, v36;
	v32 =	vadd.f32 $2.000000000e+00, v32  }
0x2bc: {  	[tilespmem:$0x1FBF0] =	vst v0;
	v34 =	vsub.f32 v12, v44;
	v0 =	vmul.f32 v30, v25;
	v25 =	vbroadcast v51, $0xE  }
0x2bd: {  	v29 =	vmul.f32 v32, v29;
	v32 =	vmul.f32 v17, v45  }
0x2be: {  	vm13 =	vgt.f32 v34, $5.000000000e-01;
	vm14 =	vlt.f32 v34, $-5.000000000e-01;
	v30 =	vsub.f32 v25, v61  }
0x2bf: {  	v28 =	vsel vm13, $0x3F800000, v63;
	v52 =	vsel vm14, $0x3F800000, v63;
	v57 =	vsub.f32 v62, v32  }
0x2c0: {  	v62 =	vsub.f32 v28, v52;
	vm13 =	vgt.f32 v30, $5.000000000e-01;
	vm14 =	vlt.f32 v30, $-5.000000000e-01  }
0x2c1: {  	v13 =	vmul.f32 v35, v50;
	v52 =	vsel vm13, $0x3F800000, v63;
	v58 =	vsel vm14, $0x3F800000, v63  }
0x2c2: {  	v32 =	vmul.f32 v62, v46;
	v52 =	vsub.f32 v52, v58  }
0x2c3: {  	v36 =	vadd.f32 v13, v26;
	v28 =	vmul.f32 v0, v21  }
0x2c4: {  	v12 =	vshrl.u32 v31, $0x17;
	v58 =	vsub.f32 v34, v32;
	v25 =	vmul.f32 v52, v47  }
0x2c5: {  	v33 =	vand.u32 $0xFF, v12;
	v28 =	vmul.f32 v28, v36;
	v36 =	vmul.f32 v57, v39  }
0x2c6: {  	v33 =	vadd.s32 $0xFFFFFF81, v33;
	v12 =	vmul.f32 v58, v40;
	v52 =	vsub.f32 v30, v25  }
0x2c7: {  	v17 =	vcvt.s32.f32 v33;
	v13 =	vmul.f32 v36, v57  }
0x2c8: {  	v32 =	vmul.f32 v12, v58;
	v25 =	vmul.f32 v52, v41  }
0x2c9: {  	v62 =	vmul.f32 $6.931471820e-01, v17;
	v17 =	vmul.f32 v11, v23  }
0x2ca: {  	v32 =	vadd.f32 v32, v13;
	v13 =	vmul.f32 v57, v42;
	v12 =	vmul.f32 v25, v52  }
0x2cb: {  	v29 =	vadd.f32 v29, v62;
	v62 =	vadd.f32 v17, v3;
	vm13 =	vlt.f32 v21, v7  }
0x2cc: {  	v30 =	vmul.f32 v58, v13;
	v25 =	vmul.f32 v57, v43;
	v21 =	vadd.f32 v12, v32  }
0x2cd: {  	[tilespmem:$0x1FD70] =	vst v1;
	v1 =	vld [tilespmem:$0x1F8C0];
	v29 =	vmul.f32 v29, v62;
	v28 =	vsub.f32 $1.000000000e+00, v28  }
0x2ce: {  	v62 =	vmul.f32 v52, v25;
	v12 =	vld [tilespmem:$0x1FE40];
	v21 =	vadd.f32 v21, v30  }
0x2cf: {  	s31 =	sadd.s32 $0xFFFFFFFE, s25;
	[tilespmem:$0x1FD20] =	vst v0;
	v0 =	vld [tilespmem:$0x1F8B0];
	v36 =	vmul.f32 $1.442695020e+00, v29;
	vm14 =	vgt.f32 v28, $0.0e+00  }
0x2d0: {  	vm13 =	vmand vm13, vm14;
	vm14 =	vne.s32 v59, s31;
	v21 =	vadd.f32 v21, v62;
	v62 =	vld [tilespmem:$0x1FE30]  }
0x2d1: {  	vm13 =	vmand vm14, vm13  }
0x2d2: {  	(erf) = vpow2.f32 v36;
	v29 =	vnsel vm13, $0x3F000000, v28  }
0x2d3: {  	v13 =	vand.u32 $0x7FFFFF, v29;
	v25 =	vmul.f32 v58, v60;
	v36 =	vmul.f32 v54, v12  }
0x2d4: {  	[tilespmem:$0x1FD80] =	vst v2;
	v2 =	vld [tilespmem:$0x1F8D0];
	v30 =	vor.u32 $0x3F800000, v13  }
0x2d5: {  	v28 =	vmul.f32 v52, v25;
	v25 =	vadd.f32 v36, v62;
	v36 =	vmul.f32 v0, v1;
	v1 =	vld [tilespmem:$0x1F8E0]  }
0x2d6: {  	v13 =	vadd.f32 $1.000000000e+00, v30  }
0x2d7: {  	(erf) = vrcp.f32 v31  }
0x2d8: {  	(erf) = vrcp.f32 v13;
	v13 =	vld [tilespmem:$0x1FE10];
	_ =	sdelay $0x1  }
0x2d9: {  	v34 =	vmul.f32 v2, v1;
	v1 =	vld [tilespmem:$0x1FE00];
	_ =	sdelay $0x1  }
0x2da: {  	v28 =	vadd.f32 v21, v28  }
0x2db: {  	v32 =	vmul.f32 v54, v13  }
0x2dc: {  	v21 =	vmul.f32 v8, v12;
	v54 =	vmax.f32 v28, $9.999999960e-13;
	v31 =	vmul.f32 v36, v25  }
0x2dd: {  	v25 =	vshra.s32 v54, $0x1;
	v54 =	vmul.f32 $5.000000000e-01, v54;
	v32 =	vadd.f32 v32, v1  }
0x2de: {  	v21 =	vadd.f32 v21, v62;
	v36 =	vsub.s32 $0x5F3759DF, v25  }
0x2df: {  	v33 =	vmul.f32 v36, v54;
	v32 =	vmul.f32 v0, v32;
	v0 =	vld [tilespmem:$0x1F8F0]  }
0x2e0: {  	v21 =	vmul.f32 v34, v21  }
0x2e1: {  	v31 =	vmul.f32 v31, v55;
	_ =	sdelay $0x1  }
0x2e2: {  	v17 =	vmov v3;
	v31 =	vnsel vm1, $0x0, v31;
	v3 =	vmul.f32 v36, v33;
	v33 =	vpop (erf)  }
0x2e3: {  	v30 =	vadd.f32 $-1.000000000e+00, v30;
	v4 =	vmul.f32 v31, v4;
	v25 =	vmul.f32 v21, v0;
	v21 =	vpop (erf);
	v0 =	vld [tilespmem:$0x1F900]  }
0x2e4: {  	v5 =	vmul.f32 v31, v5;
	v31 =	vmul.f32 v31, v6;
	v6 =	vpop (erf)  }
0x2e5: {  	v3 =	vsub.f32 $1.500000000e+00, v3;
	v6 =	vmul.f32 v6, v30  }
0x2e6: {  	v34 =	vmul.f32 v8, v13;
	v8 =	vmul.f32 v9, v12  }
0x2e7: {  	v3 =	vmul.f32 v36, v3;
	v55 =	vmul.f32 v6, v6  }
0x2e8: {  	v30 =	vnsel vm0, $0x0, v25;
	v25 =	vmul.f32 v9, v13;
	v5 =	vadd.f32 v5, v0;
	v0 =	vld [tilespmem:$0x1F910]  }
0x2e9: {  	v4 =	vadd.f32 v4, v20;
	v9 =	vmul.f32 v3, v54;
	v20 =	vmul.f32 $2.857142980e-01, v55  }
0x2ea: {  	v34 =	vadd.f32 v34, v1  }
0x2eb: {  	v9 =	vmul.f32 v9, v3;
	v20 =	vadd.f32 $4.000000060e-01, v20  }
0x2ec: {  	v56 =	vbroadcast v56, $0xF;
	v7 =	vmul.f32 v2, v34;
	v2 =	vld [tilespmem:$0x1F930]  }
0x2ed: {  	v9 =	vsub.f32 $1.500000000e+00, v9;
	v31 =	vadd.f32 v31, v0;
	v0 =	vld [tilespmem:$0x1F920];
	v20 =	vmul.f32 v20, v55  }
0x2ee: {  	v51 =	vbroadcast v51, $0xF;
	v34 =	vmul.f32 v30, v37  }
0x2ef: {  	v3 =	vmul.f32 v9, v3;
	v9 =	vbroadcast v53, $0xF;
	v20 =	vadd.f32 $6.666666860e-01, v20  }
0x2f0: {  	v10 =	vmul.f32 v30, v10;
	v38 =	vmul.f32 v30, v38;
	v36 =	vadd.f32 v25, v1  }
0x2f1: {  	v9 =	vsub.f32 v9, v44;
	v44 =	vmul.f32 v3, v54;
	v20 =	vmul.f32 v20, v55  }
0x2f2: {  	v25 =	vmul.f32 v0, v2;
	v30 =	vmul.f32 v0, v36;
	v36 =	vsub.f32 v56, v48;
	v0 =	vld [tilespmem:$0x1F940]  }
0x2f3: {  	v8 =	vadd.f32 v8, v62;
	v32 =	vnsel vm1, $0x0, v32;
	v54 =	vsub.f32 v51, v61  }
0x2f4: {  	v53 =	vmul.f32 v44, v3;
	v20 =	vadd.f32 $2.000000000e+00, v20;
	vm1 =	vgt.f32 v36, $5.000000000e-01  }
0x2f5: {  	v8 =	vmul.f32 v25, v8;
	vm14 =	vlt.f32 v36, $-5.000000000e-01;
	v56 =	vsel vm1, $0x3F800000, v63  }
0x2f6: {  	v25 =	vsel vm14, $0x3F800000, v63;
	vm1 =	vgt.f32 v9, $5.000000000e-01;
	vm14 =	vlt.f32 v9, $-5.000000000e-01  }
0x2f7: {  	v61 =	vsel vm1, $0x3F800000, v63;
	vm1 =	vgt.f32 v54, $5.000000000e-01;
	v37 =	vadd.f32 v32, v0  }
0x2f8: {  	v32 =	vsub.f32 v56, v25;
	v25 =	vsel vm14, $0x3F800000, v63;
	v0 =	vld [tilespmem:$0x1F950];
	vm14 =	vlt.f32 v54, $-5.000000000e-01  }
0x2f9: {  	v44 =	vsel vm1, $0x3F800000, v63;
	v51 =	vsub.f32 v61, v25;
	v48 =	vsel vm14, $0x3F800000, v63  }
0x2fa: {  	v6 =	vmul.f32 v20, v6;
	v32 =	vmul.f32 v32, v45;
	v20 =	vsub.f32 v44, v48  }
0x2fb: {  	v25 =	vsub.f32 $1.500000000e+00, v53;
	v61 =	vmul.f32 v51, v46  }
0x2fc: {  	v44 =	vshrl.u32 v29, $0x17;
	v51 =	vsub.f32 v36, v32;
	v20 =	vmul.f32 v20, v47  }
0x2fd: {  	v8 =	vmul.f32 v8, v0;
	v53 =	vsub.f32 v9, v61;
	v9 =	vand.u32 $0xFF, v44  }
0x2fe: {  	v0 =	vmul.f32 v25, v3;
	v3 =	vadd.s32 $0xFFFFFF81, v9;
	v9 =	vmul.f32 v51, v39  }
0x2ff: {  	v56 =	vsub.f32 v54, v20;
	v20 =	vmul.f32 v53, v40  }
0x300: {  	v9 =	vmul.f32 v9, v51  }
0x301: {  	v5 =	vadd.f32 v5, v10;
	v10 =	vmul.f32 v20, v53;
	v20 =	vmul.f32 v56, v41  }
0x302: {  	[tilespmem:$0x1FD90] =	vst v0;
	v54 =	vmul.f32 v0, v28;
	v0 =	vld [tilespmem:$0x1F960]  }
0x303: {  	v9 =	vadd.f32 v10, v9;
	v10 =	vmul.f32 v20, v56;
	v20 =	vmul.f32 v51, v42;
	_ =	sdelay $0x1  }
0x304: {  	v9 =	vadd.f32 v10, v9;
	v10 =	vmul.f32 v53, v20  }
0x305: {  	v8 =	vnsel vm2, $0x0, v8  }
0x306: {  	v9 =	vadd.f32 v9, v10;
	v10 =	vmul.f32 v8, v0;
	v0 =	vld [tilespmem:$0x1F970];
	_ =	sdelay $0x4  }
0x307: {  	v31 =	vadd.f32 v31, v38;
	v38 =	vmul.f32 v8, v0;
	v0 =	vld [tilespmem:$0x1F980];
	_ =	sdelay $0x4  }
0x308: {  	v8 =	vmul.f32 v8, v0;
	v0 =	vld [tilespmem:$0x1FFF0];
	_ =	sdelay $0x2  }
0x309: {  	v3 =	vcvt.s32.f32 v3;
	_ =	sdelay $0x1  }
0x30a: {  	v3 =	vmul.f32 $6.931471820e-01, v3;
	v20 =	vmul.f32 v35, v23;
	vm1 =	vlt.f32 v28, v0;
	v0 =	vld [tilespmem:$0x1F990];
	_ =	sdelay $0x1  }
0x30b: {  	v3 =	vadd.f32 v6, v3;
	v20 =	vadd.f32 v20, v17;
	_ =	sdelay $0x1  }
0x30c: {  	v2 =	vld [tilespmem:$0x1F9B0];
	v3 =	vmul.f32 v3, v20  }
0x30d: {  	v20 =	vmul.f32 v0, v12;
	v25 =	vmul.f32 v0, v13;
	v0 =	vld [tilespmem:$0x1F9A0];
	_ =	sdelay $0x2  }
0x30e: {  	v44 =	vadd.f32 v25, v1;
	_ =	sdelay $0x1  }
0x30f: {  	v32 =	vmul.f32 v0, v2;
	v28 =	vmul.f32 v0, v44;
	v0 =	vld [tilespmem:$0x1F9C0]  }
0x310: {  	v20 =	vadd.f32 v20, v62;
	_ =	sdelay $0x1  }
0x311: {  	v20 =	vmul.f32 v32, v20  }
0x312: {  	v4 =	vadd.f32 v4, v34;
	v34 =	vbroadcast v49, $0xE  }
0x313: {  	v20 =	vmul.f32 v20, v0;
	v0 =	vld [tilespmem:$0x1F9D0]  }
0x314: {  	v48 =	vmul.f32 v34, v50;
	_ =	sdelay $0x1  }
0x315: {  	v6 =	vadd.f32 v48, v26  }
0x316: {  	v7 =	vnsel vm0, $0x0, v7;
	v20 =	vnsel vm3, $0x0, v20  }
0x317: {  	v7 =	vadd.f32 v37, v7;
	v6 =	vmul.f32 v54, v6;
	v37 =	vmul.f32 v20, v0;
	v0 =	vld [tilespmem:$0x1F9E0]  }
0x318: {  	v55 =	vmul.f32 v51, v43  }
0x319: {  	v6 =	vsub.f32 $1.000000000e+00, v6  }
0x31a: {  	v36 =	vmul.f32 v56, v55  }
0x31b: {  	s31 =	sadd.s32 $0xFFFFFFFF, s25;
	v61 =	vmovc v17;
	v17 =	vmul.f32 v53, v60;
	vm14 =	vgt.f32 v6, $0.0e+00;
	v4 =	vadd.f32 v4, v10  }
0x31c: {  	vm1 =	vmand vm1, vm14;
	vm14 =	vne.s32 v59, s31;
	v10 =	vmul.f32 v20, v0;
	v0 =	vld [tilespmem:$0x1F9F0]  }
0x31d: {  	vm1 =	vmand vm14, vm1  }
0x31e: {  	v9 =	vadd.f32 v9, v36;
	v36 =	vnsel vm1, $0x3F000000, v6;
	v6 =	vmul.f32 v56, v17;
	_ =	sdelay $0x1  }
0x31f: {  	v3 =	vmul.f32 $1.442695020e+00, v3;
	v48 =	vand.u32 $0x7FFFFF, v36;
	v6 =	vadd.f32 v9, v6  }
0x320: {  	v9 =	vor.u32 $0x3F800000, v48;
	v17 =	vmul.f32 v0, v13;
	v25 =	vmul.f32 v0, v12;
	v0 =	vld [tilespmem:$0x1FA00]  }
0x321: {  	(erf) = vpow2.f32 v3;
	v3 =	vadd.f32 $1.000000000e+00, v9  }
0x322: {  	(erf) = vrcp.f32 v29  }
0x323: {  	v55 =	vmax.f32 v6, $9.999999960e-13;
	(erf) = vrcp.f32 v3  }
0x324: {  	v3 =	vshra.s32 v55, $0x1;
	v54 =	vmul.f32 $5.000000000e-01, v55;
	v55 =	vadd.f32 v17, v1;
	v17 =	vmovc v47;
	v47 =	vmovc v40;
	v40 =	vld [tilespmem:$0x1FA30]  }
0x325: {  	v20 =	vmul.f32 v20, v0;
	v0 =	vld [tilespmem:$0x1FA20];
	_ =	sdelay $0x3  }
0x326: {  	v5 =	vadd.f32 v5, v38;
	v38 =	vadd.f32 v25, v62;
	v25 =	vld [tilespmem:$0x1FA40]  }
0x327: {  	v44 =	vmul.f32 v0, v40;
	v55 =	vmul.f32 v0, v55;
	v0 =	vld [tilespmem:$0x1FA50];
	_ =	sdelay $0x3  }
0x328: {  	v2 =	vld [tilespmem:$0x1FA10]  }
0x329: {  	v48 =	vmul.f32 v25, v0;
	v0 =	vld [tilespmem:$0x1FA60];
	_ =	sdelay $0x2  }
0x32a: {  	v38 =	vmul.f32 v44, v38  }
0x32b: {  	v30 =	vnsel vm2, $0x0, v30;
	v32 =	vmul.f32 v2, v12  }
0x32c: {  	v7 =	vadd.f32 v7, v30;
	v30 =	vmul.f32 v38, v0;
	v0 =	vld [tilespmem:$0x1FA70]  }
0x32d: {  	[tilespmem:$0x1FBE0] =	vst v18;
	v18 =	vmov v46;
	v46 =	vmov v39;
	v39 =	vadd.f32 v32, v62;
	_ =	sdelay $0x1  }
0x32e: {  	v39 =	vmul.f32 v48, v39;
	_ =	sdelay $0x1  }
0x32f: {  	v4 =	vadd.f32 v4, v37;
	v37 =	vmul.f32 v39, v0;
	v0 =	vld [tilespmem:$0x1FA80];
	_ =	sdelay $0x3  }
0x330: {  	v30 =	vnsel vm4, $0x0, v30  }
0x331: {  	v3 =	vsub.s32 $0x5F3759DF, v3;
	v5 =	vadd.f32 v5, v10;
	v10 =	vmul.f32 v30, v0;
	v0 =	vld [tilespmem:$0x1FA90]  }
0x332: {  	v29 =	vmul.f32 v3, v54;
	_ =	sdelay $0x1  }
0x333: {  	v29 =	vmul.f32 v3, v29;
	_ =	sdelay $0x1  }
0x334: {  	v29 =	vsub.f32 $1.500000000e+00, v29;
	v32 =	vmov v41;
	v41 =	vmul.f32 v30, v0;
	v0 =	vld [tilespmem:$0x1FAA0];
	_ =	sdelay $0x1  }
0x335: {  	v3 =	vmul.f32 v3, v29  }
0x336: {  	v8 =	vadd.f32 v31, v8  }
0x337: {  	v48 =	vmul.f32 v3, v54  }
0x338: {  	v8 =	vadd.f32 v8, v20;
	v20 =	vmul.f32 v30, v0;
	v0 =	vld [tilespmem:$0x1FAB0]  }
0x339: {  	v48 =	vmul.f32 v48, v3;
	_ =	sdelay $0x1  }
0x33a: {  	v39 =	vsub.f32 $1.500000000e+00, v48  }
0x33b: {  	v37 =	vnsel vm5, $0x0, v37  }
0x33c: {  	v3 =	vmul.f32 v39, v3;
	v39 =	vmul.f32 v37, v0;
	v0 =	vld [tilespmem:$0x1FAC0]  }
0x33d: {  	v31 =	vpop (erf)  }
0x33e: {  	v9 =	vadd.f32 $-1.000000000e+00, v9;
	v29 =	vpop (erf)  }
0x33f: {  	v44 =	vpop (erf)  }
0x340: {  	v9 =	vmul.f32 v44, v9  }
0x341: {  	v44 =	vmul.f32 v2, v13;
	v48 =	vmov v42;
	v42 =	vmul.f32 v37, v0;
	v0 =	vld [tilespmem:$0x1FAD0];
	_ =	sdelay $0x1  }
0x342: {  	v38 =	vadd.f32 v44, v1;
	_ =	sdelay $0x1  }
0x343: {  	v40 =	vmul.f32 v9, v9;
	v38 =	vmul.f32 v25, v38  }
0x344: {  	v2 =	vmov v43;
	v43 =	vmul.f32 v0, v13;
	v25 =	vmul.f32 v0, v12;
	v0 =	vld [tilespmem:$0x1FAE0]  }
0x345: {  	v30 =	vmul.f32 $2.857142980e-01, v40  }
0x346: {  	v54 =	vmul.f32 v3, v54  }
0x347: {  	v30 =	vadd.f32 $4.000000060e-01, v30  }
0x348: {  	v44 =	vld [tilespmem:$0x1FB00];
	v54 =	vmul.f32 v54, v3  }
0x349: {  	v28 =	vnsel vm3, $0x0, v28;
	v30 =	vmul.f32 v30, v40;
	v37 =	vmul.f32 v37, v0;
	v0 =	vmovc v60;
	v60 =	vld [tilespmem:$0x1FAF0]  }
0x34a: {  	v7 =	vadd.f32 v7, v28;
	v54 =	vsub.f32 $1.500000000e+00, v54  }
0x34b: {  	v28 =	vadd.f32 v25, v62;
	v25 =	vmovc v45;
	v45 =	vadd.f32 $6.666666860e-01, v30;
	v30 =	vbroadcast v49, $0xF  }
0x34c: {  	v43 =	vadd.f32 v43, v1  }
0x34d: {  	v49 =	vmul.f32 v54, v3;
	v54 =	vmul.f32 v30, v50  }
0x34e: {  	v50 =	vld [tilespmem:$0x1FB20];
	v44 =	vmul.f32 v60, v44;
	v43 =	vmul.f32 v60, v43;
	v60 =	vshrl.u32 v36, $0x17  }
0x34f: {  	v40 =	vmul.f32 v45, v40;
	v3 =	vand.u32 $0xFF, v60;
	v60 =	vld [tilespmem:$0x1FB10];
	_ =	sdelay $0x1  }
0x350: {  	v40 =	vadd.f32 $2.000000000e+00, v40  }
0x351: {  	v28 =	vmul.f32 v44, v28  }
0x352: {  	v9 =	vmul.f32 v40, v9;
	v44 =	vadd.f32 v54, v26;
	v54 =	vmul.f32 v49, v6  }
0x353: {  	v3 =	vadd.s32 $0xFFFFFF81, v3;
	v28 =	vmul.f32 v28, v60;
	v60 =	vmul.f32 v50, v13  }
0x354: {  	v3 =	vcvt.s32.f32 v3;
	v40 =	vmul.f32 v54, v44;
	v54 =	vld [tilespmem:$0x1FB30]  }
0x355: {  	v4 =	vadd.f32 v4, v10;
	v10 =	vmul.f32 v50, v12;
	v50 =	vadd.f32 v60, v1;
	v60 =	vld [tilespmem:$0x1FB40]  }
0x356: {  	v3 =	vmul.f32 $6.931471820e-01, v3;
	_ =	sdelay $0x1  }
0x357: {  	v3 =	vadd.f32 v9, v3;
	v9 =	vld [tilespmem:$0x1FFF0];
	_ =	sdelay $0x1  }
0x358: {  	v44 =	vmul.f32 v54, v50;
	v45 =	vmul.f32 v54, v60;
	v54 =	vld [tilespmem:$0x1FB50]  }
0x359: {  	v40 =	vsub.f32 $1.000000000e+00, v40;
	v50 =	vmul.f32 v34, v23;
	_ =	sdelay $0x1  }
0x35a: {  	vm14 =	vgt.f32 v40, $0.0e+00;
	vm15 =	vlt.f32 v6, v9;
	v6 =	vadd.f32 v50, v61;
	v50 =	vld [tilespmem:$0x1FB60]  }
0x35b: {  	vm0 =	vmand vm15, vm14;
	vm15 =	vne.s32 v59, s25;
	v59 =	vld [tilespmem:$0x1FB70]  }
0x35c: {  	v9 =	vmul.f32 v54, v13;
	_ =	sdelay $0x1  }
0x35d: {  	v3 =	vmul.f32 v3, v6;
	v6 =	vadd.f32 v9, v1  }
0x35e: {  	v10 =	vadd.f32 v10, v62;
	v26 =	vmul.f32 v54, v12;
	v54 =	vld [tilespmem:$0x1FB80]  }
0x35f: {  	vm0 =	vmand vm15, vm0;
	v60 =	vmul.f32 v50, v59;
	v6 =	vmul.f32 v50, v6;
	v50 =	vld [tilespmem:$0x1FB90]  }
0x360: {  	v9 =	vadd.f32 v26, v62;
	v26 =	vnsel vm0, $0x3F000000, v40  }
0x361: {  	v10 =	vmul.f32 v45, v10;
	v59 =	vand.u32 $0x7FFFFF, v26  }
0x362: {  	v9 =	vmul.f32 v60, v9;
	v40 =	vor.u32 $0x3F800000, v59;
	v59 =	vld [tilespmem:$0x1FBB0]  }
0x363: {  	v3 =	vmul.f32 $1.442695020e+00, v3;
	v10 =	vmul.f32 v10, v54;
	v54 =	vld [tilespmem:$0x1FBA0]  }
0x364: {  	v9 =	vmul.f32 v9, v50;
	v50 =	vld [tilespmem:$0x1FBC0]  }
0x365: {  	(erf) = vpow2.f32 v3;
	v3 =	vmul.f32 v19, v13;
	v60 =	vadd.f32 $1.000000000e+00, v40  }
0x366: {  	v19 =	vmul.f32 v19, v12;
	(erf) = vrcp.f32 v36  }
0x367: {  	v3 =	vadd.f32 v3, v1;
	(erf) = vrcp.f32 v60;
	v60 =	vmul.f32 v14, v13  }
0x368: {  	v8 =	vadd.f32 v8, v20;
	v19 =	vadd.f32 v19, v62;
	v36 =	vmul.f32 v54, v59  }
0x369: {  	v20 =	vadd.f32 v60, v1;
	v60 =	vld [tilespmem:$0x1FBE0];
	v3 =	vmul.f32 v54, v3;
	v54 =	vmul.f32 v50, v12  }
0x36a: {  	v59 =	vld [tilespmem:$0x1FBD0]  }
0x36b: {  	v19 =	vmul.f32 v36, v19;
	v36 =	vadd.f32 v54, v62;
	v54 =	vld [tilespmem:$0x1FBF0];
	_ =	sdelay $0x2  }
0x36c: {  	v45 =	vmul.f32 v50, v13  }
0x36d: {  	v5 =	vadd.f32 v5, v41;
	v19 =	vmul.f32 v19, v60;
	v41 =	vmul.f32 v27, v59  }
0x36e: {  	v60 =	vadd.f32 v45, v1;
	v59 =	vmul.f32 v15, v54;
	v54 =	vmul.f32 v11, v13;
	_ =	sdelay $0x1  }
0x36f: {  	v15 =	vmul.f32 v15, v60;
	v60 =	vadd.f32 v54, v1;
	v54 =	vmul.f32 v11, v12  }
0x370: {  	v11 =	vld [tilespmem:$0x1FC20]  }
0x371: {  	v21 =	vmul.f32 v33, v21;
	v4 =	vadd.f32 v4, v39;
	v39 =	vadd.f32 v54, v62;
	_ =	sdelay $0x1  }
0x372: {  	v21 =	vmul.f32 v21, v39;
	_ =	sdelay $0x1  }
0x373: {  	v21 =	vmul.f32 v21, v11;
	v11 =	vld [tilespmem:$0x1FC30];
	_ =	sdelay $0x1  }
0x374: {  	v14 =	vmul.f32 v14, v12;
	_ =	sdelay $0x1  }
0x375: {  	v28 =	vnsel vm6, $0x0, v28;
	v14 =	vadd.f32 v14, v62  }
0x376: {  	v50 =	vnsel vm4, $0x0, v55;
	v55 =	vld [tilespmem:$0x1FC00];
	v33 =	vmul.f32 v33, v60;
	v60 =	vmul.f32 v28, v11  }
0x377: {  	v14 =	vmul.f32 v41, v14;
	_ =	sdelay $0x1  }
0x378: {  	v36 =	vmul.f32 v59, v36;
	v59 =	vld [tilespmem:$0x1FC10]  }
0x379: {  	v4 =	vadd.f32 v4, v60;
	v60 =	vmov v0;
	v0 =	vld [tilespmem:$0x1FC60]  }
0x37a: {  	v41 =	vmul.f32 v14, v55;
	v14 =	vpop (erf)  }
0x37b: {  	v40 =	vadd.f32 $-1.000000000e+00, v40;
	v45 =	vpop (erf)  }
0x37c: {  	v20 =	vmul.f32 v27, v20;
	v55 =	vpop (erf)  }
0x37d: {  	v10 =	vnsel vm7, $0x0, v10;
	v27 =	vmul.f32 v36, v59;
	v36 =	vmul.f32 v55, v40  }
0x37e: {  	v55 =	vmul.f32 v10, v0;
	v0 =	vld [tilespmem:$0x1FC70]  }
0x37f: {  	v39 =	vmul.f32 v36, v36;
	v11 =	vld [tilespmem:$0x1FC40];
	_ =	sdelay $0x1  }
0x380: {  	v59 =	vmul.f32 $2.857142980e-01, v39;
	_ =	sdelay $0x1  }
0x381: {  	v40 =	vnsel vm6, $0x0, v43;
	v43 =	vadd.f32 $4.000000060e-01, v59;
	v59 =	vmul.f32 v10, v0;
	v0 =	vld [tilespmem:$0x1FC80]  }
0x382: {  	v7 =	vadd.f32 v7, v50;
	v50 =	vmul.f32 v28, v11;
	v11 =	vld [tilespmem:$0x1FC50];
	_ =	sdelay $0x3  }
0x383: {  	v10 =	vmul.f32 v10, v0;
	v0 =	vld [tilespmem:$0x1FC90]  }
0x384: {  	v8 =	vadd.f32 v8, v37;
	v28 =	vmul.f32 v28, v11;
	_ =	sdelay $0x1  }
0x385: {  	v8 =	vadd.f32 v8, v28  }
0x386: {  	v9 =	vnsel vm8, $0x0, v9  }
0x387: {  	v8 =	vadd.f32 v8, v10;
	v10 =	vmul.f32 v9, v0;
	v0 =	vld [tilespmem:$0x1FCA0];
	_ =	sdelay $0x2  }
0x388: {  	v5 =	vadd.f32 v5, v42;
	_ =	sdelay $0x1  }
0x389: {  	v5 =	vadd.f32 v5, v50;
	v50 =	vmul.f32 v9, v0;
	v0 =	vld [tilespmem:$0x1FCB0];
	_ =	sdelay $0x2  }
0x38a: {  	v38 =	vnsel vm5, $0x0, v38  }
0x38b: {  	v7 =	vadd.f32 v7, v38  }
0x38c: {  	v9 =	vmul.f32 v9, v0;
	v0 =	vld [tilespmem:$0x1FCC0]  }
0x38d: {  	v7 =	vadd.f32 v7, v40  }
0x38e: {  	v42 =	vnsel vm7, $0x0, v44  }
0x38f: {  	v7 =	vadd.f32 v7, v42  }
0x390: {  	v6 =	vnsel vm8, $0x0, v6;
	v19 =	vnsel vm9, $0x0, v19  }
0x391: {  	v6 =	vadd.f32 v7, v6;
	v7 =	vmul.f32 v19, v0;
	v0 =	vld [tilespmem:$0x1FCD0];
	_ =	sdelay $0x4  }
0x392: {  	v8 =	vadd.f32 v8, v9;
	v9 =	vmul.f32 v30, v23;
	v23 =	vmul.f32 v19, v0;
	v0 =	vld [tilespmem:$0x1FCE0];
	_ =	sdelay $0x4  }
0x393: {  	v19 =	vmul.f32 v19, v0;
	v0 =	vld [tilespmem:$0x1FCF0]  }
0x394: {  	v54 =	vmul.f32 v43, v39;
	_ =	sdelay $0x1  }
0x395: {  	v38 =	vadd.f32 $6.666666860e-01, v54  }
0x396: {  	v41 =	vnsel vm10, $0x0, v41;
	v40 =	vmov v47  }
0x397: {  	v47 =	vmovc v17;
	v17 =	vmul.f32 v38, v39;
	v39 =	vmovc v46;
	v46 =	vmov v18;
	v18 =	vmul.f32 v41, v0;
	v0 =	vld [tilespmem:$0x1FD00];
	_ =	sdelay $0x4  }
0x398: {  	v4 =	vadd.f32 v4, v55;
	v55 =	vmul.f32 v41, v0;
	v0 =	vld [tilespmem:$0x1FD10];
	_ =	sdelay $0x1  }
0x399: {  	v4 =	vadd.f32 v4, v10;
	_ =	sdelay $0x1  }
0x39a: {  	v3 =	vnsel vm9, $0x0, v3;
	v4 =	vadd.f32 v4, v7;
	v7 =	vmul.f32 v35, v12  }
0x39b: {  	v3 =	vadd.f32 v6, v3;
	v6 =	vmul.f32 v41, v0;
	v0 =	vld [tilespmem:$0x1FD20]  }
0x39c: {  	v7 =	vadd.f32 v7, v62;
	v8 =	vadd.f32 v8, v19;
	v19 =	vmul.f32 v31, v29  }
0x39d: {  	v44 =	vshrl.u32 v26, $0x17  }
0x39e: {  	v37 =	vand.u32 $0xFF, v44;
	v7 =	vmul.f32 v19, v7  }
0x39f: {  	v37 =	vadd.s32 $0xFFFFFF81, v37  }
0x3a0: {  	v37 =	vcvt.s32.f32 v37;
	v28 =	vadd.f32 $2.000000000e+00, v17;
	v7 =	vmul.f32 v7, v0;
	v0 =	vld [tilespmem:$0x1FD30];
	_ =	sdelay $0x1  }
0x3a1: {  	v54 =	vmul.f32 $6.931471820e-01, v37;
	v10 =	vmul.f32 v28, v36;
	_ =	sdelay $0x1  }
0x3a2: {  	v27 =	vnsel vm11, $0x0, v27;
	v10 =	vadd.f32 v10, v54;
	v9 =	vadd.f32 v9, v61  }
0x3a3: {  	v6 =	vadd.f32 v8, v6;
	v8 =	vmul.f32 v27, v0;
	v0 =	vld [tilespmem:$0x1FD40]  }
0x3a4: {  	v5 =	vadd.f32 v5, v59;
	v9 =	vmul.f32 v10, v9;
	_ =	sdelay $0x1  }
0x3a5: {  	v5 =	vadd.f32 v5, v50;
	v9 =	vmul.f32 $1.442695020e+00, v9;
	_ =	sdelay $0x1  }
0x3a6: {  	(erf) = vpow2.f32 v9;
	v5 =	vadd.f32 v5, v23;
	v9 =	vmul.f32 v27, v0;
	v0 =	vld [tilespmem:$0x1FD50];
	_ =	sdelay $0x1  }
0x3a7: {  	v5 =	vadd.f32 v5, v55  }
0x3a8: {  	v43 =	vmov v2;
	v2 =	vld [tilespmem:$0x1FD70]  }
0x3a9: {  	v5 =	vadd.f32 v5, v9;
	v9 =	vld [tilespmem:$0x1FD80]  }
0x3aa: {  	v11 =	vmul.f32 v27, v0;
	v0 =	vld [tilespmem:$0x1FD60]  }
0x3ab: {  	v20 =	vnsel vm10, $0x0, v20;
	v15 =	vnsel vm11, $0x0, v15;
	(erf) = vrcp.f32 v26  }
0x3ac: {  	v21 =	vnsel vm12, $0x0, v21;
	v10 =	vmul.f32 v35, v13;
	v4 =	vadd.f32 v4, v18  }
0x3ad: {  	v33 =	vnsel vm12, $0x0, v33;
	v3 =	vadd.f32 v3, v20;
	v2 =	vmul.f32 v21, v2  }
0x3ae: {  	v10 =	vadd.f32 v10, v1;
	v4 =	vadd.f32 v4, v8;
	v8 =	vmul.f32 v34, v12  }
0x3af: {  	v3 =	vadd.f32 v3, v15;
	v9 =	vmul.f32 v21, v9;
	v0 =	vmul.f32 v21, v0  }
0x3b0: {  	v61 =	vld [tilespmem:$0x1FD90];
	v10 =	vmul.f32 v31, v10;
	v7 =	vnsel vm13, $0x0, v7;
	v6 =	vadd.f32 v6, v11  }
0x3b1: {  	v0 =	vadd.f32 v4, v0;
	v4 =	vadd.f32 v8, v62;
	v8 =	vmul.f32 v14, v45  }
0x3b2: {  	v2 =	vadd.f32 v5, v2;
	v5 =	vadd.f32 v6, v9;
	v6 =	vmul.f32 v7, v24  }
0x3b3: {  	v3 =	vadd.f32 v3, v33;
	v9 =	vpop (erf);
	v4 =	vmul.f32 v8, v4;
	v8 =	vmul.f32 v30, v12  }
0x3b4: {  	v11 =	vmul.f32 v34, v13;
	v59 =	vpop (erf);
	v0 =	vadd.f32 v0, v6;
	v6 =	vmul.f32 v7, v22  }
0x3b5: {  	v12 =	vmul.f32 v9, v59;
	v4 =	vmul.f32 v4, v61;
	v8 =	vadd.f32 v8, v62  }
0x3b6: {  	v2 =	vadd.f32 v2, v6;
	v6 =	vmul.f32 v7, v16;
	v7 =	vadd.f32 v11, v1  }
0x3b7: {  	v10 =	vnsel vm13, $0x0, v10;
	v11 =	vmul.f32 v30, v13;
	v8 =	vmul.f32 v12, v8  }
0x3b8: {  	v4 =	vnsel vm1, $0x0, v4;
	v5 =	vadd.f32 v5, v6;
	v6 =	vmul.f32 v14, v7  }
0x3b9: {  	v3 =	vadd.f32 v3, v10;
	v10 =	vadd.f32 v11, v1;
	v7 =	vmul.f32 v4, v57  }
0x3ba: {  	v8 =	vmul.f32 v8, v49;
	v6 =	vnsel vm1, $0x0, v6  }
0x3bb: {  	p1 =	sne.s32 s25, $0x3FF;
	v9 =	vmul.f32 v9, v10;
	v0 =	vadd.f32 v0, v7;
	v7 =	vmul.f32 v4, v58  }
.Ltmp0:
0x3bc: {  	v4 =	vmul.f32 v4, v52;
	v3 =	vadd.f32 v3, v6;
	v8 =	vnsel vm0, $0x0, v8;
	(pc) =	sbr.rel @p1 .LBB2_3-.Ltmp0, $4  }
0x3bd: {  	v6 =	vnsel vm0, $0x0, v9;
	v2 =	vadd.f32 v2, v7;
	v7 =	vmul.f32 v8, v51  }
0x3be: {  	v10 =	vmul.f32 v8, v53;
	v4 =	vadd.f32 v5, v4;
	v5 =	vmul.f32 v8, v56  }
0x3bf: {  	s26 =	sadd.s32 $0x10, s26;
	s28 =	sadd.s32 $0x10, s28;
	v1 =	vadd.f32 v3, v6;
	v20 =	vadd.f32 v0, v7  }
0x3c0: {  	s29 =	sadd.s32 $0x10, s29;
	s30 =	sadd.s32 $0x10, s30;
	s25 =	sadd.s32 $0x10, s25;
	v42 =	vmovc v48;
	v41 =	vmovc v32;
	v45 =	vmov v25;
	v7 =	vld [tilespmem:$0x1FFF0];
	v9 =	vadd.f32 v2, v10;
	v8 =	vadd.f32 v4, v5  }
0x3c1: {  	v0 =	vld [tilespmem:$0x1FE60]  }
0x3c2: {  	v4 =	vld [tilespmem:$0x1FE70]  }
0x3c3: {  	v5 =	vld [tilespmem:$0x1FEA0]  }
0x3c4: {  	v2 =	vld [tilespmem:$0x1FE90]  }
0x3c5: {  	v3 =	vld [tilespmem:$0x1FEC0]  }
0x3c6: {  	v59 =	vld [tilespmem:$0x1FE80]  }
0x3c7: {  	v6 =	vld [tilespmem:$0x1FEB0]  }
0x3c8: {  	v4 =	vmul.f32 v20, v4;
	v5 =	vmul.f32 v9, v5  }
0x3c9: {  	v61 =	vld [tilespmem:$0x1FEE0]  }
0x3ca: {  	v0 =	vmul.f32 v20, v0;
	v2 =	vmul.f32 v9, v2;
	v4 =	vadd.f32 v5, v4;
	v5 =	vld [tilespmem:$0x1FED0]  }
0x3cb: {  	v3 =	vmul.f32 v8, v3  }
0x3cc: {  	v6 =	vmul.f32 v9, v6;
	v0 =	vadd.f32 v2, v0;
	v2 =	vmul.f32 v20, v59;
	_ =	sdelay $0x1  }
0x3cd: {  	v0 =	vadd.f32 v3, v0;
	v2 =	vadd.f32 v6, v2;
	v3 =	vmul.f32 v8, v61  }
.Ltmp1:
0x3ce: {  	v5 =	vmul.f32 v8, v5;
	(pc) =	sbr.rel @p0 .LBB2_2-.Ltmp1, $4  }
0x3cf: {  	[tilespmem:s24+$0x10E0] =	vst v1;
	v62 =	vadd.f32 v3, v2  }
0x3d0: {  	[tilespmem:s24+$0x1080] =	vst v0;
	v4 =	vadd.f32 v5, v4  }
0x3d1: {  	[tilespmem:s24+$0x10C0] =	vst v62  }
0x3d2: {  	p1 =	por $0x0, $0x0;
	[tilespmem:s24+$0x10A0] =	vst v4;
	s24 =	simm.s32 $0x10  }
0x3d3: {  	[hbm4b:s9+s4] =	stream.linear.scatter [tilespmem:s19], [sflag:$0x1], $0x20, $0x38;
	[tilespmem:$0x1100] =	vst v63  }
0x3d4: {  	_ =	swait.ge [sflag:s14], $0x20  }
0x3d5: {  	[sflag:s14] =	ssyncset.done $0x0  }
0x3d6: {  	[sflag:s14] =	ssyncadd.s32 $0xFFFFFFE0  }
0x3d7: {  	[hbm4b:s10+s4] =	stream.linear.scatter [tilespmem:s20], [sflag:$0x1], $0x20, $0x38;
	[tilespmem:$0x1100] =	vst v63  }
0x3d8: {  	_ =	swait.ge [sflag:s14], $0x20  }
0x3d9: {  	[sflag:s14] =	ssyncset.done $0x0  }
0x3da: {  	[sflag:s14] =	ssyncadd.s32 $0xFFFFFFE0  }
0x3db: {  	[hbm4b:s11+s4] =	stream.linear.scatter [tilespmem:s21], [sflag:$0x1], $0x20, $0x38;
	[tilespmem:$0x1100] =	vst v63  }
0x3dc: {  	s23 =	sadd.s32 $0x1, s23;
	_ =	swait.ge [sflag:s14], $0x20  }
0x3dd: {  	p0 =	sne.s32 s23, s13;
	[sflag:s14] =	ssyncset.done $0x0  }
.Ltmp2:
0x3de: {  	[sflag:s14] =	ssyncadd.s32 $0xFFFFFFE0;
	(pc) =	sbr.rel @p0 .LBB2_1-.Ltmp2, $4  }
0x3df: {  	[hbm4b:s12+s4] =	stream.linear.scatter [tilespmem:s22], [sflag:$0x1], $0x20, $0x38;
	[tilespmem:$0x1100] =	vst v63  }
0x3e0: {  	_ =	swait.ge [sflag:s14], $0x20  }
0x3e1: {  	[sflag:s14] =	ssyncset.done $0x0  }
0x3e2: {  	[sflag:s14] =	ssyncadd.s32 $0xFFFFFFE0  }
0x3e3: {  	_ =	sfence.sel $0x180000  }
0x3e4: {  	[bflag:$0x0] =	sbarrier.arrive $0xFFFF  }
0x3e5: {  	p0 =	sne.s32 s3, $0x0;
	_ =	strace $0x90000047  }
0x3e6: {  	s0 =	sadd.s32 @!p0 $0x100000, s0;
	[bflag:$0x2] =	sbarrier.arrive $0xFFFF  }
0x3e7: {  	[sflag:s0] =	ssyncadd.tile.s32 @!p0 $0x1;
	_ =	shalt  }
.Lfunc_end2:
_tile_overlayer_lowered:
.L_overlay_start_2:
0x3e8: {  	(tag) =	ssettag $0x2  }
0x3e9: {  	s0 =	rddreg [dreg:$0x0];
	s2 =	stileid.u32  }
0x3ea: {  	s1 =	rddreg [dreg:$0x1];
	p0 =	sne.s32 s2, $0x0  }
0x3eb: {  	s3 =	rddreg [dreg:$0x2];
	[bflag:$0x3] =	sbarrier.arrive $0xFFFF;
	s2 =	simm.s32 @!p0 $0x1C01  }
0x3ec: {  	[timem:s3], [sflag:s2] =	dma.local @!p0 [hbm:s0], s1  }
0x3ed: {  	s0 =	simm.s32 @!p0 $0x1  }
0x3ee: {  	_ =	swait.ge @!p0 [sflag:s0], s1  }
0x3ef: {  	s1 =	ssub.s32 @!p0 $0x0, s1;
	[sflag:s0] =	ssyncset.done @!p0 $0x0  }
0x3f0: {  	[sflag:s0] =	ssyncadd.s32 @!p0 s1  }
0x3f1: {  	[bflag:$0x3] =	sbarrier.arrive $0xFFFF  }
0x3f2: {  	_ =	shalt  }

</sc_bundles>
